<compile_context>
chip_gen: v7x
topology: tpu7x:2x2x1
jax: 0.10.2.dev20260603
libtpu: 0.0.44.dev20260713+nightly
codegen_flags: <defaults>
</compile_context>

<pallas_src>
import functools

import jax
import jax.numpy as jnp
from jax import lax
from jax.experimental import pallas as pl
from jax.experimental.pallas import tpu as pltpu
from jax.experimental.pallas import tpu_sc as plsc

EMB = 256
LANES = 16
CHUNK = 80
NUM_TILES = 32


def _prep_body(w0_ref, w1_ref, w2_ref, a0_ref, a1_ref, a2_ref, t_ref, c_ref):
    for a0 in range(w0_ref.shape[0]):
        for a1 in range(w1_ref.shape[0]):
            for a2 in range(w2_ref.shape[0]):
                c = (a0 * w1_ref.shape[0] + a1) * w2_ref.shape[0] + a2
                t_ref[0, c, :] = w0_ref[a0, :] + w1_ref[a1, :] + w2_ref[a2, :]
    for k in range(1, NUM_TILES):
        t_ref[k, :, :] = t_ref[0, :, :]
    n1 = w1_ref.shape[0]
    n2 = w2_ref.shape[0]
    c_ref[...] = (a0_ref[...] * n1 + a1_ref[...]) * n2 + a2_ref[...]


def _make_sc_kernel(num_edges, ncombo):
    nchunks = num_edges // CHUNK
    base_cnt = nchunks // NUM_TILES
    rem = nchunks % NUM_TILES
    iters = base_cnt + (1 if rem else 0)
    iters2 = (iters + 1) // 2
    strip = iters * CHUNK
    mesh = plsc.VectorSubcoreMesh(core_axis_name="c", subcore_axis_name="s")

    @functools.partial(
        pl.kernel,
        mesh=mesh,
        out_type=jax.ShapeDtypeStruct((num_edges, EMB), jnp.float32),
        scratch_types=[
            pltpu.VMEM((strip,), jnp.int32),
            pltpu.VMEM((2 * CHUNK, EMB), jnp.float32),
            pltpu.VMEM((2 * CHUNK, EMB), jnp.float32),
            pltpu.VMEM((ncombo * EMB,), jnp.float32),
            pltpu.SemaphoreType.DMA,
            pltpu.SemaphoreType.DMA,
            pltpu.SemaphoreType.DMA,
        ],
    )
    def sc_build(t_rep_hbm, t_flat_hbm, c_hbm, out_hbm, idx_v, sbuf, tbuf,
                 t_v, g_sem, ws_sem, wt_sem):
        cid = lax.axis_index("c")
        sid = lax.axis_index("s")
        w = sid * 2 + cid

        start = w * base_cnt + jnp.minimum(w, rem)
        count = jnp.where(w < rem, base_cnt + 1, base_cnt)

        pltpu.sync_copy(t_flat_hbm, t_v)

        if rem:
            @pl.when(w < rem)
            def _():
                pltpu.sync_copy(
                    c_hbm.at[pl.ds(start * CHUNK, (base_cnt + 1) * CHUNK)],
                    idx_v)

            @pl.when(w >= rem)
            def _():
                pltpu.sync_copy(
                    c_hbm.at[pl.ds(start * CHUNK, base_cnt * CHUNK)],
                    idx_v.at[pl.ds(0, base_cnt * CHUNK)])
        else:
            pltpu.sync_copy(c_hbm.at[pl.ds(start * CHUNK, base_cnt * CHUNK)],
                            idx_v)

        off = w * ncombo

        @plsc.parallel_loop(0, strip // LANES, unroll=4)
        def rebase(k):
            idx_v[pl.ds(k * LANES, LANES)] = (
                idx_v[pl.ds(k * LANES, LANES)] + off)

        def gather_start(lc, buf):
            pltpu.async_copy(
                t_rep_hbm.at[idx_v.at[pl.ds(lc * CHUNK, CHUNK)]],
                sbuf.at[pl.ds(buf * CHUNK, CHUNK), :], g_sem)

        def gather_wait(buf):
            pltpu.make_async_copy(t_rep_hbm.at[idx_v.at[pl.ds(0, CHUNK)]],
                                  sbuf.at[pl.ds(buf * CHUNK, CHUNK), :],
                                  g_sem).wait()

        def write_start(bufref, lc, buf, sem):
            pltpu.async_copy(
                bufref.at[pl.ds(buf * CHUNK, CHUNK), :],
                out_hbm.at[pl.ds((start + lc) * CHUNK, CHUNK), :],
                sem)

        def write_wait(bufref, sem):
            pltpu.make_async_copy(bufref.at[pl.ds(0, CHUNK), :],
                                  out_hbm.at[pl.ds(0, CHUNK), :],
                                  sem).wait()

        def build_chunk(lc, buf):
            @plsc.parallel_loop(0, CHUNK // LANES, unroll=1)
            def grp(g):
                cv = (idx_v[pl.ds(lc * CHUNK + g * LANES, LANES)] - off) * EMB
                rbase = buf * CHUNK + g * LANES
                for k in range(LANES):
                    c = cv[k]
                    vals = [t_v[pl.ds(c + j * LANES, LANES)]
                            for j in range(EMB // LANES)]
                    for j, v in enumerate(vals):
                        tbuf[rbase + k, pl.ds(j * LANES, LANES)] = v

        gather_start(0, 0)

        def body(j, carry):
            buf = lax.rem(j, 2)
            sc_lc = 2 * j
            tec_lc = 2 * j + 1

            @pl.when(sc_lc < count)
            def _():
                gather_wait(buf)

                @pl.when(j >= 1)
                def _():
                    write_wait(sbuf, ws_sem)

                @pl.when(sc_lc + 2 < count)
                def _():
                    gather_start(sc_lc + 2, 1 - buf)

                write_start(sbuf, sc_lc, buf, ws_sem)

            @pl.when(tec_lc < count)
            def _():
                @pl.when(j >= 2)
                def _():
                    write_wait(tbuf, wt_sem)

                build_chunk(tec_lc, buf)
                write_start(tbuf, tec_lc, buf, wt_sem)

            return carry

        lax.fori_loop(0, iters2, body, 0)
        write_wait(sbuf, ws_sem)
        write_wait(tbuf, wt_sem)
        write_wait(tbuf, wt_sem)

    return sc_build


def kernel(edge_attr, W0, W1, W2):
    num_edges = edge_attr.shape[0]
    attr = edge_attr.astype(jnp.int32)
    rows = num_edges // CHUNK
    a0 = attr[:, 0].reshape(rows, CHUNK)
    a1 = attr[:, 1].reshape(rows, CHUNK)
    a2 = attr[:, 2].reshape(rows, CHUNK)

    ncombo = W0.shape[0] * W1.shape[0] * W2.shape[0]
    t_rep, c2d = pl.pallas_call(
        _prep_body,
        out_shape=(
            jax.ShapeDtypeStruct((NUM_TILES, ncombo, EMB), jnp.float32),
            jax.ShapeDtypeStruct((rows, CHUNK), jnp.int32),
        ),
    )(W0, W1, W2, a0, a1, a2)

    return _make_sc_kernel(num_edges, ncombo)(
        t_rep.reshape(NUM_TILES * ncombo, EMB),
        t_rep[0].reshape(ncombo * EMB),
        c2d.reshape(num_edges))

# --- scband reference (transcript-rebuilt; emitter-appended) ---
"""Pipeline reference for scband-bond-encoder-86904368268087 (READ-ONLY COPY).

The authoritative reference and input builder live on the scoring server;
editing this copy changes nothing except your own understanding.
"""

import jax, jax.numpy as jnp
import numpy as np

EDGE_FEAT_DIMS = [5, 6, 2]
EMB_DIM = 256
NUM_EDGES = 160000


def _xavier_uniform(key, shape):
    fan_in, fan_out = shape[0], shape[1]
    a = float(np.sqrt(6.0 / (fan_in + fan_out)))
    return jax.random.uniform(key, shape, dtype=jnp.float32, minval=-a, maxval=a)


def setup_inputs(seed: int = 0) -> dict:
    key = jax.random.key(seed)
    k_idx, k0, k1, k2 = jax.random.split(key, 4)
    edge_attr = jax.random.randint(k_idx, (NUM_EDGES, 3), 0, 2, dtype=jnp.int64)
    W0 = _xavier_uniform(k0, (EDGE_FEAT_DIMS[0], EMB_DIM))
    W1 = _xavier_uniform(k1, (EDGE_FEAT_DIMS[1], EMB_DIM))
    W2 = _xavier_uniform(k2, (EDGE_FEAT_DIMS[2], EMB_DIM))
    return {"edge_attr": edge_attr, "W0": W0, "W1": W1, "W2": W2}


def reference(edge_attr, W0, W1, W2):
    # BondEncoder.forward: sum of per-feature embedding lookups
    bond_embedding = jnp.take(W0, edge_attr[:, 0], axis=0)
    bond_embedding = bond_embedding + jnp.take(W1, edge_attr[:, 1], axis=0)
    bond_embedding = bond_embedding + jnp.take(W2, edge_attr[:, 2], axis=0)
    return bond_embedding

if __name__ == "__main__":
    import jax
    _d = setup_inputs()
    print(jax.jit(kernel)(*tuple(_d.values())))

</pallas_src>

<mosaic_0001>
#map = affine_map<(d0, d1) -> (0, 0)>
#map1 = affine_map<(d0, d1) -> (0)>
module attributes {stable_mosaic.version = 14 : i64} {
  func.func @sc_build(%arg0: i32, %arg1: i32, %arg2: memref<1920x256xf32, #tpu.memory_space<hbm>>, %arg3: memref<15360xf32, #tpu.memory_space<hbm>>, %arg4: memref<160000xi32, #tpu.memory_space<hbm>>, %arg5: memref<160000x256xf32, #tpu.memory_space<hbm>>, %arg6: memref<5040xi32, #tpu.memory_space<vmem>>, %arg7: memref<160x256xf32, #tpu.memory_space<vmem>>, %arg8: memref<160x256xf32, #tpu.memory_space<vmem>>, %arg9: memref<15360xf32, #tpu.memory_space<vmem>>, %arg10: memref<!tpu.dma_semaphore, #tpu.memory_space<semaphore_mem>>, %arg11: memref<!tpu.dma_semaphore, #tpu.memory_space<semaphore_mem>>, %arg12: memref<!tpu.dma_semaphore, #tpu.memory_space<semaphore_mem>>) attributes {dimension_semantics = [#tpu.dimension_semantics<core_parallel>, #tpu.dimension_semantics<subcore_parallel>], iteration_bounds = array<i64: 2, 16>, scalar_prefetch = 0 : i64, scratch_operands = 7 : i64, tpu.core_type = #tpu.core_type<sc_vector_subcore>, window_params = [{transform_indices = #map}, {transform_indices = #map1}, {transform_indices = #map1}, {transform_indices = #map}]} {
    %mul3A = arith.constant 2 : i32
    %mul3A_0 = arith.muli %arg1, %mul3A : i32
    %add3A = arith.addi %mul3A_0, %arg0 : i32
    %mul3A_1 = arith.constant 62 : i32
    %mul3A_2 = arith.muli %add3A, %mul3A_1 : i32
    %min3A = arith.constant 16 : i32
    %min3A_3 = arith.minsi %add3A, %min3A : i32
    %add3A_4 = arith.addi %mul3A_2, %min3A_3 : i32
    %lt3A = arith.constant 16 : i32
    %lt3A_5 = arith.cmpi slt, %add3A, %lt3A : i32
    %jit3A = arith.constant 63 : i32
    %jit3A_6 = arith.constant 62 : i32
    %select_n3A = arith.select %lt3A_5, %jit3A, %jit3A_6 : i32
    "tpu.region"() ({
      %run_scoped3A = tpu.sem_alloc : memref<!tpu.dma_semaphore, #tpu.memory_space<semaphore_mem>>
      tpu.enqueue_dma source(%arg3 : memref<15360xf32, #tpu.memory_space<hbm>>) target(%arg9 : memref<15360xf32, #tpu.memory_space<vmem>>) target_semaphore(%run_scoped3A : memref<!tpu.dma_semaphore, #tpu.memory_space<semaphore_mem>>)
      tpu.wait_dma2 semaphore(%run_scoped3A : memref<!tpu.dma_semaphore, #tpu.memory_space<semaphore_mem>>) src(%arg3 : memref<15360xf32, #tpu.memory_space<hbm>>) dst(%arg9 : memref<15360xf32, #tpu.memory_space<vmem>>)
      tpu.yield
    }) : () -> ()
    %lt3A_7 = arith.constant 16 : i32
    %lt3A_8 = arith.cmpi slt, %add3A, %lt3A_7 : i32
    %convert_element_type3A = arith.extui %lt3A_8 : i1 to i32
    %cond3A = arith.constant 0 : i32
    %cond3A_9 = arith.cmpi ne, %convert_element_type3A, %cond3A : i32
    scf.if %cond3A_9 {
      %mul3A_65 = arith.constant 80 : i32
      %mul3A_66 = arith.muli %add3A_4, %mul3A_65 : i32
      "tpu.region"() ({
        %run_scoped3A = tpu.sem_alloc : memref<!tpu.dma_semaphore, #tpu.memory_space<semaphore_mem>>
        %dma_start3A_67 = tpu.memref_slice %arg4[%mul3A_66] : memref<160000xi32, #tpu.memory_space<hbm>> -> memref<5040xi32, #tpu.memory_space<hbm>>
        %dma_start3A_68 = tpu.memref_slice %arg4[%mul3A_66] : memref<160000xi32, #tpu.memory_space<hbm>> -> memref<5040xi32, #tpu.memory_space<hbm>>
        tpu.enqueue_dma source(%dma_start3A_68 : memref<5040xi32, #tpu.memory_space<hbm>>) target(%arg6 : memref<5040xi32, #tpu.memory_space<vmem>>) target_semaphore(%run_scoped3A : memref<!tpu.dma_semaphore, #tpu.memory_space<semaphore_mem>>)
        %dma_wait3A_69 = tpu.memref_slice %arg4[%mul3A_66] : memref<160000xi32, #tpu.memory_space<hbm>> -> memref<5040xi32, #tpu.memory_space<hbm>>
        %dma_wait3A_70 = tpu.memref_slice %arg4[%mul3A_66] : memref<160000xi32, #tpu.memory_space<hbm>> -> memref<5040xi32, #tpu.memory_space<hbm>>
        tpu.wait_dma2 semaphore(%run_scoped3A : memref<!tpu.dma_semaphore, #tpu.memory_space<semaphore_mem>>) src(%dma_wait3A_70 : memref<5040xi32, #tpu.memory_space<hbm>>) dst(%arg6 : memref<5040xi32, #tpu.memory_space<vmem>>)
        tpu.yield
      }) : () -> ()
    } else {
    }
    %ge3A = arith.constant 16 : i32
    %ge3A_10 = arith.cmpi sge, %add3A, %ge3A : i32
    %convert_element_type3A_11 = arith.extui %ge3A_10 : i1 to i32
    %cond3A_12 = arith.constant 0 : i32
    %cond3A_13 = arith.cmpi ne, %convert_element_type3A_11, %cond3A_12 : i32
    scf.if %cond3A_13 {
      %mul3A_65 = arith.constant 80 : i32
      %mul3A_66 = arith.muli %add3A_4, %mul3A_65 : i32
      "tpu.region"() ({
        %run_scoped3A = tpu.sem_alloc : memref<!tpu.dma_semaphore, #tpu.memory_space<semaphore_mem>>
        %dma_start3A_67 = arith.constant 0 : i32
        %dma_start3A_68 = tpu.memref_slice %arg6[%dma_start3A_67] : memref<5040xi32, #tpu.memory_space<vmem>> -> memref<4960xi32, #tpu.memory_space<vmem>>
        %dma_start3A_69 = tpu.memref_slice %arg4[%mul3A_66] : memref<160000xi32, #tpu.memory_space<hbm>> -> memref<4960xi32, #tpu.memory_space<hbm>>
        %dma_start3A_70 = arith.constant 0 : i32
        %dma_start3A_71 = tpu.memref_slice %arg6[%dma_start3A_70] : memref<5040xi32, #tpu.memory_space<vmem>> -> memref<4960xi32, #tpu.memory_space<vmem>>
        %dma_start3A_72 = tpu.memref_slice %arg4[%mul3A_66] : memref<160000xi32, #tpu.memory_space<hbm>> -> memref<4960xi32, #tpu.memory_space<hbm>>
        tpu.enqueue_dma source(%dma_start3A_72 : memref<4960xi32, #tpu.memory_space<hbm>>) target(%dma_start3A_71 : memref<4960xi32, #tpu.memory_space<vmem>>) target_semaphore(%run_scoped3A : memref<!tpu.dma_semaphore, #tpu.memory_space<semaphore_mem>>)
        %dma_wait3A_73 = arith.constant 0 : i32
        %dma_wait3A_74 = tpu.memref_slice %arg6[%dma_wait3A_73] : memref<5040xi32, #tpu.memory_space<vmem>> -> memref<4960xi32, #tpu.memory_space<vmem>>
        %dma_wait3A_75 = tpu.memref_slice %arg4[%mul3A_66] : memref<160000xi32, #tpu.memory_space<hbm>> -> memref<4960xi32, #tpu.memory_space<hbm>>
        %dma_wait3A_76 = arith.constant 0 : i32
        %dma_wait3A_77 = tpu.memref_slice %arg6[%dma_wait3A_76] : memref<5040xi32, #tpu.memory_space<vmem>> -> memref<4960xi32, #tpu.memory_space<vmem>>
        %dma_wait3A_78 = tpu.memref_slice %arg4[%mul3A_66] : memref<160000xi32, #tpu.memory_space<hbm>> -> memref<4960xi32, #tpu.memory_space<hbm>>
        tpu.wait_dma2 semaphore(%run_scoped3A : memref<!tpu.dma_semaphore, #tpu.memory_space<semaphore_mem>>) src(%dma_wait3A_78 : memref<4960xi32, #tpu.memory_space<hbm>>) dst(%dma_wait3A_77 : memref<4960xi32, #tpu.memory_space<vmem>>)
        tpu.yield
      }) : () -> ()
    } else {
    }
    %mul3A_14 = arith.constant 60 : i32
    %mul3A_15 = arith.muli %add3A, %mul3A_14 : i32
    %parallel_loop3A = arith.constant 0 : i32
    %parallel_loop3A_16 = arith.constant 315 : i32
    %parallel_loop3A_17 = arith.constant 1 : i32
    scf.for %parallel_loop3A_65 = %parallel_loop3A to %parallel_loop3A_16 step %parallel_loop3A_17  : i32 {
      %parallel_loop3A_66 = arith.constant 16 : i32
      %parallel_loop3A_67 = arith.muli %parallel_loop3A_65, %parallel_loop3A_66 : i32
      %parallel_loop3A_68 = arith.index_cast %parallel_loop3A_67 : i32 to index
      %parallel_loop3A_69 = tpu.vector_load %arg6[%parallel_loop3A_68] {strides = array<i32>} : memref<5040xi32, #tpu.memory_space<vmem>>, vector<16xi32>,
      %parallel_loop3A_70 = vector.shape_cast %parallel_loop3A_69 : vector<16xi32> to vector<16xi32>
      %parallel_loop3A_71 = vector.broadcast %mul3A_15 : i32 to vector<16xi32>
      %parallel_loop3A_72 = arith.addi %parallel_loop3A_70, %parallel_loop3A_71 : vector<16xi32>
      %parallel_loop3A_73 = arith.constant 16 : i32
      %parallel_loop3A_74 = arith.muli %parallel_loop3A_65, %parallel_loop3A_73 : i32
      %parallel_loop3A_75 = arith.index_cast %parallel_loop3A_74 : i32 to index
      %parallel_loop3A_76 = tpu.vector_load %arg6[%parallel_loop3A_75] {strides = array<i32>} : memref<5040xi32, #tpu.memory_space<vmem>>, vector<16xi32>,
      %parallel_loop3A_77 = vector.shape_cast %parallel_loop3A_76 : vector<16xi32> to vector<16xi32>
      %parallel_loop3A_78 = vector.shape_cast %parallel_loop3A_72 : vector<16xi32> to vector<16xi32>
      tpu.vector_store %arg6[%parallel_loop3A_75], %parallel_loop3A_78 {strides = array<i32>} : memref<5040xi32, #tpu.memory_space<vmem>>, vector<16xi32>,
    } {sc.loop_unroll_factor = 4 : i64, sc.parallel_access}
    %dma_start3A = arith.constant 0 : i32
    %dma_start3A_18 = arith.constant 0 : i32
    %dma_start3A_19 = tpu.memref_slice %arg7[%dma_start3A, %dma_start3A_18] : memref<160x256xf32, #tpu.memory_space<vmem>> -> memref<80x256xf32, #tpu.memory_space<vmem>>
    %dma_start3A_20 = arith.constant 0 : i32
    %dma_start3A_21 = tpu.memref_slice %arg6[%dma_start3A_20] : memref<5040xi32, #tpu.memory_space<vmem>> -> memref<80xi32, #tpu.memory_space<vmem>>
    %dma_start3A_22 = arith.constant 0 : i32
    %dma_start3A_23 = arith.constant 0 : i32
    %dma_start3A_24 = tpu.memref_slice %arg2[%dma_start3A_22, %dma_start3A_23] : memref<1920x256xf32, #tpu.memory_space<hbm>> -> memref<1920x256xf32, #tpu.memory_space<hbm>>
    tpu.enqueue_indirect_dma source(%dma_start3A_24 : memref<1920x256xf32, #tpu.memory_space<hbm>>) target(%dma_start3A_19 : memref<80x256xf32, #tpu.memory_space<vmem>>) offsets(%dma_start3A_21 : memref<80xi32, #tpu.memory_space<vmem>>) semaphore(%arg10 : memref<!tpu.dma_semaphore, #tpu.memory_space<semaphore_mem>>)
    %scan3A = arith.constant 0 : i32
    %scan3A_25 = arith.constant 0 : i32
    %scan3A_26 = arith.constant 32 : i32
    %scan3A_27 = arith.addi %scan3A_25, %scan3A_26 : i32
    %scan3A_28 = arith.constant 1 : i32
    scf.for %scan3A_65 = %scan3A_25 to %scan3A_27 step %scan3A_28  : i32 {
      %rem3A = arith.constant 2 : i32
      %rem3A_66 = arith.remsi %scan3A_65, %rem3A : i32
      %mul3A_67 = arith.constant 2 : i32
      %mul3A_68 = arith.muli %mul3A_67, %scan3A_65 : i32
      %mul3A_69 = arith.constant 2 : i32
      %mul3A_70 = arith.muli %mul3A_69, %scan3A_65 : i32
      %add3A_71 = arith.constant 1 : i32
      %add3A_72 = arith.addi %mul3A_70, %add3A_71 : i32
      %lt3A_73 = arith.cmpi slt, %mul3A_68, %select_n3A : i32
      %convert_element_type3A_74 = arith.extui %lt3A_73 : i1 to i32
      %cond3A_75 = arith.constant 0 : i32
      %cond3A_76 = arith.cmpi ne, %convert_element_type3A_74, %cond3A_75 : i32
      scf.if %cond3A_76 {
        %mul3A_81 = arith.constant 80 : i32
        %mul3A_82 = arith.muli %rem3A_66, %mul3A_81 : i32
        %dma_wait3A_83 = arith.constant 0 : i32
        %dma_wait3A_84 = tpu.memref_slice %arg7[%mul3A_82, %dma_wait3A_83] : memref<160x256xf32, #tpu.memory_space<vmem>> -> memref<80x256xf32, #tpu.memory_space<vmem>>
        %dma_wait3A_85 = arith.constant 0 : i32
        %dma_wait3A_86 = tpu.memref_slice %arg6[%dma_wait3A_85] : memref<5040xi32, #tpu.memory_space<vmem>> -> memref<80xi32, #tpu.memory_space<vmem>>
        %dma_wait3A_87 = arith.constant 0 : i32
        %dma_wait3A_88 = arith.constant 0 : i32
        %dma_wait3A_89 = tpu.memref_slice %arg2[%dma_wait3A_87, %dma_wait3A_88] : memref<1920x256xf32, #tpu.memory_space<hbm>> -> memref<1920x256xf32, #tpu.memory_space<hbm>>
        tpu.wait_indirect_dma semaphore(%arg10 : memref<!tpu.dma_semaphore, #tpu.memory_space<semaphore_mem>>) src(%dma_wait3A_89 : memref<1920x256xf32, #tpu.memory_space<hbm>>) dst(%dma_wait3A_84 : memref<80x256xf32, #tpu.memory_space<vmem>>)
        %ge3A_90 = arith.constant 1 : i32
        %ge3A_91 = arith.cmpi sge, %scan3A_65, %ge3A_90 : i32
        %convert_element_type3A_92 = arith.extui %ge3A_91 : i1 to i32
        %cond3A_93 = arith.constant 0 : i32
        %cond3A_94 = arith.cmpi ne, %convert_element_type3A_92, %cond3A_93 : i32
        scf.if %cond3A_94 {
          %dma_wait3A_114 = arith.constant 0 : i32
          %dma_wait3A_115 = arith.constant 0 : i32
          %dma_wait3A_116 = tpu.memref_slice %arg7[%dma_wait3A_114, %dma_wait3A_115] : memref<160x256xf32, #tpu.memory_space<vmem>> -> memref<80x256xf32, #tpu.memory_space<vmem>>
          %dma_wait3A_117 = arith.constant 0 : i32
          %dma_wait3A_118 = arith.constant 0 : i32
          %dma_wait3A_119 = tpu.memref_slice %arg5[%dma_wait3A_117, %dma_wait3A_118] : memref<160000x256xf32, #tpu.memory_space<hbm>> -> memref<80x256xf32, #tpu.memory_space<hbm>>
          %dma_wait3A_120 = arith.constant 0 : i32
          %dma_wait3A_121 = arith.constant 0 : i32
          %dma_wait3A_122 = tpu.memref_slice %arg5[%dma_wait3A_120, %dma_wait3A_121] : memref<160000x256xf32, #tpu.memory_space<hbm>> -> memref<80x256xf32, #tpu.memory_space<hbm>>
          %dma_wait3A_123 = arith.constant 0 : i32
          %dma_wait3A_124 = arith.constant 0 : i32
          %dma_wait3A_125 = tpu.memref_slice %arg7[%dma_wait3A_123, %dma_wait3A_124] : memref<160x256xf32, #tpu.memory_space<vmem>> -> memref<80x256xf32, #tpu.memory_space<vmem>>
          tpu.wait_dma2 semaphore(%arg11 : memref<!tpu.dma_semaphore, #tpu.memory_space<semaphore_mem>>) src(%dma_wait3A_125 : memref<80x256xf32, #tpu.memory_space<vmem>>) dst(%dma_wait3A_122 : memref<80x256xf32, #tpu.memory_space<hbm>>)
        } else {
        }
        %add3A_95 = arith.constant 2 : i32
        %add3A_96 = arith.addi %mul3A_68, %add3A_95 : i32
        %lt3A_97 = arith.cmpi slt, %add3A_96, %select_n3A : i32
        %convert_element_type3A_98 = arith.extui %lt3A_97 : i1 to i32
        %cond3A_99 = arith.constant 0 : i32
        %cond3A_100 = arith.cmpi ne, %convert_element_type3A_98, %cond3A_99 : i32
        scf.if %cond3A_100 {
          %add3A_114 = arith.constant 2 : i32
          %add3A_115 = arith.addi %mul3A_68, %add3A_114 : i32
          %sub3A = arith.constant 1 : i32
          %sub3A_116 = arith.subi %sub3A, %rem3A_66 : i32
          %mul3A_117 = arith.constant 80 : i32
          %mul3A_118 = arith.muli %add3A_115, %mul3A_117 : i32
          %mul3A_119 = arith.constant 80 : i32
          %mul3A_120 = arith.muli %sub3A_116, %mul3A_119 : i32
          %dma_start3A_121 = arith.constant 0 : i32
          %dma_start3A_122 = tpu.memref_slice %arg7[%mul3A_120, %dma_start3A_121] : memref<160x256xf32, #tpu.memory_space<vmem>> -> memref<80x256xf32, #tpu.memory_space<vmem>>
          %dma_start3A_123 = tpu.memref_slice %arg6[%mul3A_118] : memref<5040xi32, #tpu.memory_space<vmem>> -> memref<80xi32, #tpu.memory_space<vmem>>
          %dma_start3A_124 = arith.constant 0 : i32
          %dma_start3A_125 = arith.constant 0 : i32
          %dma_start3A_126 = tpu.memref_slice %arg2[%dma_start3A_124, %dma_start3A_125] : memref<1920x256xf32, #tpu.memory_space<hbm>> -> memref<1920x256xf32, #tpu.memory_space<hbm>>
          tpu.enqueue_indirect_dma source(%dma_start3A_126 : memref<1920x256xf32, #tpu.memory_space<hbm>>) target(%dma_start3A_122 : memref<80x256xf32, #tpu.memory_space<vmem>>) offsets(%dma_start3A_123 : memref<80xi32, #tpu.memory_space<vmem>>) semaphore(%arg10 : memref<!tpu.dma_semaphore, #tpu.memory_space<semaphore_mem>>)
        } else {
        }
        %mul3A_101 = arith.constant 80 : i32
        %mul3A_102 = arith.muli %rem3A_66, %mul3A_101 : i32
        %add3A_103 = arith.addi %add3A_4, %mul3A_68 : i32
        %mul3A_104 = arith.constant 80 : i32
        %mul3A_105 = arith.muli %add3A_103, %mul3A_104 : i32
        %dma_start3A_106 = arith.constant 0 : i32
        %dma_start3A_107 = tpu.memref_slice %arg7[%mul3A_102, %dma_start3A_106] : memref<160x256xf32, #tpu.memory_space<vmem>> -> memref<80x256xf32, #tpu.memory_space<vmem>>
        %dma_start3A_108 = arith.constant 0 : i32
        %dma_start3A_109 = tpu.memref_slice %arg5[%mul3A_105, %dma_start3A_108] : memref<160000x256xf32, #tpu.memory_space<hbm>> -> memref<80x256xf32, #tpu.memory_space<hbm>>
        %dma_start3A_110 = arith.constant 0 : i32
        %dma_start3A_111 = tpu.memref_slice %arg5[%mul3A_105, %dma_start3A_110] : memref<160000x256xf32, #tpu.memory_space<hbm>> -> memref<80x256xf32, #tpu.memory_space<hbm>>
        %dma_start3A_112 = arith.constant 0 : i32
        %dma_start3A_113 = tpu.memref_slice %arg7[%mul3A_102, %dma_start3A_112] : memref<160x256xf32, #tpu.memory_space<vmem>> -> memref<80x256xf32, #tpu.memory_space<vmem>>
        tpu.enqueue_dma source(%dma_start3A_113 : memref<80x256xf32, #tpu.memory_space<vmem>>) target(%dma_start3A_111 : memref<80x256xf32, #tpu.memory_space<hbm>>) target_semaphore(%arg11 : memref<!tpu.dma_semaphore, #tpu.memory_space<semaphore_mem>>)
      } else {
      }
      %lt3A_77 = arith.cmpi slt, %add3A_72, %select_n3A : i32
      %convert_element_type3A_78 = arith.extui %lt3A_77 : i1 to i32
      %cond3A_79 = arith.constant 0 : i32
      %cond3A_80 = arith.cmpi ne, %convert_element_type3A_78, %cond3A_79 : i32
      scf.if %cond3A_80 {
        %ge3A_81 = arith.constant 2 : i32
        %ge3A_82 = arith.cmpi sge, %scan3A_65, %ge3A_81 : i32
        %convert_element_type3A_83 = arith.extui %ge3A_82 : i1 to i32
        %cond3A_84 = arith.constant 0 : i32
        %cond3A_85 = arith.cmpi ne, %convert_element_type3A_83, %cond3A_84 : i32
        scf.if %cond3A_85 {
          %dma_wait3A_102 = arith.constant 0 : i32
          %dma_wait3A_103 = arith.constant 0 : i32
          %dma_wait3A_104 = tpu.memref_slice %arg8[%dma_wait3A_102, %dma_wait3A_103] : memref<160x256xf32, #tpu.memory_space<vmem>> -> memref<80x256xf32, #tpu.memory_space<vmem>>
          %dma_wait3A_105 = arith.constant 0 : i32
          %dma_wait3A_106 = arith.constant 0 : i32
          %dma_wait3A_107 = tpu.memref_slice %arg5[%dma_wait3A_105, %dma_wait3A_106] : memref<160000x256xf32, #tpu.memory_space<hbm>> -> memref<80x256xf32, #tpu.memory_space<hbm>>
          %dma_wait3A_108 = arith.constant 0 : i32
          %dma_wait3A_109 = arith.constant 0 : i32
          %dma_wait3A_110 = tpu.memref_slice %arg5[%dma_wait3A_108, %dma_wait3A_109] : memref<160000x256xf32, #tpu.memory_space<hbm>> -> memref<80x256xf32, #tpu.memory_space<hbm>>
          %dma_wait3A_111 = arith.constant 0 : i32
          %dma_wait3A_112 = arith.constant 0 : i32
          %dma_wait3A_113 = tpu.memref_slice %arg8[%dma_wait3A_111, %dma_wait3A_112] : memref<160x256xf32, #tpu.memory_space<vmem>> -> memref<80x256xf32, #tpu.memory_space<vmem>>
          tpu.wait_dma2 semaphore(%arg12 : memref<!tpu.dma_semaphore, #tpu.memory_space<semaphore_mem>>) src(%dma_wait3A_113 : memref<80x256xf32, #tpu.memory_space<vmem>>) dst(%dma_wait3A_110 : memref<80x256xf32, #tpu.memory_space<hbm>>)
        } else {
        }
        %parallel_loop3A_86 = arith.constant 0 : i32
        %parallel_loop3A_87 = arith.constant 5 : i32
        %parallel_loop3A_88 = arith.constant 1 : i32
        scf.for %parallel_loop3A_102 = %parallel_loop3A_86 to %parallel_loop3A_87 step %parallel_loop3A_88  : i32 {
          %parallel_loop3A_103 = arith.constant 80 : i32
          %parallel_loop3A_104 = arith.muli %add3A_72, %parallel_loop3A_103 : i32
          %parallel_loop3A_105 = arith.constant 16 : i32
          %parallel_loop3A_106 = arith.muli %parallel_loop3A_102, %parallel_loop3A_105 : i32
          %parallel_loop3A_107 = arith.addi %parallel_loop3A_104, %parallel_loop3A_106 : i32
          %parallel_loop3A_108 = arith.index_cast %parallel_loop3A_107 : i32 to index
          %parallel_loop3A_109 = tpu.vector_load %arg6[%parallel_loop3A_108] {strides = array<i32>} : memref<5040xi32, #tpu.memory_space<vmem>>, vector<16xi32>,
          %parallel_loop3A_110 = vector.shape_cast %parallel_loop3A_109 : vector<16xi32> to vector<16xi32>
          %parallel_loop3A_111 = vector.broadcast %mul3A_15 : i32 to vector<16xi32>
          %parallel_loop3A_112 = arith.subi %parallel_loop3A_110, %parallel_loop3A_111 : vector<16xi32>
          %parallel_loop3A_113 = arith.constant 256 : i32
          %parallel_loop3A_114 = vector.broadcast %parallel_loop3A_113 : i32 to vector<16xi32>
          %parallel_loop3A_115 = arith.muli %parallel_loop3A_112, %parallel_loop3A_114 : vector<16xi32>
          %parallel_loop3A_116 = arith.constant 80 : i32
          %parallel_loop3A_117 = arith.muli %rem3A_66, %parallel_loop3A_116 : i32
          %parallel_loop3A_118 = arith.constant 16 : i32
          %parallel_loop3A_119 = arith.muli %parallel_loop3A_102, %parallel_loop3A_118 : i32
          %parallel_loop3A_120 = arith.addi %parallel_loop3A_117, %parallel_loop3A_119 : i32
          %parallel_loop3A_121 = vector.extract_strided_slice %parallel_loop3A_115 {offsets = [0], sizes = [1], strides = [1]} : vector<16xi32> to vector<1xi32>
          %parallel_loop3A_122 = vector.extract %parallel_loop3A_121[0] : i32 from vector<1xi32>
          %parallel_loop3A_123 = arith.constant 0 : i32
          %parallel_loop3A_124 = arith.addi %parallel_loop3A_122, %parallel_loop3A_123 : i32
          %parallel_loop3A_125 = arith.index_cast %parallel_loop3A_124 : i32 to index
          %parallel_loop3A_126 = tpu.vector_load %arg9[%parallel_loop3A_125] {strides = array<i32>} : memref<15360xf32, #tpu.memory_space<vmem>>, vector<16xf32>,
          %parallel_loop3A_127 = vector.shape_cast %parallel_loop3A_126 : vector<16xf32> to vector<16xf32>
          %parallel_loop3A_128 = arith.constant 16 : i32
          %parallel_loop3A_129 = arith.addi %parallel_loop3A_122, %parallel_loop3A_128 : i32
          %parallel_loop3A_130 = arith.index_cast %parallel_loop3A_129 : i32 to index
          %parallel_loop3A_131 = tpu.vector_load %arg9[%parallel_loop3A_130] {strides = array<i32>} : memref<15360xf32, #tpu.memory_space<vmem>>, vector<16xf32>,
          %parallel_loop3A_132 = vector.shape_cast %parallel_loop3A_131 : vector<16xf32> to vector<16xf32>
          %parallel_loop3A_133 = arith.constant 32 : i32
          %parallel_loop3A_134 = arith.addi %parallel_loop3A_122, %parallel_loop3A_133 : i32
          %parallel_loop3A_135 = arith.index_cast %parallel_loop3A_134 : i32 to index
          %parallel_loop3A_136 = tpu.vector_load %arg9[%parallel_loop3A_135] {strides = array<i32>} : memref<15360xf32, #tpu.memory_space<vmem>>, vector<16xf32>,
          %parallel_loop3A_137 = vector.shape_cast %parallel_loop3A_136 : vector<16xf32> to vector<16xf32>
          %parallel_loop3A_138 = arith.constant 48 : i32
          %parallel_loop3A_139 = arith.addi %parallel_loop3A_122, %parallel_loop3A_138 : i32
          %parallel_loop3A_140 = arith.index_cast %parallel_loop3A_139 : i32 to index
          %parallel_loop3A_141 = tpu.vector_load %arg9[%parallel_loop3A_140] {strides = array<i32>} : memref<15360xf32, #tpu.memory_space<vmem>>, vector<16xf32>,
          %parallel_loop3A_142 = vector.shape_cast %parallel_loop3A_141 : vector<16xf32> to vector<16xf32>
          %parallel_loop3A_143 = arith.constant 64 : i32
          %parallel_loop3A_144 = arith.addi %parallel_loop3A_122, %parallel_loop3A_143 : i32
          %parallel_loop3A_145 = arith.index_cast %parallel_loop3A_144 : i32 to index
          %parallel_loop3A_146 = tpu.vector_load %arg9[%parallel_loop3A_145] {strides = array<i32>} : memref<15360xf32, #tpu.memory_space<vmem>>, vector<16xf32>,
          %parallel_loop3A_147 = vector.shape_cast %parallel_loop3A_146 : vector<16xf32> to vector<16xf32>
          %parallel_loop3A_148 = arith.constant 80 : i32
          %parallel_loop3A_149 = arith.addi %parallel_loop3A_122, %parallel_loop3A_148 : i32
          %parallel_loop3A_150 = arith.index_cast %parallel_loop3A_149 : i32 to index
          %parallel_loop3A_151 = tpu.vector_load %arg9[%parallel_loop3A_150] {strides = array<i32>} : memref<15360xf32, #tpu.memory_space<vmem>>, vector<16xf32>,
          %parallel_loop3A_152 = vector.shape_cast %parallel_loop3A_151 : vector<16xf32> to vector<16xf32>
          %parallel_loop3A_153 = arith.constant 96 : i32
          %parallel_loop3A_154 = arith.addi %parallel_loop3A_122, %parallel_loop3A_153 : i32
          %parallel_loop3A_155 = arith.index_cast %parallel_loop3A_154 : i32 to index
          %parallel_loop3A_156 = tpu.vector_load %arg9[%parallel_loop3A_155] {strides = array<i32>} : memref<15360xf32, #tpu.memory_space<vmem>>, vector<16xf32>,
          %parallel_loop3A_157 = vector.shape_cast %parallel_loop3A_156 : vector<16xf32> to vector<16xf32>
          %parallel_loop3A_158 = arith.constant 112 : i32
          %parallel_loop3A_159 = arith.addi %parallel_loop3A_122, %parallel_loop3A_158 : i32
          %parallel_loop3A_160 = arith.index_cast %parallel_loop3A_159 : i32 to index
          %parallel_loop3A_161 = tpu.vector_load %arg9[%parallel_loop3A_160] {strides = array<i32>} : memref<15360xf32, #tpu.memory_space<vmem>>, vector<16xf32>,
          %parallel_loop3A_162 = vector.shape_cast %parallel_loop3A_161 : vector<16xf32> to vector<16xf32>
          %parallel_loop3A_163 = arith.constant 128 : i32
          %parallel_loop3A_164 = arith.addi %parallel_loop3A_122, %parallel_loop3A_163 : i32
          %parallel_loop3A_165 = arith.index_cast %parallel_loop3A_164 : i32 to index
          %parallel_loop3A_166 = tpu.vector_load %arg9[%parallel_loop3A_165] {strides = array<i32>} : memref<15360xf32, #tpu.memory_space<vmem>>, vector<16xf32>,
          %parallel_loop3A_167 = vector.shape_cast %parallel_loop3A_166 : vector<16xf32> to vector<16xf32>
          %parallel_loop3A_168 = arith.constant 144 : i32
          %parallel_loop3A_169 = arith.addi %parallel_loop3A_122, %parallel_loop3A_168 : i32
          %parallel_loop3A_170 = arith.index_cast %parallel_loop3A_169 : i32 to index
          %parallel_loop3A_171 = tpu.vector_load %arg9[%parallel_loop3A_170] {strides = array<i32>} : memref<15360xf32, #tpu.memory_space<vmem>>, vector<16xf32>,
          %parallel_loop3A_172 = vector.shape_cast %parallel_loop3A_171 : vector<16xf32> to vector<16xf32>
          %parallel_loop3A_173 = arith.constant 160 : i32
          %parallel_loop3A_174 = arith.addi %parallel_loop3A_122, %parallel_loop3A_173 : i32
          %parallel_loop3A_175 = arith.index_cast %parallel_loop3A_174 : i32 to index
          %parallel_loop3A_176 = tpu.vector_load %arg9[%parallel_loop3A_175] {strides = array<i32>} : memref<15360xf32, #tpu.memory_space<vmem>>, vector<16xf32>,
          %parallel_loop3A_177 = vector.shape_cast %parallel_loop3A_176 : vector<16xf32> to vector<16xf32>
          %parallel_loop3A_178 = arith.constant 176 : i32
          %parallel_loop3A_179 = arith.addi %parallel_loop3A_122, %parallel_loop3A_178 : i32
          %parallel_loop3A_180 = arith.index_cast %parallel_loop3A_179 : i32 to index
          %parallel_loop3A_181 = tpu.vector_load %arg9[%parallel_loop3A_180] {strides = array<i32>} : memref<15360xf32, #tpu.memory_space<vmem>>, vector<16xf32>,
          %parallel_loop3A_182 = vector.shape_cast %parallel_loop3A_181 : vector<16xf32> to vector<16xf32>
          %parallel_loop3A_183 = arith.constant 192 : i32
          %parallel_loop3A_184 = arith.addi %parallel_loop3A_122, %parallel_loop3A_183 : i32
          %parallel_loop3A_185 = arith.index_cast %parallel_loop3A_184 : i32 to index
          %parallel_loop3A_186 = tpu.vector_load %arg9[%parallel_loop3A_185] {strides = array<i32>} : memref<15360xf32, #tpu.memory_space<vmem>>, vector<16xf32>,
          %parallel_loop3A_187 = vector.shape_cast %parallel_loop3A_186 : vector<16xf32> to vector<16xf32>
          %parallel_loop3A_188 = arith.constant 208 : i32
          %parallel_loop3A_189 = arith.addi %parallel_loop3A_122, %parallel_loop3A_188 : i32
          %parallel_loop3A_190 = arith.index_cast %parallel_loop3A_189 : i32 to index
          %parallel_loop3A_191 = tpu.vector_load %arg9[%parallel_loop3A_190] {strides = array<i32>} : memref<15360xf32, #tpu.memory_space<vmem>>, vector<16xf32>,
          %parallel_loop3A_192 = vector.shape_cast %parallel_loop3A_191 : vector<16xf32> to vector<16xf32>
          %parallel_loop3A_193 = arith.constant 224 : i32
          %parallel_loop3A_194 = arith.addi %parallel_loop3A_122, %parallel_loop3A_193 : i32
          %parallel_loop3A_195 = arith.index_cast %parallel_loop3A_194 : i32 to index
          %parallel_loop3A_196 = tpu.vector_load %arg9[%parallel_loop3A_195] {strides = array<i32>} : memref<15360xf32, #tpu.memory_space<vmem>>, vector<16xf32>,
          %parallel_loop3A_197 = vector.shape_cast %parallel_loop3A_196 : vector<16xf32> to vector<16xf32>
          %parallel_loop3A_198 = arith.constant 240 : i32
          %parallel_loop3A_199 = arith.addi %parallel_loop3A_122, %parallel_loop3A_198 : i32
          %parallel_loop3A_200 = arith.index_cast %parallel_loop3A_199 : i32 to index
          %parallel_loop3A_201 = tpu.vector_load %arg9[%parallel_loop3A_200] {strides = array<i32>} : memref<15360xf32, #tpu.memory_space<vmem>>, vector<16xf32>,
          %parallel_loop3A_202 = vector.shape_cast %parallel_loop3A_201 : vector<16xf32> to vector<16xf32>
          %parallel_loop3A_203 = arith.constant 0 : i32
          %parallel_loop3A_204 = arith.addi %parallel_loop3A_120, %parallel_loop3A_203 : i32
          %parallel_loop3A_205 = arith.index_cast %parallel_loop3A_204 : i32 to index
          %parallel_loop3A_206 = arith.constant 0 : index
          %parallel_loop3A_207 = tpu.vector_load %arg8[%parallel_loop3A_205, %parallel_loop3A_206] {strides = array<i32>} : memref<160x256xf32, #tpu.memory_space<vmem>>, vector<1x16xf32>,
          %parallel_loop3A_208 = vector.shape_cast %parallel_loop3A_207 : vector<1x16xf32> to vector<16xf32>
          %parallel_loop3A_209 = vector.shape_cast %parallel_loop3A_127 : vector<16xf32> to vector<1x16xf32>
          tpu.vector_store %arg8[%parallel_loop3A_205, %parallel_loop3A_206], %parallel_loop3A_209 {strides = array<i32>} : memref<160x256xf32, #tpu.memory_space<vmem>>, vector<1x16xf32>,
          %parallel_loop3A_210 = arith.constant 0 : i32
          %parallel_loop3A_211 = arith.addi %parallel_loop3A_120, %parallel_loop3A_210 : i32
          %parallel_loop3A_212 = arith.index_cast %parallel_loop3A_211 : i32 to index
          %parallel_loop3A_213 = arith.constant 16 : index
          %parallel_loop3A_214 = tpu.vector_load %arg8[%parallel_loop3A_212, %parallel_loop3A_213] {strides = array<i32>} : memref<160x256xf32, #tpu.memory_space<vmem>>, vector<1x16xf32>,
          %parallel_loop3A_215 = vector.shape_cast %parallel_loop3A_214 : vector<1x16xf32> to vector<16xf32>
          %parallel_loop3A_216 = vector.shape_cast %parallel_loop3A_132 : vector<16xf32> to vector<1x16xf32>
          tpu.vector_store %arg8[%parallel_loop3A_212, %parallel_loop3A_213], %parallel_loop3A_216 {strides = array<i32>} : memref<160x256xf32, #tpu.memory_space<vmem>>, vector<1x16xf32>,
          %parallel_loop3A_217 = arith.constant 0 : i32
          %parallel_loop3A_218 = arith.addi %parallel_loop3A_120, %parallel_loop3A_217 : i32
          %parallel_loop3A_219 = arith.index_cast %parallel_loop3A_218 : i32 to index
          %parallel_loop3A_220 = arith.constant 32 : index
          %parallel_loop3A_221 = tpu.vector_load %arg8[%parallel_loop3A_219, %parallel_loop3A_220] {strides = array<i32>} : memref<160x256xf32, #tpu.memory_space<vmem>>, vector<1x16xf32>,
          %parallel_loop3A_222 = vector.shape_cast %parallel_loop3A_221 : vector<1x16xf32> to vector<16xf32>
          %parallel_loop3A_223 = vector.shape_cast %parallel_loop3A_137 : vector<16xf32> to vector<1x16xf32>
          tpu.vector_store %arg8[%parallel_loop3A_219, %parallel_loop3A_220], %parallel_loop3A_223 {strides = array<i32>} : memref<160x256xf32, #tpu.memory_space<vmem>>, vector<1x16xf32>,
          %parallel_loop3A_224 = arith.constant 0 : i32
          %parallel_loop3A_225 = arith.addi %parallel_loop3A_120, %parallel_loop3A_224 : i32
          %parallel_loop3A_226 = arith.index_cast %parallel_loop3A_225 : i32 to index
          %parallel_loop3A_227 = arith.constant 48 : index
          %parallel_loop3A_228 = tpu.vector_load %arg8[%parallel_loop3A_226, %parallel_loop3A_227] {strides = array<i32>} : memref<160x256xf32, #tpu.memory_space<vmem>>, vector<1x16xf32>,
          %parallel_loop3A_229 = vector.shape_cast %parallel_loop3A_228 : vector<1x16xf32> to vector<16xf32>
          %parallel_loop3A_230 = vector.shape_cast %parallel_loop3A_142 : vector<16xf32> to vector<1x16xf32>
          tpu.vector_store %arg8[%parallel_loop3A_226, %parallel_loop3A_227], %parallel_loop3A_230 {strides = array<i32>} : memref<160x256xf32, #tpu.memory_space<vmem>>, vector<1x16xf32>,
          %parallel_loop3A_231 = arith.constant 0 : i32
          %parallel_loop3A_232 = arith.addi %parallel_loop3A_120, %parallel_loop3A_231 : i32
          %parallel_loop3A_233 = arith.index_cast %parallel_loop3A_232 : i32 to index
          %parallel_loop3A_234 = arith.constant 64 : index
          %parallel_loop3A_235 = tpu.vector_load %arg8[%parallel_loop3A_233, %parallel_loop3A_234] {strides = array<i32>} : memref<160x256xf32, #tpu.memory_space<vmem>>, vector<1x16xf32>,
          %parallel_loop3A_236 = vector.shape_cast %parallel_loop3A_235 : vector<1x16xf32> to vector<16xf32>
          %parallel_loop3A_237 = vector.shape_cast %parallel_loop3A_147 : vector<16xf32> to vector<1x16xf32>
          tpu.vector_store %arg8[%parallel_loop3A_233, %parallel_loop3A_234], %parallel_loop3A_237 {strides = array<i32>} : memref<160x256xf32, #tpu.memory_space<vmem>>, vector<1x16xf32>,
          %parallel_loop3A_238 = arith.constant 0 : i32
          %parallel_loop3A_239 = arith.addi %parallel_loop3A_120, %parallel_loop3A_238 : i32
          %parallel_loop3A_240 = arith.index_cast %parallel_loop3A_239 : i32 to index
          %parallel_loop3A_241 = arith.constant 80 : index
          %parallel_loop3A_242 = tpu.vector_load %arg8[%parallel_loop3A_240, %parallel_loop3A_241] {strides = array<i32>} : memref<160x256xf32, #tpu.memory_space<vmem>>, vector<1x16xf32>,
          %parallel_loop3A_243 = vector.shape_cast %parallel_loop3A_242 : vector<1x16xf32> to vector<16xf32>
          %parallel_loop3A_244 = vector.shape_cast %parallel_loop3A_152 : vector<16xf32> to vector<1x16xf32>
          tpu.vector_store %arg8[%parallel_loop3A_240, %parallel_loop3A_241], %parallel_loop3A_244 {strides = array<i32>} : memref<160x256xf32, #tpu.memory_space<vmem>>, vector<1x16xf32>,
          %parallel_loop3A_245 = arith.constant 0 : i32
          %parallel_loop3A_246 = arith.addi %parallel_loop3A_120, %parallel_loop3A_245 : i32
          %parallel_loop3A_247 = arith.index_cast %parallel_loop3A_246 : i32 to index
          %parallel_loop3A_248 = arith.constant 96 : index
          %parallel_loop3A_249 = tpu.vector_load %arg8[%parallel_loop3A_247, %parallel_loop3A_248] {strides = array<i32>} : memref<160x256xf32, #tpu.memory_space<vmem>>, vector<1x16xf32>,
          %parallel_loop3A_250 = vector.shape_cast %parallel_loop3A_249 : vector<1x16xf32> to vector<16xf32>
          %parallel_loop3A_251 = vector.shape_cast %parallel_loop3A_157 : vector<16xf32> to vector<1x16xf32>
          tpu.vector_store %arg8[%parallel_loop3A_247, %parallel_loop3A_248], %parallel_loop3A_251 {strides = array<i32>} : memref<160x256xf32, #tpu.memory_space<vmem>>, vector<1x16xf32>,
          %parallel_loop3A_252 = arith.constant 0 : i32
          %parallel_loop3A_253 = arith.addi %parallel_loop3A_120, %parallel_loop3A_252 : i32
          %parallel_loop3A_254 = arith.index_cast %parallel_loop3A_253 : i32 to index
          %parallel_loop3A_255 = arith.constant 112 : index
          %parallel_loop3A_256 = tpu.vector_load %arg8[%parallel_loop3A_254, %parallel_loop3A_255] {strides = array<i32>} : memref<160x256xf32, #tpu.memory_space<vmem>>, vector<1x16xf32>,
          %parallel_loop3A_257 = vector.shape_cast %parallel_loop3A_256 : vector<1x16xf32> to vector<16xf32>
          %parallel_loop3A_258 = vector.shape_cast %parallel_loop3A_162 : vector<16xf32> to vector<1x16xf32>
          tpu.vector_store %arg8[%parallel_loop3A_254, %parallel_loop3A_255], %parallel_loop3A_258 {strides = array<i32>} : memref<160x256xf32, #tpu.memory_space<vmem>>, vector<1x16xf32>,
          %parallel_loop3A_259 = arith.constant 0 : i32
          %parallel_loop3A_260 = arith.addi %parallel_loop3A_120, %parallel_loop3A_259 : i32
          %parallel_loop3A_261 = arith.index_cast %parallel_loop3A_260 : i32 to index
          %parallel_loop3A_262 = arith.constant 128 : index
          %parallel_loop3A_263 = tpu.vector_load %arg8[%parallel_loop3A_261, %parallel_loop3A_262] {strides = array<i32>} : memref<160x256xf32, #tpu.memory_space<vmem>>, vector<1x16xf32>,
          %parallel_loop3A_264 = vector.shape_cast %parallel_loop3A_263 : vector<1x16xf32> to vector<16xf32>
          %parallel_loop3A_265 = vector.shape_cast %parallel_loop3A_167 : vector<16xf32> to vector<1x16xf32>
          tpu.vector_store %arg8[%parallel_loop3A_261, %parallel_loop3A_262], %parallel_loop3A_265 {strides = array<i32>} : memref<160x256xf32, #tpu.memory_space<vmem>>, vector<1x16xf32>,
          %parallel_loop3A_266 = arith.constant 0 : i32
          %parallel_loop3A_267 = arith.addi %parallel_loop3A_120, %parallel_loop3A_266 : i32
          %parallel_loop3A_268 = arith.index_cast %parallel_loop3A_267 : i32 to index
          %parallel_loop3A_269 = arith.constant 144 : index
          %parallel_loop3A_270 = tpu.vector_load %arg8[%parallel_loop3A_268, %parallel_loop3A_269] {strides = array<i32>} : memref<160x256xf32, #tpu.memory_space<vmem>>, vector<1x16xf32>,
          %parallel_loop3A_271 = vector.shape_cast %parallel_loop3A_270 : vector<1x16xf32> to vector<16xf32>
          %parallel_loop3A_272 = vector.shape_cast %parallel_loop3A_172 : vector<16xf32> to vector<1x16xf32>
          tpu.vector_store %arg8[%parallel_loop3A_268, %parallel_loop3A_269], %parallel_loop3A_272 {strides = array<i32>} : memref<160x256xf32, #tpu.memory_space<vmem>>, vector<1x16xf32>,
          %parallel_loop3A_273 = arith.constant 0 : i32
          %parallel_loop3A_274 = arith.addi %parallel_loop3A_120, %parallel_loop3A_273 : i32
          %parallel_loop3A_275 = arith.index_cast %parallel_loop3A_274 : i32 to index
          %parallel_loop3A_276 = arith.constant 160 : index
          %parallel_loop3A_277 = tpu.vector_load %arg8[%parallel_loop3A_275, %parallel_loop3A_276] {strides = array<i32>} : memref<160x256xf32, #tpu.memory_space<vmem>>, vector<1x16xf32>,
          %parallel_loop3A_278 = vector.shape_cast %parallel_loop3A_277 : vector<1x16xf32> to vector<16xf32>
          %parallel_loop3A_279 = vector.shape_cast %parallel_loop3A_177 : vector<16xf32> to vector<1x16xf32>
          tpu.vector_store %arg8[%parallel_loop3A_275, %parallel_loop3A_276], %parallel_loop3A_279 {strides = array<i32>} : memref<160x256xf32, #tpu.memory_space<vmem>>, vector<1x16xf32>,
          %parallel_loop3A_280 = arith.constant 0 : i32
          %parallel_loop3A_281 = arith.addi %parallel_loop3A_120, %parallel_loop3A_280 : i32
          %parallel_loop3A_282 = arith.index_cast %parallel_loop3A_281 : i32 to index
          %parallel_loop3A_283 = arith.constant 176 : index
          %parallel_loop3A_284 = tpu.vector_load %arg8[%parallel_loop3A_282, %parallel_loop3A_283] {strides = array<i32>} : memref<160x256xf32, #tpu.memory_space<vmem>>, vector<1x16xf32>,
          %parallel_loop3A_285 = vector.shape_cast %parallel_loop3A_284 : vector<1x16xf32> to vector<16xf32>
          %parallel_loop3A_286 = vector.shape_cast %parallel_loop3A_182 : vector<16xf32> to vector<1x16xf32>
          tpu.vector_store %arg8[%parallel_loop3A_282, %parallel_loop3A_283], %parallel_loop3A_286 {strides = array<i32>} : memref<160x256xf32, #tpu.memory_space<vmem>>, vector<1x16xf32>,
          %parallel_loop3A_287 = arith.constant 0 : i32
          %parallel_loop3A_288 = arith.addi %parallel_loop3A_120, %parallel_loop3A_287 : i32
          %parallel_loop3A_289 = arith.index_cast %parallel_loop3A_288 : i32 to index
          %parallel_loop3A_290 = arith.constant 192 : index
          %parallel_loop3A_291 = tpu.vector_load %arg8[%parallel_loop3A_289, %parallel_loop3A_290] {strides = array<i32>} : memref<160x256xf32, #tpu.memory_space<vmem>>, vector<1x16xf32>,
          %parallel_loop3A_292 = vector.shape_cast %parallel_loop3A_291 : vector<1x16xf32> to vector<16xf32>
          %parallel_loop3A_293 = vector.shape_cast %parallel_loop3A_187 : vector<16xf32> to vector<1x16xf32>
          tpu.vector_store %arg8[%parallel_loop3A_289, %parallel_loop3A_290], %parallel_loop3A_293 {strides = array<i32>} : memref<160x256xf32, #tpu.memory_space<vmem>>, vector<1x16xf32>,
          %parallel_loop3A_294 = arith.constant 0 : i32
          %parallel_loop3A_295 = arith.addi %parallel_loop3A_120, %parallel_loop3A_294 : i32
          %parallel_loop3A_296 = arith.index_cast %parallel_loop3A_295 : i32 to index
          %parallel_loop3A_297 = arith.constant 208 : index
          %parallel_loop3A_298 = tpu.vector_load %arg8[%parallel_loop3A_296, %parallel_loop3A_297] {strides = array<i32>} : memref<160x256xf32, #tpu.memory_space<vmem>>, vector<1x16xf32>,
          %parallel_loop3A_299 = vector.shape_cast %parallel_loop3A_298 : vector<1x16xf32> to vector<16xf32>
          %parallel_loop3A_300 = vector.shape_cast %parallel_loop3A_192 : vector<16xf32> to vector<1x16xf32>
          tpu.vector_store %arg8[%parallel_loop3A_296, %parallel_loop3A_297], %parallel_loop3A_300 {strides = array<i32>} : memref<160x256xf32, #tpu.memory_space<vmem>>, vector<1x16xf32>,
          %parallel_loop3A_301 = arith.constant 0 : i32
          %parallel_loop3A_302 = arith.addi %parallel_loop3A_120, %parallel_loop3A_301 : i32
          %parallel_loop3A_303 = arith.index_cast %parallel_loop3A_302 : i32 to index
          %parallel_loop3A_304 = arith.constant 224 : index
          %parallel_loop3A_305 = tpu.vector_load %arg8[%parallel_loop3A_303, %parallel_loop3A_304] {strides = array<i32>} : memref<160x256xf32, #tpu.memory_space<vmem>>, vector<1x16xf32>,
          %parallel_loop3A_306 = vector.shape_cast %parallel_loop3A_305 : vector<1x16xf32> to vector<16xf32>
          %parallel_loop3A_307 = vector.shape_cast %parallel_loop3A_197 : vector<16xf32> to vector<1x16xf32>
          tpu.vector_store %arg8[%parallel_loop3A_303, %parallel_loop3A_304], %parallel_loop3A_307 {strides = array<i32>} : memref<160x256xf32, #tpu.memory_space<vmem>>, vector<1x16xf32>,
          %parallel_loop3A_308 = arith.constant 0 : i32
          %parallel_loop3A_309 = arith.addi %parallel_loop3A_120, %parallel_loop3A_308 : i32
          %parallel_loop3A_310 = arith.index_cast %parallel_loop3A_309 : i32 to index
          %parallel_loop3A_311 = arith.constant 240 : index
          %parallel_loop3A_312 = tpu.vector_load %arg8[%parallel_loop3A_310, %parallel_loop3A_311] {strides = array<i32>} : memref<160x256xf32, #tpu.memory_space<vmem>>, vector<1x16xf32>,
          %parallel_loop3A_313 = vector.shape_cast %parallel_loop3A_312 : vector<1x16xf32> to vector<16xf32>
          %parallel_loop3A_314 = vector.shape_cast %parallel_loop3A_202 : vector<16xf32> to vector<1x16xf32>
          tpu.vector_store %arg8[%parallel_loop3A_310, %parallel_loop3A_311], %parallel_loop3A_314 {strides = array<i32>} : memref<160x256xf32, #tpu.memory_space<vmem>>, vector<1x16xf32>,
          %parallel_loop3A_315 = vector.extract_strided_slice %parallel_loop3A_115 {offsets = [1], sizes = [1], strides = [1]} : vector<16xi32> to vector<1xi32>
          %parallel_loop3A_316 = vector.extract %parallel_loop3A_315[0] : i32 from vector<1xi32>
          %parallel_loop3A_317 = arith.constant 0 : i32
          %parallel_loop3A_318 = arith.addi %parallel_loop3A_316, %parallel_loop3A_317 : i32
          %parallel_loop3A_319 = arith.index_cast %parallel_loop3A_318 : i32 to index
          %parallel_loop3A_320 = tpu.vector_load %arg9[%parallel_loop3A_319] {strides = array<i32>} : memref<15360xf32, #tpu.memory_space<vmem>>, vector<16xf32>,
          %parallel_loop3A_321 = vector.shape_cast %parallel_loop3A_320 : vector<16xf32> to vector<16xf32>
          %parallel_loop3A_322 = arith.constant 16 : i32
          %parallel_loop3A_323 = arith.addi %parallel_loop3A_316, %parallel_loop3A_322 : i32
          %parallel_loop3A_324 = arith.index_cast %parallel_loop3A_323 : i32 to index
          %parallel_loop3A_325 = tpu.vector_load %arg9[%parallel_loop3A_324] {strides = array<i32>} : memref<15360xf32, #tpu.memory_space<vmem>>, vector<16xf32>,
          %parallel_loop3A_326 = vector.shape_cast %parallel_loop3A_325 : vector<16xf32> to vector<16xf32>
          %parallel_loop3A_327 = arith.constant 32 : i32
          %parallel_loop3A_328 = arith.addi %parallel_loop3A_316, %parallel_loop3A_327 : i32
          %parallel_loop3A_329 = arith.index_cast %parallel_loop3A_328 : i32 to index
          %parallel_loop3A_330 = tpu.vector_load %arg9[%parallel_loop3A_329] {strides = array<i32>} : memref<15360xf32, #tpu.memory_space<vmem>>, vector<16xf32>,
          %parallel_loop3A_331 = vector.shape_cast %parallel_loop3A_330 : vector<16xf32> to vector<16xf32>
          %parallel_loop3A_332 = arith.constant 48 : i32
          %parallel_loop3A_333 = arith.addi %parallel_loop3A_316, %parallel_loop3A_332 : i32
          %parallel_loop3A_334 = arith.index_cast %parallel_loop3A_333 : i32 to index
          %parallel_loop3A_335 = tpu.vector_load %arg9[%parallel_loop3A_334] {strides = array<i32>} : memref<15360xf32, #tpu.memory_space<vmem>>, vector<16xf32>,
          %parallel_loop3A_336 = vector.shape_cast %parallel_loop3A_335 : vector<16xf32> to vector<16xf32>
          %parallel_loop3A_337 = arith.constant 64 : i32
          %parallel_loop3A_338 = arith.addi %parallel_loop3A_316, %parallel_loop3A_337 : i32
          %parallel_loop3A_339 = arith.index_cast %parallel_loop3A_338 : i32 to index
          %parallel_loop3A_340 = tpu.vector_load %arg9[%parallel_loop3A_339] {strides = array<i32>} : memref<15360xf32, #tpu.memory_space<vmem>>, vector<16xf32>,
          %parallel_loop3A_341 = vector.shape_cast %parallel_loop3A_340 : vector<16xf32> to vector<16xf32>
          %parallel_loop3A_342 = arith.constant 80 : i32
          %parallel_loop3A_343 = arith.addi %parallel_loop3A_316, %parallel_loop3A_342 : i32
          %parallel_loop3A_344 = arith.index_cast %parallel_loop3A_343 : i32 to index
          %parallel_loop3A_345 = tpu.vector_load %arg9[%parallel_loop3A_344] {strides = array<i32>} : memref<15360xf32, #tpu.memory_space<vmem>>, vector<16xf32>,
          %parallel_loop3A_346 = vector.shape_cast %parallel_loop3A_345 : vector<16xf32> to vector<16xf32>
          %parallel_loop3A_347 = arith.constant 96 : i32
          %parallel_loop3A_348 = arith.addi %parallel_loop3A_316, %parallel_loop3A_347 : i32
          %parallel_loop3A_349 = arith.index_cast %parallel_loop3A_348 : i32 to index
          %parallel_loop3A_350 = tpu.vector_load %arg9[%parallel_loop3A_349] {strides = array<i32>} : memref<15360xf32, #tpu.memory_space<vmem>>, vector<16xf32>,
          %parallel_loop3A_351 = vector.shape_cast %parallel_loop3A_350 : vector<16xf32> to vector<16xf32>
          %parallel_loop3A_352 = arith.constant 112 : i32
          %parallel_loop3A_353 = arith.addi %parallel_loop3A_316, %parallel_loop3A_352 : i32
          %parallel_loop3A_354 = arith.index_cast %parallel_loop3A_353 : i32 to index
          %parallel_loop3A_355 = tpu.vector_load %arg9[%parallel_loop3A_354] {strides = array<i32>} : memref<15360xf32, #tpu.memory_space<vmem>>, vector<16xf32>,
          %parallel_loop3A_356 = vector.shape_cast %parallel_loop3A_355 : vector<16xf32> to vector<16xf32>
          %parallel_loop3A_357 = arith.constant 128 : i32
          %parallel_loop3A_358 = arith.addi %parallel_loop3A_316, %parallel_loop3A_357 : i32
          %parallel_loop3A_359 = arith.index_cast %parallel_loop3A_358 : i32 to index
          %parallel_loop3A_360 = tpu.vector_load %arg9[%parallel_loop3A_359] {strides = array<i32>} : memref<15360xf32, #tpu.memory_space<vmem>>, vector<16xf32>,
          %parallel_loop3A_361 = vector.shape_cast %parallel_loop3A_360 : vector<16xf32> to vector<16xf32>
          %parallel_loop3A_362 = arith.constant 144 : i32
          %parallel_loop3A_363 = arith.addi %parallel_loop3A_316, %parallel_loop3A_362 : i32
          %parallel_loop3A_364 = arith.index_cast %parallel_loop3A_363 : i32 to index
          %parallel_loop3A_365 = tpu.vector_load %arg9[%parallel_loop3A_364] {strides = array<i32>} : memref<15360xf32, #tpu.memory_space<vmem>>, vector<16xf32>,
          %parallel_loop3A_366 = vector.shape_cast %parallel_loop3A_365 : vector<16xf32> to vector<16xf32>
          %parallel_loop3A_367 = arith.constant 160 : i32
          %parallel_loop3A_368 = arith.addi %parallel_loop3A_316, %parallel_loop3A_367 : i32
          %parallel_loop3A_369 = arith.index_cast %parallel_loop3A_368 : i32 to index
          %parallel_loop3A_370 = tpu.vector_load %arg9[%parallel_loop3A_369] {strides = array<i32>} : memref<15360xf32, #tpu.memory_space<vmem>>, vector<16xf32>,
          %parallel_loop3A_371 = vector.shape_cast %parallel_loop3A_370 : vector<16xf32> to vector<16xf32>
          %parallel_loop3A_372 = arith.constant 176 : i32
          %parallel_loop3A_373 = arith.addi %parallel_loop3A_316, %parallel_loop3A_372 : i32
          %parallel_loop3A_374 = arith.index_cast %parallel_loop3A_373 : i32 to index
          %parallel_loop3A_375 = tpu.vector_load %arg9[%parallel_loop3A_374] {strides = array<i32>} : memref<15360xf32, #tpu.memory_space<vmem>>, vector<16xf32>,
          %parallel_loop3A_376 = vector.shape_cast %parallel_loop3A_375 : vector<16xf32> to vector<16xf32>
          %parallel_loop3A_377 = arith.constant 192 : i32
          %parallel_loop3A_378 = arith.addi %parallel_loop3A_316, %parallel_loop3A_377 : i32
          %parallel_loop3A_379 = arith.index_cast %parallel_loop3A_378 : i32 to index
          %parallel_loop3A_380 = tpu.vector_load %arg9[%parallel_loop3A_379] {strides = array<i32>} : memref<15360xf32, #tpu.memory_space<vmem>>, vector<16xf32>,
          %parallel_loop3A_381 = vector.shape_cast %parallel_loop3A_380 : vector<16xf32> to vector<16xf32>
          %parallel_loop3A_382 = arith.constant 208 : i32
          %parallel_loop3A_383 = arith.addi %parallel_loop3A_316, %parallel_loop3A_382 : i32
          %parallel_loop3A_384 = arith.index_cast %parallel_loop3A_383 : i32 to index
          %parallel_loop3A_385 = tpu.vector_load %arg9[%parallel_loop3A_384] {strides = array<i32>} : memref<15360xf32, #tpu.memory_space<vmem>>, vector<16xf32>,
          %parallel_loop3A_386 = vector.shape_cast %parallel_loop3A_385 : vector<16xf32> to vector<16xf32>
          %parallel_loop3A_387 = arith.constant 224 : i32
          %parallel_loop3A_388 = arith.addi %parallel_loop3A_316, %parallel_loop3A_387 : i32
          %parallel_loop3A_389 = arith.index_cast %parallel_loop3A_388 : i32 to index
          %parallel_loop3A_390 = tpu.vector_load %arg9[%parallel_loop3A_389] {strides = array<i32>} : memref<15360xf32, #tpu.memory_space<vmem>>, vector<16xf32>,
          %parallel_loop3A_391 = vector.shape_cast %parallel_loop3A_390 : vector<16xf32> to vector<16xf32>
          %parallel_loop3A_392 = arith.constant 240 : i32
          %parallel_loop3A_393 = arith.addi %parallel_loop3A_316, %parallel_loop3A_392 : i32
          %parallel_loop3A_394 = arith.index_cast %parallel_loop3A_393 : i32 to index
          %parallel_loop3A_395 = tpu.vector_load %arg9[%parallel_loop3A_394] {strides = array<i32>} : memref<15360xf32, #tpu.memory_space<vmem>>, vector<16xf32>,
          %parallel_loop3A_396 = vector.shape_cast %parallel_loop3A_395 : vector<16xf32> to vector<16xf32>
          %parallel_loop3A_397 = arith.constant 1 : i32
          %parallel_loop3A_398 = arith.addi %parallel_loop3A_120, %parallel_loop3A_397 : i32
          %parallel_loop3A_399 = arith.index_cast %parallel_loop3A_398 : i32 to index
          %parallel_loop3A_400 = arith.constant 0 : index
          %parallel_loop3A_401 = tpu.vector_load %arg8[%parallel_loop3A_399, %parallel_loop3A_400] {strides = array<i32>} : memref<160x256xf32, #tpu.memory_space<vmem>>, vector<1x16xf32>,
          %parallel_loop3A_402 = vector.shape_cast %parallel_loop3A_401 : vector<1x16xf32> to vector<16xf32>
          %parallel_loop3A_403 = vector.shape_cast %parallel_loop3A_321 : vector<16xf32> to vector<1x16xf32>
          tpu.vector_store %arg8[%parallel_loop3A_399, %parallel_loop3A_400], %parallel_loop3A_403 {strides = array<i32>} : memref<160x256xf32, #tpu.memory_space<vmem>>, vector<1x16xf32>,
          %parallel_loop3A_404 = arith.constant 1 : i32
          %parallel_loop3A_405 = arith.addi %parallel_loop3A_120, %parallel_loop3A_404 : i32
          %parallel_loop3A_406 = arith.index_cast %parallel_loop3A_405 : i32 to index
          %parallel_loop3A_407 = arith.constant 16 : index
          %parallel_loop3A_408 = tpu.vector_load %arg8[%parallel_loop3A_406, %parallel_loop3A_407] {strides = array<i32>} : memref<160x256xf32, #tpu.memory_space<vmem>>, vector<1x16xf32>,
          %parallel_loop3A_409 = vector.shape_cast %parallel_loop3A_408 : vector<1x16xf32> to vector<16xf32>
          %parallel_loop3A_410 = vector.shape_cast %parallel_loop3A_326 : vector<16xf32> to vector<1x16xf32>
          tpu.vector_store %arg8[%parallel_loop3A_406, %parallel_loop3A_407], %parallel_loop3A_410 {strides = array<i32>} : memref<160x256xf32, #tpu.memory_space<vmem>>, vector<1x16xf32>,
          %parallel_loop3A_411 = arith.constant 1 : i32
          %parallel_loop3A_412 = arith.addi %parallel_loop3A_120, %parallel_loop3A_411 : i32
          %parallel_loop3A_413 = arith.index_cast %parallel_loop3A_412 : i32 to index
          %parallel_loop3A_414 = arith.constant 32 : index
          %parallel_loop3A_415 = tpu.vector_load %arg8[%parallel_loop3A_413, %parallel_loop3A_414] {strides = array<i32>} : memref<160x256xf32, #tpu.memory_space<vmem>>, vector<1x16xf32>,
          %parallel_loop3A_416 = vector.shape_cast %parallel_loop3A_415 : vector<1x16xf32> to vector<16xf32>
          %parallel_loop3A_417 = vector.shape_cast %parallel_loop3A_331 : vector<16xf32> to vector<1x16xf32>
          tpu.vector_store %arg8[%parallel_loop3A_413, %parallel_loop3A_414], %parallel_loop3A_417 {strides = array<i32>} : memref<160x256xf32, #tpu.memory_space<vmem>>, vector<1x16xf32>,
          %parallel_loop3A_418 = arith.constant 1 : i32
          %parallel_loop3A_419 = arith.addi %parallel_loop3A_120, %parallel_loop3A_418 : i32
          %parallel_loop3A_420 = arith.index_cast %parallel_loop3A_419 : i32 to index
          %parallel_loop3A_421 = arith.constant 48 : index
          %parallel_loop3A_422 = tpu.vector_load %arg8[%parallel_loop3A_420, %parallel_loop3A_421] {strides = array<i32>} : memref<160x256xf32, #tpu.memory_space<vmem>>, vector<1x16xf32>,
          %parallel_loop3A_423 = vector.shape_cast %parallel_loop3A_422 : vector<1x16xf32> to vector<16xf32>
          %parallel_loop3A_424 = vector.shape_cast %parallel_loop3A_336 : vector<16xf32> to vector<1x16xf32>
          tpu.vector_store %arg8[%parallel_loop3A_420, %parallel_loop3A_421], %parallel_loop3A_424 {strides = array<i32>} : memref<160x256xf32, #tpu.memory_space<vmem>>, vector<1x16xf32>,
          %parallel_loop3A_425 = arith.constant 1 : i32
          %parallel_loop3A_426 = arith.addi %parallel_loop3A_120, %parallel_loop3A_425 : i32
          %parallel_loop3A_427 = arith.index_cast %parallel_loop3A_426 : i32 to index
          %parallel_loop3A_428 = arith.constant 64 : index
          %parallel_loop3A_429 = tpu.vector_load %arg8[%parallel_loop3A_427, %parallel_loop3A_428] {strides = array<i32>} : memref<160x256xf32, #tpu.memory_space<vmem>>, vector<1x16xf32>,
          %parallel_loop3A_430 = vector.shape_cast %parallel_loop3A_429 : vector<1x16xf32> to vector<16xf32>
          %parallel_loop3A_431 = vector.shape_cast %parallel_loop3A_341 : vector<16xf32> to vector<1x16xf32>
          tpu.vector_store %arg8[%parallel_loop3A_427, %parallel_loop3A_428], %parallel_loop3A_431 {strides = array<i32>} : memref<160x256xf32, #tpu.memory_space<vmem>>, vector<1x16xf32>,
          %parallel_loop3A_432 = arith.constant 1 : i32
          %parallel_loop3A_433 = arith.addi %parallel_loop3A_120, %parallel_loop3A_432 : i32
          %parallel_loop3A_434 = arith.index_cast %parallel_loop3A_433 : i32 to index
          %parallel_loop3A_435 = arith.constant 80 : index
          %parallel_loop3A_436 = tpu.vector_load %arg8[%parallel_loop3A_434, %parallel_loop3A_435] {strides = array<i32>} : memref<160x256xf32, #tpu.memory_space<vmem>>, vector<1x16xf32>,
          %parallel_loop3A_437 = vector.shape_cast %parallel_loop3A_436 : vector<1x16xf32> to vector<16xf32>
          %parallel_loop3A_438 = vector.shape_cast %parallel_loop3A_346 : vector<16xf32> to vector<1x16xf32>
          tpu.vector_store %arg8[%parallel_loop3A_434, %parallel_loop3A_435], %parallel_loop3A_438 {strides = array<i32>} : memref<160x256xf32, #tpu.memory_space<vmem>>, vector<1x16xf32>,
          %parallel_loop3A_439 = arith.constant 1 : i32
          %parallel_loop3A_440 = arith.addi %parallel_loop3A_120, %parallel_loop3A_439 : i32
          %parallel_loop3A_441 = arith.index_cast %parallel_loop3A_440 : i32 to index
          %parallel_loop3A_442 = arith.constant 96 : index
          %parallel_loop3A_443 = tpu.vector_load %arg8[%parallel_loop3A_441, %parallel_loop3A_442] {strides = array<i32>} : memref<160x256xf32, #tpu.memory_space<vmem>>, vector<1x16xf32>,
          %parallel_loop3A_444 = vector.shape_cast %parallel_loop3A_443 : vector<1x16xf32> to vector<16xf32>
          %parallel_loop3A_445 = vector.shape_cast %parallel_loop3A_351 : vector<16xf32> to vector<1x16xf32>
          tpu.vector_store %arg8[%parallel_loop3A_441, %parallel_loop3A_442], %parallel_loop3A_445 {strides = array<i32>} : memref<160x256xf32, #tpu.memory_space<vmem>>, vector<1x16xf32>,
          %parallel_loop3A_446 = arith.constant 1 : i32
          %parallel_loop3A_447 = arith.addi %parallel_loop3A_120, %parallel_loop3A_446 : i32
          %parallel_loop3A_448 = arith.index_cast %parallel_loop3A_447 : i32 to index
          %parallel_loop3A_449 = arith.constant 112 : index
          %parallel_loop3A_450 = tpu.vector_load %arg8[%parallel_loop3A_448, %parallel_loop3A_449] {strides = array<i32>} : memref<160x256xf32, #tpu.memory_space<vmem>>, vector<1x16xf32>,
          %parallel_loop3A_451 = vector.shape_cast %parallel_loop3A_450 : vector<1x16xf32> to vector<16xf32>
          %parallel_loop3A_452 = vector.shape_cast %parallel_loop3A_356 : vector<16xf32> to vector<1x16xf32>
          tpu.vector_store %arg8[%parallel_loop3A_448, %parallel_loop3A_449], %parallel_loop3A_452 {strides = array<i32>} : memref<160x256xf32, #tpu.memory_space<vmem>>, vector<1x16xf32>,
          %parallel_loop3A_453 = arith.constant 1 : i32
          %parallel_loop3A_454 = arith.addi %parallel_loop3A_120, %parallel_loop3A_453 : i32
          %parallel_loop3A_455 = arith.index_cast %parallel_loop3A_454 : i32 to index
          %parallel_loop3A_456 = arith.constant 128 : index
          %parallel_loop3A_457 = tpu.vector_load %arg8[%parallel_loop3A_455, %parallel_loop3A_456] {strides = array<i32>} : memref<160x256xf32, #tpu.memory_space<vmem>>, vector<1x16xf32>,
          %parallel_loop3A_458 = vector.shape_cast %parallel_loop3A_457 : vector<1x16xf32> to vector<16xf32>
          %parallel_loop3A_459 = vector.shape_cast %parallel_loop3A_361 : vector<16xf32> to vector<1x16xf32>
          tpu.vector_store %arg8[%parallel_loop3A_455, %parallel_loop3A_456], %parallel_loop3A_459 {strides = array<i32>} : memref<160x256xf32, #tpu.memory_space<vmem>>, vector<1x16xf32>,
          %parallel_loop3A_460 = arith.constant 1 : i32
          %parallel_loop3A_461 = arith.addi %parallel_loop3A_120, %parallel_loop3A_460 : i32
          %parallel_loop3A_462 = arith.index_cast %parallel_loop3A_461 : i32 to index
          %parallel_loop3A_463 = arith.constant 144 : index
          %parallel_loop3A_464 = tpu.vector_load %arg8[%parallel_loop3A_462, %parallel_loop3A_463] {strides = array<i32>} : memref<160x256xf32, #tpu.memory_space<vmem>>, vector<1x16xf32>,
          %parallel_loop3A_465 = vector.shape_cast %parallel_loop3A_464 : vector<1x16xf32> to vector<16xf32>
          %parallel_loop3A_466 = vector.shape_cast %parallel_loop3A_366 : vector<16xf32> to vector<1x16xf32>
          tpu.vector_store %arg8[%parallel_loop3A_462, %parallel_loop3A_463], %parallel_loop3A_466 {strides = array<i32>} : memref<160x256xf32, #tpu.memory_space<vmem>>, vector<1x16xf32>,
          %parallel_loop3A_467 = arith.constant 1 : i32
          %parallel_loop3A_468 = arith.addi %parallel_loop3A_120, %parallel_loop3A_467 : i32
          %parallel_loop3A_469 = arith.index_cast %parallel_loop3A_468 : i32 to index
          %parallel_loop3A_470 = arith.constant 160 : index
          %parallel_loop3A_471 = tpu.vector_load %arg8[%parallel_loop3A_469, %parallel_loop3A_470] {strides = array<i32>} : memref<160x256xf32, #tpu.memory_space<vmem>>, vector<1x16xf32>,
          %parallel_loop3A_472 = vector.shape_cast %parallel_loop3A_471 : vector<1x16xf32> to vector<16xf32>
          %parallel_loop3A_473 = vector.shape_cast %parallel_loop3A_371 : vector<16xf32> to vector<1x16xf32>
          tpu.vector_store %arg8[%parallel_loop3A_469, %parallel_loop3A_470], %parallel_loop3A_473 {strides = array<i32>} : memref<160x256xf32, #tpu.memory_space<vmem>>, vector<1x16xf32>,
          %parallel_loop3A_474 = arith.constant 1 : i32
          %parallel_loop3A_475 = arith.addi %parallel_loop3A_120, %parallel_loop3A_474 : i32
          %parallel_loop3A_476 = arith.index_cast %parallel_loop3A_475 : i32 to index
          %parallel_loop3A_477 = arith.constant 176 : index
          %parallel_loop3A_478 = tpu.vector_load %arg8[%parallel_loop3A_476, %parallel_loop3A_477] {strides = array<i32>} : memref<160x256xf32, #tpu.memory_space<vmem>>, vector<1x16xf32>,
          %parallel_loop3A_479 = vector.shape_cast %parallel_loop3A_478 : vector<1x16xf32> to vector<16xf32>
          %parallel_loop3A_480 = vector.shape_cast %parallel_loop3A_376 : vector<16xf32> to vector<1x16xf32>
          tpu.vector_store %arg8[%parallel_loop3A_476, %parallel_loop3A_477], %parallel_loop3A_480 {strides = array<i32>} : memref<160x256xf32, #tpu.memory_space<vmem>>, vector<1x16xf32>,
          %parallel_loop3A_481 = arith.constant 1 : i32
          %parallel_loop3A_482 = arith.addi %parallel_loop3A_120, %parallel_loop3A_481 : i32
          %parallel_loop3A_483 = arith.index_cast %parallel_loop3A_482 : i32 to index
          %parallel_loop3A_484 = arith.constant 192 : index
          %parallel_loop3A_485 = tpu.vector_load %arg8[%parallel_loop3A_483, %parallel_loop3A_484] {strides = array<i32>} : memref<160x256xf32, #tpu.memory_space<vmem>>, vector<1x16xf32>,
          %parallel_loop3A_486 = vector.shape_cast %parallel_loop3A_485 : vector<1x16xf32> to vector<16xf32>
          %parallel_loop3A_487 = vector.shape_cast %parallel_loop3A_381 : vector<16xf32> to vector<1x16xf32>
          tpu.vector_store %arg8[%parallel_loop3A_483, %parallel_loop3A_484], %parallel_loop3A_487 {strides = array<i32>} : memref<160x256xf32, #tpu.memory_space<vmem>>, vector<1x16xf32>,
          %parallel_loop3A_488 = arith.constant 1 : i32
          %parallel_loop3A_489 = arith.addi %parallel_loop3A_120, %parallel_loop3A_488 : i32
          %parallel_loop3A_490 = arith.index_cast %parallel_loop3A_489 : i32 to index
          %parallel_loop3A_491 = arith.constant 208 : index
          %parallel_loop3A_492 = tpu.vector_load %arg8[%parallel_loop3A_490, %parallel_loop3A_491] {strides = array<i32>} : memref<160x256xf32, #tpu.memory_space<vmem>>, vector<1x16xf32>,
          %parallel_loop3A_493 = vector.shape_cast %parallel_loop3A_492 : vector<1x16xf32> to vector<16xf32>
          %parallel_loop3A_494 = vector.shape_cast %parallel_loop3A_386 : vector<16xf32> to vector<1x16xf32>
          tpu.vector_store %arg8[%parallel_loop3A_490, %parallel_loop3A_491], %parallel_loop3A_494 {strides = array<i32>} : memref<160x256xf32, #tpu.memory_space<vmem>>, vector<1x16xf32>,
          %parallel_loop3A_495 = arith.constant 1 : i32
          %parallel_loop3A_496 = arith.addi %parallel_loop3A_120, %parallel_loop3A_495 : i32
          %parallel_loop3A_497 = arith.index_cast %parallel_loop3A_496 : i32 to index
          %parallel_loop3A_498 = arith.constant 224 : index
          %parallel_loop3A_499 = tpu.vector_load %arg8[%parallel_loop3A_497, %parallel_loop3A_498] {strides = array<i32>} : memref<160x256xf32, #tpu.memory_space<vmem>>, vector<1x16xf32>,
          %parallel_loop3A_500 = vector.shape_cast %parallel_loop3A_499 : vector<1x16xf32> to vector<16xf32>
          %parallel_loop3A_501 = vector.shape_cast %parallel_loop3A_391 : vector<16xf32> to vector<1x16xf32>
          tpu.vector_store %arg8[%parallel_loop3A_497, %parallel_loop3A_498], %parallel_loop3A_501 {strides = array<i32>} : memref<160x256xf32, #tpu.memory_space<vmem>>, vector<1x16xf32>,
          %parallel_loop3A_502 = arith.constant 1 : i32
          %parallel_loop3A_503 = arith.addi %parallel_loop3A_120, %parallel_loop3A_502 : i32
          %parallel_loop3A_504 = arith.index_cast %parallel_loop3A_503 : i32 to index
          %parallel_loop3A_505 = arith.constant 240 : index
          %parallel_loop3A_506 = tpu.vector_load %arg8[%parallel_loop3A_504, %parallel_loop3A_505] {strides = array<i32>} : memref<160x256xf32, #tpu.memory_space<vmem>>, vector<1x16xf32>,
          %parallel_loop3A_507 = vector.shape_cast %parallel_loop3A_506 : vector<1x16xf32> to vector<16xf32>
          %parallel_loop3A_508 = vector.shape_cast %parallel_loop3A_396 : vector<16xf32> to vector<1x16xf32>
          tpu.vector_store %arg8[%parallel_loop3A_504, %parallel_loop3A_505], %parallel_loop3A_508 {strides = array<i32>} : memref<160x256xf32, #tpu.memory_space<vmem>>, vector<1x16xf32>,
          %parallel_loop3A_509 = vector.extract_strided_slice %parallel_loop3A_115 {offsets = [2], sizes = [1], strides = [1]} : vector<16xi32> to vector<1xi32>
          %parallel_loop3A_510 = vector.extract %parallel_loop3A_509[0] : i32 from vector<1xi32>
          %parallel_loop3A_511 = arith.constant 0 : i32
          %parallel_loop3A_512 = arith.addi %parallel_loop3A_510, %parallel_loop3A_511 : i32
          %parallel_loop3A_513 = arith.index_cast %parallel_loop3A_512 : i32 to index
          %parallel_loop3A_514 = tpu.vector_load %arg9[%parallel_loop3A_513] {strides = array<i32>} : memref<15360xf32, #tpu.memory_space<vmem>>, vector<16xf32>,
          %parallel_loop3A_515 = vector.shape_cast %parallel_loop3A_514 : vector<16xf32> to vector<16xf32>
          %parallel_loop3A_516 = arith.constant 16 : i32
          %parallel_loop3A_517 = arith.addi %parallel_loop3A_510, %parallel_loop3A_516 : i32
          %parallel_loop3A_518 = arith.index_cast %parallel_loop3A_517 : i32 to index
          %parallel_loop3A_519 = tpu.vector_load %arg9[%parallel_loop3A_518] {strides = array<i32>} : memref<15360xf32, #tpu.memory_space<vmem>>, vector<16xf32>,
          %parallel_loop3A_520 = vector.shape_cast %parallel_loop3A_519 : vector<16xf32> to vector<16xf32>
          %parallel_loop3A_521 = arith.constant 32 : i32
          %parallel_loop3A_522 = arith.addi %parallel_loop3A_510, %parallel_loop3A_521 : i32
          %parallel_loop3A_523 = arith.index_cast %parallel_loop3A_522 : i32 to index
          %parallel_loop3A_524 = tpu.vector_load %arg9[%parallel_loop3A_523] {strides = array<i32>} : memref<15360xf32, #tpu.memory_space<vmem>>, vector<16xf32>,
          %parallel_loop3A_525 = vector.shape_cast %parallel_loop3A_524 : vector<16xf32> to vector<16xf32>
          %parallel_loop3A_526 = arith.constant 48 : i32
          %parallel_loop3A_527 = arith.addi %parallel_loop3A_510, %parallel_loop3A_526 : i32
          %parallel_loop3A_528 = arith.index_cast %parallel_loop3A_527 : i32 to index
          %parallel_loop3A_529 = tpu.vector_load %arg9[%parallel_loop3A_528] {strides = array<i32>} : memref<15360xf32, #tpu.memory_space<vmem>>, vector<16xf32>,
          %parallel_loop3A_530 = vector.shape_cast %parallel_loop3A_529 : vector<16xf32> to vector<16xf32>
          %parallel_loop3A_531 = arith.constant 64 : i32
          %parallel_loop3A_532 = arith.addi %parallel_loop3A_510, %parallel_loop3A_531 : i32
          %parallel_loop3A_533 = arith.index_cast %parallel_loop3A_532 : i32 to index
          %parallel_loop3A_534 = tpu.vector_load %arg9[%parallel_loop3A_533] {strides = array<i32>} : memref<15360xf32, #tpu.memory_space<vmem>>, vector<16xf32>,
          %parallel_loop3A_535 = vector.shape_cast %parallel_loop3A_534 : vector<16xf32> to vector<16xf32>
          %parallel_loop3A_536 = arith.constant 80 : i32
          %parallel_loop3A_537 = arith.addi %parallel_loop3A_510, %parallel_loop3A_536 : i32
          %parallel_loop3A_538 = arith.index_cast %parallel_loop3A_537 : i32 to index
          %parallel_loop3A_539 = tpu.vector_load %arg9[%parallel_loop3A_538] {strides = array<i32>} : memref<15360xf32, #tpu.memory_space<vmem>>, vector<16xf32>,
          %parallel_loop3A_540 = vector.shape_cast %parallel_loop3A_539 : vector<16xf32> to vector<16xf32>
          %parallel_loop3A_541 = arith.constant 96 : i32
          %parallel_loop3A_542 = arith.addi %parallel_loop3A_510, %parallel_loop3A_541 : i32
          %parallel_loop3A_543 = arith.index_cast %parallel_loop3A_542 : i32 to index
          %parallel_loop3A_544 = tpu.vector_load %arg9[%parallel_loop3A_543] {strides = array<i32>} : memref<15360xf32, #tpu.memory_space<vmem>>, vector<16xf32>,
          %parallel_loop3A_545 = vector.shape_cast %parallel_loop3A_544 : vector<16xf32> to vector<16xf32>
          %parallel_loop3A_546 = arith.constant 112 : i32
          %parallel_loop3A_547 = arith.addi %parallel_loop3A_510, %parallel_loop3A_546 : i32
          %parallel_loop3A_548 = arith.index_cast %parallel_loop3A_547 : i32 to index
          %parallel_loop3A_549 = tpu.vector_load %arg9[%parallel_loop3A_548] {strides = array<i32>} : memref<15360xf32, #tpu.memory_space<vmem>>, vector<16xf32>,
          %parallel_loop3A_550 = vector.shape_cast %parallel_loop3A_549 : vector<16xf32> to vector<16xf32>
          %parallel_loop3A_551 = arith.constant 128 : i32
          %parallel_loop3A_552 = arith.addi %parallel_loop3A_510, %parallel_loop3A_551 : i32
          %parallel_loop3A_553 = arith.index_cast %parallel_loop3A_552 : i32 to index
          %parallel_loop3A_554 = tpu.vector_load %arg9[%parallel_loop3A_553] {strides = array<i32>} : memref<15360xf32, #tpu.memory_space<vmem>>, vector<16xf32>,
          %parallel_loop3A_555 = vector.shape_cast %parallel_loop3A_554 : vector<16xf32> to vector<16xf32>
          %parallel_loop3A_556 = arith.constant 144 : i32
          %parallel_loop3A_557 = arith.addi %parallel_loop3A_510, %parallel_loop3A_556 : i32
          %parallel_loop3A_558 = arith.index_cast %parallel_loop3A_557 : i32 to index
          %parallel_loop3A_559 = tpu.vector_load %arg9[%parallel_loop3A_558] {strides = array<i32>} : memref<15360xf32, #tpu.memory_space<vmem>>, vector<16xf32>,
          %parallel_loop3A_560 = vector.shape_cast %parallel_loop3A_559 : vector<16xf32> to vector<16xf32>
          %parallel_loop3A_561 = arith.constant 160 : i32
          %parallel_loop3A_562 = arith.addi %parallel_loop3A_510, %parallel_loop3A_561 : i32
          %parallel_loop3A_563 = arith.index_cast %parallel_loop3A_562 : i32 to index
          %parallel_loop3A_564 = tpu.vector_load %arg9[%parallel_loop3A_563] {strides = array<i32>} : memref<15360xf32, #tpu.memory_space<vmem>>, vector<16xf32>,
          %parallel_loop3A_565 = vector.shape_cast %parallel_loop3A_564 : vector<16xf32> to vector<16xf32>
          %parallel_loop3A_566 = arith.constant 176 : i32
          %parallel_loop3A_567 = arith.addi %parallel_loop3A_510, %parallel_loop3A_566 : i32
          %parallel_loop3A_568 = arith.index_cast %parallel_loop3A_567 : i32 to index
          %parallel_loop3A_569 = tpu.vector_load %arg9[%parallel_loop3A_568] {strides = array<i32>} : memref<15360xf32, #tpu.memory_space<vmem>>, vector<16xf32>,
          %parallel_loop3A_570 = vector.shape_cast %parallel_loop3A_569 : vector<16xf32> to vector<16xf32>
          %parallel_loop3A_571 = arith.constant 192 : i32
          %parallel_loop3A_572 = arith.addi %parallel_loop3A_510, %parallel_loop3A_571 : i32
          %parallel_loop3A_573 = arith.index_cast %parallel_loop3A_572 : i32 to index
          %parallel_loop3A_574 = tpu.vector_load %arg9[%parallel_loop3A_573] {strides = array<i32>} : memref<15360xf32, #tpu.memory_space<vmem>>, vector<16xf32>,
          %parallel_loop3A_575 = vector.shape_cast %parallel_loop3A_574 : vector<16xf32> to vector<16xf32>
          %parallel_loop3A_576 = arith.constant 208 : i32
          %parallel_loop3A_577 = arith.addi %parallel_loop3A_510, %parallel_loop3A_576 : i32
          %parallel_loop3A_578 = arith.index_cast %parallel_loop3A_577 : i32 to index
          %parallel_loop3A_579 = tpu.vector_load %arg9[%parallel_loop3A_578] {strides = array<i32>} : memref<15360xf32, #tpu.memory_space<vmem>>, vector<16xf32>,
          %parallel_loop3A_580 = vector.shape_cast %parallel_loop3A_579 : vector<16xf32> to vector<16xf32>
          %parallel_loop3A_581 = arith.constant 224 : i32
          %parallel_loop3A_582 = arith.addi %parallel_loop3A_510, %parallel_loop3A_581 : i32
          %parallel_loop3A_583 = arith.index_cast %parallel_loop3A_582 : i32 to index
          %parallel_loop3A_584 = tpu.vector_load %arg9[%parallel_loop3A_583] {strides = array<i32>} : memref<15360xf32, #tpu.memory_space<vmem>>, vector<16xf32>,
          %parallel_loop3A_585 = vector.shape_cast %parallel_loop3A_584 : vector<16xf32> to vector<16xf32>
          %parallel_loop3A_586 = arith.constant 240 : i32
          %parallel_loop3A_587 = arith.addi %parallel_loop3A_510, %parallel_loop3A_586 : i32
          %parallel_loop3A_588 = arith.index_cast %parallel_loop3A_587 : i32 to index
          %parallel_loop3A_589 = tpu.vector_load %arg9[%parallel_loop3A_588] {strides = array<i32>} : memref<15360xf32, #tpu.memory_space<vmem>>, vector<16xf32>,
          %parallel_loop3A_590 = vector.shape_cast %parallel_loop3A_589 : vector<16xf32> to vector<16xf32>
          %parallel_loop3A_591 = arith.constant 2 : i32
          %parallel_loop3A_592 = arith.addi %parallel_loop3A_120, %parallel_loop3A_591 : i32
          %parallel_loop3A_593 = arith.index_cast %parallel_loop3A_592 : i32 to index
          %parallel_loop3A_594 = arith.constant 0 : index
          %parallel_loop3A_595 = tpu.vector_load %arg8[%parallel_loop3A_593, %parallel_loop3A_594] {strides = array<i32>} : memref<160x256xf32, #tpu.memory_space<vmem>>, vector<1x16xf32>,
          %parallel_loop3A_596 = vector.shape_cast %parallel_loop3A_595 : vector<1x16xf32> to vector<16xf32>
          %parallel_loop3A_597 = vector.shape_cast %parallel_loop3A_515 : vector<16xf32> to vector<1x16xf32>
          tpu.vector_store %arg8[%parallel_loop3A_593, %parallel_loop3A_594], %parallel_loop3A_597 {strides = array<i32>} : memref<160x256xf32, #tpu.memory_space<vmem>>, vector<1x16xf32>,
          %parallel_loop3A_598 = arith.constant 2 : i32
          %parallel_loop3A_599 = arith.addi %parallel_loop3A_120, %parallel_loop3A_598 : i32
          %parallel_loop3A_600 = arith.index_cast %parallel_loop3A_599 : i32 to index
          %parallel_loop3A_601 = arith.constant 16 : index
          %parallel_loop3A_602 = tpu.vector_load %arg8[%parallel_loop3A_600, %parallel_loop3A_601] {strides = array<i32>} : memref<160x256xf32, #tpu.memory_space<vmem>>, vector<1x16xf32>,
          %parallel_loop3A_603 = vector.shape_cast %parallel_loop3A_602 : vector<1x16xf32> to vector<16xf32>
          %parallel_loop3A_604 = vector.shape_cast %parallel_loop3A_520 : vector<16xf32> to vector<1x16xf32>
          tpu.vector_store %arg8[%parallel_loop3A_600, %parallel_loop3A_601], %parallel_loop3A_604 {strides = array<i32>} : memref<160x256xf32, #tpu.memory_space<vmem>>, vector<1x16xf32>,
          %parallel_loop3A_605 = arith.constant 2 : i32
          %parallel_loop3A_606 = arith.addi %parallel_loop3A_120, %parallel_loop3A_605 : i32
          %parallel_loop3A_607 = arith.index_cast %parallel_loop3A_606 : i32 to index
          %parallel_loop3A_608 = arith.constant 32 : index
          %parallel_loop3A_609 = tpu.vector_load %arg8[%parallel_loop3A_607, %parallel_loop3A_608] {strides = array<i32>} : memref<160x256xf32, #tpu.memory_space<vmem>>, vector<1x16xf32>,
          %parallel_loop3A_610 = vector.shape_cast %parallel_loop3A_609 : vector<1x16xf32> to vector<16xf32>
          %parallel_loop3A_611 = vector.shape_cast %parallel_loop3A_525 : vector<16xf32> to vector<1x16xf32>
          tpu.vector_store %arg8[%parallel_loop3A_607, %parallel_loop3A_608], %parallel_loop3A_611 {strides = array<i32>} : memref<160x256xf32, #tpu.memory_space<vmem>>, vector<1x16xf32>,
          %parallel_loop3A_612 = arith.constant 2 : i32
          %parallel_loop3A_613 = arith.addi %parallel_loop3A_120, %parallel_loop3A_612 : i32
          %parallel_loop3A_614 = arith.index_cast %parallel_loop3A_613 : i32 to index
          %parallel_loop3A_615 = arith.constant 48 : index
          %parallel_loop3A_616 = tpu.vector_load %arg8[%parallel_loop3A_614, %parallel_loop3A_615] {strides = array<i32>} : memref<160x256xf32, #tpu.memory_space<vmem>>, vector<1x16xf32>,
          %parallel_loop3A_617 = vector.shape_cast %parallel_loop3A_616 : vector<1x16xf32> to vector<16xf32>
          %parallel_loop3A_618 = vector.shape_cast %parallel_loop3A_530 : vector<16xf32> to vector<1x16xf32>
          tpu.vector_store %arg8[%parallel_loop3A_614, %parallel_loop3A_615], %parallel_loop3A_618 {strides = array<i32>} : memref<160x256xf32, #tpu.memory_space<vmem>>, vector<1x16xf32>,
          %parallel_loop3A_619 = arith.constant 2 : i32
          %parallel_loop3A_620 = arith.addi %parallel_loop3A_120, %parallel_loop3A_619 : i32
          %parallel_loop3A_621 = arith.index_cast %parallel_loop3A_620 : i32 to index
          %parallel_loop3A_622 = arith.constant 64 : index
          %parallel_loop3A_623 = tpu.vector_load %arg8[%parallel_loop3A_621, %parallel_loop3A_622] {strides = array<i32>} : memref<160x256xf32, #tpu.memory_space<vmem>>, vector<1x16xf32>,
          %parallel_loop3A_624 = vector.shape_cast %parallel_loop3A_623 : vector<1x16xf32> to vector<16xf32>
          %parallel_loop3A_625 = vector.shape_cast %parallel_loop3A_535 : vector<16xf32> to vector<1x16xf32>
          tpu.vector_store %arg8[%parallel_loop3A_621, %parallel_loop3A_622], %parallel_loop3A_625 {strides = array<i32>} : memref<160x256xf32, #tpu.memory_space<vmem>>, vector<1x16xf32>,
          %parallel_loop3A_626 = arith.constant 2 : i32
          %parallel_loop3A_627 = arith.addi %parallel_loop3A_120, %parallel_loop3A_626 : i32
          %parallel_loop3A_628 = arith.index_cast %parallel_loop3A_627 : i32 to index
          %parallel_loop3A_629 = arith.constant 80 : index
          %parallel_loop3A_630 = tpu.vector_load %arg8[%parallel_loop3A_628, %parallel_loop3A_629] {strides = array<i32>} : memref<160x256xf32, #tpu.memory_space<vmem>>, vector<1x16xf32>,
          %parallel_loop3A_631 = vector.shape_cast %parallel_loop3A_630 : vector<1x16xf32> to vector<16xf32>
          %parallel_loop3A_632 = vector.shape_cast %parallel_loop3A_540 : vector<16xf32> to vector<1x16xf32>
          tpu.vector_store %arg8[%parallel_loop3A_628, %parallel_loop3A_629], %parallel_loop3A_632 {strides = array<i32>} : memref<160x256xf32, #tpu.memory_space<vmem>>, vector<1x16xf32>,
          %parallel_loop3A_633 = arith.constant 2 : i32
          %parallel_loop3A_634 = arith.addi %parallel_loop3A_120, %parallel_loop3A_633 : i32
          %parallel_loop3A_635 = arith.index_cast %parallel_loop3A_634 : i32 to index
          %parallel_loop3A_636 = arith.constant 96 : index
          %parallel_loop3A_637 = tpu.vector_load %arg8[%parallel_loop3A_635, %parallel_loop3A_636] {strides = array<i32>} : memref<160x256xf32, #tpu.memory_space<vmem>>, vector<1x16xf32>,
          %parallel_loop3A_638 = vector.shape_cast %parallel_loop3A_637 : vector<1x16xf32> to vector<16xf32>
          %parallel_loop3A_639 = vector.shape_cast %parallel_loop3A_545 : vector<16xf32> to vector<1x16xf32>
          tpu.vector_store %arg8[%parallel_loop3A_635, %parallel_loop3A_636], %parallel_loop3A_639 {strides = array<i32>} : memref<160x256xf32, #tpu.memory_space<vmem>>, vector<1x16xf32>,
          %parallel_loop3A_640 = arith.constant 2 : i32
          %parallel_loop3A_641 = arith.addi %parallel_loop3A_120, %parallel_loop3A_640 : i32
          %parallel_loop3A_642 = arith.index_cast %parallel_loop3A_641 : i32 to index
          %parallel_loop3A_643 = arith.constant 112 : index
          %parallel_loop3A_644 = tpu.vector_load %arg8[%parallel_loop3A_642, %parallel_loop3A_643] {strides = array<i32>} : memref<160x256xf32, #tpu.memory_space<vmem>>, vector<1x16xf32>,
          %parallel_loop3A_645 = vector.shape_cast %parallel_loop3A_644 : vector<1x16xf32> to vector<16xf32>
          %parallel_loop3A_646 = vector.shape_cast %parallel_loop3A_550 : vector<16xf32> to vector<1x16xf32>
          tpu.vector_store %arg8[%parallel_loop3A_642, %parallel_loop3A_643], %parallel_loop3A_646 {strides = array<i32>} : memref<160x256xf32, #tpu.memory_space<vmem>>, vector<1x16xf32>,
          %parallel_loop3A_647 = arith.constant 2 : i32
          %parallel_loop3A_648 = arith.addi %parallel_loop3A_120, %parallel_loop3A_647 : i32
          %parallel_loop3A_649 = arith.index_cast %parallel_loop3A_648 : i32 to index
          %parallel_loop3A_650 = arith.constant 128 : index
          %parallel_loop3A_651 = tpu.vector_load %arg8[%parallel_loop3A_649, %parallel_loop3A_650] {strides = array<i32>} : memref<160x256xf32, #tpu.memory_space<vmem>>, vector<1x16xf32>,
          %parallel_loop3A_652 = vector.shape_cast %parallel_loop3A_651 : vector<1x16xf32> to vector<16xf32>
          %parallel_loop3A_653 = vector.shape_cast %parallel_loop3A_555 : vector<16xf32> to vector<1x16xf32>
          tpu.vector_store %arg8[%parallel_loop3A_649, %parallel_loop3A_650], %parallel_loop3A_653 {strides = array<i32>} : memref<160x256xf32, #tpu.memory_space<vmem>>, vector<1x16xf32>,
          %parallel_loop3A_654 = arith.constant 2 : i32
          %parallel_loop3A_655 = arith.addi %parallel_loop3A_120, %parallel_loop3A_654 : i32
          %parallel_loop3A_656 = arith.index_cast %parallel_loop3A_655 : i32 to index
          %parallel_loop3A_657 = arith.constant 144 : index
          %parallel_loop3A_658 = tpu.vector_load %arg8[%parallel_loop3A_656, %parallel_loop3A_657] {strides = array<i32>} : memref<160x256xf32, #tpu.memory_space<vmem>>, vector<1x16xf32>,
          %parallel_loop3A_659 = vector.shape_cast %parallel_loop3A_658 : vector<1x16xf32> to vector<16xf32>
          %parallel_loop3A_660 = vector.shape_cast %parallel_loop3A_560 : vector<16xf32> to vector<1x16xf32>
          tpu.vector_store %arg8[%parallel_loop3A_656, %parallel_loop3A_657], %parallel_loop3A_660 {strides = array<i32>} : memref<160x256xf32, #tpu.memory_space<vmem>>, vector<1x16xf32>,
          %parallel_loop3A_661 = arith.constant 2 : i32
          %parallel_loop3A_662 = arith.addi %parallel_loop3A_120, %parallel_loop3A_661 : i32
          %parallel_loop3A_663 = arith.index_cast %parallel_loop3A_662 : i32 to index
          %parallel_loop3A_664 = arith.constant 160 : index
          %parallel_loop3A_665 = tpu.vector_load %arg8[%parallel_loop3A_663, %parallel_loop3A_664] {strides = array<i32>} : memref<160x256xf32, #tpu.memory_space<vmem>>, vector<1x16xf32>,
          %parallel_loop3A_666 = vector.shape_cast %parallel_loop3A_665 : vector<1x16xf32> to vector<16xf32>
          %parallel_loop3A_667 = vector.shape_cast %parallel_loop3A_565 : vector<16xf32> to vector<1x16xf32>
          tpu.vector_store %arg8[%parallel_loop3A_663, %parallel_loop3A_664], %parallel_loop3A_667 {strides = array<i32>} : memref<160x256xf32, #tpu.memory_space<vmem>>, vector<1x16xf32>,
          %parallel_loop3A_668 = arith.constant 2 : i32
          %parallel_loop3A_669 = arith.addi %parallel_loop3A_120, %parallel_loop3A_668 : i32
          %parallel_loop3A_670 = arith.index_cast %parallel_loop3A_669 : i32 to index
          %parallel_loop3A_671 = arith.constant 176 : index
          %parallel_loop3A_672 = tpu.vector_load %arg8[%parallel_loop3A_670, %parallel_loop3A_671] {strides = array<i32>} : memref<160x256xf32, #tpu.memory_space<vmem>>, vector<1x16xf32>,
          %parallel_loop3A_673 = vector.shape_cast %parallel_loop3A_672 : vector<1x16xf32> to vector<16xf32>
          %parallel_loop3A_674 = vector.shape_cast %parallel_loop3A_570 : vector<16xf32> to vector<1x16xf32>
          tpu.vector_store %arg8[%parallel_loop3A_670, %parallel_loop3A_671], %parallel_loop3A_674 {strides = array<i32>} : memref<160x256xf32, #tpu.memory_space<vmem>>, vector<1x16xf32>,
          %parallel_loop3A_675 = arith.constant 2 : i32
          %parallel_loop3A_676 = arith.addi %parallel_loop3A_120, %parallel_loop3A_675 : i32
          %parallel_loop3A_677 = arith.index_cast %parallel_loop3A_676 : i32 to index
          %parallel_loop3A_678 = arith.constant 192 : index
          %parallel_loop3A_679 = tpu.vector_load %arg8[%parallel_loop3A_677, %parallel_loop3A_678] {strides = array<i32>} : memref<160x256xf32, #tpu.memory_space<vmem>>, vector<1x16xf32>,
          %parallel_loop3A_680 = vector.shape_cast %parallel_loop3A_679 : vector<1x16xf32> to vector<16xf32>
          %parallel_loop3A_681 = vector.shape_cast %parallel_loop3A_575 : vector<16xf32> to vector<1x16xf32>
          tpu.vector_store %arg8[%parallel_loop3A_677, %parallel_loop3A_678], %parallel_loop3A_681 {strides = array<i32>} : memref<160x256xf32, #tpu.memory_space<vmem>>, vector<1x16xf32>,
          %parallel_loop3A_682 = arith.constant 2 : i32
          %parallel_loop3A_683 = arith.addi %parallel_loop3A_120, %parallel_loop3A_682 : i32
          %parallel_loop3A_684 = arith.index_cast %parallel_loop3A_683 : i32 to index
          %parallel_loop3A_685 = arith.constant 208 : index
          %parallel_loop3A_686 = tpu.vector_load %arg8[%parallel_loop3A_684, %parallel_loop3A_685] {strides = array<i32>} : memref<160x256xf32, #tpu.memory_space<vmem>>, vector<1x16xf32>,
          %parallel_loop3A_687 = vector.shape_cast %parallel_loop3A_686 : vector<1x16xf32> to vector<16xf32>
          %parallel_loop3A_688 = vector.shape_cast %parallel_loop3A_580 : vector<16xf32> to vector<1x16xf32>
          tpu.vector_store %arg8[%parallel_loop3A_684, %parallel_loop3A_685], %parallel_loop3A_688 {strides = array<i32>} : memref<160x256xf32, #tpu.memory_space<vmem>>, vector<1x16xf32>,
          %parallel_loop3A_689 = arith.constant 2 : i32
          %parallel_loop3A_690 = arith.addi %parallel_loop3A_120, %parallel_loop3A_689 : i32
          %parallel_loop3A_691 = arith.index_cast %parallel_loop3A_690 : i32 to index
          %parallel_loop3A_692 = arith.constant 224 : index
          %parallel_loop3A_693 = tpu.vector_load %arg8[%parallel_loop3A_691, %parallel_loop3A_692] {strides = array<i32>} : memref<160x256xf32, #tpu.memory_space<vmem>>, vector<1x16xf32>,
          %parallel_loop3A_694 = vector.shape_cast %parallel_loop3A_693 : vector<1x16xf32> to vector<16xf32>
          %parallel_loop3A_695 = vector.shape_cast %parallel_loop3A_585 : vector<16xf32> to vector<1x16xf32>
          tpu.vector_store %arg8[%parallel_loop3A_691, %parallel_loop3A_692], %parallel_loop3A_695 {strides = array<i32>} : memref<160x256xf32, #tpu.memory_space<vmem>>, vector<1x16xf32>,
          %parallel_loop3A_696 = arith.constant 2 : i32
          %parallel_loop3A_697 = arith.addi %parallel_loop3A_120, %parallel_loop3A_696 : i32
          %parallel_loop3A_698 = arith.index_cast %parallel_loop3A_697 : i32 to index
          %parallel_loop3A_699 = arith.constant 240 : index
          %parallel_loop3A_700 = tpu.vector_load %arg8[%parallel_loop3A_698, %parallel_loop3A_699] {strides = array<i32>} : memref<160x256xf32, #tpu.memory_space<vmem>>, vector<1x16xf32>,
          %parallel_loop3A_701 = vector.shape_cast %parallel_loop3A_700 : vector<1x16xf32> to vector<16xf32>
          %parallel_loop3A_702 = vector.shape_cast %parallel_loop3A_590 : vector<16xf32> to vector<1x16xf32>
          tpu.vector_store %arg8[%parallel_loop3A_698, %parallel_loop3A_699], %parallel_loop3A_702 {strides = array<i32>} : memref<160x256xf32, #tpu.memory_space<vmem>>, vector<1x16xf32>,
          %parallel_loop3A_703 = vector.extract_strided_slice %parallel_loop3A_115 {offsets = [3], sizes = [1], strides = [1]} : vector<16xi32> to vector<1xi32>
          %parallel_loop3A_704 = vector.extract %parallel_loop3A_703[0] : i32 from vector<1xi32>
          %parallel_loop3A_705 = arith.constant 0 : i32
          %parallel_loop3A_706 = arith.addi %parallel_loop3A_704, %parallel_loop3A_705 : i32
          %parallel_loop3A_707 = arith.index_cast %parallel_loop3A_706 : i32 to index
          %parallel_loop3A_708 = tpu.vector_load %arg9[%parallel_loop3A_707] {strides = array<i32>} : memref<15360xf32, #tpu.memory_space<vmem>>, vector<16xf32>,
          %parallel_loop3A_709 = vector.shape_cast %parallel_loop3A_708 : vector<16xf32> to vector<16xf32>
          %parallel_loop3A_710 = arith.constant 16 : i32
          %parallel_loop3A_711 = arith.addi %parallel_loop3A_704, %parallel_loop3A_710 : i32
          %parallel_loop3A_712 = arith.index_cast %parallel_loop3A_711 : i32 to index
          %parallel_loop3A_713 = tpu.vector_load %arg9[%parallel_loop3A_712] {strides = array<i32>} : memref<15360xf32, #tpu.memory_space<vmem>>, vector<16xf32>,
          %parallel_loop3A_714 = vector.shape_cast %parallel_loop3A_713 : vector<16xf32> to vector<16xf32>
          %parallel_loop3A_715 = arith.constant 32 : i32
          %parallel_loop3A_716 = arith.addi %parallel_loop3A_704, %parallel_loop3A_715 : i32
          %parallel_loop3A_717 = arith.index_cast %parallel_loop3A_716 : i32 to index
          %parallel_loop3A_718 = tpu.vector_load %arg9[%parallel_loop3A_717] {strides = array<i32>} : memref<15360xf32, #tpu.memory_space<vmem>>, vector<16xf32>,
          %parallel_loop3A_719 = vector.shape_cast %parallel_loop3A_718 : vector<16xf32> to vector<16xf32>
          %parallel_loop3A_720 = arith.constant 48 : i32
          %parallel_loop3A_721 = arith.addi %parallel_loop3A_704, %parallel_loop3A_720 : i32
          %parallel_loop3A_722 = arith.index_cast %parallel_loop3A_721 : i32 to index
          %parallel_loop3A_723 = tpu.vector_load %arg9[%parallel_loop3A_722] {strides = array<i32>} : memref<15360xf32, #tpu.memory_space<vmem>>, vector<16xf32>,
          %parallel_loop3A_724 = vector.shape_cast %parallel_loop3A_723 : vector<16xf32> to vector<16xf32>
          %parallel_loop3A_725 = arith.constant 64 : i32
          %parallel_loop3A_726 = arith.addi %parallel_loop3A_704, %parallel_loop3A_725 : i32
          %parallel_loop3A_727 = arith.index_cast %parallel_loop3A_726 : i32 to index
          %parallel_loop3A_728 = tpu.vector_load %arg9[%parallel_loop3A_727] {strides = array<i32>} : memref<15360xf32, #tpu.memory_space<vmem>>, vector<16xf32>,
          %parallel_loop3A_729 = vector.shape_cast %parallel_loop3A_728 : vector<16xf32> to vector<16xf32>
          %parallel_loop3A_730 = arith.constant 80 : i32
          %parallel_loop3A_731 = arith.addi %parallel_loop3A_704, %parallel_loop3A_730 : i32
          %parallel_loop3A_732 = arith.index_cast %parallel_loop3A_731 : i32 to index
          %parallel_loop3A_733 = tpu.vector_load %arg9[%parallel_loop3A_732] {strides = array<i32>} : memref<15360xf32, #tpu.memory_space<vmem>>, vector<16xf32>,
          %parallel_loop3A_734 = vector.shape_cast %parallel_loop3A_733 : vector<16xf32> to vector<16xf32>
          %parallel_loop3A_735 = arith.constant 96 : i32
          %parallel_loop3A_736 = arith.addi %parallel_loop3A_704, %parallel_loop3A_735 : i32
          %parallel_loop3A_737 = arith.index_cast %parallel_loop3A_736 : i32 to index
          %parallel_loop3A_738 = tpu.vector_load %arg9[%parallel_loop3A_737] {strides = array<i32>} : memref<15360xf32, #tpu.memory_space<vmem>>, vector<16xf32>,
          %parallel_loop3A_739 = vector.shape_cast %parallel_loop3A_738 : vector<16xf32> to vector<16xf32>
          %parallel_loop3A_740 = arith.constant 112 : i32
          %parallel_loop3A_741 = arith.addi %parallel_loop3A_704, %parallel_loop3A_740 : i32
          %parallel_loop3A_742 = arith.index_cast %parallel_loop3A_741 : i32 to index
          %parallel_loop3A_743 = tpu.vector_load %arg9[%parallel_loop3A_742] {strides = array<i32>} : memref<15360xf32, #tpu.memory_space<vmem>>, vector<16xf32>,
          %parallel_loop3A_744 = vector.shape_cast %parallel_loop3A_743 : vector<16xf32> to vector<16xf32>
          %parallel_loop3A_745 = arith.constant 128 : i32
          %parallel_loop3A_746 = arith.addi %parallel_loop3A_704, %parallel_loop3A_745 : i32
          %parallel_loop3A_747 = arith.index_cast %parallel_loop3A_746 : i32 to index
          %parallel_loop3A_748 = tpu.vector_load %arg9[%parallel_loop3A_747] {strides = array<i32>} : memref<15360xf32, #tpu.memory_space<vmem>>, vector<16xf32>,
          %parallel_loop3A_749 = vector.shape_cast %parallel_loop3A_748 : vector<16xf32> to vector<16xf32>
          %parallel_loop3A_750 = arith.constant 144 : i32
          %parallel_loop3A_751 = arith.addi %parallel_loop3A_704, %parallel_loop3A_750 : i32
          %parallel_loop3A_752 = arith.index_cast %parallel_loop3A_751 : i32 to index
          %parallel_loop3A_753 = tpu.vector_load %arg9[%parallel_loop3A_752] {strides = array<i32>} : memref<15360xf32, #tpu.memory_space<vmem>>, vector<16xf32>,
          %parallel_loop3A_754 = vector.shape_cast %parallel_loop3A_753 : vector<16xf32> to vector<16xf32>
          %parallel_loop3A_755 = arith.constant 160 : i32
          %parallel_loop3A_756 = arith.addi %parallel_loop3A_704, %parallel_loop3A_755 : i32
          %parallel_loop3A_757 = arith.index_cast %parallel_loop3A_756 : i32 to index
          %parallel_loop3A_758 = tpu.vector_load %arg9[%parallel_loop3A_757] {strides = array<i32>} : memref<15360xf32, #tpu.memory_space<vmem>>, vector<16xf32>,
          %parallel_loop3A_759 = vector.shape_cast %parallel_loop3A_758 : vector<16xf32> to vector<16xf32>
          %parallel_loop3A_760 = arith.constant 176 : i32
          %parallel_loop3A_761 = arith.addi %parallel_loop3A_704, %parallel_loop3A_760 : i32
          %parallel_loop3A_762 = arith.index_cast %parallel_loop3A_761 : i32 to index
          %parallel_loop3A_763 = tpu.vector_load %arg9[%parallel_loop3A_762] {strides = array<i32>} : memref<15360xf32, #tpu.memory_space<vmem>>, vector<16xf32>,
          %parallel_loop3A_764 = vector.shape_cast %parallel_loop3A_763 : vector<16xf32> to vector<16xf32>
          %parallel_loop3A_765 = arith.constant 192 : i32
          %parallel_loop3A_766 = arith.addi %parallel_loop3A_704, %parallel_loop3A_765 : i32
          %parallel_loop3A_767 = arith.index_cast %parallel_loop3A_766 : i32 to index
          %parallel_loop3A_768 = tpu.vector_load %arg9[%parallel_loop3A_767] {strides = array<i32>} : memref<15360xf32, #tpu.memory_space<vmem>>, vector<16xf32>,
          %parallel_loop3A_769 = vector.shape_cast %parallel_loop3A_768 : vector<16xf32> to vector<16xf32>
          %parallel_loop3A_770 = arith.constant 208 : i32
          %parallel_loop3A_771 = arith.addi %parallel_loop3A_704, %parallel_loop3A_770 : i32
          %parallel_loop3A_772 = arith.index_cast %parallel_loop3A_771 : i32 to index
          %parallel_loop3A_773 = tpu.vector_load %arg9[%parallel_loop3A_772] {strides = array<i32>} : memref<15360xf32, #tpu.memory_space<vmem>>, vector<16xf32>,
          %parallel_loop3A_774 = vector.shape_cast %parallel_loop3A_773 : vector<16xf32> to vector<16xf32>
          %parallel_loop3A_775 = arith.constant 224 : i32
          %parallel_loop3A_776 = arith.addi %parallel_loop3A_704, %parallel_loop3A_775 : i32
          %parallel_loop3A_777 = arith.index_cast %parallel_loop3A_776 : i32 to index
          %parallel_loop3A_778 = tpu.vector_load %arg9[%parallel_loop3A_777] {strides = array<i32>} : memref<15360xf32, #tpu.memory_space<vmem>>, vector<16xf32>,
          %parallel_loop3A_779 = vector.shape_cast %parallel_loop3A_778 : vector<16xf32> to vector<16xf32>
          %parallel_loop3A_780 = arith.constant 240 : i32
          %parallel_loop3A_781 = arith.addi %parallel_loop3A_704, %parallel_loop3A_780 : i32
          %parallel_loop3A_782 = arith.index_cast %parallel_loop3A_781 : i32 to index
          %parallel_loop3A_783 = tpu.vector_load %arg9[%parallel_loop3A_782] {strides = array<i32>} : memref<15360xf32, #tpu.memory_space<vmem>>, vector<16xf32>,
          %parallel_loop3A_784 = vector.shape_cast %parallel_loop3A_783 : vector<16xf32> to vector<16xf32>
          %parallel_loop3A_785 = arith.constant 3 : i32
          %parallel_loop3A_786 = arith.addi %parallel_loop3A_120, %parallel_loop3A_785 : i32
          %parallel_loop3A_787 = arith.index_cast %parallel_loop3A_786 : i32 to index
          %parallel_loop3A_788 = arith.constant 0 : index
          %parallel_loop3A_789 = tpu.vector_load %arg8[%parallel_loop3A_787, %parallel_loop3A_788] {strides = array<i32>} : memref<160x256xf32, #tpu.memory_space<vmem>>, vector<1x16xf32>,
          %parallel_loop3A_790 = vector.shape_cast %parallel_loop3A_789 : vector<1x16xf32> to vector<16xf32>
          %parallel_loop3A_791 = vector.shape_cast %parallel_loop3A_709 : vector<16xf32> to vector<1x16xf32>
          tpu.vector_store %arg8[%parallel_loop3A_787, %parallel_loop3A_788], %parallel_loop3A_791 {strides = array<i32>} : memref<160x256xf32, #tpu.memory_space<vmem>>, vector<1x16xf32>,
          %parallel_loop3A_792 = arith.constant 3 : i32
          %parallel_loop3A_793 = arith.addi %parallel_loop3A_120, %parallel_loop3A_792 : i32
          %parallel_loop3A_794 = arith.index_cast %parallel_loop3A_793 : i32 to index
          %parallel_loop3A_795 = arith.constant 16 : index
          %parallel_loop3A_796 = tpu.vector_load %arg8[%parallel_loop3A_794, %parallel_loop3A_795] {strides = array<i32>} : memref<160x256xf32, #tpu.memory_space<vmem>>, vector<1x16xf32>,
          %parallel_loop3A_797 = vector.shape_cast %parallel_loop3A_796 : vector<1x16xf32> to vector<16xf32>
          %parallel_loop3A_798 = vector.shape_cast %parallel_loop3A_714 : vector<16xf32> to vector<1x16xf32>
          tpu.vector_store %arg8[%parallel_loop3A_794, %parallel_loop3A_795], %parallel_loop3A_798 {strides = array<i32>} : memref<160x256xf32, #tpu.memory_space<vmem>>, vector<1x16xf32>,
          %parallel_loop3A_799 = arith.constant 3 : i32
          %parallel_loop3A_800 = arith.addi %parallel_loop3A_120, %parallel_loop3A_799 : i32
          %parallel_loop3A_801 = arith.index_cast %parallel_loop3A_800 : i32 to index
          %parallel_loop3A_802 = arith.constant 32 : index
          %parallel_loop3A_803 = tpu.vector_load %arg8[%parallel_loop3A_801, %parallel_loop3A_802] {strides = array<i32>} : memref<160x256xf32, #tpu.memory_space<vmem>>, vector<1x16xf32>,
          %parallel_loop3A_804 = vector.shape_cast %parallel_loop3A_803 : vector<1x16xf32> to vector<16xf32>
          %parallel_loop3A_805 = vector.shape_cast %parallel_loop3A_719 : vector<16xf32> to vector<1x16xf32>
          tpu.vector_store %arg8[%parallel_loop3A_801, %parallel_loop3A_802], %parallel_loop3A_805 {strides = array<i32>} : memref<160x256xf32, #tpu.memory_space<vmem>>, vector<1x16xf32>,
          %parallel_loop3A_806 = arith.constant 3 : i32
          %parallel_loop3A_807 = arith.addi %parallel_loop3A_120, %parallel_loop3A_806 : i32
          %parallel_loop3A_808 = arith.index_cast %parallel_loop3A_807 : i32 to index
          %parallel_loop3A_809 = arith.constant 48 : index
          %parallel_loop3A_810 = tpu.vector_load %arg8[%parallel_loop3A_808, %parallel_loop3A_809] {strides = array<i32>} : memref<160x256xf32, #tpu.memory_space<vmem>>, vector<1x16xf32>,
          %parallel_loop3A_811 = vector.shape_cast %parallel_loop3A_810 : vector<1x16xf32> to vector<16xf32>
          %parallel_loop3A_812 = vector.shape_cast %parallel_loop3A_724 : vector<16xf32> to vector<1x16xf32>
          tpu.vector_store %arg8[%parallel_loop3A_808, %parallel_loop3A_809], %parallel_loop3A_812 {strides = array<i32>} : memref<160x256xf32, #tpu.memory_space<vmem>>, vector<1x16xf32>,
          %parallel_loop3A_813 = arith.constant 3 : i32
          %parallel_loop3A_814 = arith.addi %parallel_loop3A_120, %parallel_loop3A_813 : i32
          %parallel_loop3A_815 = arith.index_cast %parallel_loop3A_814 : i32 to index
          %parallel_loop3A_816 = arith.constant 64 : index
          %parallel_loop3A_817 = tpu.vector_load %arg8[%parallel_loop3A_815, %parallel_loop3A_816] {strides = array<i32>} : memref<160x256xf32, #tpu.memory_space<vmem>>, vector<1x16xf32>,
          %parallel_loop3A_818 = vector.shape_cast %parallel_loop3A_817 : vector<1x16xf32> to vector<16xf32>
          %parallel_loop3A_819 = vector.shape_cast %parallel_loop3A_729 : vector<16xf32> to vector<1x16xf32>
          tpu.vector_store %arg8[%parallel_loop3A_815, %parallel_loop3A_816], %parallel_loop3A_819 {strides = array<i32>} : memref<160x256xf32, #tpu.memory_space<vmem>>, vector<1x16xf32>,
          %parallel_loop3A_820 = arith.constant 3 : i32
          %parallel_loop3A_821 = arith.addi %parallel_loop3A_120, %parallel_loop3A_820 : i32
          %parallel_loop3A_822 = arith.index_cast %parallel_loop3A_821 : i32 to index
          %parallel_loop3A_823 = arith.constant 80 : index
          %parallel_loop3A_824 = tpu.vector_load %arg8[%parallel_loop3A_822, %parallel_loop3A_823] {strides = array<i32>} : memref<160x256xf32, #tpu.memory_space<vmem>>, vector<1x16xf32>,
          %parallel_loop3A_825 = vector.shape_cast %parallel_loop3A_824 : vector<1x16xf32> to vector<16xf32>
          %parallel_loop3A_826 = vector.shape_cast %parallel_loop3A_734 : vector<16xf32> to vector<1x16xf32>
          tpu.vector_store %arg8[%parallel_loop3A_822, %parallel_loop3A_823], %parallel_loop3A_826 {strides = array<i32>} : memref<160x256xf32, #tpu.memory_space<vmem>>, vector<1x16xf32>,
          %parallel_loop3A_827 = arith.constant 3 : i32
          %parallel_loop3A_828 = arith.addi %parallel_loop3A_120, %parallel_loop3A_827 : i32
          %parallel_loop3A_829 = arith.index_cast %parallel_loop3A_828 : i32 to index
          %parallel_loop3A_830 = arith.constant 96 : index
          %parallel_loop3A_831 = tpu.vector_load %arg8[%parallel_loop3A_829, %parallel_loop3A_830] {strides = array<i32>} : memref<160x256xf32, #tpu.memory_space<vmem>>, vector<1x16xf32>,
          %parallel_loop3A_832 = vector.shape_cast %parallel_loop3A_831 : vector<1x16xf32> to vector<16xf32>
          %parallel_loop3A_833 = vector.shape_cast %parallel_loop3A_739 : vector<16xf32> to vector<1x16xf32>
          tpu.vector_store %arg8[%parallel_loop3A_829, %parallel_loop3A_830], %parallel_loop3A_833 {strides = array<i32>} : memref<160x256xf32, #tpu.memory_space<vmem>>, vector<1x16xf32>,
          %parallel_loop3A_834 = arith.constant 3 : i32
          %parallel_loop3A_835 = arith.addi %parallel_loop3A_120, %parallel_loop3A_834 : i32
          %parallel_loop3A_836 = arith.index_cast %parallel_loop3A_835 : i32 to index
          %parallel_loop3A_837 = arith.constant 112 : index
          %parallel_loop3A_838 = tpu.vector_load %arg8[%parallel_loop3A_836, %parallel_loop3A_837] {strides = array<i32>} : memref<160x256xf32, #tpu.memory_space<vmem>>, vector<1x16xf32>,
          %parallel_loop3A_839 = vector.shape_cast %parallel_loop3A_838 : vector<1x16xf32> to vector<16xf32>
          %parallel_loop3A_840 = vector.shape_cast %parallel_loop3A_744 : vector<16xf32> to vector<1x16xf32>
          tpu.vector_store %arg8[%parallel_loop3A_836, %parallel_loop3A_837], %parallel_loop3A_840 {strides = array<i32>} : memref<160x256xf32, #tpu.memory_space<vmem>>, vector<1x16xf32>,
          %parallel_loop3A_841 = arith.constant 3 : i32
          %parallel_loop3A_842 = arith.addi %parallel_loop3A_120, %parallel_loop3A_841 : i32
          %parallel_loop3A_843 = arith.index_cast %parallel_loop3A_842 : i32 to index
          %parallel_loop3A_844 = arith.constant 128 : index
          %parallel_loop3A_845 = tpu.vector_load %arg8[%parallel_loop3A_843, %parallel_loop3A_844] {strides = array<i32>} : memref<160x256xf32, #tpu.memory_space<vmem>>, vector<1x16xf32>,
          %parallel_loop3A_846 = vector.shape_cast %parallel_loop3A_845 : vector<1x16xf32> to vector<16xf32>
          %parallel_loop3A_847 = vector.shape_cast %parallel_loop3A_749 : vector<16xf32> to vector<1x16xf32>
          tpu.vector_store %arg8[%parallel_loop3A_843, %parallel_loop3A_844], %parallel_loop3A_847 {strides = array<i32>} : memref<160x256xf32, #tpu.memory_space<vmem>>, vector<1x16xf32>,
          %parallel_loop3A_848 = arith.constant 3 : i32
          %parallel_loop3A_849 = arith.addi %parallel_loop3A_120, %parallel_loop3A_848 : i32
          %parallel_loop3A_850 = arith.index_cast %parallel_loop3A_849 : i32 to index
          %parallel_loop3A_851 = arith.constant 144 : index
          %parallel_loop3A_852 = tpu.vector_load %arg8[%parallel_loop3A_850, %parallel_loop3A_851] {strides = array<i32>} : memref<160x256xf32, #tpu.memory_space<vmem>>, vector<1x16xf32>,
          %parallel_loop3A_853 = vector.shape_cast %parallel_loop3A_852 : vector<1x16xf32> to vector<16xf32>
          %parallel_loop3A_854 = vector.shape_cast %parallel_loop3A_754 : vector<16xf32> to vector<1x16xf32>
          tpu.vector_store %arg8[%parallel_loop3A_850, %parallel_loop3A_851], %parallel_loop3A_854 {strides = array<i32>} : memref<160x256xf32, #tpu.memory_space<vmem>>, vector<1x16xf32>,
          %parallel_loop3A_855 = arith.constant 3 : i32
          %parallel_loop3A_856 = arith.addi %parallel_loop3A_120, %parallel_loop3A_855 : i32
          %parallel_loop3A_857 = arith.index_cast %parallel_loop3A_856 : i32 to index
          %parallel_loop3A_858 = arith.constant 160 : index
          %parallel_loop3A_859 = tpu.vector_load %arg8[%parallel_loop3A_857, %parallel_loop3A_858] {strides = array<i32>} : memref<160x256xf32, #tpu.memory_space<vmem>>, vector<1x16xf32>,
          %parallel_loop3A_860 = vector.shape_cast %parallel_loop3A_859 : vector<1x16xf32> to vector<16xf32>
          %parallel_loop3A_861 = vector.shape_cast %parallel_loop3A_759 : vector<16xf32> to vector<1x16xf32>
          tpu.vector_store %arg8[%parallel_loop3A_857, %parallel_loop3A_858], %parallel_loop3A_861 {strides = array<i32>} : memref<160x256xf32, #tpu.memory_space<vmem>>, vector<1x16xf32>,
          %parallel_loop3A_862 = arith.constant 3 : i32
          %parallel_loop3A_863 = arith.addi %parallel_loop3A_120, %parallel_loop3A_862 : i32
          %parallel_loop3A_864 = arith.index_cast %parallel_loop3A_863 : i32 to index
          %parallel_loop3A_865 = arith.constant 176 : index
          %parallel_loop3A_866 = tpu.vector_load %arg8[%parallel_loop3A_864, %parallel_loop3A_865] {strides = array<i32>} : memref<160x256xf32, #tpu.memory_space<vmem>>, vector<1x16xf32>,
          %parallel_loop3A_867 = vector.shape_cast %parallel_loop3A_866 : vector<1x16xf32> to vector<16xf32>
          %parallel_loop3A_868 = vector.shape_cast %parallel_loop3A_764 : vector<16xf32> to vector<1x16xf32>
          tpu.vector_store %arg8[%parallel_loop3A_864, %parallel_loop3A_865], %parallel_loop3A_868 {strides = array<i32>} : memref<160x256xf32, #tpu.memory_space<vmem>>, vector<1x16xf32>,
          %parallel_loop3A_869 = arith.constant 3 : i32
          %parallel_loop3A_870 = arith.addi %parallel_loop3A_120, %parallel_loop3A_869 : i32
          %parallel_loop3A_871 = arith.index_cast %parallel_loop3A_870 : i32 to index
          %parallel_loop3A_872 = arith.constant 192 : index
          %parallel_loop3A_873 = tpu.vector_load %arg8[%parallel_loop3A_871, %parallel_loop3A_872] {strides = array<i32>} : memref<160x256xf32, #tpu.memory_space<vmem>>, vector<1x16xf32>,
          %parallel_loop3A_874 = vector.shape_cast %parallel_loop3A_873 : vector<1x16xf32> to vector<16xf32>
          %parallel_loop3A_875 = vector.shape_cast %parallel_loop3A_769 : vector<16xf32> to vector<1x16xf32>
          tpu.vector_store %arg8[%parallel_loop3A_871, %parallel_loop3A_872], %parallel_loop3A_875 {strides = array<i32>} : memref<160x256xf32, #tpu.memory_space<vmem>>, vector<1x16xf32>,
          %parallel_loop3A_876 = arith.constant 3 : i32
          %parallel_loop3A_877 = arith.addi %parallel_loop3A_120, %parallel_loop3A_876 : i32
          %parallel_loop3A_878 = arith.index_cast %parallel_loop3A_877 : i32 to index
          %parallel_loop3A_879 = arith.constant 208 : index
          %parallel_loop3A_880 = tpu.vector_load %arg8[%parallel_loop3A_878, %parallel_loop3A_879] {strides = array<i32>} : memref<160x256xf32, #tpu.memory_space<vmem>>, vector<1x16xf32>,
          %parallel_loop3A_881 = vector.shape_cast %parallel_loop3A_880 : vector<1x16xf32> to vector<16xf32>
          %parallel_loop3A_882 = vector.shape_cast %parallel_loop3A_774 : vector<16xf32> to vector<1x16xf32>
          tpu.vector_store %arg8[%parallel_loop3A_878, %parallel_loop3A_879], %parallel_loop3A_882 {strides = array<i32>} : memref<160x256xf32, #tpu.memory_space<vmem>>, vector<1x16xf32>,
          %parallel_loop3A_883 = arith.constant 3 : i32
          %parallel_loop3A_884 = arith.addi %parallel_loop3A_120, %parallel_loop3A_883 : i32
          %parallel_loop3A_885 = arith.index_cast %parallel_loop3A_884 : i32 to index
          %parallel_loop3A_886 = arith.constant 224 : index
          %parallel_loop3A_887 = tpu.vector_load %arg8[%parallel_loop3A_885, %parallel_loop3A_886] {strides = array<i32>} : memref<160x256xf32, #tpu.memory_space<vmem>>, vector<1x16xf32>,
          %parallel_loop3A_888 = vector.shape_cast %parallel_loop3A_887 : vector<1x16xf32> to vector<16xf32>
          %parallel_loop3A_889 = vector.shape_cast %parallel_loop3A_779 : vector<16xf32> to vector<1x16xf32>
          tpu.vector_store %arg8[%parallel_loop3A_885, %parallel_loop3A_886], %parallel_loop3A_889 {strides = array<i32>} : memref<160x256xf32, #tpu.memory_space<vmem>>, vector<1x16xf32>,
          %parallel_loop3A_890 = arith.constant 3 : i32
          %parallel_loop3A_891 = arith.addi %parallel_loop3A_120, %parallel_loop3A_890 : i32
          %parallel_loop3A_892 = arith.index_cast %parallel_loop3A_891 : i32 to index
          %parallel_loop3A_893 = arith.constant 240 : index
          %parallel_loop3A_894 = tpu.vector_load %arg8[%parallel_loop3A_892, %parallel_loop3A_893] {strides = array<i32>} : memref<160x256xf32, #tpu.memory_space<vmem>>, vector<1x16xf32>,
          %parallel_loop3A_895 = vector.shape_cast %parallel_loop3A_894 : vector<1x16xf32> to vector<16xf32>
          %parallel_loop3A_896 = vector.shape_cast %parallel_loop3A_784 : vector<16xf32> to vector<1x16xf32>
          tpu.vector_store %arg8[%parallel_loop3A_892, %parallel_loop3A_893], %parallel_loop3A_896 {strides = array<i32>} : memref<160x256xf32, #tpu.memory_space<vmem>>, vector<1x16xf32>,
          %parallel_loop3A_897 = vector.extract_strided_slice %parallel_loop3A_115 {offsets = [4], sizes = [1], strides = [1]} : vector<16xi32> to vector<1xi32>
          %parallel_loop3A_898 = vector.extract %parallel_loop3A_897[0] : i32 from vector<1xi32>
          %parallel_loop3A_899 = arith.constant 0 : i32
          %parallel_loop3A_900 = arith.addi %parallel_loop3A_898, %parallel_loop3A_899 : i32
          %parallel_loop3A_901 = arith.index_cast %parallel_loop3A_900 : i32 to index
          %parallel_loop3A_902 = tpu.vector_load %arg9[%parallel_loop3A_901] {strides = array<i32>} : memref<15360xf32, #tpu.memory_space<vmem>>, vector<16xf32>,
          %parallel_loop3A_903 = vector.shape_cast %parallel_loop3A_902 : vector<16xf32> to vector<16xf32>
          %parallel_loop3A_904 = arith.constant 16 : i32
          %parallel_loop3A_905 = arith.addi %parallel_loop3A_898, %parallel_loop3A_904 : i32
          %parallel_loop3A_906 = arith.index_cast %parallel_loop3A_905 : i32 to index
          %parallel_loop3A_907 = tpu.vector_load %arg9[%parallel_loop3A_906] {strides = array<i32>} : memref<15360xf32, #tpu.memory_space<vmem>>, vector<16xf32>,
          %parallel_loop3A_908 = vector.shape_cast %parallel_loop3A_907 : vector<16xf32> to vector<16xf32>
          %parallel_loop3A_909 = arith.constant 32 : i32
          %parallel_loop3A_910 = arith.addi %parallel_loop3A_898, %parallel_loop3A_909 : i32
          %parallel_loop3A_911 = arith.index_cast %parallel_loop3A_910 : i32 to index
          %parallel_loop3A_912 = tpu.vector_load %arg9[%parallel_loop3A_911] {strides = array<i32>} : memref<15360xf32, #tpu.memory_space<vmem>>, vector<16xf32>,
          %parallel_loop3A_913 = vector.shape_cast %parallel_loop3A_912 : vector<16xf32> to vector<16xf32>
          %parallel_loop3A_914 = arith.constant 48 : i32
          %parallel_loop3A_915 = arith.addi %parallel_loop3A_898, %parallel_loop3A_914 : i32
          %parallel_loop3A_916 = arith.index_cast %parallel_loop3A_915 : i32 to index
          %parallel_loop3A_917 = tpu.vector_load %arg9[%parallel_loop3A_916] {strides = array<i32>} : memref<15360xf32, #tpu.memory_space<vmem>>, vector<16xf32>,
          %parallel_loop3A_918 = vector.shape_cast %parallel_loop3A_917 : vector<16xf32> to vector<16xf32>
          %parallel_loop3A_919 = arith.constant 64 : i32
          %parallel_loop3A_920 = arith.addi %parallel_loop3A_898, %parallel_loop3A_919 : i32
          %parallel_loop3A_921 = arith.index_cast %parallel_loop3A_920 : i32 to index
          %parallel_loop3A_922 = tpu.vector_load %arg9[%parallel_loop3A_921] {strides = array<i32>} : memref<15360xf32, #tpu.memory_space<vmem>>, vector<16xf32>,
          %parallel_loop3A_923 = vector.shape_cast %parallel_loop3A_922 : vector<16xf32> to vector<16xf32>
          %parallel_loop3A_924 = arith.constant 80 : i32
          %parallel_loop3A_925 = arith.addi %parallel_loop3A_898, %parallel_loop3A_924 : i32
          %parallel_loop3A_926 = arith.index_cast %parallel_loop3A_925 : i32 to index
          %parallel_loop3A_927 = tpu.vector_load %arg9[%parallel_loop3A_926] {strides = array<i32>} : memref<15360xf32, #tpu.memory_space<vmem>>, vector<16xf32>,
          %parallel_loop3A_928 = vector.shape_cast %parallel_loop3A_927 : vector<16xf32> to vector<16xf32>
          %parallel_loop3A_929 = arith.constant 96 : i32
          %parallel_loop3A_930 = arith.addi %parallel_loop3A_898, %parallel_loop3A_929 : i32
          %parallel_loop3A_931 = arith.index_cast %parallel_loop3A_930 : i32 to index
          %parallel_loop3A_932 = tpu.vector_load %arg9[%parallel_loop3A_931] {strides = array<i32>} : memref<15360xf32, #tpu.memory_space<vmem>>, vector<16xf32>,
          %parallel_loop3A_933 = vector.shape_cast %parallel_loop3A_932 : vector<16xf32> to vector<16xf32>
          %parallel_loop3A_934 = arith.constant 112 : i32
          %parallel_loop3A_935 = arith.addi %parallel_loop3A_898, %parallel_loop3A_934 : i32
          %parallel_loop3A_936 = arith.index_cast %parallel_loop3A_935 : i32 to index
          %parallel_loop3A_937 = tpu.vector_load %arg9[%parallel_loop3A_936] {strides = array<i32>} : memref<15360xf32, #tpu.memory_space<vmem>>, vector<16xf32>,
          %parallel_loop3A_938 = vector.shape_cast %parallel_loop3A_937 : vector<16xf32> to vector<16xf32>
          %parallel_loop3A_939 = arith.constant 128 : i32
          %parallel_loop3A_940 = arith.addi %parallel_loop3A_898, %parallel_loop3A_939 : i32
          %parallel_loop3A_941 = arith.index_cast %parallel_loop3A_940 : i32 to index
          %parallel_loop3A_942 = tpu.vector_load %arg9[%parallel_loop3A_941] {strides = array<i32>} : memref<15360xf32, #tpu.memory_space<vmem>>, vector<16xf32>,
          %parallel_loop3A_943 = vector.shape_cast %parallel_loop3A_942 : vector<16xf32> to vector<16xf32>
          %parallel_loop3A_944 = arith.constant 144 : i32
          %parallel_loop3A_945 = arith.addi %parallel_loop3A_898, %parallel_loop3A_944 : i32
          %parallel_loop3A_946 = arith.index_cast %parallel_loop3A_945 : i32 to index
          %parallel_loop3A_947 = tpu.vector_load %arg9[%parallel_loop3A_946] {strides = array<i32>} : memref<15360xf32, #tpu.memory_space<vmem>>, vector<16xf32>,
          %parallel_loop3A_948 = vector.shape_cast %parallel_loop3A_947 : vector<16xf32> to vector<16xf32>
          %parallel_loop3A_949 = arith.constant 160 : i32
          %parallel_loop3A_950 = arith.addi %parallel_loop3A_898, %parallel_loop3A_949 : i32
          %parallel_loop3A_951 = arith.index_cast %parallel_loop3A_950 : i32 to index
          %parallel_loop3A_952 = tpu.vector_load %arg9[%parallel_loop3A_951] {strides = array<i32>} : memref<15360xf32, #tpu.memory_space<vmem>>, vector<16xf32>,
          %parallel_loop3A_953 = vector.shape_cast %parallel_loop3A_952 : vector<16xf32> to vector<16xf32>
          %parallel_loop3A_954 = arith.constant 176 : i32
          %parallel_loop3A_955 = arith.addi %parallel_loop3A_898, %parallel_loop3A_954 : i32
          %parallel_loop3A_956 = arith.index_cast %parallel_loop3A_955 : i32 to index
          %parallel_loop3A_957 = tpu.vector_load %arg9[%parallel_loop3A_956] {strides = array<i32>} : memref<15360xf32, #tpu.memory_space<vmem>>, vector<16xf32>,
          %parallel_loop3A_958 = vector.shape_cast %parallel_loop3A_957 : vector<16xf32> to vector<16xf32>
          %parallel_loop3A_959 = arith.constant 192 : i32
          %parallel_loop3A_960 = arith.addi %parallel_loop3A_898, %parallel_loop3A_959 : i32
          %parallel_loop3A_961 = arith.index_cast %parallel_loop3A_960 : i32 to index
          %parallel_loop3A_962 = tpu.vector_load %arg9[%parallel_loop3A_961] {strides = array<i32>} : memref<15360xf32, #tpu.memory_space<vmem>>, vector<16xf32>,
          %parallel_loop3A_963 = vector.shape_cast %parallel_loop3A_962 : vector<16xf32> to vector<16xf32>
          %parallel_loop3A_964 = arith.constant 208 : i32
          %parallel_loop3A_965 = arith.addi %parallel_loop3A_898, %parallel_loop3A_964 : i32
          %parallel_loop3A_966 = arith.index_cast %parallel_loop3A_965 : i32 to index
          %parallel_loop3A_967 = tpu.vector_load %arg9[%parallel_loop3A_966] {strides = array<i32>} : memref<15360xf32, #tpu.memory_space<vmem>>, vector<16xf32>,
          %parallel_loop3A_968 = vector.shape_cast %parallel_loop3A_967 : vector<16xf32> to vector<16xf32>
          %parallel_loop3A_969 = arith.constant 224 : i32
          %parallel_loop3A_970 = arith.addi %parallel_loop3A_898, %parallel_loop3A_969 : i32
          %parallel_loop3A_971 = arith.index_cast %parallel_loop3A_970 : i32 to index
          %parallel_loop3A_972 = tpu.vector_load %arg9[%parallel_loop3A_971] {strides = array<i32>} : memref<15360xf32, #tpu.memory_space<vmem>>, vector<16xf32>,
          %parallel_loop3A_973 = vector.shape_cast %parallel_loop3A_972 : vector<16xf32> to vector<16xf32>
          %parallel_loop3A_974 = arith.constant 240 : i32
          %parallel_loop3A_975 = arith.addi %parallel_loop3A_898, %parallel_loop3A_974 : i32
          %parallel_loop3A_976 = arith.index_cast %parallel_loop3A_975 : i32 to index
          %parallel_loop3A_977 = tpu.vector_load %arg9[%parallel_loop3A_976] {strides = array<i32>} : memref<15360xf32, #tpu.memory_space<vmem>>, vector<16xf32>,
          %parallel_loop3A_978 = vector.shape_cast %parallel_loop3A_977 : vector<16xf32> to vector<16xf32>
          %parallel_loop3A_979 = arith.constant 4 : i32
          %parallel_loop3A_980 = arith.addi %parallel_loop3A_120, %parallel_loop3A_979 : i32
          %parallel_loop3A_981 = arith.index_cast %parallel_loop3A_980 : i32 to index
          %parallel_loop3A_982 = arith.constant 0 : index
          %parallel_loop3A_983 = tpu.vector_load %arg8[%parallel_loop3A_981, %parallel_loop3A_982] {strides = array<i32>} : memref<160x256xf32, #tpu.memory_space<vmem>>, vector<1x16xf32>,
          %parallel_loop3A_984 = vector.shape_cast %parallel_loop3A_983 : vector<1x16xf32> to vector<16xf32>
          %parallel_loop3A_985 = vector.shape_cast %parallel_loop3A_903 : vector<16xf32> to vector<1x16xf32>
          tpu.vector_store %arg8[%parallel_loop3A_981, %parallel_loop3A_982], %parallel_loop3A_985 {strides = array<i32>} : memref<160x256xf32, #tpu.memory_space<vmem>>, vector<1x16xf32>,
          %parallel_loop3A_986 = arith.constant 4 : i32
          %parallel_loop3A_987 = arith.addi %parallel_loop3A_120, %parallel_loop3A_986 : i32
          %parallel_loop3A_988 = arith.index_cast %parallel_loop3A_987 : i32 to index
          %parallel_loop3A_989 = arith.constant 16 : index
          %parallel_loop3A_990 = tpu.vector_load %arg8[%parallel_loop3A_988, %parallel_loop3A_989] {strides = array<i32>} : memref<160x256xf32, #tpu.memory_space<vmem>>, vector<1x16xf32>,
          %parallel_loop3A_991 = vector.shape_cast %parallel_loop3A_990 : vector<1x16xf32> to vector<16xf32>
          %parallel_loop3A_992 = vector.shape_cast %parallel_loop3A_908 : vector<16xf32> to vector<1x16xf32>
          tpu.vector_store %arg8[%parallel_loop3A_988, %parallel_loop3A_989], %parallel_loop3A_992 {strides = array<i32>} : memref<160x256xf32, #tpu.memory_space<vmem>>, vector<1x16xf32>,
          %parallel_loop3A_993 = arith.constant 4 : i32
          %parallel_loop3A_994 = arith.addi %parallel_loop3A_120, %parallel_loop3A_993 : i32
          %parallel_loop3A_995 = arith.index_cast %parallel_loop3A_994 : i32 to index
          %parallel_loop3A_996 = arith.constant 32 : index
          %parallel_loop3A_997 = tpu.vector_load %arg8[%parallel_loop3A_995, %parallel_loop3A_996] {strides = array<i32>} : memref<160x256xf32, #tpu.memory_space<vmem>>, vector<1x16xf32>,
          %parallel_loop3A_998 = vector.shape_cast %parallel_loop3A_997 : vector<1x16xf32> to vector<16xf32>
          %parallel_loop3A_999 = vector.shape_cast %parallel_loop3A_913 : vector<16xf32> to vector<1x16xf32>
          tpu.vector_store %arg8[%parallel_loop3A_995, %parallel_loop3A_996], %parallel_loop3A_999 {strides = array<i32>} : memref<160x256xf32, #tpu.memory_space<vmem>>, vector<1x16xf32>,
          %parallel_loop3A_1000 = arith.constant 4 : i32
          %parallel_loop3A_1001 = arith.addi %parallel_loop3A_120, %parallel_loop3A_1000 : i32
          %parallel_loop3A_1002 = arith.index_cast %parallel_loop3A_1001 : i32 to index
          %parallel_loop3A_1003 = arith.constant 48 : index
          %parallel_loop3A_1004 = tpu.vector_load %arg8[%parallel_loop3A_1002, %parallel_loop3A_1003] {strides = array<i32>} : memref<160x256xf32, #tpu.memory_space<vmem>>, vector<1x16xf32>,
          %parallel_loop3A_1005 = vector.shape_cast %parallel_loop3A_1004 : vector<1x16xf32> to vector<16xf32>
          %parallel_loop3A_1006 = vector.shape_cast %parallel_loop3A_918 : vector<16xf32> to vector<1x16xf32>
          tpu.vector_store %arg8[%parallel_loop3A_1002, %parallel_loop3A_1003], %parallel_loop3A_1006 {strides = array<i32>} : memref<160x256xf32, #tpu.memory_space<vmem>>, vector<1x16xf32>,
          %parallel_loop3A_1007 = arith.constant 4 : i32
          %parallel_loop3A_1008 = arith.addi %parallel_loop3A_120, %parallel_loop3A_1007 : i32
          %parallel_loop3A_1009 = arith.index_cast %parallel_loop3A_1008 : i32 to index
          %parallel_loop3A_1010 = arith.constant 64 : index
          %parallel_loop3A_1011 = tpu.vector_load %arg8[%parallel_loop3A_1009, %parallel_loop3A_1010] {strides = array<i32>} : memref<160x256xf32, #tpu.memory_space<vmem>>, vector<1x16xf32>,
          %parallel_loop3A_1012 = vector.shape_cast %parallel_loop3A_1011 : vector<1x16xf32> to vector<16xf32>
          %parallel_loop3A_1013 = vector.shape_cast %parallel_loop3A_923 : vector<16xf32> to vector<1x16xf32>
          tpu.vector_store %arg8[%parallel_loop3A_1009, %parallel_loop3A_1010], %parallel_loop3A_1013 {strides = array<i32>} : memref<160x256xf32, #tpu.memory_space<vmem>>, vector<1x16xf32>,
          %parallel_loop3A_1014 = arith.constant 4 : i32
          %parallel_loop3A_1015 = arith.addi %parallel_loop3A_120, %parallel_loop3A_1014 : i32
          %parallel_loop3A_1016 = arith.index_cast %parallel_loop3A_1015 : i32 to index
          %parallel_loop3A_1017 = arith.constant 80 : index
          %parallel_loop3A_1018 = tpu.vector_load %arg8[%parallel_loop3A_1016, %parallel_loop3A_1017] {strides = array<i32>} : memref<160x256xf32, #tpu.memory_space<vmem>>, vector<1x16xf32>,
          %parallel_loop3A_1019 = vector.shape_cast %parallel_loop3A_1018 : vector<1x16xf32> to vector<16xf32>
          %parallel_loop3A_1020 = vector.shape_cast %parallel_loop3A_928 : vector<16xf32> to vector<1x16xf32>
          tpu.vector_store %arg8[%parallel_loop3A_1016, %parallel_loop3A_1017], %parallel_loop3A_1020 {strides = array<i32>} : memref<160x256xf32, #tpu.memory_space<vmem>>, vector<1x16xf32>,
          %parallel_loop3A_1021 = arith.constant 4 : i32
          %parallel_loop3A_1022 = arith.addi %parallel_loop3A_120, %parallel_loop3A_1021 : i32
          %parallel_loop3A_1023 = arith.index_cast %parallel_loop3A_1022 : i32 to index
          %parallel_loop3A_1024 = arith.constant 96 : index
          %parallel_loop3A_1025 = tpu.vector_load %arg8[%parallel_loop3A_1023, %parallel_loop3A_1024] {strides = array<i32>} : memref<160x256xf32, #tpu.memory_space<vmem>>, vector<1x16xf32>,
          %parallel_loop3A_1026 = vector.shape_cast %parallel_loop3A_1025 : vector<1x16xf32> to vector<16xf32>
          %parallel_loop3A_1027 = vector.shape_cast %parallel_loop3A_933 : vector<16xf32> to vector<1x16xf32>
          tpu.vector_store %arg8[%parallel_loop3A_1023, %parallel_loop3A_1024], %parallel_loop3A_1027 {strides = array<i32>} : memref<160x256xf32, #tpu.memory_space<vmem>>, vector<1x16xf32>,
          %parallel_loop3A_1028 = arith.constant 4 : i32
          %parallel_loop3A_1029 = arith.addi %parallel_loop3A_120, %parallel_loop3A_1028 : i32
          %parallel_loop3A_1030 = arith.index_cast %parallel_loop3A_1029 : i32 to index
          %parallel_loop3A_1031 = arith.constant 112 : index
          %parallel_loop3A_1032 = tpu.vector_load %arg8[%parallel_loop3A_1030, %parallel_loop3A_1031] {strides = array<i32>} : memref<160x256xf32, #tpu.memory_space<vmem>>, vector<1x16xf32>,
          %parallel_loop3A_1033 = vector.shape_cast %parallel_loop3A_1032 : vector<1x16xf32> to vector<16xf32>
          %parallel_loop3A_1034 = vector.shape_cast %parallel_loop3A_938 : vector<16xf32> to vector<1x16xf32>
          tpu.vector_store %arg8[%parallel_loop3A_1030, %parallel_loop3A_1031], %parallel_loop3A_1034 {strides = array<i32>} : memref<160x256xf32, #tpu.memory_space<vmem>>, vector<1x16xf32>,
          %parallel_loop3A_1035 = arith.constant 4 : i32
          %parallel_loop3A_1036 = arith.addi %parallel_loop3A_120, %parallel_loop3A_1035 : i32
          %parallel_loop3A_1037 = arith.index_cast %parallel_loop3A_1036 : i32 to index
          %parallel_loop3A_1038 = arith.constant 128 : index
          %parallel_loop3A_1039 = tpu.vector_load %arg8[%parallel_loop3A_1037, %parallel_loop3A_1038] {strides = array<i32>} : memref<160x256xf32, #tpu.memory_space<vmem>>, vector<1x16xf32>,
          %parallel_loop3A_1040 = vector.shape_cast %parallel_loop3A_1039 : vector<1x16xf32> to vector<16xf32>
          %parallel_loop3A_1041 = vector.shape_cast %parallel_loop3A_943 : vector<16xf32> to vector<1x16xf32>
          tpu.vector_store %arg8[%parallel_loop3A_1037, %parallel_loop3A_1038], %parallel_loop3A_1041 {strides = array<i32>} : memref<160x256xf32, #tpu.memory_space<vmem>>, vector<1x16xf32>,
          %parallel_loop3A_1042 = arith.constant 4 : i32
          %parallel_loop3A_1043 = arith.addi %parallel_loop3A_120, %parallel_loop3A_1042 : i32
          %parallel_loop3A_1044 = arith.index_cast %parallel_loop3A_1043 : i32 to index
          %parallel_loop3A_1045 = arith.constant 144 : index
          %parallel_loop3A_1046 = tpu.vector_load %arg8[%parallel_loop3A_1044, %parallel_loop3A_1045] {strides = array<i32>} : memref<160x256xf32, #tpu.memory_space<vmem>>, vector<1x16xf32>,
          %parallel_loop3A_1047 = vector.shape_cast %parallel_loop3A_1046 : vector<1x16xf32> to vector<16xf32>
          %parallel_loop3A_1048 = vector.shape_cast %parallel_loop3A_948 : vector<16xf32> to vector<1x16xf32>
          tpu.vector_store %arg8[%parallel_loop3A_1044, %parallel_loop3A_1045], %parallel_loop3A_1048 {strides = array<i32>} : memref<160x256xf32, #tpu.memory_space<vmem>>, vector<1x16xf32>,
          %parallel_loop3A_1049 = arith.constant 4 : i32
          %parallel_loop3A_1050 = arith.addi %parallel_loop3A_120, %parallel_loop3A_1049 : i32
          %parallel_loop3A_1051 = arith.index_cast %parallel_loop3A_1050 : i32 to index
          %parallel_loop3A_1052 = arith.constant 160 : index
          %parallel_loop3A_1053 = tpu.vector_load %arg8[%parallel_loop3A_1051, %parallel_loop3A_1052] {strides = array<i32>} : memref<160x256xf32, #tpu.memory_space<vmem>>, vector<1x16xf32>,
          %parallel_loop3A_1054 = vector.shape_cast %parallel_loop3A_1053 : vector<1x16xf32> to vector<16xf32>
          %parallel_loop3A_1055 = vector.shape_cast %parallel_loop3A_953 : vector<16xf32> to vector<1x16xf32>
          tpu.vector_store %arg8[%parallel_loop3A_1051, %parallel_loop3A_1052], %parallel_loop3A_1055 {strides = array<i32>} : memref<160x256xf32, #tpu.memory_space<vmem>>, vector<1x16xf32>,
          %parallel_loop3A_1056 = arith.constant 4 : i32
          %parallel_loop3A_1057 = arith.addi %parallel_loop3A_120, %parallel_loop3A_1056 : i32
          %parallel_loop3A_1058 = arith.index_cast %parallel_loop3A_1057 : i32 to index
          %parallel_loop3A_1059 = arith.constant 176 : index
          %parallel_loop3A_1060 = tpu.vector_load %arg8[%parallel_loop3A_1058, %parallel_loop3A_1059] {strides = array<i32>} : memref<160x256xf32, #tpu.memory_space<vmem>>, vector<1x16xf32>,
          %parallel_loop3A_1061 = vector.shape_cast %parallel_loop3A_1060 : vector<1x16xf32> to vector<16xf32>
          %parallel_loop3A_1062 = vector.shape_cast %parallel_loop3A_958 : vector<16xf32> to vector<1x16xf32>
          tpu.vector_store %arg8[%parallel_loop3A_1058, %parallel_loop3A_1059], %parallel_loop3A_1062 {strides = array<i32>} : memref<160x256xf32, #tpu.memory_space<vmem>>, vector<1x16xf32>,
          %parallel_loop3A_1063 = arith.constant 4 : i32
          %parallel_loop3A_1064 = arith.addi %parallel_loop3A_120, %parallel_loop3A_1063 : i32
          %parallel_loop3A_1065 = arith.index_cast %parallel_loop3A_1064 : i32 to index
          %parallel_loop3A_1066 = arith.constant 192 : index
          %parallel_loop3A_1067 = tpu.vector_load %arg8[%parallel_loop3A_1065, %parallel_loop3A_1066] {strides = array<i32>} : memref<160x256xf32, #tpu.memory_space<vmem>>, vector<1x16xf32>,
          %parallel_loop3A_1068 = vector.shape_cast %parallel_loop3A_1067 : vector<1x16xf32> to vector<16xf32>
          %parallel_loop3A_1069 = vector.shape_cast %parallel_loop3A_963 : vector<16xf32> to vector<1x16xf32>
          tpu.vector_store %arg8[%parallel_loop3A_1065, %parallel_loop3A_1066], %parallel_loop3A_1069 {strides = array<i32>} : memref<160x256xf32, #tpu.memory_space<vmem>>, vector<1x16xf32>,
          %parallel_loop3A_1070 = arith.constant 4 : i32
          %parallel_loop3A_1071 = arith.addi %parallel_loop3A_120, %parallel_loop3A_1070 : i32
          %parallel_loop3A_1072 = arith.index_cast %parallel_loop3A_1071 : i32 to index
          %parallel_loop3A_1073 = arith.constant 208 : index
          %parallel_loop3A_1074 = tpu.vector_load %arg8[%parallel_loop3A_1072, %parallel_loop3A_1073] {strides = array<i32>} : memref<160x256xf32, #tpu.memory_space<vmem>>, vector<1x16xf32>,
          %parallel_loop3A_1075 = vector.shape_cast %parallel_loop3A_1074 : vector<1x16xf32> to vector<16xf32>
          %parallel_loop3A_1076 = vector.shape_cast %parallel_loop3A_968 : vector<16xf32> to vector<1x16xf32>
          tpu.vector_store %arg8[%parallel_loop3A_1072, %parallel_loop3A_1073], %parallel_loop3A_1076 {strides = array<i32>} : memref<160x256xf32, #tpu.memory_space<vmem>>, vector<1x16xf32>,
          %parallel_loop3A_1077 = arith.constant 4 : i32
          %parallel_loop3A_1078 = arith.addi %parallel_loop3A_120, %parallel_loop3A_1077 : i32
          %parallel_loop3A_1079 = arith.index_cast %parallel_loop3A_1078 : i32 to index
          %parallel_loop3A_1080 = arith.constant 224 : index
          %parallel_loop3A_1081 = tpu.vector_load %arg8[%parallel_loop3A_1079, %parallel_loop3A_1080] {strides = array<i32>} : memref<160x256xf32, #tpu.memory_space<vmem>>, vector<1x16xf32>,
          %parallel_loop3A_1082 = vector.shape_cast %parallel_loop3A_1081 : vector<1x16xf32> to vector<16xf32>
          %parallel_loop3A_1083 = vector.shape_cast %parallel_loop3A_973 : vector<16xf32> to vector<1x16xf32>
          tpu.vector_store %arg8[%parallel_loop3A_1079, %parallel_loop3A_1080], %parallel_loop3A_1083 {strides = array<i32>} : memref<160x256xf32, #tpu.memory_space<vmem>>, vector<1x16xf32>,
          %parallel_loop3A_1084 = arith.constant 4 : i32
          %parallel_loop3A_1085 = arith.addi %parallel_loop3A_120, %parallel_loop3A_1084 : i32
          %parallel_loop3A_1086 = arith.index_cast %parallel_loop3A_1085 : i32 to index
          %parallel_loop3A_1087 = arith.constant 240 : index
          %parallel_loop3A_1088 = tpu.vector_load %arg8[%parallel_loop3A_1086, %parallel_loop3A_1087] {strides = array<i32>} : memref<160x256xf32, #tpu.memory_space<vmem>>, vector<1x16xf32>,
          %parallel_loop3A_1089 = vector.shape_cast %parallel_loop3A_1088 : vector<1x16xf32> to vector<16xf32>
          %parallel_loop3A_1090 = vector.shape_cast %parallel_loop3A_978 : vector<16xf32> to vector<1x16xf32>
          tpu.vector_store %arg8[%parallel_loop3A_1086, %parallel_loop3A_1087], %parallel_loop3A_1090 {strides = array<i32>} : memref<160x256xf32, #tpu.memory_space<vmem>>, vector<1x16xf32>,
          %parallel_loop3A_1091 = vector.extract_strided_slice %parallel_loop3A_115 {offsets = [5], sizes = [1], strides = [1]} : vector<16xi32> to vector<1xi32>
          %parallel_loop3A_1092 = vector.extract %parallel_loop3A_1091[0] : i32 from vector<1xi32>
          %parallel_loop3A_1093 = arith.constant 0 : i32
          %parallel_loop3A_1094 = arith.addi %parallel_loop3A_1092, %parallel_loop3A_1093 : i32
          %parallel_loop3A_1095 = arith.index_cast %parallel_loop3A_1094 : i32 to index
          %parallel_loop3A_1096 = tpu.vector_load %arg9[%parallel_loop3A_1095] {strides = array<i32>} : memref<15360xf32, #tpu.memory_space<vmem>>, vector<16xf32>,
          %parallel_loop3A_1097 = vector.shape_cast %parallel_loop3A_1096 : vector<16xf32> to vector<16xf32>
          %parallel_loop3A_1098 = arith.constant 16 : i32
          %parallel_loop3A_1099 = arith.addi %parallel_loop3A_1092, %parallel_loop3A_1098 : i32
          %parallel_loop3A_1100 = arith.index_cast %parallel_loop3A_1099 : i32 to index
          %parallel_loop3A_1101 = tpu.vector_load %arg9[%parallel_loop3A_1100] {strides = array<i32>} : memref<15360xf32, #tpu.memory_space<vmem>>, vector<16xf32>,
          %parallel_loop3A_1102 = vector.shape_cast %parallel_loop3A_1101 : vector<16xf32> to vector<16xf32>
          %parallel_loop3A_1103 = arith.constant 32 : i32
          %parallel_loop3A_1104 = arith.addi %parallel_loop3A_1092, %parallel_loop3A_1103 : i32
          %parallel_loop3A_1105 = arith.index_cast %parallel_loop3A_1104 : i32 to index
          %parallel_loop3A_1106 = tpu.vector_load %arg9[%parallel_loop3A_1105] {strides = array<i32>} : memref<15360xf32, #tpu.memory_space<vmem>>, vector<16xf32>,
          %parallel_loop3A_1107 = vector.shape_cast %parallel_loop3A_1106 : vector<16xf32> to vector<16xf32>
          %parallel_loop3A_1108 = arith.constant 48 : i32
          %parallel_loop3A_1109 = arith.addi %parallel_loop3A_1092, %parallel_loop3A_1108 : i32
          %parallel_loop3A_1110 = arith.index_cast %parallel_loop3A_1109 : i32 to index
          %parallel_loop3A_1111 = tpu.vector_load %arg9[%parallel_loop3A_1110] {strides = array<i32>} : memref<15360xf32, #tpu.memory_space<vmem>>, vector<16xf32>,
          %parallel_loop3A_1112 = vector.shape_cast %parallel_loop3A_1111 : vector<16xf32> to vector<16xf32>
          %parallel_loop3A_1113 = arith.constant 64 : i32
          %parallel_loop3A_1114 = arith.addi %parallel_loop3A_1092, %parallel_loop3A_1113 : i32
          %parallel_loop3A_1115 = arith.index_cast %parallel_loop3A_1114 : i32 to index
          %parallel_loop3A_1116 = tpu.vector_load %arg9[%parallel_loop3A_1115] {strides = array<i32>} : memref<15360xf32, #tpu.memory_space<vmem>>, vector<16xf32>,
          %parallel_loop3A_1117 = vector.shape_cast %parallel_loop3A_1116 : vector<16xf32> to vector<16xf32>
          %parallel_loop3A_1118 = arith.constant 80 : i32
          %parallel_loop3A_1119 = arith.addi %parallel_loop3A_1092, %parallel_loop3A_1118 : i32
          %parallel_loop3A_1120 = arith.index_cast %parallel_loop3A_1119 : i32 to index
          %parallel_loop3A_1121 = tpu.vector_load %arg9[%parallel_loop3A_1120] {strides = array<i32>} : memref<15360xf32, #tpu.memory_space<vmem>>, vector<16xf32>,
          %parallel_loop3A_1122 = vector.shape_cast %parallel_loop3A_1121 : vector<16xf32> to vector<16xf32>
          %parallel_loop3A_1123 = arith.constant 96 : i32
          %parallel_loop3A_1124 = arith.addi %parallel_loop3A_1092, %parallel_loop3A_1123 : i32
          %parallel_loop3A_1125 = arith.index_cast %parallel_loop3A_1124 : i32 to index
          %parallel_loop3A_1126 = tpu.vector_load %arg9[%parallel_loop3A_1125] {strides = array<i32>} : memref<15360xf32, #tpu.memory_space<vmem>>, vector<16xf32>,
          %parallel_loop3A_1127 = vector.shape_cast %parallel_loop3A_1126 : vector<16xf32> to vector<16xf32>
          %parallel_loop3A_1128 = arith.constant 112 : i32
          %parallel_loop3A_1129 = arith.addi %parallel_loop3A_1092, %parallel_loop3A_1128 : i32
          %parallel_loop3A_1130 = arith.index_cast %parallel_loop3A_1129 : i32 to index
          %parallel_loop3A_1131 = tpu.vector_load %arg9[%parallel_loop3A_1130] {strides = array<i32>} : memref<15360xf32, #tpu.memory_space<vmem>>, vector<16xf32>,
          %parallel_loop3A_1132 = vector.shape_cast %parallel_loop3A_1131 : vector<16xf32> to vector<16xf32>
          %parallel_loop3A_1133 = arith.constant 128 : i32
          %parallel_loop3A_1134 = arith.addi %parallel_loop3A_1092, %parallel_loop3A_1133 : i32
          %parallel_loop3A_1135 = arith.index_cast %parallel_loop3A_1134 : i32 to index
          %parallel_loop3A_1136 = tpu.vector_load %arg9[%parallel_loop3A_1135] {strides = array<i32>} : memref<15360xf32, #tpu.memory_space<vmem>>, vector<16xf32>,
          %parallel_loop3A_1137 = vector.shape_cast %parallel_loop3A_1136 : vector<16xf32> to vector<16xf32>
          %parallel_loop3A_1138 = arith.constant 144 : i32
          %parallel_loop3A_1139 = arith.addi %parallel_loop3A_1092, %parallel_loop3A_1138 : i32
          %parallel_loop3A_1140 = arith.index_cast %parallel_loop3A_1139 : i32 to index
          %parallel_loop3A_1141 = tpu.vector_load %arg9[%parallel_loop3A_1140] {strides = array<i32>} : memref<15360xf32, #tpu.memory_space<vmem>>, vector<16xf32>,
          %parallel_loop3A_1142 = vector.shape_cast %parallel_loop3A_1141 : vector<16xf32> to vector<16xf32>
          %parallel_loop3A_1143 = arith.constant 160 : i32
          %parallel_loop3A_1144 = arith.addi %parallel_loop3A_1092, %parallel_loop3A_1143 : i32
          %parallel_loop3A_1145 = arith.index_cast %parallel_loop3A_1144 : i32 to index
          %parallel_loop3A_1146 = tpu.vector_load %arg9[%parallel_loop3A_1145] {strides = array<i32>} : memref<15360xf32, #tpu.memory_space<vmem>>, vector<16xf32>,
          %parallel_loop3A_1147 = vector.shape_cast %parallel_loop3A_1146 : vector<16xf32> to vector<16xf32>
          %parallel_loop3A_1148 = arith.constant 176 : i32
          %parallel_loop3A_1149 = arith.addi %parallel_loop3A_1092, %parallel_loop3A_1148 : i32
          %parallel_loop3A_1150 = arith.index_cast %parallel_loop3A_1149 : i32 to index
          %parallel_loop3A_1151 = tpu.vector_load %arg9[%parallel_loop3A_1150] {strides = array<i32>} : memref<15360xf32, #tpu.memory_space<vmem>>, vector<16xf32>,
          %parallel_loop3A_1152 = vector.shape_cast %parallel_loop3A_1151 : vector<16xf32> to vector<16xf32>
          %parallel_loop3A_1153 = arith.constant 192 : i32
          %parallel_loop3A_1154 = arith.addi %parallel_loop3A_1092, %parallel_loop3A_1153 : i32
          %parallel_loop3A_1155 = arith.index_cast %parallel_loop3A_1154 : i32 to index
          %parallel_loop3A_1156 = tpu.vector_load %arg9[%parallel_loop3A_1155] {strides = array<i32>} : memref<15360xf32, #tpu.memory_space<vmem>>, vector<16xf32>,
          %parallel_loop3A_1157 = vector.shape_cast %parallel_loop3A_1156 : vector<16xf32> to vector<16xf32>
          %parallel_loop3A_1158 = arith.constant 208 : i32
          %parallel_loop3A_1159 = arith.addi %parallel_loop3A_1092, %parallel_loop3A_1158 : i32
          %parallel_loop3A_1160 = arith.index_cast %parallel_loop3A_1159 : i32 to index
          %parallel_loop3A_1161 = tpu.vector_load %arg9[%parallel_loop3A_1160] {strides = array<i32>} : memref<15360xf32, #tpu.memory_space<vmem>>, vector<16xf32>,
          %parallel_loop3A_1162 = vector.shape_cast %parallel_loop3A_1161 : vector<16xf32> to vector<16xf32>
          %parallel_loop3A_1163 = arith.constant 224 : i32
          %parallel_loop3A_1164 = arith.addi %parallel_loop3A_1092, %parallel_loop3A_1163 : i32
          %parallel_loop3A_1165 = arith.index_cast %parallel_loop3A_1164 : i32 to index
          %parallel_loop3A_1166 = tpu.vector_load %arg9[%parallel_loop3A_1165] {strides = array<i32>} : memref<15360xf32, #tpu.memory_space<vmem>>, vector<16xf32>,
          %parallel_loop3A_1167 = vector.shape_cast %parallel_loop3A_1166 : vector<16xf32> to vector<16xf32>
          %parallel_loop3A_1168 = arith.constant 240 : i32
          %parallel_loop3A_1169 = arith.addi %parallel_loop3A_1092, %parallel_loop3A_1168 : i32
          %parallel_loop3A_1170 = arith.index_cast %parallel_loop3A_1169 : i32 to index
          %parallel_loop3A_1171 = tpu.vector_load %arg9[%parallel_loop3A_1170] {strides = array<i32>} : memref<15360xf32, #tpu.memory_space<vmem>>, vector<16xf32>,
          %parallel_loop3A_1172 = vector.shape_cast %parallel_loop3A_1171 : vector<16xf32> to vector<16xf32>
          %parallel_loop3A_1173 = arith.constant 5 : i32
          %parallel_loop3A_1174 = arith.addi %parallel_loop3A_120, %parallel_loop3A_1173 : i32
          %parallel_loop3A_1175 = arith.index_cast %parallel_loop3A_1174 : i32 to index
          %parallel_loop3A_1176 = arith.constant 0 : index
          %parallel_loop3A_1177 = tpu.vector_load %arg8[%parallel_loop3A_1175, %parallel_loop3A_1176] {strides = array<i32>} : memref<160x256xf32, #tpu.memory_space<vmem>>, vector<1x16xf32>,
          %parallel_loop3A_1178 = vector.shape_cast %parallel_loop3A_1177 : vector<1x16xf32> to vector<16xf32>
          %parallel_loop3A_1179 = vector.shape_cast %parallel_loop3A_1097 : vector<16xf32> to vector<1x16xf32>
          tpu.vector_store %arg8[%parallel_loop3A_1175, %parallel_loop3A_1176], %parallel_loop3A_1179 {strides = array<i32>} : memref<160x256xf32, #tpu.memory_space<vmem>>, vector<1x16xf32>,
          %parallel_loop3A_1180 = arith.constant 5 : i32
          %parallel_loop3A_1181 = arith.addi %parallel_loop3A_120, %parallel_loop3A_1180 : i32
          %parallel_loop3A_1182 = arith.index_cast %parallel_loop3A_1181 : i32 to index
          %parallel_loop3A_1183 = arith.constant 16 : index
          %parallel_loop3A_1184 = tpu.vector_load %arg8[%parallel_loop3A_1182, %parallel_loop3A_1183] {strides = array<i32>} : memref<160x256xf32, #tpu.memory_space<vmem>>, vector<1x16xf32>,
          %parallel_loop3A_1185 = vector.shape_cast %parallel_loop3A_1184 : vector<1x16xf32> to vector<16xf32>
          %parallel_loop3A_1186 = vector.shape_cast %parallel_loop3A_1102 : vector<16xf32> to vector<1x16xf32>
          tpu.vector_store %arg8[%parallel_loop3A_1182, %parallel_loop3A_1183], %parallel_loop3A_1186 {strides = array<i32>} : memref<160x256xf32, #tpu.memory_space<vmem>>, vector<1x16xf32>,
          %parallel_loop3A_1187 = arith.constant 5 : i32
          %parallel_loop3A_1188 = arith.addi %parallel_loop3A_120, %parallel_loop3A_1187 : i32
          %parallel_loop3A_1189 = arith.index_cast %parallel_loop3A_1188 : i32 to index
          %parallel_loop3A_1190 = arith.constant 32 : index
          %parallel_loop3A_1191 = tpu.vector_load %arg8[%parallel_loop3A_1189, %parallel_loop3A_1190] {strides = array<i32>} : memref<160x256xf32, #tpu.memory_space<vmem>>, vector<1x16xf32>,
          %parallel_loop3A_1192 = vector.shape_cast %parallel_loop3A_1191 : vector<1x16xf32> to vector<16xf32>
          %parallel_loop3A_1193 = vector.shape_cast %parallel_loop3A_1107 : vector<16xf32> to vector<1x16xf32>
          tpu.vector_store %arg8[%parallel_loop3A_1189, %parallel_loop3A_1190], %parallel_loop3A_1193 {strides = array<i32>} : memref<160x256xf32, #tpu.memory_space<vmem>>, vector<1x16xf32>,
          %parallel_loop3A_1194 = arith.constant 5 : i32
          %parallel_loop3A_1195 = arith.addi %parallel_loop3A_120, %parallel_loop3A_1194 : i32
          %parallel_loop3A_1196 = arith.index_cast %parallel_loop3A_1195 : i32 to index
          %parallel_loop3A_1197 = arith.constant 48 : index
          %parallel_loop3A_1198 = tpu.vector_load %arg8[%parallel_loop3A_1196, %parallel_loop3A_1197] {strides = array<i32>} : memref<160x256xf32, #tpu.memory_space<vmem>>, vector<1x16xf32>,
          %parallel_loop3A_1199 = vector.shape_cast %parallel_loop3A_1198 : vector<1x16xf32> to vector<16xf32>
          %parallel_loop3A_1200 = vector.shape_cast %parallel_loop3A_1112 : vector<16xf32> to vector<1x16xf32>
          tpu.vector_store %arg8[%parallel_loop3A_1196, %parallel_loop3A_1197], %parallel_loop3A_1200 {strides = array<i32>} : memref<160x256xf32, #tpu.memory_space<vmem>>, vector<1x16xf32>,
          %parallel_loop3A_1201 = arith.constant 5 : i32
          %parallel_loop3A_1202 = arith.addi %parallel_loop3A_120, %parallel_loop3A_1201 : i32
          %parallel_loop3A_1203 = arith.index_cast %parallel_loop3A_1202 : i32 to index
          %parallel_loop3A_1204 = arith.constant 64 : index
          %parallel_loop3A_1205 = tpu.vector_load %arg8[%parallel_loop3A_1203, %parallel_loop3A_1204] {strides = array<i32>} : memref<160x256xf32, #tpu.memory_space<vmem>>, vector<1x16xf32>,
          %parallel_loop3A_1206 = vector.shape_cast %parallel_loop3A_1205 : vector<1x16xf32> to vector<16xf32>
          %parallel_loop3A_1207 = vector.shape_cast %parallel_loop3A_1117 : vector<16xf32> to vector<1x16xf32>
          tpu.vector_store %arg8[%parallel_loop3A_1203, %parallel_loop3A_1204], %parallel_loop3A_1207 {strides = array<i32>} : memref<160x256xf32, #tpu.memory_space<vmem>>, vector<1x16xf32>,
          %parallel_loop3A_1208 = arith.constant 5 : i32
          %parallel_loop3A_1209 = arith.addi %parallel_loop3A_120, %parallel_loop3A_1208 : i32
          %parallel_loop3A_1210 = arith.index_cast %parallel_loop3A_1209 : i32 to index
          %parallel_loop3A_1211 = arith.constant 80 : index
          %parallel_loop3A_1212 = tpu.vector_load %arg8[%parallel_loop3A_1210, %parallel_loop3A_1211] {strides = array<i32>} : memref<160x256xf32, #tpu.memory_space<vmem>>, vector<1x16xf32>,
          %parallel_loop3A_1213 = vector.shape_cast %parallel_loop3A_1212 : vector<1x16xf32> to vector<16xf32>
          %parallel_loop3A_1214 = vector.shape_cast %parallel_loop3A_1122 : vector<16xf32> to vector<1x16xf32>
          tpu.vector_store %arg8[%parallel_loop3A_1210, %parallel_loop3A_1211], %parallel_loop3A_1214 {strides = array<i32>} : memref<160x256xf32, #tpu.memory_space<vmem>>, vector<1x16xf32>,
          %parallel_loop3A_1215 = arith.constant 5 : i32
          %parallel_loop3A_1216 = arith.addi %parallel_loop3A_120, %parallel_loop3A_1215 : i32
          %parallel_loop3A_1217 = arith.index_cast %parallel_loop3A_1216 : i32 to index
          %parallel_loop3A_1218 = arith.constant 96 : index
          %parallel_loop3A_1219 = tpu.vector_load %arg8[%parallel_loop3A_1217, %parallel_loop3A_1218] {strides = array<i32>} : memref<160x256xf32, #tpu.memory_space<vmem>>, vector<1x16xf32>,
          %parallel_loop3A_1220 = vector.shape_cast %parallel_loop3A_1219 : vector<1x16xf32> to vector<16xf32>
          %parallel_loop3A_1221 = vector.shape_cast %parallel_loop3A_1127 : vector<16xf32> to vector<1x16xf32>
          tpu.vector_store %arg8[%parallel_loop3A_1217, %parallel_loop3A_1218], %parallel_loop3A_1221 {strides = array<i32>} : memref<160x256xf32, #tpu.memory_space<vmem>>, vector<1x16xf32>,
          %parallel_loop3A_1222 = arith.constant 5 : i32
          %parallel_loop3A_1223 = arith.addi %parallel_loop3A_120, %parallel_loop3A_1222 : i32
          %parallel_loop3A_1224 = arith.index_cast %parallel_loop3A_1223 : i32 to index
          %parallel_loop3A_1225 = arith.constant 112 : index
          %parallel_loop3A_1226 = tpu.vector_load %arg8[%parallel_loop3A_1224, %parallel_loop3A_1225] {strides = array<i32>} : memref<160x256xf32, #tpu.memory_space<vmem>>, vector<1x16xf32>,
          %parallel_loop3A_1227 = vector.shape_cast %parallel_loop3A_1226 : vector<1x16xf32> to vector<16xf32>
          %parallel_loop3A_1228 = vector.shape_cast %parallel_loop3A_1132 : vector<16xf32> to vector<1x16xf32>
          tpu.vector_store %arg8[%parallel_loop3A_1224, %parallel_loop3A_1225], %parallel_loop3A_1228 {strides = array<i32>} : memref<160x256xf32, #tpu.memory_space<vmem>>, vector<1x16xf32>,
          %parallel_loop3A_1229 = arith.constant 5 : i32
          %parallel_loop3A_1230 = arith.addi %parallel_loop3A_120, %parallel_loop3A_1229 : i32
          %parallel_loop3A_1231 = arith.index_cast %parallel_loop3A_1230 : i32 to index
          %parallel_loop3A_1232 = arith.constant 128 : index
          %parallel_loop3A_1233 = tpu.vector_load %arg8[%parallel_loop3A_1231, %parallel_loop3A_1232] {strides = array<i32>} : memref<160x256xf32, #tpu.memory_space<vmem>>, vector<1x16xf32>,
          %parallel_loop3A_1234 = vector.shape_cast %parallel_loop3A_1233 : vector<1x16xf32> to vector<16xf32>
          %parallel_loop3A_1235 = vector.shape_cast %parallel_loop3A_1137 : vector<16xf32> to vector<1x16xf32>
          tpu.vector_store %arg8[%parallel_loop3A_1231, %parallel_loop3A_1232], %parallel_loop3A_1235 {strides = array<i32>} : memref<160x256xf32, #tpu.memory_space<vmem>>, vector<1x16xf32>,
          %parallel_loop3A_1236 = arith.constant 5 : i32
          %parallel_loop3A_1237 = arith.addi %parallel_loop3A_120, %parallel_loop3A_1236 : i32
          %parallel_loop3A_1238 = arith.index_cast %parallel_loop3A_1237 : i32 to index
          %parallel_loop3A_1239 = arith.constant 144 : index
          %parallel_loop3A_1240 = tpu.vector_load %arg8[%parallel_loop3A_1238, %parallel_loop3A_1239] {strides = array<i32>} : memref<160x256xf32, #tpu.memory_space<vmem>>, vector<1x16xf32>,
          %parallel_loop3A_1241 = vector.shape_cast %parallel_loop3A_1240 : vector<1x16xf32> to vector<16xf32>
          %parallel_loop3A_1242 = vector.shape_cast %parallel_loop3A_1142 : vector<16xf32> to vector<1x16xf32>
          tpu.vector_store %arg8[%parallel_loop3A_1238, %parallel_loop3A_1239], %parallel_loop3A_1242 {strides = array<i32>} : memref<160x256xf32, #tpu.memory_space<vmem>>, vector<1x16xf32>,
          %parallel_loop3A_1243 = arith.constant 5 : i32
          %parallel_loop3A_1244 = arith.addi %parallel_loop3A_120, %parallel_loop3A_1243 : i32
          %parallel_loop3A_1245 = arith.index_cast %parallel_loop3A_1244 : i32 to index
          %parallel_loop3A_1246 = arith.constant 160 : index
          %parallel_loop3A_1247 = tpu.vector_load %arg8[%parallel_loop3A_1245, %parallel_loop3A_1246] {strides = array<i32>} : memref<160x256xf32, #tpu.memory_space<vmem>>, vector<1x16xf32>,
          %parallel_loop3A_1248 = vector.shape_cast %parallel_loop3A_1247 : vector<1x16xf32> to vector<16xf32>
          %parallel_loop3A_1249 = vector.shape_cast %parallel_loop3A_1147 : vector<16xf32> to vector<1x16xf32>
          tpu.vector_store %arg8[%parallel_loop3A_1245, %parallel_loop3A_1246], %parallel_loop3A_1249 {strides = array<i32>} : memref<160x256xf32, #tpu.memory_space<vmem>>, vector<1x16xf32>,
          %parallel_loop3A_1250 = arith.constant 5 : i32
          %parallel_loop3A_1251 = arith.addi %parallel_loop3A_120, %parallel_loop3A_1250 : i32
          %parallel_loop3A_1252 = arith.index_cast %parallel_loop3A_1251 : i32 to index
          %parallel_loop3A_1253 = arith.constant 176 : index
          %parallel_loop3A_1254 = tpu.vector_load %arg8[%parallel_loop3A_1252, %parallel_loop3A_1253] {strides = array<i32>} : memref<160x256xf32, #tpu.memory_space<vmem>>, vector<1x16xf32>,
          %parallel_loop3A_1255 = vector.shape_cast %parallel_loop3A_1254 : vector<1x16xf32> to vector<16xf32>
          %parallel_loop3A_1256 = vector.shape_cast %parallel_loop3A_1152 : vector<16xf32> to vector<1x16xf32>
          tpu.vector_store %arg8[%parallel_loop3A_1252, %parallel_loop3A_1253], %parallel_loop3A_1256 {strides = array<i32>} : memref<160x256xf32, #tpu.memory_space<vmem>>, vector<1x16xf32>,
          %parallel_loop3A_1257 = arith.constant 5 : i32
          %parallel_loop3A_1258 = arith.addi %parallel_loop3A_120, %parallel_loop3A_1257 : i32
          %parallel_loop3A_1259 = arith.index_cast %parallel_loop3A_1258 : i32 to index
          %parallel_loop3A_1260 = arith.constant 192 : index
          %parallel_loop3A_1261 = tpu.vector_load %arg8[%parallel_loop3A_1259, %parallel_loop3A_1260] {strides = array<i32>} : memref<160x256xf32, #tpu.memory_space<vmem>>, vector<1x16xf32>,
          %parallel_loop3A_1262 = vector.shape_cast %parallel_loop3A_1261 : vector<1x16xf32> to vector<16xf32>
          %parallel_loop3A_1263 = vector.shape_cast %parallel_loop3A_1157 : vector<16xf32> to vector<1x16xf32>
          tpu.vector_store %arg8[%parallel_loop3A_1259, %parallel_loop3A_1260], %parallel_loop3A_1263 {strides = array<i32>} : memref<160x256xf32, #tpu.memory_space<vmem>>, vector<1x16xf32>,
          %parallel_loop3A_1264 = arith.constant 5 : i32
          %parallel_loop3A_1265 = arith.addi %parallel_loop3A_120, %parallel_loop3A_1264 : i32
          %parallel_loop3A_1266 = arith.index_cast %parallel_loop3A_1265 : i32 to index
          %parallel_loop3A_1267 = arith.constant 208 : index
          %parallel_loop3A_1268 = tpu.vector_load %arg8[%parallel_loop3A_1266, %parallel_loop3A_1267] {strides = array<i32>} : memref<160x256xf32, #tpu.memory_space<vmem>>, vector<1x16xf32>,
          %parallel_loop3A_1269 = vector.shape_cast %parallel_loop3A_1268 : vector<1x16xf32> to vector<16xf32>
          %parallel_loop3A_1270 = vector.shape_cast %parallel_loop3A_1162 : vector<16xf32> to vector<1x16xf32>
          tpu.vector_store %arg8[%parallel_loop3A_1266, %parallel_loop3A_1267], %parallel_loop3A_1270 {strides = array<i32>} : memref<160x256xf32, #tpu.memory_space<vmem>>, vector<1x16xf32>,
          %parallel_loop3A_1271 = arith.constant 5 : i32
          %parallel_loop3A_1272 = arith.addi %parallel_loop3A_120, %parallel_loop3A_1271 : i32
          %parallel_loop3A_1273 = arith.index_cast %parallel_loop3A_1272 : i32 to index
          %parallel_loop3A_1274 = arith.constant 224 : index
          %parallel_loop3A_1275 = tpu.vector_load %arg8[%parallel_loop3A_1273, %parallel_loop3A_1274] {strides = array<i32>} : memref<160x256xf32, #tpu.memory_space<vmem>>, vector<1x16xf32>,
          %parallel_loop3A_1276 = vector.shape_cast %parallel_loop3A_1275 : vector<1x16xf32> to vector<16xf32>
          %parallel_loop3A_1277 = vector.shape_cast %parallel_loop3A_1167 : vector<16xf32> to vector<1x16xf32>
          tpu.vector_store %arg8[%parallel_loop3A_1273, %parallel_loop3A_1274], %parallel_loop3A_1277 {strides = array<i32>} : memref<160x256xf32, #tpu.memory_space<vmem>>, vector<1x16xf32>,
          %parallel_loop3A_1278 = arith.constant 5 : i32
          %parallel_loop3A_1279 = arith.addi %parallel_loop3A_120, %parallel_loop3A_1278 : i32
          %parallel_loop3A_1280 = arith.index_cast %parallel_loop3A_1279 : i32 to index
          %parallel_loop3A_1281 = arith.constant 240 : index
          %parallel_loop3A_1282 = tpu.vector_load %arg8[%parallel_loop3A_1280, %parallel_loop3A_1281] {strides = array<i32>} : memref<160x256xf32, #tpu.memory_space<vmem>>, vector<1x16xf32>,
          %parallel_loop3A_1283 = vector.shape_cast %parallel_loop3A_1282 : vector<1x16xf32> to vector<16xf32>
          %parallel_loop3A_1284 = vector.shape_cast %parallel_loop3A_1172 : vector<16xf32> to vector<1x16xf32>
          tpu.vector_store %arg8[%parallel_loop3A_1280, %parallel_loop3A_1281], %parallel_loop3A_1284 {strides = array<i32>} : memref<160x256xf32, #tpu.memory_space<vmem>>, vector<1x16xf32>,
          %parallel_loop3A_1285 = vector.extract_strided_slice %parallel_loop3A_115 {offsets = [6], sizes = [1], strides = [1]} : vector<16xi32> to vector<1xi32>
          %parallel_loop3A_1286 = vector.extract %parallel_loop3A_1285[0] : i32 from vector<1xi32>
          %parallel_loop3A_1287 = arith.constant 0 : i32
          %parallel_loop3A_1288 = arith.addi %parallel_loop3A_1286, %parallel_loop3A_1287 : i32
          %parallel_loop3A_1289 = arith.index_cast %parallel_loop3A_1288 : i32 to index
          %parallel_loop3A_1290 = tpu.vector_load %arg9[%parallel_loop3A_1289] {strides = array<i32>} : memref<15360xf32, #tpu.memory_space<vmem>>, vector<16xf32>,
          %parallel_loop3A_1291 = vector.shape_cast %parallel_loop3A_1290 : vector<16xf32> to vector<16xf32>
          %parallel_loop3A_1292 = arith.constant 16 : i32
          %parallel_loop3A_1293 = arith.addi %parallel_loop3A_1286, %parallel_loop3A_1292 : i32
          %parallel_loop3A_1294 = arith.index_cast %parallel_loop3A_1293 : i32 to index
          %parallel_loop3A_1295 = tpu.vector_load %arg9[%parallel_loop3A_1294] {strides = array<i32>} : memref<15360xf32, #tpu.memory_space<vmem>>, vector<16xf32>,
          %parallel_loop3A_1296 = vector.shape_cast %parallel_loop3A_1295 : vector<16xf32> to vector<16xf32>
          %parallel_loop3A_1297 = arith.constant 32 : i32
          %parallel_loop3A_1298 = arith.addi %parallel_loop3A_1286, %parallel_loop3A_1297 : i32
          %parallel_loop3A_1299 = arith.index_cast %parallel_loop3A_1298 : i32 to index
          %parallel_loop3A_1300 = tpu.vector_load %arg9[%parallel_loop3A_1299] {strides = array<i32>} : memref<15360xf32, #tpu.memory_space<vmem>>, vector<16xf32>,
          %parallel_loop3A_1301 = vector.shape_cast %parallel_loop3A_1300 : vector<16xf32> to vector<16xf32>
          %parallel_loop3A_1302 = arith.constant 48 : i32
          %parallel_loop3A_1303 = arith.addi %parallel_loop3A_1286, %parallel_loop3A_1302 : i32
          %parallel_loop3A_1304 = arith.index_cast %parallel_loop3A_1303 : i32 to index
          %parallel_loop3A_1305 = tpu.vector_load %arg9[%parallel_loop3A_1304] {strides = array<i32>} : memref<15360xf32, #tpu.memory_space<vmem>>, vector<16xf32>,
          %parallel_loop3A_1306 = vector.shape_cast %parallel_loop3A_1305 : vector<16xf32> to vector<16xf32>
          %parallel_loop3A_1307 = arith.constant 64 : i32
          %parallel_loop3A_1308 = arith.addi %parallel_loop3A_1286, %parallel_loop3A_1307 : i32
          %parallel_loop3A_1309 = arith.index_cast %parallel_loop3A_1308 : i32 to index
          %parallel_loop3A_1310 = tpu.vector_load %arg9[%parallel_loop3A_1309] {strides = array<i32>} : memref<15360xf32, #tpu.memory_space<vmem>>, vector<16xf32>,
          %parallel_loop3A_1311 = vector.shape_cast %parallel_loop3A_1310 : vector<16xf32> to vector<16xf32>
          %parallel_loop3A_1312 = arith.constant 80 : i32
          %parallel_loop3A_1313 = arith.addi %parallel_loop3A_1286, %parallel_loop3A_1312 : i32
          %parallel_loop3A_1314 = arith.index_cast %parallel_loop3A_1313 : i32 to index
          %parallel_loop3A_1315 = tpu.vector_load %arg9[%parallel_loop3A_1314] {strides = array<i32>} : memref<15360xf32, #tpu.memory_space<vmem>>, vector<16xf32>,
          %parallel_loop3A_1316 = vector.shape_cast %parallel_loop3A_1315 : vector<16xf32> to vector<16xf32>
          %parallel_loop3A_1317 = arith.constant 96 : i32
          %parallel_loop3A_1318 = arith.addi %parallel_loop3A_1286, %parallel_loop3A_1317 : i32
          %parallel_loop3A_1319 = arith.index_cast %parallel_loop3A_1318 : i32 to index
          %parallel_loop3A_1320 = tpu.vector_load %arg9[%parallel_loop3A_1319] {strides = array<i32>} : memref<15360xf32, #tpu.memory_space<vmem>>, vector<16xf32>,
          %parallel_loop3A_1321 = vector.shape_cast %parallel_loop3A_1320 : vector<16xf32> to vector<16xf32>
          %parallel_loop3A_1322 = arith.constant 112 : i32
          %parallel_loop3A_1323 = arith.addi %parallel_loop3A_1286, %parallel_loop3A_1322 : i32
          %parallel_loop3A_1324 = arith.index_cast %parallel_loop3A_1323 : i32 to index
          %parallel_loop3A_1325 = tpu.vector_load %arg9[%parallel_loop3A_1324] {strides = array<i32>} : memref<15360xf32, #tpu.memory_space<vmem>>, vector<16xf32>,
          %parallel_loop3A_1326 = vector.shape_cast %parallel_loop3A_1325 : vector<16xf32> to vector<16xf32>
          %parallel_loop3A_1327 = arith.constant 128 : i32
          %parallel_loop3A_1328 = arith.addi %parallel_loop3A_1286, %parallel_loop3A_1327 : i32
          %parallel_loop3A_1329 = arith.index_cast %parallel_loop3A_1328 : i32 to index
          %parallel_loop3A_1330 = tpu.vector_load %arg9[%parallel_loop3A_1329] {strides = array<i32>} : memref<15360xf32, #tpu.memory_space<vmem>>, vector<16xf32>,
          %parallel_loop3A_1331 = vector.shape_cast %parallel_loop3A_1330 : vector<16xf32> to vector<16xf32>
          %parallel_loop3A_1332 = arith.constant 144 : i32
          %parallel_loop3A_1333 = arith.addi %parallel_loop3A_1286, %parallel_loop3A_1332 : i32
          %parallel_loop3A_1334 = arith.index_cast %parallel_loop3A_1333 : i32 to index
          %parallel_loop3A_1335 = tpu.vector_load %arg9[%parallel_loop3A_1334] {strides = array<i32>} : memref<15360xf32, #tpu.memory_space<vmem>>, vector<16xf32>,
          %parallel_loop3A_1336 = vector.shape_cast %parallel_loop3A_1335 : vector<16xf32> to vector<16xf32>
          %parallel_loop3A_1337 = arith.constant 160 : i32
          %parallel_loop3A_1338 = arith.addi %parallel_loop3A_1286, %parallel_loop3A_1337 : i32
          %parallel_loop3A_1339 = arith.index_cast %parallel_loop3A_1338 : i32 to index
          %parallel_loop3A_1340 = tpu.vector_load %arg9[%parallel_loop3A_1339] {strides = array<i32>} : memref<15360xf32, #tpu.memory_space<vmem>>, vector<16xf32>,
          %parallel_loop3A_1341 = vector.shape_cast %parallel_loop3A_1340 : vector<16xf32> to vector<16xf32>
          %parallel_loop3A_1342 = arith.constant 176 : i32
          %parallel_loop3A_1343 = arith.addi %parallel_loop3A_1286, %parallel_loop3A_1342 : i32
          %parallel_loop3A_1344 = arith.index_cast %parallel_loop3A_1343 : i32 to index
          %parallel_loop3A_1345 = tpu.vector_load %arg9[%parallel_loop3A_1344] {strides = array<i32>} : memref<15360xf32, #tpu.memory_space<vmem>>, vector<16xf32>,
          %parallel_loop3A_1346 = vector.shape_cast %parallel_loop3A_1345 : vector<16xf32> to vector<16xf32>
          %parallel_loop3A_1347 = arith.constant 192 : i32
          %parallel_loop3A_1348 = arith.addi %parallel_loop3A_1286, %parallel_loop3A_1347 : i32
          %parallel_loop3A_1349 = arith.index_cast %parallel_loop3A_1348 : i32 to index
          %parallel_loop3A_1350 = tpu.vector_load %arg9[%parallel_loop3A_1349] {strides = array<i32>} : memref<15360xf32, #tpu.memory_space<vmem>>, vector<16xf32>,
          %parallel_loop3A_1351 = vector.shape_cast %parallel_loop3A_1350 : vector<16xf32> to vector<16xf32>
          %parallel_loop3A_1352 = arith.constant 208 : i32
          %parallel_loop3A_1353 = arith.addi %parallel_loop3A_1286, %parallel_loop3A_1352 : i32
          %parallel_loop3A_1354 = arith.index_cast %parallel_loop3A_1353 : i32 to index
          %parallel_loop3A_1355 = tpu.vector_load %arg9[%parallel_loop3A_1354] {strides = array<i32>} : memref<15360xf32, #tpu.memory_space<vmem>>, vector<16xf32>,
          %parallel_loop3A_1356 = vector.shape_cast %parallel_loop3A_1355 : vector<16xf32> to vector<16xf32>
          %parallel_loop3A_1357 = arith.constant 224 : i32
          %parallel_loop3A_1358 = arith.addi %parallel_loop3A_1286, %parallel_loop3A_1357 : i32
          %parallel_loop3A_1359 = arith.index_cast %parallel_loop3A_1358 : i32 to index
          %parallel_loop3A_1360 = tpu.vector_load %arg9[%parallel_loop3A_1359] {strides = array<i32>} : memref<15360xf32, #tpu.memory_space<vmem>>, vector<16xf32>,
          %parallel_loop3A_1361 = vector.shape_cast %parallel_loop3A_1360 : vector<16xf32> to vector<16xf32>
          %parallel_loop3A_1362 = arith.constant 240 : i32
          %parallel_loop3A_1363 = arith.addi %parallel_loop3A_1286, %parallel_loop3A_1362 : i32
          %parallel_loop3A_1364 = arith.index_cast %parallel_loop3A_1363 : i32 to index
          %parallel_loop3A_1365 = tpu.vector_load %arg9[%parallel_loop3A_1364] {strides = array<i32>} : memref<15360xf32, #tpu.memory_space<vmem>>, vector<16xf32>,
          %parallel_loop3A_1366 = vector.shape_cast %parallel_loop3A_1365 : vector<16xf32> to vector<16xf32>
          %parallel_loop3A_1367 = arith.constant 6 : i32
          %parallel_loop3A_1368 = arith.addi %parallel_loop3A_120, %parallel_loop3A_1367 : i32
          %parallel_loop3A_1369 = arith.index_cast %parallel_loop3A_1368 : i32 to index
          %parallel_loop3A_1370 = arith.constant 0 : index
          %parallel_loop3A_1371 = tpu.vector_load %arg8[%parallel_loop3A_1369, %parallel_loop3A_1370] {strides = array<i32>} : memref<160x256xf32, #tpu.memory_space<vmem>>, vector<1x16xf32>,
          %parallel_loop3A_1372 = vector.shape_cast %parallel_loop3A_1371 : vector<1x16xf32> to vector<16xf32>
          %parallel_loop3A_1373 = vector.shape_cast %parallel_loop3A_1291 : vector<16xf32> to vector<1x16xf32>
          tpu.vector_store %arg8[%parallel_loop3A_1369, %parallel_loop3A_1370], %parallel_loop3A_1373 {strides = array<i32>} : memref<160x256xf32, #tpu.memory_space<vmem>>, vector<1x16xf32>,
          %parallel_loop3A_1374 = arith.constant 6 : i32
          %parallel_loop3A_1375 = arith.addi %parallel_loop3A_120, %parallel_loop3A_1374 : i32
          %parallel_loop3A_1376 = arith.index_cast %parallel_loop3A_1375 : i32 to index
          %parallel_loop3A_1377 = arith.constant 16 : index
          %parallel_loop3A_1378 = tpu.vector_load %arg8[%parallel_loop3A_1376, %parallel_loop3A_1377] {strides = array<i32>} : memref<160x256xf32, #tpu.memory_space<vmem>>, vector<1x16xf32>,
          %parallel_loop3A_1379 = vector.shape_cast %parallel_loop3A_1378 : vector<1x16xf32> to vector<16xf32>
          %parallel_loop3A_1380 = vector.shape_cast %parallel_loop3A_1296 : vector<16xf32> to vector<1x16xf32>
          tpu.vector_store %arg8[%parallel_loop3A_1376, %parallel_loop3A_1377], %parallel_loop3A_1380 {strides = array<i32>} : memref<160x256xf32, #tpu.memory_space<vmem>>, vector<1x16xf32>,
          %parallel_loop3A_1381 = arith.constant 6 : i32
          %parallel_loop3A_1382 = arith.addi %parallel_loop3A_120, %parallel_loop3A_1381 : i32
          %parallel_loop3A_1383 = arith.index_cast %parallel_loop3A_1382 : i32 to index
          %parallel_loop3A_1384 = arith.constant 32 : index
          %parallel_loop3A_1385 = tpu.vector_load %arg8[%parallel_loop3A_1383, %parallel_loop3A_1384] {strides = array<i32>} : memref<160x256xf32, #tpu.memory_space<vmem>>, vector<1x16xf32>,
          %parallel_loop3A_1386 = vector.shape_cast %parallel_loop3A_1385 : vector<1x16xf32> to vector<16xf32>
          %parallel_loop3A_1387 = vector.shape_cast %parallel_loop3A_1301 : vector<16xf32> to vector<1x16xf32>
          tpu.vector_store %arg8[%parallel_loop3A_1383, %parallel_loop3A_1384], %parallel_loop3A_1387 {strides = array<i32>} : memref<160x256xf32, #tpu.memory_space<vmem>>, vector<1x16xf32>,
          %parallel_loop3A_1388 = arith.constant 6 : i32
          %parallel_loop3A_1389 = arith.addi %parallel_loop3A_120, %parallel_loop3A_1388 : i32
          %parallel_loop3A_1390 = arith.index_cast %parallel_loop3A_1389 : i32 to index
          %parallel_loop3A_1391 = arith.constant 48 : index
          %parallel_loop3A_1392 = tpu.vector_load %arg8[%parallel_loop3A_1390, %parallel_loop3A_1391] {strides = array<i32>} : memref<160x256xf32, #tpu.memory_space<vmem>>, vector<1x16xf32>,
          %parallel_loop3A_1393 = vector.shape_cast %parallel_loop3A_1392 : vector<1x16xf32> to vector<16xf32>
          %parallel_loop3A_1394 = vector.shape_cast %parallel_loop3A_1306 : vector<16xf32> to vector<1x16xf32>
          tpu.vector_store %arg8[%parallel_loop3A_1390, %parallel_loop3A_1391], %parallel_loop3A_1394 {strides = array<i32>} : memref<160x256xf32, #tpu.memory_space<vmem>>, vector<1x16xf32>,
          %parallel_loop3A_1395 = arith.constant 6 : i32
          %parallel_loop3A_1396 = arith.addi %parallel_loop3A_120, %parallel_loop3A_1395 : i32
          %parallel_loop3A_1397 = arith.index_cast %parallel_loop3A_1396 : i32 to index
          %parallel_loop3A_1398 = arith.constant 64 : index
          %parallel_loop3A_1399 = tpu.vector_load %arg8[%parallel_loop3A_1397, %parallel_loop3A_1398] {strides = array<i32>} : memref<160x256xf32, #tpu.memory_space<vmem>>, vector<1x16xf32>,
          %parallel_loop3A_1400 = vector.shape_cast %parallel_loop3A_1399 : vector<1x16xf32> to vector<16xf32>
          %parallel_loop3A_1401 = vector.shape_cast %parallel_loop3A_1311 : vector<16xf32> to vector<1x16xf32>
          tpu.vector_store %arg8[%parallel_loop3A_1397, %parallel_loop3A_1398], %parallel_loop3A_1401 {strides = array<i32>} : memref<160x256xf32, #tpu.memory_space<vmem>>, vector<1x16xf32>,
          %parallel_loop3A_1402 = arith.constant 6 : i32
          %parallel_loop3A_1403 = arith.addi %parallel_loop3A_120, %parallel_loop3A_1402 : i32
          %parallel_loop3A_1404 = arith.index_cast %parallel_loop3A_1403 : i32 to index
          %parallel_loop3A_1405 = arith.constant 80 : index
          %parallel_loop3A_1406 = tpu.vector_load %arg8[%parallel_loop3A_1404, %parallel_loop3A_1405] {strides = array<i32>} : memref<160x256xf32, #tpu.memory_space<vmem>>, vector<1x16xf32>,
          %parallel_loop3A_1407 = vector.shape_cast %parallel_loop3A_1406 : vector<1x16xf32> to vector<16xf32>
          %parallel_loop3A_1408 = vector.shape_cast %parallel_loop3A_1316 : vector<16xf32> to vector<1x16xf32>
          tpu.vector_store %arg8[%parallel_loop3A_1404, %parallel_loop3A_1405], %parallel_loop3A_1408 {strides = array<i32>} : memref<160x256xf32, #tpu.memory_space<vmem>>, vector<1x16xf32>,
          %parallel_loop3A_1409 = arith.constant 6 : i32
          %parallel_loop3A_1410 = arith.addi %parallel_loop3A_120, %parallel_loop3A_1409 : i32
          %parallel_loop3A_1411 = arith.index_cast %parallel_loop3A_1410 : i32 to index
          %parallel_loop3A_1412 = arith.constant 96 : index
          %parallel_loop3A_1413 = tpu.vector_load %arg8[%parallel_loop3A_1411, %parallel_loop3A_1412] {strides = array<i32>} : memref<160x256xf32, #tpu.memory_space<vmem>>, vector<1x16xf32>,
          %parallel_loop3A_1414 = vector.shape_cast %parallel_loop3A_1413 : vector<1x16xf32> to vector<16xf32>
          %parallel_loop3A_1415 = vector.shape_cast %parallel_loop3A_1321 : vector<16xf32> to vector<1x16xf32>
          tpu.vector_store %arg8[%parallel_loop3A_1411, %parallel_loop3A_1412], %parallel_loop3A_1415 {strides = array<i32>} : memref<160x256xf32, #tpu.memory_space<vmem>>, vector<1x16xf32>,
          %parallel_loop3A_1416 = arith.constant 6 : i32
          %parallel_loop3A_1417 = arith.addi %parallel_loop3A_120, %parallel_loop3A_1416 : i32
          %parallel_loop3A_1418 = arith.index_cast %parallel_loop3A_1417 : i32 to index
          %parallel_loop3A_1419 = arith.constant 112 : index
          %parallel_loop3A_1420 = tpu.vector_load %arg8[%parallel_loop3A_1418, %parallel_loop3A_1419] {strides = array<i32>} : memref<160x256xf32, #tpu.memory_space<vmem>>, vector<1x16xf32>,
          %parallel_loop3A_1421 = vector.shape_cast %parallel_loop3A_1420 : vector<1x16xf32> to vector<16xf32>
          %parallel_loop3A_1422 = vector.shape_cast %parallel_loop3A_1326 : vector<16xf32> to vector<1x16xf32>
          tpu.vector_store %arg8[%parallel_loop3A_1418, %parallel_loop3A_1419], %parallel_loop3A_1422 {strides = array<i32>} : memref<160x256xf32, #tpu.memory_space<vmem>>, vector<1x16xf32>,
          %parallel_loop3A_1423 = arith.constant 6 : i32
          %parallel_loop3A_1424 = arith.addi %parallel_loop3A_120, %parallel_loop3A_1423 : i32
          %parallel_loop3A_1425 = arith.index_cast %parallel_loop3A_1424 : i32 to index
          %parallel_loop3A_1426 = arith.constant 128 : index
          %parallel_loop3A_1427 = tpu.vector_load %arg8[%parallel_loop3A_1425, %parallel_loop3A_1426] {strides = array<i32>} : memref<160x256xf32, #tpu.memory_space<vmem>>, vector<1x16xf32>,
          %parallel_loop3A_1428 = vector.shape_cast %parallel_loop3A_1427 : vector<1x16xf32> to vector<16xf32>
          %parallel_loop3A_1429 = vector.shape_cast %parallel_loop3A_1331 : vector<16xf32> to vector<1x16xf32>
          tpu.vector_store %arg8[%parallel_loop3A_1425, %parallel_loop3A_1426], %parallel_loop3A_1429 {strides = array<i32>} : memref<160x256xf32, #tpu.memory_space<vmem>>, vector<1x16xf32>,
          %parallel_loop3A_1430 = arith.constant 6 : i32
          %parallel_loop3A_1431 = arith.addi %parallel_loop3A_120, %parallel_loop3A_1430 : i32
          %parallel_loop3A_1432 = arith.index_cast %parallel_loop3A_1431 : i32 to index
          %parallel_loop3A_1433 = arith.constant 144 : index
          %parallel_loop3A_1434 = tpu.vector_load %arg8[%parallel_loop3A_1432, %parallel_loop3A_1433] {strides = array<i32>} : memref<160x256xf32, #tpu.memory_space<vmem>>, vector<1x16xf32>,
          %parallel_loop3A_1435 = vector.shape_cast %parallel_loop3A_1434 : vector<1x16xf32> to vector<16xf32>
          %parallel_loop3A_1436 = vector.shape_cast %parallel_loop3A_1336 : vector<16xf32> to vector<1x16xf32>
          tpu.vector_store %arg8[%parallel_loop3A_1432, %parallel_loop3A_1433], %parallel_loop3A_1436 {strides = array<i32>} : memref<160x256xf32, #tpu.memory_space<vmem>>, vector<1x16xf32>,
          %parallel_loop3A_1437 = arith.constant 6 : i32
          %parallel_loop3A_1438 = arith.addi %parallel_loop3A_120, %parallel_loop3A_1437 : i32
          %parallel_loop3A_1439 = arith.index_cast %parallel_loop3A_1438 : i32 to index
          %parallel_loop3A_1440 = arith.constant 160 : index
          %parallel_loop3A_1441 = tpu.vector_load %arg8[%parallel_loop3A_1439, %parallel_loop3A_1440] {strides = array<i32>} : memref<160x256xf32, #tpu.memory_space<vmem>>, vector<1x16xf32>,
          %parallel_loop3A_1442 = vector.shape_cast %parallel_loop3A_1441 : vector<1x16xf32> to vector<16xf32>
          %parallel_loop3A_1443 = vector.shape_cast %parallel_loop3A_1341 : vector<16xf32> to vector<1x16xf32>
          tpu.vector_store %arg8[%parallel_loop3A_1439, %parallel_loop3A_1440], %parallel_loop3A_1443 {strides = array<i32>} : memref<160x256xf32, #tpu.memory_space<vmem>>, vector<1x16xf32>,
          %parallel_loop3A_1444 = arith.constant 6 : i32
          %parallel_loop3A_1445 = arith.addi %parallel_loop3A_120, %parallel_loop3A_1444 : i32
          %parallel_loop3A_1446 = arith.index_cast %parallel_loop3A_1445 : i32 to index
          %parallel_loop3A_1447 = arith.constant 176 : index
          %parallel_loop3A_1448 = tpu.vector_load %arg8[%parallel_loop3A_1446, %parallel_loop3A_1447] {strides = array<i32>} : memref<160x256xf32, #tpu.memory_space<vmem>>, vector<1x16xf32>,
          %parallel_loop3A_1449 = vector.shape_cast %parallel_loop3A_1448 : vector<1x16xf32> to vector<16xf32>
          %parallel_loop3A_1450 = vector.shape_cast %parallel_loop3A_1346 : vector<16xf32> to vector<1x16xf32>
          tpu.vector_store %arg8[%parallel_loop3A_1446, %parallel_loop3A_1447], %parallel_loop3A_1450 {strides = array<i32>} : memref<160x256xf32, #tpu.memory_space<vmem>>, vector<1x16xf32>,
          %parallel_loop3A_1451 = arith.constant 6 : i32
          %parallel_loop3A_1452 = arith.addi %parallel_loop3A_120, %parallel_loop3A_1451 : i32
          %parallel_loop3A_1453 = arith.index_cast %parallel_loop3A_1452 : i32 to index
          %parallel_loop3A_1454 = arith.constant 192 : index
          %parallel_loop3A_1455 = tpu.vector_load %arg8[%parallel_loop3A_1453, %parallel_loop3A_1454] {strides = array<i32>} : memref<160x256xf32, #tpu.memory_space<vmem>>, vector<1x16xf32>,
          %parallel_loop3A_1456 = vector.shape_cast %parallel_loop3A_1455 : vector<1x16xf32> to vector<16xf32>
          %parallel_loop3A_1457 = vector.shape_cast %parallel_loop3A_1351 : vector<16xf32> to vector<1x16xf32>
          tpu.vector_store %arg8[%parallel_loop3A_1453, %parallel_loop3A_1454], %parallel_loop3A_1457 {strides = array<i32>} : memref<160x256xf32, #tpu.memory_space<vmem>>, vector<1x16xf32>,
          %parallel_loop3A_1458 = arith.constant 6 : i32
          %parallel_loop3A_1459 = arith.addi %parallel_loop3A_120, %parallel_loop3A_1458 : i32
          %parallel_loop3A_1460 = arith.index_cast %parallel_loop3A_1459 : i32 to index
          %parallel_loop3A_1461 = arith.constant 208 : index
          %parallel_loop3A_1462 = tpu.vector_load %arg8[%parallel_loop3A_1460, %parallel_loop3A_1461] {strides = array<i32>} : memref<160x256xf32, #tpu.memory_space<vmem>>, vector<1x16xf32>,
          %parallel_loop3A_1463 = vector.shape_cast %parallel_loop3A_1462 : vector<1x16xf32> to vector<16xf32>
          %parallel_loop3A_1464 = vector.shape_cast %parallel_loop3A_1356 : vector<16xf32> to vector<1x16xf32>
          tpu.vector_store %arg8[%parallel_loop3A_1460, %parallel_loop3A_1461], %parallel_loop3A_1464 {strides = array<i32>} : memref<160x256xf32, #tpu.memory_space<vmem>>, vector<1x16xf32>,
          %parallel_loop3A_1465 = arith.constant 6 : i32
          %parallel_loop3A_1466 = arith.addi %parallel_loop3A_120, %parallel_loop3A_1465 : i32
          %parallel_loop3A_1467 = arith.index_cast %parallel_loop3A_1466 : i32 to index
          %parallel_loop3A_1468 = arith.constant 224 : index
          %parallel_loop3A_1469 = tpu.vector_load %arg8[%parallel_loop3A_1467, %parallel_loop3A_1468] {strides = array<i32>} : memref<160x256xf32, #tpu.memory_space<vmem>>, vector<1x16xf32>,
          %parallel_loop3A_1470 = vector.shape_cast %parallel_loop3A_1469 : vector<1x16xf32> to vector<16xf32>
          %parallel_loop3A_1471 = vector.shape_cast %parallel_loop3A_1361 : vector<16xf32> to vector<1x16xf32>
          tpu.vector_store %arg8[%parallel_loop3A_1467, %parallel_loop3A_1468], %parallel_loop3A_1471 {strides = array<i32>} : memref<160x256xf32, #tpu.memory_space<vmem>>, vector<1x16xf32>,
          %parallel_loop3A_1472 = arith.constant 6 : i32
          %parallel_loop3A_1473 = arith.addi %parallel_loop3A_120, %parallel_loop3A_1472 : i32
          %parallel_loop3A_1474 = arith.index_cast %parallel_loop3A_1473 : i32 to index
          %parallel_loop3A_1475 = arith.constant 240 : index
          %parallel_loop3A_1476 = tpu.vector_load %arg8[%parallel_loop3A_1474, %parallel_loop3A_1475] {strides = array<i32>} : memref<160x256xf32, #tpu.memory_space<vmem>>, vector<1x16xf32>,
          %parallel_loop3A_1477 = vector.shape_cast %parallel_loop3A_1476 : vector<1x16xf32> to vector<16xf32>
          %parallel_loop3A_1478 = vector.shape_cast %parallel_loop3A_1366 : vector<16xf32> to vector<1x16xf32>
          tpu.vector_store %arg8[%parallel_loop3A_1474, %parallel_loop3A_1475], %parallel_loop3A_1478 {strides = array<i32>} : memref<160x256xf32, #tpu.memory_space<vmem>>, vector<1x16xf32>,
          %parallel_loop3A_1479 = vector.extract_strided_slice %parallel_loop3A_115 {offsets = [7], sizes = [1], strides = [1]} : vector<16xi32> to vector<1xi32>
          %parallel_loop3A_1480 = vector.extract %parallel_loop3A_1479[0] : i32 from vector<1xi32>
          %parallel_loop3A_1481 = arith.constant 0 : i32
          %parallel_loop3A_1482 = arith.addi %parallel_loop3A_1480, %parallel_loop3A_1481 : i32
          %parallel_loop3A_1483 = arith.index_cast %parallel_loop3A_1482 : i32 to index
          %parallel_loop3A_1484 = tpu.vector_load %arg9[%parallel_loop3A_1483] {strides = array<i32>} : memref<15360xf32, #tpu.memory_space<vmem>>, vector<16xf32>,
          %parallel_loop3A_1485 = vector.shape_cast %parallel_loop3A_1484 : vector<16xf32> to vector<16xf32>
          %parallel_loop3A_1486 = arith.constant 16 : i32
          %parallel_loop3A_1487 = arith.addi %parallel_loop3A_1480, %parallel_loop3A_1486 : i32
          %parallel_loop3A_1488 = arith.index_cast %parallel_loop3A_1487 : i32 to index
          %parallel_loop3A_1489 = tpu.vector_load %arg9[%parallel_loop3A_1488] {strides = array<i32>} : memref<15360xf32, #tpu.memory_space<vmem>>, vector<16xf32>,
          %parallel_loop3A_1490 = vector.shape_cast %parallel_loop3A_1489 : vector<16xf32> to vector<16xf32>
          %parallel_loop3A_1491 = arith.constant 32 : i32
          %parallel_loop3A_1492 = arith.addi %parallel_loop3A_1480, %parallel_loop3A_1491 : i32
          %parallel_loop3A_1493 = arith.index_cast %parallel_loop3A_1492 : i32 to index
          %parallel_loop3A_1494 = tpu.vector_load %arg9[%parallel_loop3A_1493] {strides = array<i32>} : memref<15360xf32, #tpu.memory_space<vmem>>, vector<16xf32>,
          %parallel_loop3A_1495 = vector.shape_cast %parallel_loop3A_1494 : vector<16xf32> to vector<16xf32>
          %parallel_loop3A_1496 = arith.constant 48 : i32
          %parallel_loop3A_1497 = arith.addi %parallel_loop3A_1480, %parallel_loop3A_1496 : i32
          %parallel_loop3A_1498 = arith.index_cast %parallel_loop3A_1497 : i32 to index
          %parallel_loop3A_1499 = tpu.vector_load %arg9[%parallel_loop3A_1498] {strides = array<i32>} : memref<15360xf32, #tpu.memory_space<vmem>>, vector<16xf32>,
          %parallel_loop3A_1500 = vector.shape_cast %parallel_loop3A_1499 : vector<16xf32> to vector<16xf32>
          %parallel_loop3A_1501 = arith.constant 64 : i32
          %parallel_loop3A_1502 = arith.addi %parallel_loop3A_1480, %parallel_loop3A_1501 : i32
          %parallel_loop3A_1503 = arith.index_cast %parallel_loop3A_1502 : i32 to index
          %parallel_loop3A_1504 = tpu.vector_load %arg9[%parallel_loop3A_1503] {strides = array<i32>} : memref<15360xf32, #tpu.memory_space<vmem>>, vector<16xf32>,
          %parallel_loop3A_1505 = vector.shape_cast %parallel_loop3A_1504 : vector<16xf32> to vector<16xf32>
          %parallel_loop3A_1506 = arith.constant 80 : i32
          %parallel_loop3A_1507 = arith.addi %parallel_loop3A_1480, %parallel_loop3A_1506 : i32
          %parallel_loop3A_1508 = arith.index_cast %parallel_loop3A_1507 : i32 to index
          %parallel_loop3A_1509 = tpu.vector_load %arg9[%parallel_loop3A_1508] {strides = array<i32>} : memref<15360xf32, #tpu.memory_space<vmem>>, vector<16xf32>,
          %parallel_loop3A_1510 = vector.shape_cast %parallel_loop3A_1509 : vector<16xf32> to vector<16xf32>
          %parallel_loop3A_1511 = arith.constant 96 : i32
          %parallel_loop3A_1512 = arith.addi %parallel_loop3A_1480, %parallel_loop3A_1511 : i32
          %parallel_loop3A_1513 = arith.index_cast %parallel_loop3A_1512 : i32 to index
          %parallel_loop3A_1514 = tpu.vector_load %arg9[%parallel_loop3A_1513] {strides = array<i32>} : memref<15360xf32, #tpu.memory_space<vmem>>, vector<16xf32>,
          %parallel_loop3A_1515 = vector.shape_cast %parallel_loop3A_1514 : vector<16xf32> to vector<16xf32>
          %parallel_loop3A_1516 = arith.constant 112 : i32
          %parallel_loop3A_1517 = arith.addi %parallel_loop3A_1480, %parallel_loop3A_1516 : i32
          %parallel_loop3A_1518 = arith.index_cast %parallel_loop3A_1517 : i32 to index
          %parallel_loop3A_1519 = tpu.vector_load %arg9[%parallel_loop3A_1518] {strides = array<i32>} : memref<15360xf32, #tpu.memory_space<vmem>>, vector<16xf32>,
          %parallel_loop3A_1520 = vector.shape_cast %parallel_loop3A_1519 : vector<16xf32> to vector<16xf32>
          %parallel_loop3A_1521 = arith.constant 128 : i32
          %parallel_loop3A_1522 = arith.addi %parallel_loop3A_1480, %parallel_loop3A_1521 : i32
          %parallel_loop3A_1523 = arith.index_cast %parallel_loop3A_1522 : i32 to index
          %parallel_loop3A_1524 = tpu.vector_load %arg9[%parallel_loop3A_1523] {strides = array<i32>} : memref<15360xf32, #tpu.memory_space<vmem>>, vector<16xf32>,
          %parallel_loop3A_1525 = vector.shape_cast %parallel_loop3A_1524 : vector<16xf32> to vector<16xf32>
          %parallel_loop3A_1526 = arith.constant 144 : i32
          %parallel_loop3A_1527 = arith.addi %parallel_loop3A_1480, %parallel_loop3A_1526 : i32
          %parallel_loop3A_1528 = arith.index_cast %parallel_loop3A_1527 : i32 to index
          %parallel_loop3A_1529 = tpu.vector_load %arg9[%parallel_loop3A_1528] {strides = array<i32>} : memref<15360xf32, #tpu.memory_space<vmem>>, vector<16xf32>,
          %parallel_loop3A_1530 = vector.shape_cast %parallel_loop3A_1529 : vector<16xf32> to vector<16xf32>
          %parallel_loop3A_1531 = arith.constant 160 : i32
          %parallel_loop3A_1532 = arith.addi %parallel_loop3A_1480, %parallel_loop3A_1531 : i32
          %parallel_loop3A_1533 = arith.index_cast %parallel_loop3A_1532 : i32 to index
          %parallel_loop3A_1534 = tpu.vector_load %arg9[%parallel_loop3A_1533] {strides = array<i32>} : memref<15360xf32, #tpu.memory_space<vmem>>, vector<16xf32>,
          %parallel_loop3A_1535 = vector.shape_cast %parallel_loop3A_1534 : vector<16xf32> to vector<16xf32>
          %parallel_loop3A_1536 = arith.constant 176 : i32
          %parallel_loop3A_1537 = arith.addi %parallel_loop3A_1480, %parallel_loop3A_1536 : i32
          %parallel_loop3A_1538 = arith.index_cast %parallel_loop3A_1537 : i32 to index
          %parallel_loop3A_1539 = tpu.vector_load %arg9[%parallel_loop3A_1538] {strides = array<i32>} : memref<15360xf32, #tpu.memory_space<vmem>>, vector<16xf32>,
          %parallel_loop3A_1540 = vector.shape_cast %parallel_loop3A_1539 : vector<16xf32> to vector<16xf32>
          %parallel_loop3A_1541 = arith.constant 192 : i32
          %parallel_loop3A_1542 = arith.addi %parallel_loop3A_1480, %parallel_loop3A_1541 : i32
          %parallel_loop3A_1543 = arith.index_cast %parallel_loop3A_1542 : i32 to index
          %parallel_loop3A_1544 = tpu.vector_load %arg9[%parallel_loop3A_1543] {strides = array<i32>} : memref<15360xf32, #tpu.memory_space<vmem>>, vector<16xf32>,
          %parallel_loop3A_1545 = vector.shape_cast %parallel_loop3A_1544 : vector<16xf32> to vector<16xf32>
          %parallel_loop3A_1546 = arith.constant 208 : i32
          %parallel_loop3A_1547 = arith.addi %parallel_loop3A_1480, %parallel_loop3A_1546 : i32
          %parallel_loop3A_1548 = arith.index_cast %parallel_loop3A_1547 : i32 to index
          %parallel_loop3A_1549 = tpu.vector_load %arg9[%parallel_loop3A_1548] {strides = array<i32>} : memref<15360xf32, #tpu.memory_space<vmem>>, vector<16xf32>,
          %parallel_loop3A_1550 = vector.shape_cast %parallel_loop3A_1549 : vector<16xf32> to vector<16xf32>
          %parallel_loop3A_1551 = arith.constant 224 : i32
          %parallel_loop3A_1552 = arith.addi %parallel_loop3A_1480, %parallel_loop3A_1551 : i32
          %parallel_loop3A_1553 = arith.index_cast %parallel_loop3A_1552 : i32 to index
          %parallel_loop3A_1554 = tpu.vector_load %arg9[%parallel_loop3A_1553] {strides = array<i32>} : memref<15360xf32, #tpu.memory_space<vmem>>, vector<16xf32>,
          %parallel_loop3A_1555 = vector.shape_cast %parallel_loop3A_1554 : vector<16xf32> to vector<16xf32>
          %parallel_loop3A_1556 = arith.constant 240 : i32
          %parallel_loop3A_1557 = arith.addi %parallel_loop3A_1480, %parallel_loop3A_1556 : i32
          %parallel_loop3A_1558 = arith.index_cast %parallel_loop3A_1557 : i32 to index
          %parallel_loop3A_1559 = tpu.vector_load %arg9[%parallel_loop3A_1558] {strides = array<i32>} : memref<15360xf32, #tpu.memory_space<vmem>>, vector<16xf32>,
          %parallel_loop3A_1560 = vector.shape_cast %parallel_loop3A_1559 : vector<16xf32> to vector<16xf32>
          %parallel_loop3A_1561 = arith.constant 7 : i32
          %parallel_loop3A_1562 = arith.addi %parallel_loop3A_120, %parallel_loop3A_1561 : i32
          %parallel_loop3A_1563 = arith.index_cast %parallel_loop3A_1562 : i32 to index
          %parallel_loop3A_1564 = arith.constant 0 : index
          %parallel_loop3A_1565 = tpu.vector_load %arg8[%parallel_loop3A_1563, %parallel_loop3A_1564] {strides = array<i32>} : memref<160x256xf32, #tpu.memory_space<vmem>>, vector<1x16xf32>,
          %parallel_loop3A_1566 = vector.shape_cast %parallel_loop3A_1565 : vector<1x16xf32> to vector<16xf32>
          %parallel_loop3A_1567 = vector.shape_cast %parallel_loop3A_1485 : vector<16xf32> to vector<1x16xf32>
          tpu.vector_store %arg8[%parallel_loop3A_1563, %parallel_loop3A_1564], %parallel_loop3A_1567 {strides = array<i32>} : memref<160x256xf32, #tpu.memory_space<vmem>>, vector<1x16xf32>,
          %parallel_loop3A_1568 = arith.constant 7 : i32
          %parallel_loop3A_1569 = arith.addi %parallel_loop3A_120, %parallel_loop3A_1568 : i32
          %parallel_loop3A_1570 = arith.index_cast %parallel_loop3A_1569 : i32 to index
          %parallel_loop3A_1571 = arith.constant 16 : index
          %parallel_loop3A_1572 = tpu.vector_load %arg8[%parallel_loop3A_1570, %parallel_loop3A_1571] {strides = array<i32>} : memref<160x256xf32, #tpu.memory_space<vmem>>, vector<1x16xf32>,
          %parallel_loop3A_1573 = vector.shape_cast %parallel_loop3A_1572 : vector<1x16xf32> to vector<16xf32>
          %parallel_loop3A_1574 = vector.shape_cast %parallel_loop3A_1490 : vector<16xf32> to vector<1x16xf32>
          tpu.vector_store %arg8[%parallel_loop3A_1570, %parallel_loop3A_1571], %parallel_loop3A_1574 {strides = array<i32>} : memref<160x256xf32, #tpu.memory_space<vmem>>, vector<1x16xf32>,
          %parallel_loop3A_1575 = arith.constant 7 : i32
          %parallel_loop3A_1576 = arith.addi %parallel_loop3A_120, %parallel_loop3A_1575 : i32
          %parallel_loop3A_1577 = arith.index_cast %parallel_loop3A_1576 : i32 to index
          %parallel_loop3A_1578 = arith.constant 32 : index
          %parallel_loop3A_1579 = tpu.vector_load %arg8[%parallel_loop3A_1577, %parallel_loop3A_1578] {strides = array<i32>} : memref<160x256xf32, #tpu.memory_space<vmem>>, vector<1x16xf32>,
          %parallel_loop3A_1580 = vector.shape_cast %parallel_loop3A_1579 : vector<1x16xf32> to vector<16xf32>
          %parallel_loop3A_1581 = vector.shape_cast %parallel_loop3A_1495 : vector<16xf32> to vector<1x16xf32>
          tpu.vector_store %arg8[%parallel_loop3A_1577, %parallel_loop3A_1578], %parallel_loop3A_1581 {strides = array<i32>} : memref<160x256xf32, #tpu.memory_space<vmem>>, vector<1x16xf32>,
          %parallel_loop3A_1582 = arith.constant 7 : i32
          %parallel_loop3A_1583 = arith.addi %parallel_loop3A_120, %parallel_loop3A_1582 : i32
          %parallel_loop3A_1584 = arith.index_cast %parallel_loop3A_1583 : i32 to index
          %parallel_loop3A_1585 = arith.constant 48 : index
          %parallel_loop3A_1586 = tpu.vector_load %arg8[%parallel_loop3A_1584, %parallel_loop3A_1585] {strides = array<i32>} : memref<160x256xf32, #tpu.memory_space<vmem>>, vector<1x16xf32>,
          %parallel_loop3A_1587 = vector.shape_cast %parallel_loop3A_1586 : vector<1x16xf32> to vector<16xf32>
          %parallel_loop3A_1588 = vector.shape_cast %parallel_loop3A_1500 : vector<16xf32> to vector<1x16xf32>
          tpu.vector_store %arg8[%parallel_loop3A_1584, %parallel_loop3A_1585], %parallel_loop3A_1588 {strides = array<i32>} : memref<160x256xf32, #tpu.memory_space<vmem>>, vector<1x16xf32>,
          %parallel_loop3A_1589 = arith.constant 7 : i32
          %parallel_loop3A_1590 = arith.addi %parallel_loop3A_120, %parallel_loop3A_1589 : i32
          %parallel_loop3A_1591 = arith.index_cast %parallel_loop3A_1590 : i32 to index
          %parallel_loop3A_1592 = arith.constant 64 : index
          %parallel_loop3A_1593 = tpu.vector_load %arg8[%parallel_loop3A_1591, %parallel_loop3A_1592] {strides = array<i32>} : memref<160x256xf32, #tpu.memory_space<vmem>>, vector<1x16xf32>,
          %parallel_loop3A_1594 = vector.shape_cast %parallel_loop3A_1593 : vector<1x16xf32> to vector<16xf32>
          %parallel_loop3A_1595 = vector.shape_cast %parallel_loop3A_1505 : vector<16xf32> to vector<1x16xf32>
          tpu.vector_store %arg8[%parallel_loop3A_1591, %parallel_loop3A_1592], %parallel_loop3A_1595 {strides = array<i32>} : memref<160x256xf32, #tpu.memory_space<vmem>>, vector<1x16xf32>,
          %parallel_loop3A_1596 = arith.constant 7 : i32
          %parallel_loop3A_1597 = arith.addi %parallel_loop3A_120, %parallel_loop3A_1596 : i32
          %parallel_loop3A_1598 = arith.index_cast %parallel_loop3A_1597 : i32 to index
          %parallel_loop3A_1599 = arith.constant 80 : index
          %parallel_loop3A_1600 = tpu.vector_load %arg8[%parallel_loop3A_1598, %parallel_loop3A_1599] {strides = array<i32>} : memref<160x256xf32, #tpu.memory_space<vmem>>, vector<1x16xf32>,
          %parallel_loop3A_1601 = vector.shape_cast %parallel_loop3A_1600 : vector<1x16xf32> to vector<16xf32>
          %parallel_loop3A_1602 = vector.shape_cast %parallel_loop3A_1510 : vector<16xf32> to vector<1x16xf32>
          tpu.vector_store %arg8[%parallel_loop3A_1598, %parallel_loop3A_1599], %parallel_loop3A_1602 {strides = array<i32>} : memref<160x256xf32, #tpu.memory_space<vmem>>, vector<1x16xf32>,
          %parallel_loop3A_1603 = arith.constant 7 : i32
          %parallel_loop3A_1604 = arith.addi %parallel_loop3A_120, %parallel_loop3A_1603 : i32
          %parallel_loop3A_1605 = arith.index_cast %parallel_loop3A_1604 : i32 to index
          %parallel_loop3A_1606 = arith.constant 96 : index
          %parallel_loop3A_1607 = tpu.vector_load %arg8[%parallel_loop3A_1605, %parallel_loop3A_1606] {strides = array<i32>} : memref<160x256xf32, #tpu.memory_space<vmem>>, vector<1x16xf32>,
          %parallel_loop3A_1608 = vector.shape_cast %parallel_loop3A_1607 : vector<1x16xf32> to vector<16xf32>
          %parallel_loop3A_1609 = vector.shape_cast %parallel_loop3A_1515 : vector<16xf32> to vector<1x16xf32>
          tpu.vector_store %arg8[%parallel_loop3A_1605, %parallel_loop3A_1606], %parallel_loop3A_1609 {strides = array<i32>} : memref<160x256xf32, #tpu.memory_space<vmem>>, vector<1x16xf32>,
          %parallel_loop3A_1610 = arith.constant 7 : i32
          %parallel_loop3A_1611 = arith.addi %parallel_loop3A_120, %parallel_loop3A_1610 : i32
          %parallel_loop3A_1612 = arith.index_cast %parallel_loop3A_1611 : i32 to index
          %parallel_loop3A_1613 = arith.constant 112 : index
          %parallel_loop3A_1614 = tpu.vector_load %arg8[%parallel_loop3A_1612, %parallel_loop3A_1613] {strides = array<i32>} : memref<160x256xf32, #tpu.memory_space<vmem>>, vector<1x16xf32>,
          %parallel_loop3A_1615 = vector.shape_cast %parallel_loop3A_1614 : vector<1x16xf32> to vector<16xf32>
          %parallel_loop3A_1616 = vector.shape_cast %parallel_loop3A_1520 : vector<16xf32> to vector<1x16xf32>
          tpu.vector_store %arg8[%parallel_loop3A_1612, %parallel_loop3A_1613], %parallel_loop3A_1616 {strides = array<i32>} : memref<160x256xf32, #tpu.memory_space<vmem>>, vector<1x16xf32>,
          %parallel_loop3A_1617 = arith.constant 7 : i32
          %parallel_loop3A_1618 = arith.addi %parallel_loop3A_120, %parallel_loop3A_1617 : i32
          %parallel_loop3A_1619 = arith.index_cast %parallel_loop3A_1618 : i32 to index
          %parallel_loop3A_1620 = arith.constant 128 : index
          %parallel_loop3A_1621 = tpu.vector_load %arg8[%parallel_loop3A_1619, %parallel_loop3A_1620] {strides = array<i32>} : memref<160x256xf32, #tpu.memory_space<vmem>>, vector<1x16xf32>,
          %parallel_loop3A_1622 = vector.shape_cast %parallel_loop3A_1621 : vector<1x16xf32> to vector<16xf32>
          %parallel_loop3A_1623 = vector.shape_cast %parallel_loop3A_1525 : vector<16xf32> to vector<1x16xf32>
          tpu.vector_store %arg8[%parallel_loop3A_1619, %parallel_loop3A_1620], %parallel_loop3A_1623 {strides = array<i32>} : memref<160x256xf32, #tpu.memory_space<vmem>>, vector<1x16xf32>,
          %parallel_loop3A_1624 = arith.constant 7 : i32
          %parallel_loop3A_1625 = arith.addi %parallel_loop3A_120, %parallel_loop3A_1624 : i32
          %parallel_loop3A_1626 = arith.index_cast %parallel_loop3A_1625 : i32 to index
          %parallel_loop3A_1627 = arith.constant 144 : index
          %parallel_loop3A_1628 = tpu.vector_load %arg8[%parallel_loop3A_1626, %parallel_loop3A_1627] {strides = array<i32>} : memref<160x256xf32, #tpu.memory_space<vmem>>, vector<1x16xf32>,
          %parallel_loop3A_1629 = vector.shape_cast %parallel_loop3A_1628 : vector<1x16xf32> to vector<16xf32>
          %parallel_loop3A_1630 = vector.shape_cast %parallel_loop3A_1530 : vector<16xf32> to vector<1x16xf32>
          tpu.vector_store %arg8[%parallel_loop3A_1626, %parallel_loop3A_1627], %parallel_loop3A_1630 {strides = array<i32>} : memref<160x256xf32, #tpu.memory_space<vmem>>, vector<1x16xf32>,
          %parallel_loop3A_1631 = arith.constant 7 : i32
          %parallel_loop3A_1632 = arith.addi %parallel_loop3A_120, %parallel_loop3A_1631 : i32
          %parallel_loop3A_1633 = arith.index_cast %parallel_loop3A_1632 : i32 to index
          %parallel_loop3A_1634 = arith.constant 160 : index
          %parallel_loop3A_1635 = tpu.vector_load %arg8[%parallel_loop3A_1633, %parallel_loop3A_1634] {strides = array<i32>} : memref<160x256xf32, #tpu.memory_space<vmem>>, vector<1x16xf32>,
          %parallel_loop3A_1636 = vector.shape_cast %parallel_loop3A_1635 : vector<1x16xf32> to vector<16xf32>
          %parallel_loop3A_1637 = vector.shape_cast %parallel_loop3A_1535 : vector<16xf32> to vector<1x16xf32>
          tpu.vector_store %arg8[%parallel_loop3A_1633, %parallel_loop3A_1634], %parallel_loop3A_1637 {strides = array<i32>} : memref<160x256xf32, #tpu.memory_space<vmem>>, vector<1x16xf32>,
          %parallel_loop3A_1638 = arith.constant 7 : i32
          %parallel_loop3A_1639 = arith.addi %parallel_loop3A_120, %parallel_loop3A_1638 : i32
          %parallel_loop3A_1640 = arith.index_cast %parallel_loop3A_1639 : i32 to index
          %parallel_loop3A_1641 = arith.constant 176 : index
          %parallel_loop3A_1642 = tpu.vector_load %arg8[%parallel_loop3A_1640, %parallel_loop3A_1641] {strides = array<i32>} : memref<160x256xf32, #tpu.memory_space<vmem>>, vector<1x16xf32>,
          %parallel_loop3A_1643 = vector.shape_cast %parallel_loop3A_1642 : vector<1x16xf32> to vector<16xf32>
          %parallel_loop3A_1644 = vector.shape_cast %parallel_loop3A_1540 : vector<16xf32> to vector<1x16xf32>
          tpu.vector_store %arg8[%parallel_loop3A_1640, %parallel_loop3A_1641], %parallel_loop3A_1644 {strides = array<i32>} : memref<160x256xf32, #tpu.memory_space<vmem>>, vector<1x16xf32>,
          %parallel_loop3A_1645 = arith.constant 7 : i32
          %parallel_loop3A_1646 = arith.addi %parallel_loop3A_120, %parallel_loop3A_1645 : i32
          %parallel_loop3A_1647 = arith.index_cast %parallel_loop3A_1646 : i32 to index
          %parallel_loop3A_1648 = arith.constant 192 : index
          %parallel_loop3A_1649 = tpu.vector_load %arg8[%parallel_loop3A_1647, %parallel_loop3A_1648] {strides = array<i32>} : memref<160x256xf32, #tpu.memory_space<vmem>>, vector<1x16xf32>,
          %parallel_loop3A_1650 = vector.shape_cast %parallel_loop3A_1649 : vector<1x16xf32> to vector<16xf32>
          %parallel_loop3A_1651 = vector.shape_cast %parallel_loop3A_1545 : vector<16xf32> to vector<1x16xf32>
          tpu.vector_store %arg8[%parallel_loop3A_1647, %parallel_loop3A_1648], %parallel_loop3A_1651 {strides = array<i32>} : memref<160x256xf32, #tpu.memory_space<vmem>>, vector<1x16xf32>,
          %parallel_loop3A_1652 = arith.constant 7 : i32
          %parallel_loop3A_1653 = arith.addi %parallel_loop3A_120, %parallel_loop3A_1652 : i32
          %parallel_loop3A_1654 = arith.index_cast %parallel_loop3A_1653 : i32 to index
          %parallel_loop3A_1655 = arith.constant 208 : index
          %parallel_loop3A_1656 = tpu.vector_load %arg8[%parallel_loop3A_1654, %parallel_loop3A_1655] {strides = array<i32>} : memref<160x256xf32, #tpu.memory_space<vmem>>, vector<1x16xf32>,
          %parallel_loop3A_1657 = vector.shape_cast %parallel_loop3A_1656 : vector<1x16xf32> to vector<16xf32>
          %parallel_loop3A_1658 = vector.shape_cast %parallel_loop3A_1550 : vector<16xf32> to vector<1x16xf32>
          tpu.vector_store %arg8[%parallel_loop3A_1654, %parallel_loop3A_1655], %parallel_loop3A_1658 {strides = array<i32>} : memref<160x256xf32, #tpu.memory_space<vmem>>, vector<1x16xf32>,
          %parallel_loop3A_1659 = arith.constant 7 : i32
          %parallel_loop3A_1660 = arith.addi %parallel_loop3A_120, %parallel_loop3A_1659 : i32
          %parallel_loop3A_1661 = arith.index_cast %parallel_loop3A_1660 : i32 to index
          %parallel_loop3A_1662 = arith.constant 224 : index
          %parallel_loop3A_1663 = tpu.vector_load %arg8[%parallel_loop3A_1661, %parallel_loop3A_1662] {strides = array<i32>} : memref<160x256xf32, #tpu.memory_space<vmem>>, vector<1x16xf32>,
          %parallel_loop3A_1664 = vector.shape_cast %parallel_loop3A_1663 : vector<1x16xf32> to vector<16xf32>
          %parallel_loop3A_1665 = vector.shape_cast %parallel_loop3A_1555 : vector<16xf32> to vector<1x16xf32>
          tpu.vector_store %arg8[%parallel_loop3A_1661, %parallel_loop3A_1662], %parallel_loop3A_1665 {strides = array<i32>} : memref<160x256xf32, #tpu.memory_space<vmem>>, vector<1x16xf32>,
          %parallel_loop3A_1666 = arith.constant 7 : i32
          %parallel_loop3A_1667 = arith.addi %parallel_loop3A_120, %parallel_loop3A_1666 : i32
          %parallel_loop3A_1668 = arith.index_cast %parallel_loop3A_1667 : i32 to index
          %parallel_loop3A_1669 = arith.constant 240 : index
          %parallel_loop3A_1670 = tpu.vector_load %arg8[%parallel_loop3A_1668, %parallel_loop3A_1669] {strides = array<i32>} : memref<160x256xf32, #tpu.memory_space<vmem>>, vector<1x16xf32>,
          %parallel_loop3A_1671 = vector.shape_cast %parallel_loop3A_1670 : vector<1x16xf32> to vector<16xf32>
          %parallel_loop3A_1672 = vector.shape_cast %parallel_loop3A_1560 : vector<16xf32> to vector<1x16xf32>
          tpu.vector_store %arg8[%parallel_loop3A_1668, %parallel_loop3A_1669], %parallel_loop3A_1672 {strides = array<i32>} : memref<160x256xf32, #tpu.memory_space<vmem>>, vector<1x16xf32>,
          %parallel_loop3A_1673 = vector.extract_strided_slice %parallel_loop3A_115 {offsets = [8], sizes = [1], strides = [1]} : vector<16xi32> to vector<1xi32>
          %parallel_loop3A_1674 = vector.extract %parallel_loop3A_1673[0] : i32 from vector<1xi32>
          %parallel_loop3A_1675 = arith.constant 0 : i32
          %parallel_loop3A_1676 = arith.addi %parallel_loop3A_1674, %parallel_loop3A_1675 : i32
          %parallel_loop3A_1677 = arith.index_cast %parallel_loop3A_1676 : i32 to index
          %parallel_loop3A_1678 = tpu.vector_load %arg9[%parallel_loop3A_1677] {strides = array<i32>} : memref<15360xf32, #tpu.memory_space<vmem>>, vector<16xf32>,
          %parallel_loop3A_1679 = vector.shape_cast %parallel_loop3A_1678 : vector<16xf32> to vector<16xf32>
          %parallel_loop3A_1680 = arith.constant 16 : i32
          %parallel_loop3A_1681 = arith.addi %parallel_loop3A_1674, %parallel_loop3A_1680 : i32
          %parallel_loop3A_1682 = arith.index_cast %parallel_loop3A_1681 : i32 to index
          %parallel_loop3A_1683 = tpu.vector_load %arg9[%parallel_loop3A_1682] {strides = array<i32>} : memref<15360xf32, #tpu.memory_space<vmem>>, vector<16xf32>,
          %parallel_loop3A_1684 = vector.shape_cast %parallel_loop3A_1683 : vector<16xf32> to vector<16xf32>
          %parallel_loop3A_1685 = arith.constant 32 : i32
          %parallel_loop3A_1686 = arith.addi %parallel_loop3A_1674, %parallel_loop3A_1685 : i32
          %parallel_loop3A_1687 = arith.index_cast %parallel_loop3A_1686 : i32 to index
          %parallel_loop3A_1688 = tpu.vector_load %arg9[%parallel_loop3A_1687] {strides = array<i32>} : memref<15360xf32, #tpu.memory_space<vmem>>, vector<16xf32>,
          %parallel_loop3A_1689 = vector.shape_cast %parallel_loop3A_1688 : vector<16xf32> to vector<16xf32>
          %parallel_loop3A_1690 = arith.constant 48 : i32
          %parallel_loop3A_1691 = arith.addi %parallel_loop3A_1674, %parallel_loop3A_1690 : i32
          %parallel_loop3A_1692 = arith.index_cast %parallel_loop3A_1691 : i32 to index
          %parallel_loop3A_1693 = tpu.vector_load %arg9[%parallel_loop3A_1692] {strides = array<i32>} : memref<15360xf32, #tpu.memory_space<vmem>>, vector<16xf32>,
          %parallel_loop3A_1694 = vector.shape_cast %parallel_loop3A_1693 : vector<16xf32> to vector<16xf32>
          %parallel_loop3A_1695 = arith.constant 64 : i32
          %parallel_loop3A_1696 = arith.addi %parallel_loop3A_1674, %parallel_loop3A_1695 : i32
          %parallel_loop3A_1697 = arith.index_cast %parallel_loop3A_1696 : i32 to index
          %parallel_loop3A_1698 = tpu.vector_load %arg9[%parallel_loop3A_1697] {strides = array<i32>} : memref<15360xf32, #tpu.memory_space<vmem>>, vector<16xf32>,
          %parallel_loop3A_1699 = vector.shape_cast %parallel_loop3A_1698 : vector<16xf32> to vector<16xf32>
          %parallel_loop3A_1700 = arith.constant 80 : i32
          %parallel_loop3A_1701 = arith.addi %parallel_loop3A_1674, %parallel_loop3A_1700 : i32
          %parallel_loop3A_1702 = arith.index_cast %parallel_loop3A_1701 : i32 to index
          %parallel_loop3A_1703 = tpu.vector_load %arg9[%parallel_loop3A_1702] {strides = array<i32>} : memref<15360xf32, #tpu.memory_space<vmem>>, vector<16xf32>,
          %parallel_loop3A_1704 = vector.shape_cast %parallel_loop3A_1703 : vector<16xf32> to vector<16xf32>
          %parallel_loop3A_1705 = arith.constant 96 : i32
          %parallel_loop3A_1706 = arith.addi %parallel_loop3A_1674, %parallel_loop3A_1705 : i32
          %parallel_loop3A_1707 = arith.index_cast %parallel_loop3A_1706 : i32 to index
          %parallel_loop3A_1708 = tpu.vector_load %arg9[%parallel_loop3A_1707] {strides = array<i32>} : memref<15360xf32, #tpu.memory_space<vmem>>, vector<16xf32>,
          %parallel_loop3A_1709 = vector.shape_cast %parallel_loop3A_1708 : vector<16xf32> to vector<16xf32>
          %parallel_loop3A_1710 = arith.constant 112 : i32
          %parallel_loop3A_1711 = arith.addi %parallel_loop3A_1674, %parallel_loop3A_1710 : i32
          %parallel_loop3A_1712 = arith.index_cast %parallel_loop3A_1711 : i32 to index
          %parallel_loop3A_1713 = tpu.vector_load %arg9[%parallel_loop3A_1712] {strides = array<i32>} : memref<15360xf32, #tpu.memory_space<vmem>>, vector<16xf32>,
          %parallel_loop3A_1714 = vector.shape_cast %parallel_loop3A_1713 : vector<16xf32> to vector<16xf32>
          %parallel_loop3A_1715 = arith.constant 128 : i32
          %parallel_loop3A_1716 = arith.addi %parallel_loop3A_1674, %parallel_loop3A_1715 : i32
          %parallel_loop3A_1717 = arith.index_cast %parallel_loop3A_1716 : i32 to index
          %parallel_loop3A_1718 = tpu.vector_load %arg9[%parallel_loop3A_1717] {strides = array<i32>} : memref<15360xf32, #tpu.memory_space<vmem>>, vector<16xf32>,
          %parallel_loop3A_1719 = vector.shape_cast %parallel_loop3A_1718 : vector<16xf32> to vector<16xf32>
          %parallel_loop3A_1720 = arith.constant 144 : i32
          %parallel_loop3A_1721 = arith.addi %parallel_loop3A_1674, %parallel_loop3A_1720 : i32
          %parallel_loop3A_1722 = arith.index_cast %parallel_loop3A_1721 : i32 to index
          %parallel_loop3A_1723 = tpu.vector_load %arg9[%parallel_loop3A_1722] {strides = array<i32>} : memref<15360xf32, #tpu.memory_space<vmem>>, vector<16xf32>,
          %parallel_loop3A_1724 = vector.shape_cast %parallel_loop3A_1723 : vector<16xf32> to vector<16xf32>
          %parallel_loop3A_1725 = arith.constant 160 : i32
          %parallel_loop3A_1726 = arith.addi %parallel_loop3A_1674, %parallel_loop3A_1725 : i32
          %parallel_loop3A_1727 = arith.index_cast %parallel_loop3A_1726 : i32 to index
          %parallel_loop3A_1728 = tpu.vector_load %arg9[%parallel_loop3A_1727] {strides = array<i32>} : memref<15360xf32, #tpu.memory_space<vmem>>, vector<16xf32>,
          %parallel_loop3A_1729 = vector.shape_cast %parallel_loop3A_1728 : vector<16xf32> to vector<16xf32>
          %parallel_loop3A_1730 = arith.constant 176 : i32
          %parallel_loop3A_1731 = arith.addi %parallel_loop3A_1674, %parallel_loop3A_1730 : i32
          %parallel_loop3A_1732 = arith.index_cast %parallel_loop3A_1731 : i32 to index
          %parallel_loop3A_1733 = tpu.vector_load %arg9[%parallel_loop3A_1732] {strides = array<i32>} : memref<15360xf32, #tpu.memory_space<vmem>>, vector<16xf32>,
          %parallel_loop3A_1734 = vector.shape_cast %parallel_loop3A_1733 : vector<16xf32> to vector<16xf32>
          %parallel_loop3A_1735 = arith.constant 192 : i32
          %parallel_loop3A_1736 = arith.addi %parallel_loop3A_1674, %parallel_loop3A_1735 : i32
          %parallel_loop3A_1737 = arith.index_cast %parallel_loop3A_1736 : i32 to index
          %parallel_loop3A_1738 = tpu.vector_load %arg9[%parallel_loop3A_1737] {strides = array<i32>} : memref<15360xf32, #tpu.memory_space<vmem>>, vector<16xf32>,
          %parallel_loop3A_1739 = vector.shape_cast %parallel_loop3A_1738 : vector<16xf32> to vector<16xf32>
          %parallel_loop3A_1740 = arith.constant 208 : i32
          %parallel_loop3A_1741 = arith.addi %parallel_loop3A_1674, %parallel_loop3A_1740 : i32
          %parallel_loop3A_1742 = arith.index_cast %parallel_loop3A_1741 : i32 to index
          %parallel_loop3A_1743 = tpu.vector_load %arg9[%parallel_loop3A_1742] {strides = array<i32>} : memref<15360xf32, #tpu.memory_space<vmem>>, vector<16xf32>,
          %parallel_loop3A_1744 = vector.shape_cast %parallel_loop3A_1743 : vector<16xf32> to vector<16xf32>
          %parallel_loop3A_1745 = arith.constant 224 : i32
          %parallel_loop3A_1746 = arith.addi %parallel_loop3A_1674, %parallel_loop3A_1745 : i32
          %parallel_loop3A_1747 = arith.index_cast %parallel_loop3A_1746 : i32 to index
          %parallel_loop3A_1748 = tpu.vector_load %arg9[%parallel_loop3A_1747] {strides = array<i32>} : memref<15360xf32, #tpu.memory_space<vmem>>, vector<16xf32>,
          %parallel_loop3A_1749 = vector.shape_cast %parallel_loop3A_1748 : vector<16xf32> to vector<16xf32>
          %parallel_loop3A_1750 = arith.constant 240 : i32
          %parallel_loop3A_1751 = arith.addi %parallel_loop3A_1674, %parallel_loop3A_1750 : i32
          %parallel_loop3A_1752 = arith.index_cast %parallel_loop3A_1751 : i32 to index
          %parallel_loop3A_1753 = tpu.vector_load %arg9[%parallel_loop3A_1752] {strides = array<i32>} : memref<15360xf32, #tpu.memory_space<vmem>>, vector<16xf32>,
          %parallel_loop3A_1754 = vector.shape_cast %parallel_loop3A_1753 : vector<16xf32> to vector<16xf32>
          %parallel_loop3A_1755 = arith.constant 8 : i32
          %parallel_loop3A_1756 = arith.addi %parallel_loop3A_120, %parallel_loop3A_1755 : i32
          %parallel_loop3A_1757 = arith.index_cast %parallel_loop3A_1756 : i32 to index
          %parallel_loop3A_1758 = arith.constant 0 : index
          %parallel_loop3A_1759 = tpu.vector_load %arg8[%parallel_loop3A_1757, %parallel_loop3A_1758] {strides = array<i32>} : memref<160x256xf32, #tpu.memory_space<vmem>>, vector<1x16xf32>,
          %parallel_loop3A_1760 = vector.shape_cast %parallel_loop3A_1759 : vector<1x16xf32> to vector<16xf32>
          %parallel_loop3A_1761 = vector.shape_cast %parallel_loop3A_1679 : vector<16xf32> to vector<1x16xf32>
          tpu.vector_store %arg8[%parallel_loop3A_1757, %parallel_loop3A_1758], %parallel_loop3A_1761 {strides = array<i32>} : memref<160x256xf32, #tpu.memory_space<vmem>>, vector<1x16xf32>,
          %parallel_loop3A_1762 = arith.constant 8 : i32
          %parallel_loop3A_1763 = arith.addi %parallel_loop3A_120, %parallel_loop3A_1762 : i32
          %parallel_loop3A_1764 = arith.index_cast %parallel_loop3A_1763 : i32 to index
          %parallel_loop3A_1765 = arith.constant 16 : index
          %parallel_loop3A_1766 = tpu.vector_load %arg8[%parallel_loop3A_1764, %parallel_loop3A_1765] {strides = array<i32>} : memref<160x256xf32, #tpu.memory_space<vmem>>, vector<1x16xf32>,
          %parallel_loop3A_1767 = vector.shape_cast %parallel_loop3A_1766 : vector<1x16xf32> to vector<16xf32>
          %parallel_loop3A_1768 = vector.shape_cast %parallel_loop3A_1684 : vector<16xf32> to vector<1x16xf32>
          tpu.vector_store %arg8[%parallel_loop3A_1764, %parallel_loop3A_1765], %parallel_loop3A_1768 {strides = array<i32>} : memref<160x256xf32, #tpu.memory_space<vmem>>, vector<1x16xf32>,
          %parallel_loop3A_1769 = arith.constant 8 : i32
          %parallel_loop3A_1770 = arith.addi %parallel_loop3A_120, %parallel_loop3A_1769 : i32
          %parallel_loop3A_1771 = arith.index_cast %parallel_loop3A_1770 : i32 to index
          %parallel_loop3A_1772 = arith.constant 32 : index
          %parallel_loop3A_1773 = tpu.vector_load %arg8[%parallel_loop3A_1771, %parallel_loop3A_1772] {strides = array<i32>} : memref<160x256xf32, #tpu.memory_space<vmem>>, vector<1x16xf32>,
          %parallel_loop3A_1774 = vector.shape_cast %parallel_loop3A_1773 : vector<1x16xf32> to vector<16xf32>
          %parallel_loop3A_1775 = vector.shape_cast %parallel_loop3A_1689 : vector<16xf32> to vector<1x16xf32>
          tpu.vector_store %arg8[%parallel_loop3A_1771, %parallel_loop3A_1772], %parallel_loop3A_1775 {strides = array<i32>} : memref<160x256xf32, #tpu.memory_space<vmem>>, vector<1x16xf32>,
          %parallel_loop3A_1776 = arith.constant 8 : i32
          %parallel_loop3A_1777 = arith.addi %parallel_loop3A_120, %parallel_loop3A_1776 : i32
          %parallel_loop3A_1778 = arith.index_cast %parallel_loop3A_1777 : i32 to index
          %parallel_loop3A_1779 = arith.constant 48 : index
          %parallel_loop3A_1780 = tpu.vector_load %arg8[%parallel_loop3A_1778, %parallel_loop3A_1779] {strides = array<i32>} : memref<160x256xf32, #tpu.memory_space<vmem>>, vector<1x16xf32>,
          %parallel_loop3A_1781 = vector.shape_cast %parallel_loop3A_1780 : vector<1x16xf32> to vector<16xf32>
          %parallel_loop3A_1782 = vector.shape_cast %parallel_loop3A_1694 : vector<16xf32> to vector<1x16xf32>
          tpu.vector_store %arg8[%parallel_loop3A_1778, %parallel_loop3A_1779], %parallel_loop3A_1782 {strides = array<i32>} : memref<160x256xf32, #tpu.memory_space<vmem>>, vector<1x16xf32>,
          %parallel_loop3A_1783 = arith.constant 8 : i32
          %parallel_loop3A_1784 = arith.addi %parallel_loop3A_120, %parallel_loop3A_1783 : i32
          %parallel_loop3A_1785 = arith.index_cast %parallel_loop3A_1784 : i32 to index
          %parallel_loop3A_1786 = arith.constant 64 : index
          %parallel_loop3A_1787 = tpu.vector_load %arg8[%parallel_loop3A_1785, %parallel_loop3A_1786] {strides = array<i32>} : memref<160x256xf32, #tpu.memory_space<vmem>>, vector<1x16xf32>,
          %parallel_loop3A_1788 = vector.shape_cast %parallel_loop3A_1787 : vector<1x16xf32> to vector<16xf32>
          %parallel_loop3A_1789 = vector.shape_cast %parallel_loop3A_1699 : vector<16xf32> to vector<1x16xf32>
          tpu.vector_store %arg8[%parallel_loop3A_1785, %parallel_loop3A_1786], %parallel_loop3A_1789 {strides = array<i32>} : memref<160x256xf32, #tpu.memory_space<vmem>>, vector<1x16xf32>,
          %parallel_loop3A_1790 = arith.constant 8 : i32
          %parallel_loop3A_1791 = arith.addi %parallel_loop3A_120, %parallel_loop3A_1790 : i32
          %parallel_loop3A_1792 = arith.index_cast %parallel_loop3A_1791 : i32 to index
          %parallel_loop3A_1793 = arith.constant 80 : index
          %parallel_loop3A_1794 = tpu.vector_load %arg8[%parallel_loop3A_1792, %parallel_loop3A_1793] {strides = array<i32>} : memref<160x256xf32, #tpu.memory_space<vmem>>, vector<1x16xf32>,
          %parallel_loop3A_1795 = vector.shape_cast %parallel_loop3A_1794 : vector<1x16xf32> to vector<16xf32>
          %parallel_loop3A_1796 = vector.shape_cast %parallel_loop3A_1704 : vector<16xf32> to vector<1x16xf32>
          tpu.vector_store %arg8[%parallel_loop3A_1792, %parallel_loop3A_1793], %parallel_loop3A_1796 {strides = array<i32>} : memref<160x256xf32, #tpu.memory_space<vmem>>, vector<1x16xf32>,
          %parallel_loop3A_1797 = arith.constant 8 : i32
          %parallel_loop3A_1798 = arith.addi %parallel_loop3A_120, %parallel_loop3A_1797 : i32
          %parallel_loop3A_1799 = arith.index_cast %parallel_loop3A_1798 : i32 to index
          %parallel_loop3A_1800 = arith.constant 96 : index
          %parallel_loop3A_1801 = tpu.vector_load %arg8[%parallel_loop3A_1799, %parallel_loop3A_1800] {strides = array<i32>} : memref<160x256xf32, #tpu.memory_space<vmem>>, vector<1x16xf32>,
          %parallel_loop3A_1802 = vector.shape_cast %parallel_loop3A_1801 : vector<1x16xf32> to vector<16xf32>
          %parallel_loop3A_1803 = vector.shape_cast %parallel_loop3A_1709 : vector<16xf32> to vector<1x16xf32>
          tpu.vector_store %arg8[%parallel_loop3A_1799, %parallel_loop3A_1800], %parallel_loop3A_1803 {strides = array<i32>} : memref<160x256xf32, #tpu.memory_space<vmem>>, vector<1x16xf32>,
          %parallel_loop3A_1804 = arith.constant 8 : i32
          %parallel_loop3A_1805 = arith.addi %parallel_loop3A_120, %parallel_loop3A_1804 : i32
          %parallel_loop3A_1806 = arith.index_cast %parallel_loop3A_1805 : i32 to index
          %parallel_loop3A_1807 = arith.constant 112 : index
          %parallel_loop3A_1808 = tpu.vector_load %arg8[%parallel_loop3A_1806, %parallel_loop3A_1807] {strides = array<i32>} : memref<160x256xf32, #tpu.memory_space<vmem>>, vector<1x16xf32>,
          %parallel_loop3A_1809 = vector.shape_cast %parallel_loop3A_1808 : vector<1x16xf32> to vector<16xf32>
          %parallel_loop3A_1810 = vector.shape_cast %parallel_loop3A_1714 : vector<16xf32> to vector<1x16xf32>
          tpu.vector_store %arg8[%parallel_loop3A_1806, %parallel_loop3A_1807], %parallel_loop3A_1810 {strides = array<i32>} : memref<160x256xf32, #tpu.memory_space<vmem>>, vector<1x16xf32>,
          %parallel_loop3A_1811 = arith.constant 8 : i32
          %parallel_loop3A_1812 = arith.addi %parallel_loop3A_120, %parallel_loop3A_1811 : i32
          %parallel_loop3A_1813 = arith.index_cast %parallel_loop3A_1812 : i32 to index
          %parallel_loop3A_1814 = arith.constant 128 : index
          %parallel_loop3A_1815 = tpu.vector_load %arg8[%parallel_loop3A_1813, %parallel_loop3A_1814] {strides = array<i32>} : memref<160x256xf32, #tpu.memory_space<vmem>>, vector<1x16xf32>,
          %parallel_loop3A_1816 = vector.shape_cast %parallel_loop3A_1815 : vector<1x16xf32> to vector<16xf32>
          %parallel_loop3A_1817 = vector.shape_cast %parallel_loop3A_1719 : vector<16xf32> to vector<1x16xf32>
          tpu.vector_store %arg8[%parallel_loop3A_1813, %parallel_loop3A_1814], %parallel_loop3A_1817 {strides = array<i32>} : memref<160x256xf32, #tpu.memory_space<vmem>>, vector<1x16xf32>,
          %parallel_loop3A_1818 = arith.constant 8 : i32
          %parallel_loop3A_1819 = arith.addi %parallel_loop3A_120, %parallel_loop3A_1818 : i32
          %parallel_loop3A_1820 = arith.index_cast %parallel_loop3A_1819 : i32 to index
          %parallel_loop3A_1821 = arith.constant 144 : index
          %parallel_loop3A_1822 = tpu.vector_load %arg8[%parallel_loop3A_1820, %parallel_loop3A_1821] {strides = array<i32>} : memref<160x256xf32, #tpu.memory_space<vmem>>, vector<1x16xf32>,
          %parallel_loop3A_1823 = vector.shape_cast %parallel_loop3A_1822 : vector<1x16xf32> to vector<16xf32>
          %parallel_loop3A_1824 = vector.shape_cast %parallel_loop3A_1724 : vector<16xf32> to vector<1x16xf32>
          tpu.vector_store %arg8[%parallel_loop3A_1820, %parallel_loop3A_1821], %parallel_loop3A_1824 {strides = array<i32>} : memref<160x256xf32, #tpu.memory_space<vmem>>, vector<1x16xf32>,
          %parallel_loop3A_1825 = arith.constant 8 : i32
          %parallel_loop3A_1826 = arith.addi %parallel_loop3A_120, %parallel_loop3A_1825 : i32
          %parallel_loop3A_1827 = arith.index_cast %parallel_loop3A_1826 : i32 to index
          %parallel_loop3A_1828 = arith.constant 160 : index
          %parallel_loop3A_1829 = tpu.vector_load %arg8[%parallel_loop3A_1827, %parallel_loop3A_1828] {strides = array<i32>} : memref<160x256xf32, #tpu.memory_space<vmem>>, vector<1x16xf32>,
          %parallel_loop3A_1830 = vector.shape_cast %parallel_loop3A_1829 : vector<1x16xf32> to vector<16xf32>
          %parallel_loop3A_1831 = vector.shape_cast %parallel_loop3A_1729 : vector<16xf32> to vector<1x16xf32>
          tpu.vector_store %arg8[%parallel_loop3A_1827, %parallel_loop3A_1828], %parallel_loop3A_1831 {strides = array<i32>} : memref<160x256xf32, #tpu.memory_space<vmem>>, vector<1x16xf32>,
          %parallel_loop3A_1832 = arith.constant 8 : i32
          %parallel_loop3A_1833 = arith.addi %parallel_loop3A_120, %parallel_loop3A_1832 : i32
          %parallel_loop3A_1834 = arith.index_cast %parallel_loop3A_1833 : i32 to index
          %parallel_loop3A_1835 = arith.constant 176 : index
          %parallel_loop3A_1836 = tpu.vector_load %arg8[%parallel_loop3A_1834, %parallel_loop3A_1835] {strides = array<i32>} : memref<160x256xf32, #tpu.memory_space<vmem>>, vector<1x16xf32>,
          %parallel_loop3A_1837 = vector.shape_cast %parallel_loop3A_1836 : vector<1x16xf32> to vector<16xf32>
          %parallel_loop3A_1838 = vector.shape_cast %parallel_loop3A_1734 : vector<16xf32> to vector<1x16xf32>
          tpu.vector_store %arg8[%parallel_loop3A_1834, %parallel_loop3A_1835], %parallel_loop3A_1838 {strides = array<i32>} : memref<160x256xf32, #tpu.memory_space<vmem>>, vector<1x16xf32>,
          %parallel_loop3A_1839 = arith.constant 8 : i32
          %parallel_loop3A_1840 = arith.addi %parallel_loop3A_120, %parallel_loop3A_1839 : i32
          %parallel_loop3A_1841 = arith.index_cast %parallel_loop3A_1840 : i32 to index
          %parallel_loop3A_1842 = arith.constant 192 : index
          %parallel_loop3A_1843 = tpu.vector_load %arg8[%parallel_loop3A_1841, %parallel_loop3A_1842] {strides = array<i32>} : memref<160x256xf32, #tpu.memory_space<vmem>>, vector<1x16xf32>,
          %parallel_loop3A_1844 = vector.shape_cast %parallel_loop3A_1843 : vector<1x16xf32> to vector<16xf32>
          %parallel_loop3A_1845 = vector.shape_cast %parallel_loop3A_1739 : vector<16xf32> to vector<1x16xf32>
          tpu.vector_store %arg8[%parallel_loop3A_1841, %parallel_loop3A_1842], %parallel_loop3A_1845 {strides = array<i32>} : memref<160x256xf32, #tpu.memory_space<vmem>>, vector<1x16xf32>,
          %parallel_loop3A_1846 = arith.constant 8 : i32
          %parallel_loop3A_1847 = arith.addi %parallel_loop3A_120, %parallel_loop3A_1846 : i32
          %parallel_loop3A_1848 = arith.index_cast %parallel_loop3A_1847 : i32 to index
          %parallel_loop3A_1849 = arith.constant 208 : index
          %parallel_loop3A_1850 = tpu.vector_load %arg8[%parallel_loop3A_1848, %parallel_loop3A_1849] {strides = array<i32>} : memref<160x256xf32, #tpu.memory_space<vmem>>, vector<1x16xf32>,
          %parallel_loop3A_1851 = vector.shape_cast %parallel_loop3A_1850 : vector<1x16xf32> to vector<16xf32>
          %parallel_loop3A_1852 = vector.shape_cast %parallel_loop3A_1744 : vector<16xf32> to vector<1x16xf32>
          tpu.vector_store %arg8[%parallel_loop3A_1848, %parallel_loop3A_1849], %parallel_loop3A_1852 {strides = array<i32>} : memref<160x256xf32, #tpu.memory_space<vmem>>, vector<1x16xf32>,
          %parallel_loop3A_1853 = arith.constant 8 : i32
          %parallel_loop3A_1854 = arith.addi %parallel_loop3A_120, %parallel_loop3A_1853 : i32
          %parallel_loop3A_1855 = arith.index_cast %parallel_loop3A_1854 : i32 to index
          %parallel_loop3A_1856 = arith.constant 224 : index
          %parallel_loop3A_1857 = tpu.vector_load %arg8[%parallel_loop3A_1855, %parallel_loop3A_1856] {strides = array<i32>} : memref<160x256xf32, #tpu.memory_space<vmem>>, vector<1x16xf32>,
          %parallel_loop3A_1858 = vector.shape_cast %parallel_loop3A_1857 : vector<1x16xf32> to vector<16xf32>
          %parallel_loop3A_1859 = vector.shape_cast %parallel_loop3A_1749 : vector<16xf32> to vector<1x16xf32>
          tpu.vector_store %arg8[%parallel_loop3A_1855, %parallel_loop3A_1856], %parallel_loop3A_1859 {strides = array<i32>} : memref<160x256xf32, #tpu.memory_space<vmem>>, vector<1x16xf32>,
          %parallel_loop3A_1860 = arith.constant 8 : i32
          %parallel_loop3A_1861 = arith.addi %parallel_loop3A_120, %parallel_loop3A_1860 : i32
          %parallel_loop3A_1862 = arith.index_cast %parallel_loop3A_1861 : i32 to index
          %parallel_loop3A_1863 = arith.constant 240 : index
          %parallel_loop3A_1864 = tpu.vector_load %arg8[%parallel_loop3A_1862, %parallel_loop3A_1863] {strides = array<i32>} : memref<160x256xf32, #tpu.memory_space<vmem>>, vector<1x16xf32>,
          %parallel_loop3A_1865 = vector.shape_cast %parallel_loop3A_1864 : vector<1x16xf32> to vector<16xf32>
          %parallel_loop3A_1866 = vector.shape_cast %parallel_loop3A_1754 : vector<16xf32> to vector<1x16xf32>
          tpu.vector_store %arg8[%parallel_loop3A_1862, %parallel_loop3A_1863], %parallel_loop3A_1866 {strides = array<i32>} : memref<160x256xf32, #tpu.memory_space<vmem>>, vector<1x16xf32>,
          %parallel_loop3A_1867 = vector.extract_strided_slice %parallel_loop3A_115 {offsets = [9], sizes = [1], strides = [1]} : vector<16xi32> to vector<1xi32>
          %parallel_loop3A_1868 = vector.extract %parallel_loop3A_1867[0] : i32 from vector<1xi32>
          %parallel_loop3A_1869 = arith.constant 0 : i32
          %parallel_loop3A_1870 = arith.addi %parallel_loop3A_1868, %parallel_loop3A_1869 : i32
          %parallel_loop3A_1871 = arith.index_cast %parallel_loop3A_1870 : i32 to index
          %parallel_loop3A_1872 = tpu.vector_load %arg9[%parallel_loop3A_1871] {strides = array<i32>} : memref<15360xf32, #tpu.memory_space<vmem>>, vector<16xf32>,
          %parallel_loop3A_1873 = vector.shape_cast %parallel_loop3A_1872 : vector<16xf32> to vector<16xf32>
          %parallel_loop3A_1874 = arith.constant 16 : i32
          %parallel_loop3A_1875 = arith.addi %parallel_loop3A_1868, %parallel_loop3A_1874 : i32
          %parallel_loop3A_1876 = arith.index_cast %parallel_loop3A_1875 : i32 to index
          %parallel_loop3A_1877 = tpu.vector_load %arg9[%parallel_loop3A_1876] {strides = array<i32>} : memref<15360xf32, #tpu.memory_space<vmem>>, vector<16xf32>,
          %parallel_loop3A_1878 = vector.shape_cast %parallel_loop3A_1877 : vector<16xf32> to vector<16xf32>
          %parallel_loop3A_1879 = arith.constant 32 : i32
          %parallel_loop3A_1880 = arith.addi %parallel_loop3A_1868, %parallel_loop3A_1879 : i32
          %parallel_loop3A_1881 = arith.index_cast %parallel_loop3A_1880 : i32 to index
          %parallel_loop3A_1882 = tpu.vector_load %arg9[%parallel_loop3A_1881] {strides = array<i32>} : memref<15360xf32, #tpu.memory_space<vmem>>, vector<16xf32>,
          %parallel_loop3A_1883 = vector.shape_cast %parallel_loop3A_1882 : vector<16xf32> to vector<16xf32>
          %parallel_loop3A_1884 = arith.constant 48 : i32
          %parallel_loop3A_1885 = arith.addi %parallel_loop3A_1868, %parallel_loop3A_1884 : i32
          %parallel_loop3A_1886 = arith.index_cast %parallel_loop3A_1885 : i32 to index
          %parallel_loop3A_1887 = tpu.vector_load %arg9[%parallel_loop3A_1886] {strides = array<i32>} : memref<15360xf32, #tpu.memory_space<vmem>>, vector<16xf32>,
          %parallel_loop3A_1888 = vector.shape_cast %parallel_loop3A_1887 : vector<16xf32> to vector<16xf32>
          %parallel_loop3A_1889 = arith.constant 64 : i32
          %parallel_loop3A_1890 = arith.addi %parallel_loop3A_1868, %parallel_loop3A_1889 : i32
          %parallel_loop3A_1891 = arith.index_cast %parallel_loop3A_1890 : i32 to index
          %parallel_loop3A_1892 = tpu.vector_load %arg9[%parallel_loop3A_1891] {strides = array<i32>} : memref<15360xf32, #tpu.memory_space<vmem>>, vector<16xf32>,
          %parallel_loop3A_1893 = vector.shape_cast %parallel_loop3A_1892 : vector<16xf32> to vector<16xf32>
          %parallel_loop3A_1894 = arith.constant 80 : i32
          %parallel_loop3A_1895 = arith.addi %parallel_loop3A_1868, %parallel_loop3A_1894 : i32
          %parallel_loop3A_1896 = arith.index_cast %parallel_loop3A_1895 : i32 to index
          %parallel_loop3A_1897 = tpu.vector_load %arg9[%parallel_loop3A_1896] {strides = array<i32>} : memref<15360xf32, #tpu.memory_space<vmem>>, vector<16xf32>,
          %parallel_loop3A_1898 = vector.shape_cast %parallel_loop3A_1897 : vector<16xf32> to vector<16xf32>
          %parallel_loop3A_1899 = arith.constant 96 : i32
          %parallel_loop3A_1900 = arith.addi %parallel_loop3A_1868, %parallel_loop3A_1899 : i32
          %parallel_loop3A_1901 = arith.index_cast %parallel_loop3A_1900 : i32 to index
          %parallel_loop3A_1902 = tpu.vector_load %arg9[%parallel_loop3A_1901] {strides = array<i32>} : memref<15360xf32, #tpu.memory_space<vmem>>, vector<16xf32>,
          %parallel_loop3A_1903 = vector.shape_cast %parallel_loop3A_1902 : vector<16xf32> to vector<16xf32>
          %parallel_loop3A_1904 = arith.constant 112 : i32
          %parallel_loop3A_1905 = arith.addi %parallel_loop3A_1868, %parallel_loop3A_1904 : i32
          %parallel_loop3A_1906 = arith.index_cast %parallel_loop3A_1905 : i32 to index
          %parallel_loop3A_1907 = tpu.vector_load %arg9[%parallel_loop3A_1906] {strides = array<i32>} : memref<15360xf32, #tpu.memory_space<vmem>>, vector<16xf32>,
          %parallel_loop3A_1908 = vector.shape_cast %parallel_loop3A_1907 : vector<16xf32> to vector<16xf32>
          %parallel_loop3A_1909 = arith.constant 128 : i32
          %parallel_loop3A_1910 = arith.addi %parallel_loop3A_1868, %parallel_loop3A_1909 : i32
          %parallel_loop3A_1911 = arith.index_cast %parallel_loop3A_1910 : i32 to index
          %parallel_loop3A_1912 = tpu.vector_load %arg9[%parallel_loop3A_1911] {strides = array<i32>} : memref<15360xf32, #tpu.memory_space<vmem>>, vector<16xf32>,
          %parallel_loop3A_1913 = vector.shape_cast %parallel_loop3A_1912 : vector<16xf32> to vector<16xf32>
          %parallel_loop3A_1914 = arith.constant 144 : i32
          %parallel_loop3A_1915 = arith.addi %parallel_loop3A_1868, %parallel_loop3A_1914 : i32
          %parallel_loop3A_1916 = arith.index_cast %parallel_loop3A_1915 : i32 to index
          %parallel_loop3A_1917 = tpu.vector_load %arg9[%parallel_loop3A_1916] {strides = array<i32>} : memref<15360xf32, #tpu.memory_space<vmem>>, vector<16xf32>,
          %parallel_loop3A_1918 = vector.shape_cast %parallel_loop3A_1917 : vector<16xf32> to vector<16xf32>
          %parallel_loop3A_1919 = arith.constant 160 : i32
          %parallel_loop3A_1920 = arith.addi %parallel_loop3A_1868, %parallel_loop3A_1919 : i32
          %parallel_loop3A_1921 = arith.index_cast %parallel_loop3A_1920 : i32 to index
          %parallel_loop3A_1922 = tpu.vector_load %arg9[%parallel_loop3A_1921] {strides = array<i32>} : memref<15360xf32, #tpu.memory_space<vmem>>, vector<16xf32>,
          %parallel_loop3A_1923 = vector.shape_cast %parallel_loop3A_1922 : vector<16xf32> to vector<16xf32>
          %parallel_loop3A_1924 = arith.constant 176 : i32
          %parallel_loop3A_1925 = arith.addi %parallel_loop3A_1868, %parallel_loop3A_1924 : i32
          %parallel_loop3A_1926 = arith.index_cast %parallel_loop3A_1925 : i32 to index
          %parallel_loop3A_1927 = tpu.vector_load %arg9[%parallel_loop3A_1926] {strides = array<i32>} : memref<15360xf32, #tpu.memory_space<vmem>>, vector<16xf32>,
          %parallel_loop3A_1928 = vector.shape_cast %parallel_loop3A_1927 : vector<16xf32> to vector<16xf32>
          %parallel_loop3A_1929 = arith.constant 192 : i32
          %parallel_loop3A_1930 = arith.addi %parallel_loop3A_1868, %parallel_loop3A_1929 : i32
          %parallel_loop3A_1931 = arith.index_cast %parallel_loop3A_1930 : i32 to index
          %parallel_loop3A_1932 = tpu.vector_load %arg9[%parallel_loop3A_1931] {strides = array<i32>} : memref<15360xf32, #tpu.memory_space<vmem>>, vector<16xf32>,
          %parallel_loop3A_1933 = vector.shape_cast %parallel_loop3A_1932 : vector<16xf32> to vector<16xf32>
          %parallel_loop3A_1934 = arith.constant 208 : i32
          %parallel_loop3A_1935 = arith.addi %parallel_loop3A_1868, %parallel_loop3A_1934 : i32
          %parallel_loop3A_1936 = arith.index_cast %parallel_loop3A_1935 : i32 to index
          %parallel_loop3A_1937 = tpu.vector_load %arg9[%parallel_loop3A_1936] {strides = array<i32>} : memref<15360xf32, #tpu.memory_space<vmem>>, vector<16xf32>,
          %parallel_loop3A_1938 = vector.shape_cast %parallel_loop3A_1937 : vector<16xf32> to vector<16xf32>
          %parallel_loop3A_1939 = arith.constant 224 : i32
          %parallel_loop3A_1940 = arith.addi %parallel_loop3A_1868, %parallel_loop3A_1939 : i32
          %parallel_loop3A_1941 = arith.index_cast %parallel_loop3A_1940 : i32 to index
          %parallel_loop3A_1942 = tpu.vector_load %arg9[%parallel_loop3A_1941] {strides = array<i32>} : memref<15360xf32, #tpu.memory_space<vmem>>, vector<16xf32>,
          %parallel_loop3A_1943 = vector.shape_cast %parallel_loop3A_1942 : vector<16xf32> to vector<16xf32>
          %parallel_loop3A_1944 = arith.constant 240 : i32
          %parallel_loop3A_1945 = arith.addi %parallel_loop3A_1868, %parallel_loop3A_1944 : i32
          %parallel_loop3A_1946 = arith.index_cast %parallel_loop3A_1945 : i32 to index
          %parallel_loop3A_1947 = tpu.vector_load %arg9[%parallel_loop3A_1946] {strides = array<i32>} : memref<15360xf32, #tpu.memory_space<vmem>>, vector<16xf32>,
          %parallel_loop3A_1948 = vector.shape_cast %parallel_loop3A_1947 : vector<16xf32> to vector<16xf32>
          %parallel_loop3A_1949 = arith.constant 9 : i32
          %parallel_loop3A_1950 = arith.addi %parallel_loop3A_120, %parallel_loop3A_1949 : i32
          %parallel_loop3A_1951 = arith.index_cast %parallel_loop3A_1950 : i32 to index
          %parallel_loop3A_1952 = arith.constant 0 : index
          %parallel_loop3A_1953 = tpu.vector_load %arg8[%parallel_loop3A_1951, %parallel_loop3A_1952] {strides = array<i32>} : memref<160x256xf32, #tpu.memory_space<vmem>>, vector<1x16xf32>,
          %parallel_loop3A_1954 = vector.shape_cast %parallel_loop3A_1953 : vector<1x16xf32> to vector<16xf32>
          %parallel_loop3A_1955 = vector.shape_cast %parallel_loop3A_1873 : vector<16xf32> to vector<1x16xf32>
          tpu.vector_store %arg8[%parallel_loop3A_1951, %parallel_loop3A_1952], %parallel_loop3A_1955 {strides = array<i32>} : memref<160x256xf32, #tpu.memory_space<vmem>>, vector<1x16xf32>,
          %parallel_loop3A_1956 = arith.constant 9 : i32
          %parallel_loop3A_1957 = arith.addi %parallel_loop3A_120, %parallel_loop3A_1956 : i32
          %parallel_loop3A_1958 = arith.index_cast %parallel_loop3A_1957 : i32 to index
          %parallel_loop3A_1959 = arith.constant 16 : index
          %parallel_loop3A_1960 = tpu.vector_load %arg8[%parallel_loop3A_1958, %parallel_loop3A_1959] {strides = array<i32>} : memref<160x256xf32, #tpu.memory_space<vmem>>, vector<1x16xf32>,
          %parallel_loop3A_1961 = vector.shape_cast %parallel_loop3A_1960 : vector<1x16xf32> to vector<16xf32>
          %parallel_loop3A_1962 = vector.shape_cast %parallel_loop3A_1878 : vector<16xf32> to vector<1x16xf32>
          tpu.vector_store %arg8[%parallel_loop3A_1958, %parallel_loop3A_1959], %parallel_loop3A_1962 {strides = array<i32>} : memref<160x256xf32, #tpu.memory_space<vmem>>, vector<1x16xf32>,
          %parallel_loop3A_1963 = arith.constant 9 : i32
          %parallel_loop3A_1964 = arith.addi %parallel_loop3A_120, %parallel_loop3A_1963 : i32
          %parallel_loop3A_1965 = arith.index_cast %parallel_loop3A_1964 : i32 to index
          %parallel_loop3A_1966 = arith.constant 32 : index
          %parallel_loop3A_1967 = tpu.vector_load %arg8[%parallel_loop3A_1965, %parallel_loop3A_1966] {strides = array<i32>} : memref<160x256xf32, #tpu.memory_space<vmem>>, vector<1x16xf32>,
          %parallel_loop3A_1968 = vector.shape_cast %parallel_loop3A_1967 : vector<1x16xf32> to vector<16xf32>
          %parallel_loop3A_1969 = vector.shape_cast %parallel_loop3A_1883 : vector<16xf32> to vector<1x16xf32>
          tpu.vector_store %arg8[%parallel_loop3A_1965, %parallel_loop3A_1966], %parallel_loop3A_1969 {strides = array<i32>} : memref<160x256xf32, #tpu.memory_space<vmem>>, vector<1x16xf32>,
          %parallel_loop3A_1970 = arith.constant 9 : i32
          %parallel_loop3A_1971 = arith.addi %parallel_loop3A_120, %parallel_loop3A_1970 : i32
          %parallel_loop3A_1972 = arith.index_cast %parallel_loop3A_1971 : i32 to index
          %parallel_loop3A_1973 = arith.constant 48 : index
          %parallel_loop3A_1974 = tpu.vector_load %arg8[%parallel_loop3A_1972, %parallel_loop3A_1973] {strides = array<i32>} : memref<160x256xf32, #tpu.memory_space<vmem>>, vector<1x16xf32>,
          %parallel_loop3A_1975 = vector.shape_cast %parallel_loop3A_1974 : vector<1x16xf32> to vector<16xf32>
          %parallel_loop3A_1976 = vector.shape_cast %parallel_loop3A_1888 : vector<16xf32> to vector<1x16xf32>
          tpu.vector_store %arg8[%parallel_loop3A_1972, %parallel_loop3A_1973], %parallel_loop3A_1976 {strides = array<i32>} : memref<160x256xf32, #tpu.memory_space<vmem>>, vector<1x16xf32>,
          %parallel_loop3A_1977 = arith.constant 9 : i32
          %parallel_loop3A_1978 = arith.addi %parallel_loop3A_120, %parallel_loop3A_1977 : i32
          %parallel_loop3A_1979 = arith.index_cast %parallel_loop3A_1978 : i32 to index
          %parallel_loop3A_1980 = arith.constant 64 : index
          %parallel_loop3A_1981 = tpu.vector_load %arg8[%parallel_loop3A_1979, %parallel_loop3A_1980] {strides = array<i32>} : memref<160x256xf32, #tpu.memory_space<vmem>>, vector<1x16xf32>,
          %parallel_loop3A_1982 = vector.shape_cast %parallel_loop3A_1981 : vector<1x16xf32> to vector<16xf32>
          %parallel_loop3A_1983 = vector.shape_cast %parallel_loop3A_1893 : vector<16xf32> to vector<1x16xf32>
          tpu.vector_store %arg8[%parallel_loop3A_1979, %parallel_loop3A_1980], %parallel_loop3A_1983 {strides = array<i32>} : memref<160x256xf32, #tpu.memory_space<vmem>>, vector<1x16xf32>,
          %parallel_loop3A_1984 = arith.constant 9 : i32
          %parallel_loop3A_1985 = arith.addi %parallel_loop3A_120, %parallel_loop3A_1984 : i32
          %parallel_loop3A_1986 = arith.index_cast %parallel_loop3A_1985 : i32 to index
          %parallel_loop3A_1987 = arith.constant 80 : index
          %parallel_loop3A_1988 = tpu.vector_load %arg8[%parallel_loop3A_1986, %parallel_loop3A_1987] {strides = array<i32>} : memref<160x256xf32, #tpu.memory_space<vmem>>, vector<1x16xf32>,
          %parallel_loop3A_1989 = vector.shape_cast %parallel_loop3A_1988 : vector<1x16xf32> to vector<16xf32>
          %parallel_loop3A_1990 = vector.shape_cast %parallel_loop3A_1898 : vector<16xf32> to vector<1x16xf32>
          tpu.vector_store %arg8[%parallel_loop3A_1986, %parallel_loop3A_1987], %parallel_loop3A_1990 {strides = array<i32>} : memref<160x256xf32, #tpu.memory_space<vmem>>, vector<1x16xf32>,
          %parallel_loop3A_1991 = arith.constant 9 : i32
          %parallel_loop3A_1992 = arith.addi %parallel_loop3A_120, %parallel_loop3A_1991 : i32
          %parallel_loop3A_1993 = arith.index_cast %parallel_loop3A_1992 : i32 to index
          %parallel_loop3A_1994 = arith.constant 96 : index
          %parallel_loop3A_1995 = tpu.vector_load %arg8[%parallel_loop3A_1993, %parallel_loop3A_1994] {strides = array<i32>} : memref<160x256xf32, #tpu.memory_space<vmem>>, vector<1x16xf32>,
          %parallel_loop3A_1996 = vector.shape_cast %parallel_loop3A_1995 : vector<1x16xf32> to vector<16xf32>
          %parallel_loop3A_1997 = vector.shape_cast %parallel_loop3A_1903 : vector<16xf32> to vector<1x16xf32>
          tpu.vector_store %arg8[%parallel_loop3A_1993, %parallel_loop3A_1994], %parallel_loop3A_1997 {strides = array<i32>} : memref<160x256xf32, #tpu.memory_space<vmem>>, vector<1x16xf32>,
          %parallel_loop3A_1998 = arith.constant 9 : i32
          %parallel_loop3A_1999 = arith.addi %parallel_loop3A_120, %parallel_loop3A_1998 : i32
          %parallel_loop3A_2000 = arith.index_cast %parallel_loop3A_1999 : i32 to index
          %parallel_loop3A_2001 = arith.constant 112 : index
          %parallel_loop3A_2002 = tpu.vector_load %arg8[%parallel_loop3A_2000, %parallel_loop3A_2001] {strides = array<i32>} : memref<160x256xf32, #tpu.memory_space<vmem>>, vector<1x16xf32>,
          %parallel_loop3A_2003 = vector.shape_cast %parallel_loop3A_2002 : vector<1x16xf32> to vector<16xf32>
          %parallel_loop3A_2004 = vector.shape_cast %parallel_loop3A_1908 : vector<16xf32> to vector<1x16xf32>
          tpu.vector_store %arg8[%parallel_loop3A_2000, %parallel_loop3A_2001], %parallel_loop3A_2004 {strides = array<i32>} : memref<160x256xf32, #tpu.memory_space<vmem>>, vector<1x16xf32>,
          %parallel_loop3A_2005 = arith.constant 9 : i32
          %parallel_loop3A_2006 = arith.addi %parallel_loop3A_120, %parallel_loop3A_2005 : i32
          %parallel_loop3A_2007 = arith.index_cast %parallel_loop3A_2006 : i32 to index
          %parallel_loop3A_2008 = arith.constant 128 : index
          %parallel_loop3A_2009 = tpu.vector_load %arg8[%parallel_loop3A_2007, %parallel_loop3A_2008] {strides = array<i32>} : memref<160x256xf32, #tpu.memory_space<vmem>>, vector<1x16xf32>,
          %parallel_loop3A_2010 = vector.shape_cast %parallel_loop3A_2009 : vector<1x16xf32> to vector<16xf32>
          %parallel_loop3A_2011 = vector.shape_cast %parallel_loop3A_1913 : vector<16xf32> to vector<1x16xf32>
          tpu.vector_store %arg8[%parallel_loop3A_2007, %parallel_loop3A_2008], %parallel_loop3A_2011 {strides = array<i32>} : memref<160x256xf32, #tpu.memory_space<vmem>>, vector<1x16xf32>,
          %parallel_loop3A_2012 = arith.constant 9 : i32
          %parallel_loop3A_2013 = arith.addi %parallel_loop3A_120, %parallel_loop3A_2012 : i32
          %parallel_loop3A_2014 = arith.index_cast %parallel_loop3A_2013 : i32 to index
          %parallel_loop3A_2015 = arith.constant 144 : index
          %parallel_loop3A_2016 = tpu.vector_load %arg8[%parallel_loop3A_2014, %parallel_loop3A_2015] {strides = array<i32>} : memref<160x256xf32, #tpu.memory_space<vmem>>, vector<1x16xf32>,
          %parallel_loop3A_2017 = vector.shape_cast %parallel_loop3A_2016 : vector<1x16xf32> to vector<16xf32>
          %parallel_loop3A_2018 = vector.shape_cast %parallel_loop3A_1918 : vector<16xf32> to vector<1x16xf32>
          tpu.vector_store %arg8[%parallel_loop3A_2014, %parallel_loop3A_2015], %parallel_loop3A_2018 {strides = array<i32>} : memref<160x256xf32, #tpu.memory_space<vmem>>, vector<1x16xf32>,
          %parallel_loop3A_2019 = arith.constant 9 : i32
          %parallel_loop3A_2020 = arith.addi %parallel_loop3A_120, %parallel_loop3A_2019 : i32
          %parallel_loop3A_2021 = arith.index_cast %parallel_loop3A_2020 : i32 to index
          %parallel_loop3A_2022 = arith.constant 160 : index
          %parallel_loop3A_2023 = tpu.vector_load %arg8[%parallel_loop3A_2021, %parallel_loop3A_2022] {strides = array<i32>} : memref<160x256xf32, #tpu.memory_space<vmem>>, vector<1x16xf32>,
          %parallel_loop3A_2024 = vector.shape_cast %parallel_loop3A_2023 : vector<1x16xf32> to vector<16xf32>
          %parallel_loop3A_2025 = vector.shape_cast %parallel_loop3A_1923 : vector<16xf32> to vector<1x16xf32>
          tpu.vector_store %arg8[%parallel_loop3A_2021, %parallel_loop3A_2022], %parallel_loop3A_2025 {strides = array<i32>} : memref<160x256xf32, #tpu.memory_space<vmem>>, vector<1x16xf32>,
          %parallel_loop3A_2026 = arith.constant 9 : i32
          %parallel_loop3A_2027 = arith.addi %parallel_loop3A_120, %parallel_loop3A_2026 : i32
          %parallel_loop3A_2028 = arith.index_cast %parallel_loop3A_2027 : i32 to index
          %parallel_loop3A_2029 = arith.constant 176 : index
          %parallel_loop3A_2030 = tpu.vector_load %arg8[%parallel_loop3A_2028, %parallel_loop3A_2029] {strides = array<i32>} : memref<160x256xf32, #tpu.memory_space<vmem>>, vector<1x16xf32>,
          %parallel_loop3A_2031 = vector.shape_cast %parallel_loop3A_2030 : vector<1x16xf32> to vector<16xf32>
          %parallel_loop3A_2032 = vector.shape_cast %parallel_loop3A_1928 : vector<16xf32> to vector<1x16xf32>
          tpu.vector_store %arg8[%parallel_loop3A_2028, %parallel_loop3A_2029], %parallel_loop3A_2032 {strides = array<i32>} : memref<160x256xf32, #tpu.memory_space<vmem>>, vector<1x16xf32>,
          %parallel_loop3A_2033 = arith.constant 9 : i32
          %parallel_loop3A_2034 = arith.addi %parallel_loop3A_120, %parallel_loop3A_2033 : i32
          %parallel_loop3A_2035 = arith.index_cast %parallel_loop3A_2034 : i32 to index
          %parallel_loop3A_2036 = arith.constant 192 : index
          %parallel_loop3A_2037 = tpu.vector_load %arg8[%parallel_loop3A_2035, %parallel_loop3A_2036] {strides = array<i32>} : memref<160x256xf32, #tpu.memory_space<vmem>>, vector<1x16xf32>,
          %parallel_loop3A_2038 = vector.shape_cast %parallel_loop3A_2037 : vector<1x16xf32> to vector<16xf32>
          %parallel_loop3A_2039 = vector.shape_cast %parallel_loop3A_1933 : vector<16xf32> to vector<1x16xf32>
          tpu.vector_store %arg8[%parallel_loop3A_2035, %parallel_loop3A_2036], %parallel_loop3A_2039 {strides = array<i32>} : memref<160x256xf32, #tpu.memory_space<vmem>>, vector<1x16xf32>,
          %parallel_loop3A_2040 = arith.constant 9 : i32
          %parallel_loop3A_2041 = arith.addi %parallel_loop3A_120, %parallel_loop3A_2040 : i32
          %parallel_loop3A_2042 = arith.index_cast %parallel_loop3A_2041 : i32 to index
          %parallel_loop3A_2043 = arith.constant 208 : index
          %parallel_loop3A_2044 = tpu.vector_load %arg8[%parallel_loop3A_2042, %parallel_loop3A_2043] {strides = array<i32>} : memref<160x256xf32, #tpu.memory_space<vmem>>, vector<1x16xf32>,
          %parallel_loop3A_2045 = vector.shape_cast %parallel_loop3A_2044 : vector<1x16xf32> to vector<16xf32>
          %parallel_loop3A_2046 = vector.shape_cast %parallel_loop3A_1938 : vector<16xf32> to vector<1x16xf32>
          tpu.vector_store %arg8[%parallel_loop3A_2042, %parallel_loop3A_2043], %parallel_loop3A_2046 {strides = array<i32>} : memref<160x256xf32, #tpu.memory_space<vmem>>, vector<1x16xf32>,
          %parallel_loop3A_2047 = arith.constant 9 : i32
          %parallel_loop3A_2048 = arith.addi %parallel_loop3A_120, %parallel_loop3A_2047 : i32
          %parallel_loop3A_2049 = arith.index_cast %parallel_loop3A_2048 : i32 to index
          %parallel_loop3A_2050 = arith.constant 224 : index
          %parallel_loop3A_2051 = tpu.vector_load %arg8[%parallel_loop3A_2049, %parallel_loop3A_2050] {strides = array<i32>} : memref<160x256xf32, #tpu.memory_space<vmem>>, vector<1x16xf32>,
          %parallel_loop3A_2052 = vector.shape_cast %parallel_loop3A_2051 : vector<1x16xf32> to vector<16xf32>
          %parallel_loop3A_2053 = vector.shape_cast %parallel_loop3A_1943 : vector<16xf32> to vector<1x16xf32>
          tpu.vector_store %arg8[%parallel_loop3A_2049, %parallel_loop3A_2050], %parallel_loop3A_2053 {strides = array<i32>} : memref<160x256xf32, #tpu.memory_space<vmem>>, vector<1x16xf32>,
          %parallel_loop3A_2054 = arith.constant 9 : i32
          %parallel_loop3A_2055 = arith.addi %parallel_loop3A_120, %parallel_loop3A_2054 : i32
          %parallel_loop3A_2056 = arith.index_cast %parallel_loop3A_2055 : i32 to index
          %parallel_loop3A_2057 = arith.constant 240 : index
          %parallel_loop3A_2058 = tpu.vector_load %arg8[%parallel_loop3A_2056, %parallel_loop3A_2057] {strides = array<i32>} : memref<160x256xf32, #tpu.memory_space<vmem>>, vector<1x16xf32>,
          %parallel_loop3A_2059 = vector.shape_cast %parallel_loop3A_2058 : vector<1x16xf32> to vector<16xf32>
          %parallel_loop3A_2060 = vector.shape_cast %parallel_loop3A_1948 : vector<16xf32> to vector<1x16xf32>
          tpu.vector_store %arg8[%parallel_loop3A_2056, %parallel_loop3A_2057], %parallel_loop3A_2060 {strides = array<i32>} : memref<160x256xf32, #tpu.memory_space<vmem>>, vector<1x16xf32>,
          %parallel_loop3A_2061 = vector.extract_strided_slice %parallel_loop3A_115 {offsets = [10], sizes = [1], strides = [1]} : vector<16xi32> to vector<1xi32>
          %parallel_loop3A_2062 = vector.extract %parallel_loop3A_2061[0] : i32 from vector<1xi32>
          %parallel_loop3A_2063 = arith.constant 0 : i32
          %parallel_loop3A_2064 = arith.addi %parallel_loop3A_2062, %parallel_loop3A_2063 : i32
          %parallel_loop3A_2065 = arith.index_cast %parallel_loop3A_2064 : i32 to index
          %parallel_loop3A_2066 = tpu.vector_load %arg9[%parallel_loop3A_2065] {strides = array<i32>} : memref<15360xf32, #tpu.memory_space<vmem>>, vector<16xf32>,
          %parallel_loop3A_2067 = vector.shape_cast %parallel_loop3A_2066 : vector<16xf32> to vector<16xf32>
          %parallel_loop3A_2068 = arith.constant 16 : i32
          %parallel_loop3A_2069 = arith.addi %parallel_loop3A_2062, %parallel_loop3A_2068 : i32
          %parallel_loop3A_2070 = arith.index_cast %parallel_loop3A_2069 : i32 to index
          %parallel_loop3A_2071 = tpu.vector_load %arg9[%parallel_loop3A_2070] {strides = array<i32>} : memref<15360xf32, #tpu.memory_space<vmem>>, vector<16xf32>,
          %parallel_loop3A_2072 = vector.shape_cast %parallel_loop3A_2071 : vector<16xf32> to vector<16xf32>
          %parallel_loop3A_2073 = arith.constant 32 : i32
          %parallel_loop3A_2074 = arith.addi %parallel_loop3A_2062, %parallel_loop3A_2073 : i32
          %parallel_loop3A_2075 = arith.index_cast %parallel_loop3A_2074 : i32 to index
          %parallel_loop3A_2076 = tpu.vector_load %arg9[%parallel_loop3A_2075] {strides = array<i32>} : memref<15360xf32, #tpu.memory_space<vmem>>, vector<16xf32>,
          %parallel_loop3A_2077 = vector.shape_cast %parallel_loop3A_2076 : vector<16xf32> to vector<16xf32>
          %parallel_loop3A_2078 = arith.constant 48 : i32
          %parallel_loop3A_2079 = arith.addi %parallel_loop3A_2062, %parallel_loop3A_2078 : i32
          %parallel_loop3A_2080 = arith.index_cast %parallel_loop3A_2079 : i32 to index
          %parallel_loop3A_2081 = tpu.vector_load %arg9[%parallel_loop3A_2080] {strides = array<i32>} : memref<15360xf32, #tpu.memory_space<vmem>>, vector<16xf32>,
          %parallel_loop3A_2082 = vector.shape_cast %parallel_loop3A_2081 : vector<16xf32> to vector<16xf32>
          %parallel_loop3A_2083 = arith.constant 64 : i32
          %parallel_loop3A_2084 = arith.addi %parallel_loop3A_2062, %parallel_loop3A_2083 : i32
          %parallel_loop3A_2085 = arith.index_cast %parallel_loop3A_2084 : i32 to index
          %parallel_loop3A_2086 = tpu.vector_load %arg9[%parallel_loop3A_2085] {strides = array<i32>} : memref<15360xf32, #tpu.memory_space<vmem>>, vector<16xf32>,
          %parallel_loop3A_2087 = vector.shape_cast %parallel_loop3A_2086 : vector<16xf32> to vector<16xf32>
          %parallel_loop3A_2088 = arith.constant 80 : i32
          %parallel_loop3A_2089 = arith.addi %parallel_loop3A_2062, %parallel_loop3A_2088 : i32
          %parallel_loop3A_2090 = arith.index_cast %parallel_loop3A_2089 : i32 to index
          %parallel_loop3A_2091 = tpu.vector_load %arg9[%parallel_loop3A_2090] {strides = array<i32>} : memref<15360xf32, #tpu.memory_space<vmem>>, vector<16xf32>,
          %parallel_loop3A_2092 = vector.shape_cast %parallel_loop3A_2091 : vector<16xf32> to vector<16xf32>
          %parallel_loop3A_2093 = arith.constant 96 : i32
          %parallel_loop3A_2094 = arith.addi %parallel_loop3A_2062, %parallel_loop3A_2093 : i32
          %parallel_loop3A_2095 = arith.index_cast %parallel_loop3A_2094 : i32 to index
          %parallel_loop3A_2096 = tpu.vector_load %arg9[%parallel_loop3A_2095] {strides = array<i32>} : memref<15360xf32, #tpu.memory_space<vmem>>, vector<16xf32>,
          %parallel_loop3A_2097 = vector.shape_cast %parallel_loop3A_2096 : vector<16xf32> to vector<16xf32>
          %parallel_loop3A_2098 = arith.constant 112 : i32
          %parallel_loop3A_2099 = arith.addi %parallel_loop3A_2062, %parallel_loop3A_2098 : i32
          %parallel_loop3A_2100 = arith.index_cast %parallel_loop3A_2099 : i32 to index
          %parallel_loop3A_2101 = tpu.vector_load %arg9[%parallel_loop3A_2100] {strides = array<i32>} : memref<15360xf32, #tpu.memory_space<vmem>>, vector<16xf32>,
          %parallel_loop3A_2102 = vector.shape_cast %parallel_loop3A_2101 : vector<16xf32> to vector<16xf32>
          %parallel_loop3A_2103 = arith.constant 128 : i32
          %parallel_loop3A_2104 = arith.addi %parallel_loop3A_2062, %parallel_loop3A_2103 : i32
          %parallel_loop3A_2105 = arith.index_cast %parallel_loop3A_2104 : i32 to index
          %parallel_loop3A_2106 = tpu.vector_load %arg9[%parallel_loop3A_2105] {strides = array<i32>} : memref<15360xf32, #tpu.memory_space<vmem>>, vector<16xf32>,
          %parallel_loop3A_2107 = vector.shape_cast %parallel_loop3A_2106 : vector<16xf32> to vector<16xf32>
          %parallel_loop3A_2108 = arith.constant 144 : i32
          %parallel_loop3A_2109 = arith.addi %parallel_loop3A_2062, %parallel_loop3A_2108 : i32
          %parallel_loop3A_2110 = arith.index_cast %parallel_loop3A_2109 : i32 to index
          %parallel_loop3A_2111 = tpu.vector_load %arg9[%parallel_loop3A_2110] {strides = array<i32>} : memref<15360xf32, #tpu.memory_space<vmem>>, vector<16xf32>,
          %parallel_loop3A_2112 = vector.shape_cast %parallel_loop3A_2111 : vector<16xf32> to vector<16xf32>
          %parallel_loop3A_2113 = arith.constant 160 : i32
          %parallel_loop3A_2114 = arith.addi %parallel_loop3A_2062, %parallel_loop3A_2113 : i32
          %parallel_loop3A_2115 = arith.index_cast %parallel_loop3A_2114 : i32 to index
          %parallel_loop3A_2116 = tpu.vector_load %arg9[%parallel_loop3A_2115] {strides = array<i32>} : memref<15360xf32, #tpu.memory_space<vmem>>, vector<16xf32>,
          %parallel_loop3A_2117 = vector.shape_cast %parallel_loop3A_2116 : vector<16xf32> to vector<16xf32>
          %parallel_loop3A_2118 = arith.constant 176 : i32
          %parallel_loop3A_2119 = arith.addi %parallel_loop3A_2062, %parallel_loop3A_2118 : i32
          %parallel_loop3A_2120 = arith.index_cast %parallel_loop3A_2119 : i32 to index
          %parallel_loop3A_2121 = tpu.vector_load %arg9[%parallel_loop3A_2120] {strides = array<i32>} : memref<15360xf32, #tpu.memory_space<vmem>>, vector<16xf32>,
          %parallel_loop3A_2122 = vector.shape_cast %parallel_loop3A_2121 : vector<16xf32> to vector<16xf32>
          %parallel_loop3A_2123 = arith.constant 192 : i32
          %parallel_loop3A_2124 = arith.addi %parallel_loop3A_2062, %parallel_loop3A_2123 : i32
          %parallel_loop3A_2125 = arith.index_cast %parallel_loop3A_2124 : i32 to index
          %parallel_loop3A_2126 = tpu.vector_load %arg9[%parallel_loop3A_2125] {strides = array<i32>} : memref<15360xf32, #tpu.memory_space<vmem>>, vector<16xf32>,
          %parallel_loop3A_2127 = vector.shape_cast %parallel_loop3A_2126 : vector<16xf32> to vector<16xf32>
          %parallel_loop3A_2128 = arith.constant 208 : i32
          %parallel_loop3A_2129 = arith.addi %parallel_loop3A_2062, %parallel_loop3A_2128 : i32
          %parallel_loop3A_2130 = arith.index_cast %parallel_loop3A_2129 : i32 to index
          %parallel_loop3A_2131 = tpu.vector_load %arg9[%parallel_loop3A_2130] {strides = array<i32>} : memref<15360xf32, #tpu.memory_space<vmem>>, vector<16xf32>,
          %parallel_loop3A_2132 = vector.shape_cast %parallel_loop3A_2131 : vector<16xf32> to vector<16xf32>
          %parallel_loop3A_2133 = arith.constant 224 : i32
          %parallel_loop3A_2134 = arith.addi %parallel_loop3A_2062, %parallel_loop3A_2133 : i32
          %parallel_loop3A_2135 = arith.index_cast %parallel_loop3A_2134 : i32 to index
          %parallel_loop3A_2136 = tpu.vector_load %arg9[%parallel_loop3A_2135] {strides = array<i32>} : memref<15360xf32, #tpu.memory_space<vmem>>, vector<16xf32>,
          %parallel_loop3A_2137 = vector.shape_cast %parallel_loop3A_2136 : vector<16xf32> to vector<16xf32>
          %parallel_loop3A_2138 = arith.constant 240 : i32
          %parallel_loop3A_2139 = arith.addi %parallel_loop3A_2062, %parallel_loop3A_2138 : i32
          %parallel_loop3A_2140 = arith.index_cast %parallel_loop3A_2139 : i32 to index
          %parallel_loop3A_2141 = tpu.vector_load %arg9[%parallel_loop3A_2140] {strides = array<i32>} : memref<15360xf32, #tpu.memory_space<vmem>>, vector<16xf32>,
          %parallel_loop3A_2142 = vector.shape_cast %parallel_loop3A_2141 : vector<16xf32> to vector<16xf32>
          %parallel_loop3A_2143 = arith.constant 10 : i32
          %parallel_loop3A_2144 = arith.addi %parallel_loop3A_120, %parallel_loop3A_2143 : i32
          %parallel_loop3A_2145 = arith.index_cast %parallel_loop3A_2144 : i32 to index
          %parallel_loop3A_2146 = arith.constant 0 : index
          %parallel_loop3A_2147 = tpu.vector_load %arg8[%parallel_loop3A_2145, %parallel_loop3A_2146] {strides = array<i32>} : memref<160x256xf32, #tpu.memory_space<vmem>>, vector<1x16xf32>,
          %parallel_loop3A_2148 = vector.shape_cast %parallel_loop3A_2147 : vector<1x16xf32> to vector<16xf32>
          %parallel_loop3A_2149 = vector.shape_cast %parallel_loop3A_2067 : vector<16xf32> to vector<1x16xf32>
          tpu.vector_store %arg8[%parallel_loop3A_2145, %parallel_loop3A_2146], %parallel_loop3A_2149 {strides = array<i32>} : memref<160x256xf32, #tpu.memory_space<vmem>>, vector<1x16xf32>,
          %parallel_loop3A_2150 = arith.constant 10 : i32
          %parallel_loop3A_2151 = arith.addi %parallel_loop3A_120, %parallel_loop3A_2150 : i32
          %parallel_loop3A_2152 = arith.index_cast %parallel_loop3A_2151 : i32 to index
          %parallel_loop3A_2153 = arith.constant 16 : index
          %parallel_loop3A_2154 = tpu.vector_load %arg8[%parallel_loop3A_2152, %parallel_loop3A_2153] {strides = array<i32>} : memref<160x256xf32, #tpu.memory_space<vmem>>, vector<1x16xf32>,
          %parallel_loop3A_2155 = vector.shape_cast %parallel_loop3A_2154 : vector<1x16xf32> to vector<16xf32>
          %parallel_loop3A_2156 = vector.shape_cast %parallel_loop3A_2072 : vector<16xf32> to vector<1x16xf32>
          tpu.vector_store %arg8[%parallel_loop3A_2152, %parallel_loop3A_2153], %parallel_loop3A_2156 {strides = array<i32>} : memref<160x256xf32, #tpu.memory_space<vmem>>, vector<1x16xf32>,
          %parallel_loop3A_2157 = arith.constant 10 : i32
          %parallel_loop3A_2158 = arith.addi %parallel_loop3A_120, %parallel_loop3A_2157 : i32
          %parallel_loop3A_2159 = arith.index_cast %parallel_loop3A_2158 : i32 to index
          %parallel_loop3A_2160 = arith.constant 32 : index
          %parallel_loop3A_2161 = tpu.vector_load %arg8[%parallel_loop3A_2159, %parallel_loop3A_2160] {strides = array<i32>} : memref<160x256xf32, #tpu.memory_space<vmem>>, vector<1x16xf32>,
          %parallel_loop3A_2162 = vector.shape_cast %parallel_loop3A_2161 : vector<1x16xf32> to vector<16xf32>
          %parallel_loop3A_2163 = vector.shape_cast %parallel_loop3A_2077 : vector<16xf32> to vector<1x16xf32>
          tpu.vector_store %arg8[%parallel_loop3A_2159, %parallel_loop3A_2160], %parallel_loop3A_2163 {strides = array<i32>} : memref<160x256xf32, #tpu.memory_space<vmem>>, vector<1x16xf32>,
          %parallel_loop3A_2164 = arith.constant 10 : i32
          %parallel_loop3A_2165 = arith.addi %parallel_loop3A_120, %parallel_loop3A_2164 : i32
          %parallel_loop3A_2166 = arith.index_cast %parallel_loop3A_2165 : i32 to index
          %parallel_loop3A_2167 = arith.constant 48 : index
          %parallel_loop3A_2168 = tpu.vector_load %arg8[%parallel_loop3A_2166, %parallel_loop3A_2167] {strides = array<i32>} : memref<160x256xf32, #tpu.memory_space<vmem>>, vector<1x16xf32>,
          %parallel_loop3A_2169 = vector.shape_cast %parallel_loop3A_2168 : vector<1x16xf32> to vector<16xf32>
          %parallel_loop3A_2170 = vector.shape_cast %parallel_loop3A_2082 : vector<16xf32> to vector<1x16xf32>
          tpu.vector_store %arg8[%parallel_loop3A_2166, %parallel_loop3A_2167], %parallel_loop3A_2170 {strides = array<i32>} : memref<160x256xf32, #tpu.memory_space<vmem>>, vector<1x16xf32>,
          %parallel_loop3A_2171 = arith.constant 10 : i32
          %parallel_loop3A_2172 = arith.addi %parallel_loop3A_120, %parallel_loop3A_2171 : i32
          %parallel_loop3A_2173 = arith.index_cast %parallel_loop3A_2172 : i32 to index
          %parallel_loop3A_2174 = arith.constant 64 : index
          %parallel_loop3A_2175 = tpu.vector_load %arg8[%parallel_loop3A_2173, %parallel_loop3A_2174] {strides = array<i32>} : memref<160x256xf32, #tpu.memory_space<vmem>>, vector<1x16xf32>,
          %parallel_loop3A_2176 = vector.shape_cast %parallel_loop3A_2175 : vector<1x16xf32> to vector<16xf32>
          %parallel_loop3A_2177 = vector.shape_cast %parallel_loop3A_2087 : vector<16xf32> to vector<1x16xf32>
          tpu.vector_store %arg8[%parallel_loop3A_2173, %parallel_loop3A_2174], %parallel_loop3A_2177 {strides = array<i32>} : memref<160x256xf32, #tpu.memory_space<vmem>>, vector<1x16xf32>,
          %parallel_loop3A_2178 = arith.constant 10 : i32
          %parallel_loop3A_2179 = arith.addi %parallel_loop3A_120, %parallel_loop3A_2178 : i32
          %parallel_loop3A_2180 = arith.index_cast %parallel_loop3A_2179 : i32 to index
          %parallel_loop3A_2181 = arith.constant 80 : index
          %parallel_loop3A_2182 = tpu.vector_load %arg8[%parallel_loop3A_2180, %parallel_loop3A_2181] {strides = array<i32>} : memref<160x256xf32, #tpu.memory_space<vmem>>, vector<1x16xf32>,
          %parallel_loop3A_2183 = vector.shape_cast %parallel_loop3A_2182 : vector<1x16xf32> to vector<16xf32>
          %parallel_loop3A_2184 = vector.shape_cast %parallel_loop3A_2092 : vector<16xf32> to vector<1x16xf32>
          tpu.vector_store %arg8[%parallel_loop3A_2180, %parallel_loop3A_2181], %parallel_loop3A_2184 {strides = array<i32>} : memref<160x256xf32, #tpu.memory_space<vmem>>, vector<1x16xf32>,
          %parallel_loop3A_2185 = arith.constant 10 : i32
          %parallel_loop3A_2186 = arith.addi %parallel_loop3A_120, %parallel_loop3A_2185 : i32
          %parallel_loop3A_2187 = arith.index_cast %parallel_loop3A_2186 : i32 to index
          %parallel_loop3A_2188 = arith.constant 96 : index
          %parallel_loop3A_2189 = tpu.vector_load %arg8[%parallel_loop3A_2187, %parallel_loop3A_2188] {strides = array<i32>} : memref<160x256xf32, #tpu.memory_space<vmem>>, vector<1x16xf32>,
          %parallel_loop3A_2190 = vector.shape_cast %parallel_loop3A_2189 : vector<1x16xf32> to vector<16xf32>
          %parallel_loop3A_2191 = vector.shape_cast %parallel_loop3A_2097 : vector<16xf32> to vector<1x16xf32>
          tpu.vector_store %arg8[%parallel_loop3A_2187, %parallel_loop3A_2188], %parallel_loop3A_2191 {strides = array<i32>} : memref<160x256xf32, #tpu.memory_space<vmem>>, vector<1x16xf32>,
          %parallel_loop3A_2192 = arith.constant 10 : i32
          %parallel_loop3A_2193 = arith.addi %parallel_loop3A_120, %parallel_loop3A_2192 : i32
          %parallel_loop3A_2194 = arith.index_cast %parallel_loop3A_2193 : i32 to index
          %parallel_loop3A_2195 = arith.constant 112 : index
          %parallel_loop3A_2196 = tpu.vector_load %arg8[%parallel_loop3A_2194, %parallel_loop3A_2195] {strides = array<i32>} : memref<160x256xf32, #tpu.memory_space<vmem>>, vector<1x16xf32>,
          %parallel_loop3A_2197 = vector.shape_cast %parallel_loop3A_2196 : vector<1x16xf32> to vector<16xf32>
          %parallel_loop3A_2198 = vector.shape_cast %parallel_loop3A_2102 : vector<16xf32> to vector<1x16xf32>
          tpu.vector_store %arg8[%parallel_loop3A_2194, %parallel_loop3A_2195], %parallel_loop3A_2198 {strides = array<i32>} : memref<160x256xf32, #tpu.memory_space<vmem>>, vector<1x16xf32>,
          %parallel_loop3A_2199 = arith.constant 10 : i32
          %parallel_loop3A_2200 = arith.addi %parallel_loop3A_120, %parallel_loop3A_2199 : i32
          %parallel_loop3A_2201 = arith.index_cast %parallel_loop3A_2200 : i32 to index
          %parallel_loop3A_2202 = arith.constant 128 : index
          %parallel_loop3A_2203 = tpu.vector_load %arg8[%parallel_loop3A_2201, %parallel_loop3A_2202] {strides = array<i32>} : memref<160x256xf32, #tpu.memory_space<vmem>>, vector<1x16xf32>,
          %parallel_loop3A_2204 = vector.shape_cast %parallel_loop3A_2203 : vector<1x16xf32> to vector<16xf32>
          %parallel_loop3A_2205 = vector.shape_cast %parallel_loop3A_2107 : vector<16xf32> to vector<1x16xf32>
          tpu.vector_store %arg8[%parallel_loop3A_2201, %parallel_loop3A_2202], %parallel_loop3A_2205 {strides = array<i32>} : memref<160x256xf32, #tpu.memory_space<vmem>>, vector<1x16xf32>,
          %parallel_loop3A_2206 = arith.constant 10 : i32
          %parallel_loop3A_2207 = arith.addi %parallel_loop3A_120, %parallel_loop3A_2206 : i32
          %parallel_loop3A_2208 = arith.index_cast %parallel_loop3A_2207 : i32 to index
          %parallel_loop3A_2209 = arith.constant 144 : index
          %parallel_loop3A_2210 = tpu.vector_load %arg8[%parallel_loop3A_2208, %parallel_loop3A_2209] {strides = array<i32>} : memref<160x256xf32, #tpu.memory_space<vmem>>, vector<1x16xf32>,
          %parallel_loop3A_2211 = vector.shape_cast %parallel_loop3A_2210 : vector<1x16xf32> to vector<16xf32>
          %parallel_loop3A_2212 = vector.shape_cast %parallel_loop3A_2112 : vector<16xf32> to vector<1x16xf32>
          tpu.vector_store %arg8[%parallel_loop3A_2208, %parallel_loop3A_2209], %parallel_loop3A_2212 {strides = array<i32>} : memref<160x256xf32, #tpu.memory_space<vmem>>, vector<1x16xf32>,
          %parallel_loop3A_2213 = arith.constant 10 : i32
          %parallel_loop3A_2214 = arith.addi %parallel_loop3A_120, %parallel_loop3A_2213 : i32
          %parallel_loop3A_2215 = arith.index_cast %parallel_loop3A_2214 : i32 to index
          %parallel_loop3A_2216 = arith.constant 160 : index
          %parallel_loop3A_2217 = tpu.vector_load %arg8[%parallel_loop3A_2215, %parallel_loop3A_2216] {strides = array<i32>} : memref<160x256xf32, #tpu.memory_space<vmem>>, vector<1x16xf32>,
          %parallel_loop3A_2218 = vector.shape_cast %parallel_loop3A_2217 : vector<1x16xf32> to vector<16xf32>
          %parallel_loop3A_2219 = vector.shape_cast %parallel_loop3A_2117 : vector<16xf32> to vector<1x16xf32>
          tpu.vector_store %arg8[%parallel_loop3A_2215, %parallel_loop3A_2216], %parallel_loop3A_2219 {strides = array<i32>} : memref<160x256xf32, #tpu.memory_space<vmem>>, vector<1x16xf32>,
          %parallel_loop3A_2220 = arith.constant 10 : i32
          %parallel_loop3A_2221 = arith.addi %parallel_loop3A_120, %parallel_loop3A_2220 : i32
          %parallel_loop3A_2222 = arith.index_cast %parallel_loop3A_2221 : i32 to index
          %parallel_loop3A_2223 = arith.constant 176 : index
          %parallel_loop3A_2224 = tpu.vector_load %arg8[%parallel_loop3A_2222, %parallel_loop3A_2223] {strides = array<i32>} : memref<160x256xf32, #tpu.memory_space<vmem>>, vector<1x16xf32>,
          %parallel_loop3A_2225 = vector.shape_cast %parallel_loop3A_2224 : vector<1x16xf32> to vector<16xf32>
          %parallel_loop3A_2226 = vector.shape_cast %parallel_loop3A_2122 : vector<16xf32> to vector<1x16xf32>
          tpu.vector_store %arg8[%parallel_loop3A_2222, %parallel_loop3A_2223], %parallel_loop3A_2226 {strides = array<i32>} : memref<160x256xf32, #tpu.memory_space<vmem>>, vector<1x16xf32>,
          %parallel_loop3A_2227 = arith.constant 10 : i32
          %parallel_loop3A_2228 = arith.addi %parallel_loop3A_120, %parallel_loop3A_2227 : i32
          %parallel_loop3A_2229 = arith.index_cast %parallel_loop3A_2228 : i32 to index
          %parallel_loop3A_2230 = arith.constant 192 : index
          %parallel_loop3A_2231 = tpu.vector_load %arg8[%parallel_loop3A_2229, %parallel_loop3A_2230] {strides = array<i32>} : memref<160x256xf32, #tpu.memory_space<vmem>>, vector<1x16xf32>,
          %parallel_loop3A_2232 = vector.shape_cast %parallel_loop3A_2231 : vector<1x16xf32> to vector<16xf32>
          %parallel_loop3A_2233 = vector.shape_cast %parallel_loop3A_2127 : vector<16xf32> to vector<1x16xf32>
          tpu.vector_store %arg8[%parallel_loop3A_2229, %parallel_loop3A_2230], %parallel_loop3A_2233 {strides = array<i32>} : memref<160x256xf32, #tpu.memory_space<vmem>>, vector<1x16xf32>,
          %parallel_loop3A_2234 = arith.constant 10 : i32
          %parallel_loop3A_2235 = arith.addi %parallel_loop3A_120, %parallel_loop3A_2234 : i32
          %parallel_loop3A_2236 = arith.index_cast %parallel_loop3A_2235 : i32 to index
          %parallel_loop3A_2237 = arith.constant 208 : index
          %parallel_loop3A_2238 = tpu.vector_load %arg8[%parallel_loop3A_2236, %parallel_loop3A_2237] {strides = array<i32>} : memref<160x256xf32, #tpu.memory_space<vmem>>, vector<1x16xf32>,
          %parallel_loop3A_2239 = vector.shape_cast %parallel_loop3A_2238 : vector<1x16xf32> to vector<16xf32>
          %parallel_loop3A_2240 = vector.shape_cast %parallel_loop3A_2132 : vector<16xf32> to vector<1x16xf32>
          tpu.vector_store %arg8[%parallel_loop3A_2236, %parallel_loop3A_2237], %parallel_loop3A_2240 {strides = array<i32>} : memref<160x256xf32, #tpu.memory_space<vmem>>, vector<1x16xf32>,
          %parallel_loop3A_2241 = arith.constant 10 : i32
          %parallel_loop3A_2242 = arith.addi %parallel_loop3A_120, %parallel_loop3A_2241 : i32
          %parallel_loop3A_2243 = arith.index_cast %parallel_loop3A_2242 : i32 to index
          %parallel_loop3A_2244 = arith.constant 224 : index
          %parallel_loop3A_2245 = tpu.vector_load %arg8[%parallel_loop3A_2243, %parallel_loop3A_2244] {strides = array<i32>} : memref<160x256xf32, #tpu.memory_space<vmem>>, vector<1x16xf32>,
          %parallel_loop3A_2246 = vector.shape_cast %parallel_loop3A_2245 : vector<1x16xf32> to vector<16xf32>
          %parallel_loop3A_2247 = vector.shape_cast %parallel_loop3A_2137 : vector<16xf32> to vector<1x16xf32>
          tpu.vector_store %arg8[%parallel_loop3A_2243, %parallel_loop3A_2244], %parallel_loop3A_2247 {strides = array<i32>} : memref<160x256xf32, #tpu.memory_space<vmem>>, vector<1x16xf32>,
          %parallel_loop3A_2248 = arith.constant 10 : i32
          %parallel_loop3A_2249 = arith.addi %parallel_loop3A_120, %parallel_loop3A_2248 : i32
          %parallel_loop3A_2250 = arith.index_cast %parallel_loop3A_2249 : i32 to index
          %parallel_loop3A_2251 = arith.constant 240 : index
          %parallel_loop3A_2252 = tpu.vector_load %arg8[%parallel_loop3A_2250, %parallel_loop3A_2251] {strides = array<i32>} : memref<160x256xf32, #tpu.memory_space<vmem>>, vector<1x16xf32>,
          %parallel_loop3A_2253 = vector.shape_cast %parallel_loop3A_2252 : vector<1x16xf32> to vector<16xf32>
          %parallel_loop3A_2254 = vector.shape_cast %parallel_loop3A_2142 : vector<16xf32> to vector<1x16xf32>
          tpu.vector_store %arg8[%parallel_loop3A_2250, %parallel_loop3A_2251], %parallel_loop3A_2254 {strides = array<i32>} : memref<160x256xf32, #tpu.memory_space<vmem>>, vector<1x16xf32>,
          %parallel_loop3A_2255 = vector.extract_strided_slice %parallel_loop3A_115 {offsets = [11], sizes = [1], strides = [1]} : vector<16xi32> to vector<1xi32>
          %parallel_loop3A_2256 = vector.extract %parallel_loop3A_2255[0] : i32 from vector<1xi32>
          %parallel_loop3A_2257 = arith.constant 0 : i32
          %parallel_loop3A_2258 = arith.addi %parallel_loop3A_2256, %parallel_loop3A_2257 : i32
          %parallel_loop3A_2259 = arith.index_cast %parallel_loop3A_2258 : i32 to index
          %parallel_loop3A_2260 = tpu.vector_load %arg9[%parallel_loop3A_2259] {strides = array<i32>} : memref<15360xf32, #tpu.memory_space<vmem>>, vector<16xf32>,
          %parallel_loop3A_2261 = vector.shape_cast %parallel_loop3A_2260 : vector<16xf32> to vector<16xf32>
          %parallel_loop3A_2262 = arith.constant 16 : i32
          %parallel_loop3A_2263 = arith.addi %parallel_loop3A_2256, %parallel_loop3A_2262 : i32
          %parallel_loop3A_2264 = arith.index_cast %parallel_loop3A_2263 : i32 to index
          %parallel_loop3A_2265 = tpu.vector_load %arg9[%parallel_loop3A_2264] {strides = array<i32>} : memref<15360xf32, #tpu.memory_space<vmem>>, vector<16xf32>,
          %parallel_loop3A_2266 = vector.shape_cast %parallel_loop3A_2265 : vector<16xf32> to vector<16xf32>
          %parallel_loop3A_2267 = arith.constant 32 : i32
          %parallel_loop3A_2268 = arith.addi %parallel_loop3A_2256, %parallel_loop3A_2267 : i32
          %parallel_loop3A_2269 = arith.index_cast %parallel_loop3A_2268 : i32 to index
          %parallel_loop3A_2270 = tpu.vector_load %arg9[%parallel_loop3A_2269] {strides = array<i32>} : memref<15360xf32, #tpu.memory_space<vmem>>, vector<16xf32>,
          %parallel_loop3A_2271 = vector.shape_cast %parallel_loop3A_2270 : vector<16xf32> to vector<16xf32>
          %parallel_loop3A_2272 = arith.constant 48 : i32
          %parallel_loop3A_2273 = arith.addi %parallel_loop3A_2256, %parallel_loop3A_2272 : i32
          %parallel_loop3A_2274 = arith.index_cast %parallel_loop3A_2273 : i32 to index
          %parallel_loop3A_2275 = tpu.vector_load %arg9[%parallel_loop3A_2274] {strides = array<i32>} : memref<15360xf32, #tpu.memory_space<vmem>>, vector<16xf32>,
          %parallel_loop3A_2276 = vector.shape_cast %parallel_loop3A_2275 : vector<16xf32> to vector<16xf32>
          %parallel_loop3A_2277 = arith.constant 64 : i32
          %parallel_loop3A_2278 = arith.addi %parallel_loop3A_2256, %parallel_loop3A_2277 : i32
          %parallel_loop3A_2279 = arith.index_cast %parallel_loop3A_2278 : i32 to index
          %parallel_loop3A_2280 = tpu.vector_load %arg9[%parallel_loop3A_2279] {strides = array<i32>} : memref<15360xf32, #tpu.memory_space<vmem>>, vector<16xf32>,
          %parallel_loop3A_2281 = vector.shape_cast %parallel_loop3A_2280 : vector<16xf32> to vector<16xf32>
          %parallel_loop3A_2282 = arith.constant 80 : i32
          %parallel_loop3A_2283 = arith.addi %parallel_loop3A_2256, %parallel_loop3A_2282 : i32
          %parallel_loop3A_2284 = arith.index_cast %parallel_loop3A_2283 : i32 to index
          %parallel_loop3A_2285 = tpu.vector_load %arg9[%parallel_loop3A_2284] {strides = array<i32>} : memref<15360xf32, #tpu.memory_space<vmem>>, vector<16xf32>,
          %parallel_loop3A_2286 = vector.shape_cast %parallel_loop3A_2285 : vector<16xf32> to vector<16xf32>
          %parallel_loop3A_2287 = arith.constant 96 : i32
          %parallel_loop3A_2288 = arith.addi %parallel_loop3A_2256, %parallel_loop3A_2287 : i32
          %parallel_loop3A_2289 = arith.index_cast %parallel_loop3A_2288 : i32 to index
          %parallel_loop3A_2290 = tpu.vector_load %arg9[%parallel_loop3A_2289] {strides = array<i32>} : memref<15360xf32, #tpu.memory_space<vmem>>, vector<16xf32>,
          %parallel_loop3A_2291 = vector.shape_cast %parallel_loop3A_2290 : vector<16xf32> to vector<16xf32>
          %parallel_loop3A_2292 = arith.constant 112 : i32
          %parallel_loop3A_2293 = arith.addi %parallel_loop3A_2256, %parallel_loop3A_2292 : i32
          %parallel_loop3A_2294 = arith.index_cast %parallel_loop3A_2293 : i32 to index
          %parallel_loop3A_2295 = tpu.vector_load %arg9[%parallel_loop3A_2294] {strides = array<i32>} : memref<15360xf32, #tpu.memory_space<vmem>>, vector<16xf32>,
          %parallel_loop3A_2296 = vector.shape_cast %parallel_loop3A_2295 : vector<16xf32> to vector<16xf32>
          %parallel_loop3A_2297 = arith.constant 128 : i32
          %parallel_loop3A_2298 = arith.addi %parallel_loop3A_2256, %parallel_loop3A_2297 : i32
          %parallel_loop3A_2299 = arith.index_cast %parallel_loop3A_2298 : i32 to index
          %parallel_loop3A_2300 = tpu.vector_load %arg9[%parallel_loop3A_2299] {strides = array<i32>} : memref<15360xf32, #tpu.memory_space<vmem>>, vector<16xf32>,
          %parallel_loop3A_2301 = vector.shape_cast %parallel_loop3A_2300 : vector<16xf32> to vector<16xf32>
          %parallel_loop3A_2302 = arith.constant 144 : i32
          %parallel_loop3A_2303 = arith.addi %parallel_loop3A_2256, %parallel_loop3A_2302 : i32
          %parallel_loop3A_2304 = arith.index_cast %parallel_loop3A_2303 : i32 to index
          %parallel_loop3A_2305 = tpu.vector_load %arg9[%parallel_loop3A_2304] {strides = array<i32>} : memref<15360xf32, #tpu.memory_space<vmem>>, vector<16xf32>,
          %parallel_loop3A_2306 = vector.shape_cast %parallel_loop3A_2305 : vector<16xf32> to vector<16xf32>
          %parallel_loop3A_2307 = arith.constant 160 : i32
          %parallel_loop3A_2308 = arith.addi %parallel_loop3A_2256, %parallel_loop3A_2307 : i32
          %parallel_loop3A_2309 = arith.index_cast %parallel_loop3A_2308 : i32 to index
          %parallel_loop3A_2310 = tpu.vector_load %arg9[%parallel_loop3A_2309] {strides = array<i32>} : memref<15360xf32, #tpu.memory_space<vmem>>, vector<16xf32>,
          %parallel_loop3A_2311 = vector.shape_cast %parallel_loop3A_2310 : vector<16xf32> to vector<16xf32>
          %parallel_loop3A_2312 = arith.constant 176 : i32
          %parallel_loop3A_2313 = arith.addi %parallel_loop3A_2256, %parallel_loop3A_2312 : i32
          %parallel_loop3A_2314 = arith.index_cast %parallel_loop3A_2313 : i32 to index
          %parallel_loop3A_2315 = tpu.vector_load %arg9[%parallel_loop3A_2314] {strides = array<i32>} : memref<15360xf32, #tpu.memory_space<vmem>>, vector<16xf32>,
          %parallel_loop3A_2316 = vector.shape_cast %parallel_loop3A_2315 : vector<16xf32> to vector<16xf32>
          %parallel_loop3A_2317 = arith.constant 192 : i32
          %parallel_loop3A_2318 = arith.addi %parallel_loop3A_2256, %parallel_loop3A_2317 : i32
          %parallel_loop3A_2319 = arith.index_cast %parallel_loop3A_2318 : i32 to index
          %parallel_loop3A_2320 = tpu.vector_load %arg9[%parallel_loop3A_2319] {strides = array<i32>} : memref<15360xf32, #tpu.memory_space<vmem>>, vector<16xf32>,
          %parallel_loop3A_2321 = vector.shape_cast %parallel_loop3A_2320 : vector<16xf32> to vector<16xf32>
          %parallel_loop3A_2322 = arith.constant 208 : i32
          %parallel_loop3A_2323 = arith.addi %parallel_loop3A_2256, %parallel_loop3A_2322 : i32
          %parallel_loop3A_2324 = arith.index_cast %parallel_loop3A_2323 : i32 to index
          %parallel_loop3A_2325 = tpu.vector_load %arg9[%parallel_loop3A_2324] {strides = array<i32>} : memref<15360xf32, #tpu.memory_space<vmem>>, vector<16xf32>,
          %parallel_loop3A_2326 = vector.shape_cast %parallel_loop3A_2325 : vector<16xf32> to vector<16xf32>
          %parallel_loop3A_2327 = arith.constant 224 : i32
          %parallel_loop3A_2328 = arith.addi %parallel_loop3A_2256, %parallel_loop3A_2327 : i32
          %parallel_loop3A_2329 = arith.index_cast %parallel_loop3A_2328 : i32 to index
          %parallel_loop3A_2330 = tpu.vector_load %arg9[%parallel_loop3A_2329] {strides = array<i32>} : memref<15360xf32, #tpu.memory_space<vmem>>, vector<16xf32>,
          %parallel_loop3A_2331 = vector.shape_cast %parallel_loop3A_2330 : vector<16xf32> to vector<16xf32>
          %parallel_loop3A_2332 = arith.constant 240 : i32
          %parallel_loop3A_2333 = arith.addi %parallel_loop3A_2256, %parallel_loop3A_2332 : i32
          %parallel_loop3A_2334 = arith.index_cast %parallel_loop3A_2333 : i32 to index
          %parallel_loop3A_2335 = tpu.vector_load %arg9[%parallel_loop3A_2334] {strides = array<i32>} : memref<15360xf32, #tpu.memory_space<vmem>>, vector<16xf32>,
          %parallel_loop3A_2336 = vector.shape_cast %parallel_loop3A_2335 : vector<16xf32> to vector<16xf32>
          %parallel_loop3A_2337 = arith.constant 11 : i32
          %parallel_loop3A_2338 = arith.addi %parallel_loop3A_120, %parallel_loop3A_2337 : i32
          %parallel_loop3A_2339 = arith.index_cast %parallel_loop3A_2338 : i32 to index
          %parallel_loop3A_2340 = arith.constant 0 : index
          %parallel_loop3A_2341 = tpu.vector_load %arg8[%parallel_loop3A_2339, %parallel_loop3A_2340] {strides = array<i32>} : memref<160x256xf32, #tpu.memory_space<vmem>>, vector<1x16xf32>,
          %parallel_loop3A_2342 = vector.shape_cast %parallel_loop3A_2341 : vector<1x16xf32> to vector<16xf32>
          %parallel_loop3A_2343 = vector.shape_cast %parallel_loop3A_2261 : vector<16xf32> to vector<1x16xf32>
          tpu.vector_store %arg8[%parallel_loop3A_2339, %parallel_loop3A_2340], %parallel_loop3A_2343 {strides = array<i32>} : memref<160x256xf32, #tpu.memory_space<vmem>>, vector<1x16xf32>,
          %parallel_loop3A_2344 = arith.constant 11 : i32
          %parallel_loop3A_2345 = arith.addi %parallel_loop3A_120, %parallel_loop3A_2344 : i32
          %parallel_loop3A_2346 = arith.index_cast %parallel_loop3A_2345 : i32 to index
          %parallel_loop3A_2347 = arith.constant 16 : index
          %parallel_loop3A_2348 = tpu.vector_load %arg8[%parallel_loop3A_2346, %parallel_loop3A_2347] {strides = array<i32>} : memref<160x256xf32, #tpu.memory_space<vmem>>, vector<1x16xf32>,
          %parallel_loop3A_2349 = vector.shape_cast %parallel_loop3A_2348 : vector<1x16xf32> to vector<16xf32>
          %parallel_loop3A_2350 = vector.shape_cast %parallel_loop3A_2266 : vector<16xf32> to vector<1x16xf32>
          tpu.vector_store %arg8[%parallel_loop3A_2346, %parallel_loop3A_2347], %parallel_loop3A_2350 {strides = array<i32>} : memref<160x256xf32, #tpu.memory_space<vmem>>, vector<1x16xf32>,
          %parallel_loop3A_2351 = arith.constant 11 : i32
          %parallel_loop3A_2352 = arith.addi %parallel_loop3A_120, %parallel_loop3A_2351 : i32
          %parallel_loop3A_2353 = arith.index_cast %parallel_loop3A_2352 : i32 to index
          %parallel_loop3A_2354 = arith.constant 32 : index
          %parallel_loop3A_2355 = tpu.vector_load %arg8[%parallel_loop3A_2353, %parallel_loop3A_2354] {strides = array<i32>} : memref<160x256xf32, #tpu.memory_space<vmem>>, vector<1x16xf32>,
          %parallel_loop3A_2356 = vector.shape_cast %parallel_loop3A_2355 : vector<1x16xf32> to vector<16xf32>
          %parallel_loop3A_2357 = vector.shape_cast %parallel_loop3A_2271 : vector<16xf32> to vector<1x16xf32>
          tpu.vector_store %arg8[%parallel_loop3A_2353, %parallel_loop3A_2354], %parallel_loop3A_2357 {strides = array<i32>} : memref<160x256xf32, #tpu.memory_space<vmem>>, vector<1x16xf32>,
          %parallel_loop3A_2358 = arith.constant 11 : i32
          %parallel_loop3A_2359 = arith.addi %parallel_loop3A_120, %parallel_loop3A_2358 : i32
          %parallel_loop3A_2360 = arith.index_cast %parallel_loop3A_2359 : i32 to index
          %parallel_loop3A_2361 = arith.constant 48 : index
          %parallel_loop3A_2362 = tpu.vector_load %arg8[%parallel_loop3A_2360, %parallel_loop3A_2361] {strides = array<i32>} : memref<160x256xf32, #tpu.memory_space<vmem>>, vector<1x16xf32>,
          %parallel_loop3A_2363 = vector.shape_cast %parallel_loop3A_2362 : vector<1x16xf32> to vector<16xf32>
          %parallel_loop3A_2364 = vector.shape_cast %parallel_loop3A_2276 : vector<16xf32> to vector<1x16xf32>
          tpu.vector_store %arg8[%parallel_loop3A_2360, %parallel_loop3A_2361], %parallel_loop3A_2364 {strides = array<i32>} : memref<160x256xf32, #tpu.memory_space<vmem>>, vector<1x16xf32>,
          %parallel_loop3A_2365 = arith.constant 11 : i32
          %parallel_loop3A_2366 = arith.addi %parallel_loop3A_120, %parallel_loop3A_2365 : i32
          %parallel_loop3A_2367 = arith.index_cast %parallel_loop3A_2366 : i32 to index
          %parallel_loop3A_2368 = arith.constant 64 : index
          %parallel_loop3A_2369 = tpu.vector_load %arg8[%parallel_loop3A_2367, %parallel_loop3A_2368] {strides = array<i32>} : memref<160x256xf32, #tpu.memory_space<vmem>>, vector<1x16xf32>,
          %parallel_loop3A_2370 = vector.shape_cast %parallel_loop3A_2369 : vector<1x16xf32> to vector<16xf32>
          %parallel_loop3A_2371 = vector.shape_cast %parallel_loop3A_2281 : vector<16xf32> to vector<1x16xf32>
          tpu.vector_store %arg8[%parallel_loop3A_2367, %parallel_loop3A_2368], %parallel_loop3A_2371 {strides = array<i32>} : memref<160x256xf32, #tpu.memory_space<vmem>>, vector<1x16xf32>,
          %parallel_loop3A_2372 = arith.constant 11 : i32
          %parallel_loop3A_2373 = arith.addi %parallel_loop3A_120, %parallel_loop3A_2372 : i32
          %parallel_loop3A_2374 = arith.index_cast %parallel_loop3A_2373 : i32 to index
          %parallel_loop3A_2375 = arith.constant 80 : index
          %parallel_loop3A_2376 = tpu.vector_load %arg8[%parallel_loop3A_2374, %parallel_loop3A_2375] {strides = array<i32>} : memref<160x256xf32, #tpu.memory_space<vmem>>, vector<1x16xf32>,
          %parallel_loop3A_2377 = vector.shape_cast %parallel_loop3A_2376 : vector<1x16xf32> to vector<16xf32>
          %parallel_loop3A_2378 = vector.shape_cast %parallel_loop3A_2286 : vector<16xf32> to vector<1x16xf32>
          tpu.vector_store %arg8[%parallel_loop3A_2374, %parallel_loop3A_2375], %parallel_loop3A_2378 {strides = array<i32>} : memref<160x256xf32, #tpu.memory_space<vmem>>, vector<1x16xf32>,
          %parallel_loop3A_2379 = arith.constant 11 : i32
          %parallel_loop3A_2380 = arith.addi %parallel_loop3A_120, %parallel_loop3A_2379 : i32
          %parallel_loop3A_2381 = arith.index_cast %parallel_loop3A_2380 : i32 to index
          %parallel_loop3A_2382 = arith.constant 96 : index
          %parallel_loop3A_2383 = tpu.vector_load %arg8[%parallel_loop3A_2381, %parallel_loop3A_2382] {strides = array<i32>} : memref<160x256xf32, #tpu.memory_space<vmem>>, vector<1x16xf32>,
          %parallel_loop3A_2384 = vector.shape_cast %parallel_loop3A_2383 : vector<1x16xf32> to vector<16xf32>
          %parallel_loop3A_2385 = vector.shape_cast %parallel_loop3A_2291 : vector<16xf32> to vector<1x16xf32>
          tpu.vector_store %arg8[%parallel_loop3A_2381, %parallel_loop3A_2382], %parallel_loop3A_2385 {strides = array<i32>} : memref<160x256xf32, #tpu.memory_space<vmem>>, vector<1x16xf32>,
          %parallel_loop3A_2386 = arith.constant 11 : i32
          %parallel_loop3A_2387 = arith.addi %parallel_loop3A_120, %parallel_loop3A_2386 : i32
          %parallel_loop3A_2388 = arith.index_cast %parallel_loop3A_2387 : i32 to index
          %parallel_loop3A_2389 = arith.constant 112 : index
          %parallel_loop3A_2390 = tpu.vector_load %arg8[%parallel_loop3A_2388, %parallel_loop3A_2389] {strides = array<i32>} : memref<160x256xf32, #tpu.memory_space<vmem>>, vector<1x16xf32>,
          %parallel_loop3A_2391 = vector.shape_cast %parallel_loop3A_2390 : vector<1x16xf32> to vector<16xf32>
          %parallel_loop3A_2392 = vector.shape_cast %parallel_loop3A_2296 : vector<16xf32> to vector<1x16xf32>
          tpu.vector_store %arg8[%parallel_loop3A_2388, %parallel_loop3A_2389], %parallel_loop3A_2392 {strides = array<i32>} : memref<160x256xf32, #tpu.memory_space<vmem>>, vector<1x16xf32>,
          %parallel_loop3A_2393 = arith.constant 11 : i32
          %parallel_loop3A_2394 = arith.addi %parallel_loop3A_120, %parallel_loop3A_2393 : i32
          %parallel_loop3A_2395 = arith.index_cast %parallel_loop3A_2394 : i32 to index
          %parallel_loop3A_2396 = arith.constant 128 : index
          %parallel_loop3A_2397 = tpu.vector_load %arg8[%parallel_loop3A_2395, %parallel_loop3A_2396] {strides = array<i32>} : memref<160x256xf32, #tpu.memory_space<vmem>>, vector<1x16xf32>,
          %parallel_loop3A_2398 = vector.shape_cast %parallel_loop3A_2397 : vector<1x16xf32> to vector<16xf32>
          %parallel_loop3A_2399 = vector.shape_cast %parallel_loop3A_2301 : vector<16xf32> to vector<1x16xf32>
          tpu.vector_store %arg8[%parallel_loop3A_2395, %parallel_loop3A_2396], %parallel_loop3A_2399 {strides = array<i32>} : memref<160x256xf32, #tpu.memory_space<vmem>>, vector<1x16xf32>,
          %parallel_loop3A_2400 = arith.constant 11 : i32
          %parallel_loop3A_2401 = arith.addi %parallel_loop3A_120, %parallel_loop3A_2400 : i32
          %parallel_loop3A_2402 = arith.index_cast %parallel_loop3A_2401 : i32 to index
          %parallel_loop3A_2403 = arith.constant 144 : index
          %parallel_loop3A_2404 = tpu.vector_load %arg8[%parallel_loop3A_2402, %parallel_loop3A_2403] {strides = array<i32>} : memref<160x256xf32, #tpu.memory_space<vmem>>, vector<1x16xf32>,
          %parallel_loop3A_2405 = vector.shape_cast %parallel_loop3A_2404 : vector<1x16xf32> to vector<16xf32>
          %parallel_loop3A_2406 = vector.shape_cast %parallel_loop3A_2306 : vector<16xf32> to vector<1x16xf32>
          tpu.vector_store %arg8[%parallel_loop3A_2402, %parallel_loop3A_2403], %parallel_loop3A_2406 {strides = array<i32>} : memref<160x256xf32, #tpu.memory_space<vmem>>, vector<1x16xf32>,
          %parallel_loop3A_2407 = arith.constant 11 : i32
          %parallel_loop3A_2408 = arith.addi %parallel_loop3A_120, %parallel_loop3A_2407 : i32
          %parallel_loop3A_2409 = arith.index_cast %parallel_loop3A_2408 : i32 to index
          %parallel_loop3A_2410 = arith.constant 160 : index
          %parallel_loop3A_2411 = tpu.vector_load %arg8[%parallel_loop3A_2409, %parallel_loop3A_2410] {strides = array<i32>} : memref<160x256xf32, #tpu.memory_space<vmem>>, vector<1x16xf32>,
          %parallel_loop3A_2412 = vector.shape_cast %parallel_loop3A_2411 : vector<1x16xf32> to vector<16xf32>
          %parallel_loop3A_2413 = vector.shape_cast %parallel_loop3A_2311 : vector<16xf32> to vector<1x16xf32>
          tpu.vector_store %arg8[%parallel_loop3A_2409, %parallel_loop3A_2410], %parallel_loop3A_2413 {strides = array<i32>} : memref<160x256xf32, #tpu.memory_space<vmem>>, vector<1x16xf32>,
          %parallel_loop3A_2414 = arith.constant 11 : i32
          %parallel_loop3A_2415 = arith.addi %parallel_loop3A_120, %parallel_loop3A_2414 : i32
          %parallel_loop3A_2416 = arith.index_cast %parallel_loop3A_2415 : i32 to index
          %parallel_loop3A_2417 = arith.constant 176 : index
          %parallel_loop3A_2418 = tpu.vector_load %arg8[%parallel_loop3A_2416, %parallel_loop3A_2417] {strides = array<i32>} : memref<160x256xf32, #tpu.memory_space<vmem>>, vector<1x16xf32>,
          %parallel_loop3A_2419 = vector.shape_cast %parallel_loop3A_2418 : vector<1x16xf32> to vector<16xf32>
          %parallel_loop3A_2420 = vector.shape_cast %parallel_loop3A_2316 : vector<16xf32> to vector<1x16xf32>
          tpu.vector_store %arg8[%parallel_loop3A_2416, %parallel_loop3A_2417], %parallel_loop3A_2420 {strides = array<i32>} : memref<160x256xf32, #tpu.memory_space<vmem>>, vector<1x16xf32>,
          %parallel_loop3A_2421 = arith.constant 11 : i32
          %parallel_loop3A_2422 = arith.addi %parallel_loop3A_120, %parallel_loop3A_2421 : i32
          %parallel_loop3A_2423 = arith.index_cast %parallel_loop3A_2422 : i32 to index
          %parallel_loop3A_2424 = arith.constant 192 : index
          %parallel_loop3A_2425 = tpu.vector_load %arg8[%parallel_loop3A_2423, %parallel_loop3A_2424] {strides = array<i32>} : memref<160x256xf32, #tpu.memory_space<vmem>>, vector<1x16xf32>,
          %parallel_loop3A_2426 = vector.shape_cast %parallel_loop3A_2425 : vector<1x16xf32> to vector<16xf32>
          %parallel_loop3A_2427 = vector.shape_cast %parallel_loop3A_2321 : vector<16xf32> to vector<1x16xf32>
          tpu.vector_store %arg8[%parallel_loop3A_2423, %parallel_loop3A_2424], %parallel_loop3A_2427 {strides = array<i32>} : memref<160x256xf32, #tpu.memory_space<vmem>>, vector<1x16xf32>,
          %parallel_loop3A_2428 = arith.constant 11 : i32
          %parallel_loop3A_2429 = arith.addi %parallel_loop3A_120, %parallel_loop3A_2428 : i32
          %parallel_loop3A_2430 = arith.index_cast %parallel_loop3A_2429 : i32 to index
          %parallel_loop3A_2431 = arith.constant 208 : index
          %parallel_loop3A_2432 = tpu.vector_load %arg8[%parallel_loop3A_2430, %parallel_loop3A_2431] {strides = array<i32>} : memref<160x256xf32, #tpu.memory_space<vmem>>, vector<1x16xf32>,
          %parallel_loop3A_2433 = vector.shape_cast %parallel_loop3A_2432 : vector<1x16xf32> to vector<16xf32>
          %parallel_loop3A_2434 = vector.shape_cast %parallel_loop3A_2326 : vector<16xf32> to vector<1x16xf32>
          tpu.vector_store %arg8[%parallel_loop3A_2430, %parallel_loop3A_2431], %parallel_loop3A_2434 {strides = array<i32>} : memref<160x256xf32, #tpu.memory_space<vmem>>, vector<1x16xf32>,
          %parallel_loop3A_2435 = arith.constant 11 : i32
          %parallel_loop3A_2436 = arith.addi %parallel_loop3A_120, %parallel_loop3A_2435 : i32
          %parallel_loop3A_2437 = arith.index_cast %parallel_loop3A_2436 : i32 to index
          %parallel_loop3A_2438 = arith.constant 224 : index
          %parallel_loop3A_2439 = tpu.vector_load %arg8[%parallel_loop3A_2437, %parallel_loop3A_2438] {strides = array<i32>} : memref<160x256xf32, #tpu.memory_space<vmem>>, vector<1x16xf32>,
          %parallel_loop3A_2440 = vector.shape_cast %parallel_loop3A_2439 : vector<1x16xf32> to vector<16xf32>
          %parallel_loop3A_2441 = vector.shape_cast %parallel_loop3A_2331 : vector<16xf32> to vector<1x16xf32>
          tpu.vector_store %arg8[%parallel_loop3A_2437, %parallel_loop3A_2438], %parallel_loop3A_2441 {strides = array<i32>} : memref<160x256xf32, #tpu.memory_space<vmem>>, vector<1x16xf32>,
          %parallel_loop3A_2442 = arith.constant 11 : i32
          %parallel_loop3A_2443 = arith.addi %parallel_loop3A_120, %parallel_loop3A_2442 : i32
          %parallel_loop3A_2444 = arith.index_cast %parallel_loop3A_2443 : i32 to index
          %parallel_loop3A_2445 = arith.constant 240 : index
          %parallel_loop3A_2446 = tpu.vector_load %arg8[%parallel_loop3A_2444, %parallel_loop3A_2445] {strides = array<i32>} : memref<160x256xf32, #tpu.memory_space<vmem>>, vector<1x16xf32>,
          %parallel_loop3A_2447 = vector.shape_cast %parallel_loop3A_2446 : vector<1x16xf32> to vector<16xf32>
          %parallel_loop3A_2448 = vector.shape_cast %parallel_loop3A_2336 : vector<16xf32> to vector<1x16xf32>
          tpu.vector_store %arg8[%parallel_loop3A_2444, %parallel_loop3A_2445], %parallel_loop3A_2448 {strides = array<i32>} : memref<160x256xf32, #tpu.memory_space<vmem>>, vector<1x16xf32>,
          %parallel_loop3A_2449 = vector.extract_strided_slice %parallel_loop3A_115 {offsets = [12], sizes = [1], strides = [1]} : vector<16xi32> to vector<1xi32>
          %parallel_loop3A_2450 = vector.extract %parallel_loop3A_2449[0] : i32 from vector<1xi32>
          %parallel_loop3A_2451 = arith.constant 0 : i32
          %parallel_loop3A_2452 = arith.addi %parallel_loop3A_2450, %parallel_loop3A_2451 : i32
          %parallel_loop3A_2453 = arith.index_cast %parallel_loop3A_2452 : i32 to index
          %parallel_loop3A_2454 = tpu.vector_load %arg9[%parallel_loop3A_2453] {strides = array<i32>} : memref<15360xf32, #tpu.memory_space<vmem>>, vector<16xf32>,
          %parallel_loop3A_2455 = vector.shape_cast %parallel_loop3A_2454 : vector<16xf32> to vector<16xf32>
          %parallel_loop3A_2456 = arith.constant 16 : i32
          %parallel_loop3A_2457 = arith.addi %parallel_loop3A_2450, %parallel_loop3A_2456 : i32
          %parallel_loop3A_2458 = arith.index_cast %parallel_loop3A_2457 : i32 to index
          %parallel_loop3A_2459 = tpu.vector_load %arg9[%parallel_loop3A_2458] {strides = array<i32>} : memref<15360xf32, #tpu.memory_space<vmem>>, vector<16xf32>,
          %parallel_loop3A_2460 = vector.shape_cast %parallel_loop3A_2459 : vector<16xf32> to vector<16xf32>
          %parallel_loop3A_2461 = arith.constant 32 : i32
          %parallel_loop3A_2462 = arith.addi %parallel_loop3A_2450, %parallel_loop3A_2461 : i32
          %parallel_loop3A_2463 = arith.index_cast %parallel_loop3A_2462 : i32 to index
          %parallel_loop3A_2464 = tpu.vector_load %arg9[%parallel_loop3A_2463] {strides = array<i32>} : memref<15360xf32, #tpu.memory_space<vmem>>, vector<16xf32>,
          %parallel_loop3A_2465 = vector.shape_cast %parallel_loop3A_2464 : vector<16xf32> to vector<16xf32>
          %parallel_loop3A_2466 = arith.constant 48 : i32
          %parallel_loop3A_2467 = arith.addi %parallel_loop3A_2450, %parallel_loop3A_2466 : i32
          %parallel_loop3A_2468 = arith.index_cast %parallel_loop3A_2467 : i32 to index
          %parallel_loop3A_2469 = tpu.vector_load %arg9[%parallel_loop3A_2468] {strides = array<i32>} : memref<15360xf32, #tpu.memory_space<vmem>>, vector<16xf32>,
          %parallel_loop3A_2470 = vector.shape_cast %parallel_loop3A_2469 : vector<16xf32> to vector<16xf32>
          %parallel_loop3A_2471 = arith.constant 64 : i32
          %parallel_loop3A_2472 = arith.addi %parallel_loop3A_2450, %parallel_loop3A_2471 : i32
          %parallel_loop3A_2473 = arith.index_cast %parallel_loop3A_2472 : i32 to index
          %parallel_loop3A_2474 = tpu.vector_load %arg9[%parallel_loop3A_2473] {strides = array<i32>} : memref<15360xf32, #tpu.memory_space<vmem>>, vector<16xf32>,
          %parallel_loop3A_2475 = vector.shape_cast %parallel_loop3A_2474 : vector<16xf32> to vector<16xf32>
          %parallel_loop3A_2476 = arith.constant 80 : i32
          %parallel_loop3A_2477 = arith.addi %parallel_loop3A_2450, %parallel_loop3A_2476 : i32
          %parallel_loop3A_2478 = arith.index_cast %parallel_loop3A_2477 : i32 to index
          %parallel_loop3A_2479 = tpu.vector_load %arg9[%parallel_loop3A_2478] {strides = array<i32>} : memref<15360xf32, #tpu.memory_space<vmem>>, vector<16xf32>,
          %parallel_loop3A_2480 = vector.shape_cast %parallel_loop3A_2479 : vector<16xf32> to vector<16xf32>
          %parallel_loop3A_2481 = arith.constant 96 : i32
          %parallel_loop3A_2482 = arith.addi %parallel_loop3A_2450, %parallel_loop3A_2481 : i32
          %parallel_loop3A_2483 = arith.index_cast %parallel_loop3A_2482 : i32 to index
          %parallel_loop3A_2484 = tpu.vector_load %arg9[%parallel_loop3A_2483] {strides = array<i32>} : memref<15360xf32, #tpu.memory_space<vmem>>, vector<16xf32>,
          %parallel_loop3A_2485 = vector.shape_cast %parallel_loop3A_2484 : vector<16xf32> to vector<16xf32>
          %parallel_loop3A_2486 = arith.constant 112 : i32
          %parallel_loop3A_2487 = arith.addi %parallel_loop3A_2450, %parallel_loop3A_2486 : i32
          %parallel_loop3A_2488 = arith.index_cast %parallel_loop3A_2487 : i32 to index
          %parallel_loop3A_2489 = tpu.vector_load %arg9[%parallel_loop3A_2488] {strides = array<i32>} : memref<15360xf32, #tpu.memory_space<vmem>>, vector<16xf32>,
          %parallel_loop3A_2490 = vector.shape_cast %parallel_loop3A_2489 : vector<16xf32> to vector<16xf32>
          %parallel_loop3A_2491 = arith.constant 128 : i32
          %parallel_loop3A_2492 = arith.addi %parallel_loop3A_2450, %parallel_loop3A_2491 : i32
          %parallel_loop3A_2493 = arith.index_cast %parallel_loop3A_2492 : i32 to index
          %parallel_loop3A_2494 = tpu.vector_load %arg9[%parallel_loop3A_2493] {strides = array<i32>} : memref<15360xf32, #tpu.memory_space<vmem>>, vector<16xf32>,
          %parallel_loop3A_2495 = vector.shape_cast %parallel_loop3A_2494 : vector<16xf32> to vector<16xf32>
          %parallel_loop3A_2496 = arith.constant 144 : i32
          %parallel_loop3A_2497 = arith.addi %parallel_loop3A_2450, %parallel_loop3A_2496 : i32
          %parallel_loop3A_2498 = arith.index_cast %parallel_loop3A_2497 : i32 to index
          %parallel_loop3A_2499 = tpu.vector_load %arg9[%parallel_loop3A_2498] {strides = array<i32>} : memref<15360xf32, #tpu.memory_space<vmem>>, vector<16xf32>,
          %parallel_loop3A_2500 = vector.shape_cast %parallel_loop3A_2499 : vector<16xf32> to vector<16xf32>
          %parallel_loop3A_2501 = arith.constant 160 : i32
          %parallel_loop3A_2502 = arith.addi %parallel_loop3A_2450, %parallel_loop3A_2501 : i32
          %parallel_loop3A_2503 = arith.index_cast %parallel_loop3A_2502 : i32 to index
          %parallel_loop3A_2504 = tpu.vector_load %arg9[%parallel_loop3A_2503] {strides = array<i32>} : memref<15360xf32, #tpu.memory_space<vmem>>, vector<16xf32>,
          %parallel_loop3A_2505 = vector.shape_cast %parallel_loop3A_2504 : vector<16xf32> to vector<16xf32>
          %parallel_loop3A_2506 = arith.constant 176 : i32
          %parallel_loop3A_2507 = arith.addi %parallel_loop3A_2450, %parallel_loop3A_2506 : i32
          %parallel_loop3A_2508 = arith.index_cast %parallel_loop3A_2507 : i32 to index
          %parallel_loop3A_2509 = tpu.vector_load %arg9[%parallel_loop3A_2508] {strides = array<i32>} : memref<15360xf32, #tpu.memory_space<vmem>>, vector<16xf32>,
          %parallel_loop3A_2510 = vector.shape_cast %parallel_loop3A_2509 : vector<16xf32> to vector<16xf32>
          %parallel_loop3A_2511 = arith.constant 192 : i32
          %parallel_loop3A_2512 = arith.addi %parallel_loop3A_2450, %parallel_loop3A_2511 : i32
          %parallel_loop3A_2513 = arith.index_cast %parallel_loop3A_2512 : i32 to index
          %parallel_loop3A_2514 = tpu.vector_load %arg9[%parallel_loop3A_2513] {strides = array<i32>} : memref<15360xf32, #tpu.memory_space<vmem>>, vector<16xf32>,
          %parallel_loop3A_2515 = vector.shape_cast %parallel_loop3A_2514 : vector<16xf32> to vector<16xf32>
          %parallel_loop3A_2516 = arith.constant 208 : i32
          %parallel_loop3A_2517 = arith.addi %parallel_loop3A_2450, %parallel_loop3A_2516 : i32
          %parallel_loop3A_2518 = arith.index_cast %parallel_loop3A_2517 : i32 to index
          %parallel_loop3A_2519 = tpu.vector_load %arg9[%parallel_loop3A_2518] {strides = array<i32>} : memref<15360xf32, #tpu.memory_space<vmem>>, vector<16xf32>,
          %parallel_loop3A_2520 = vector.shape_cast %parallel_loop3A_2519 : vector<16xf32> to vector<16xf32>
          %parallel_loop3A_2521 = arith.constant 224 : i32
          %parallel_loop3A_2522 = arith.addi %parallel_loop3A_2450, %parallel_loop3A_2521 : i32
          %parallel_loop3A_2523 = arith.index_cast %parallel_loop3A_2522 : i32 to index
          %parallel_loop3A_2524 = tpu.vector_load %arg9[%parallel_loop3A_2523] {strides = array<i32>} : memref<15360xf32, #tpu.memory_space<vmem>>, vector<16xf32>,
          %parallel_loop3A_2525 = vector.shape_cast %parallel_loop3A_2524 : vector<16xf32> to vector<16xf32>
          %parallel_loop3A_2526 = arith.constant 240 : i32
          %parallel_loop3A_2527 = arith.addi %parallel_loop3A_2450, %parallel_loop3A_2526 : i32
          %parallel_loop3A_2528 = arith.index_cast %parallel_loop3A_2527 : i32 to index
          %parallel_loop3A_2529 = tpu.vector_load %arg9[%parallel_loop3A_2528] {strides = array<i32>} : memref<15360xf32, #tpu.memory_space<vmem>>, vector<16xf32>,
          %parallel_loop3A_2530 = vector.shape_cast %parallel_loop3A_2529 : vector<16xf32> to vector<16xf32>
          %parallel_loop3A_2531 = arith.constant 12 : i32
          %parallel_loop3A_2532 = arith.addi %parallel_loop3A_120, %parallel_loop3A_2531 : i32
          %parallel_loop3A_2533 = arith.index_cast %parallel_loop3A_2532 : i32 to index
          %parallel_loop3A_2534 = arith.constant 0 : index
          %parallel_loop3A_2535 = tpu.vector_load %arg8[%parallel_loop3A_2533, %parallel_loop3A_2534] {strides = array<i32>} : memref<160x256xf32, #tpu.memory_space<vmem>>, vector<1x16xf32>,
          %parallel_loop3A_2536 = vector.shape_cast %parallel_loop3A_2535 : vector<1x16xf32> to vector<16xf32>
          %parallel_loop3A_2537 = vector.shape_cast %parallel_loop3A_2455 : vector<16xf32> to vector<1x16xf32>
          tpu.vector_store %arg8[%parallel_loop3A_2533, %parallel_loop3A_2534], %parallel_loop3A_2537 {strides = array<i32>} : memref<160x256xf32, #tpu.memory_space<vmem>>, vector<1x16xf32>,
          %parallel_loop3A_2538 = arith.constant 12 : i32
          %parallel_loop3A_2539 = arith.addi %parallel_loop3A_120, %parallel_loop3A_2538 : i32
          %parallel_loop3A_2540 = arith.index_cast %parallel_loop3A_2539 : i32 to index
          %parallel_loop3A_2541 = arith.constant 16 : index
          %parallel_loop3A_2542 = tpu.vector_load %arg8[%parallel_loop3A_2540, %parallel_loop3A_2541] {strides = array<i32>} : memref<160x256xf32, #tpu.memory_space<vmem>>, vector<1x16xf32>,
          %parallel_loop3A_2543 = vector.shape_cast %parallel_loop3A_2542 : vector<1x16xf32> to vector<16xf32>
          %parallel_loop3A_2544 = vector.shape_cast %parallel_loop3A_2460 : vector<16xf32> to vector<1x16xf32>
          tpu.vector_store %arg8[%parallel_loop3A_2540, %parallel_loop3A_2541], %parallel_loop3A_2544 {strides = array<i32>} : memref<160x256xf32, #tpu.memory_space<vmem>>, vector<1x16xf32>,
          %parallel_loop3A_2545 = arith.constant 12 : i32
          %parallel_loop3A_2546 = arith.addi %parallel_loop3A_120, %parallel_loop3A_2545 : i32
          %parallel_loop3A_2547 = arith.index_cast %parallel_loop3A_2546 : i32 to index
          %parallel_loop3A_2548 = arith.constant 32 : index
          %parallel_loop3A_2549 = tpu.vector_load %arg8[%parallel_loop3A_2547, %parallel_loop3A_2548] {strides = array<i32>} : memref<160x256xf32, #tpu.memory_space<vmem>>, vector<1x16xf32>,
          %parallel_loop3A_2550 = vector.shape_cast %parallel_loop3A_2549 : vector<1x16xf32> to vector<16xf32>
          %parallel_loop3A_2551 = vector.shape_cast %parallel_loop3A_2465 : vector<16xf32> to vector<1x16xf32>
          tpu.vector_store %arg8[%parallel_loop3A_2547, %parallel_loop3A_2548], %parallel_loop3A_2551 {strides = array<i32>} : memref<160x256xf32, #tpu.memory_space<vmem>>, vector<1x16xf32>,
          %parallel_loop3A_2552 = arith.constant 12 : i32
          %parallel_loop3A_2553 = arith.addi %parallel_loop3A_120, %parallel_loop3A_2552 : i32
          %parallel_loop3A_2554 = arith.index_cast %parallel_loop3A_2553 : i32 to index
          %parallel_loop3A_2555 = arith.constant 48 : index
          %parallel_loop3A_2556 = tpu.vector_load %arg8[%parallel_loop3A_2554, %parallel_loop3A_2555] {strides = array<i32>} : memref<160x256xf32, #tpu.memory_space<vmem>>, vector<1x16xf32>,
          %parallel_loop3A_2557 = vector.shape_cast %parallel_loop3A_2556 : vector<1x16xf32> to vector<16xf32>
          %parallel_loop3A_2558 = vector.shape_cast %parallel_loop3A_2470 : vector<16xf32> to vector<1x16xf32>
          tpu.vector_store %arg8[%parallel_loop3A_2554, %parallel_loop3A_2555], %parallel_loop3A_2558 {strides = array<i32>} : memref<160x256xf32, #tpu.memory_space<vmem>>, vector<1x16xf32>,
          %parallel_loop3A_2559 = arith.constant 12 : i32
          %parallel_loop3A_2560 = arith.addi %parallel_loop3A_120, %parallel_loop3A_2559 : i32
          %parallel_loop3A_2561 = arith.index_cast %parallel_loop3A_2560 : i32 to index
          %parallel_loop3A_2562 = arith.constant 64 : index
          %parallel_loop3A_2563 = tpu.vector_load %arg8[%parallel_loop3A_2561, %parallel_loop3A_2562] {strides = array<i32>} : memref<160x256xf32, #tpu.memory_space<vmem>>, vector<1x16xf32>,
          %parallel_loop3A_2564 = vector.shape_cast %parallel_loop3A_2563 : vector<1x16xf32> to vector<16xf32>
          %parallel_loop3A_2565 = vector.shape_cast %parallel_loop3A_2475 : vector<16xf32> to vector<1x16xf32>
          tpu.vector_store %arg8[%parallel_loop3A_2561, %parallel_loop3A_2562], %parallel_loop3A_2565 {strides = array<i32>} : memref<160x256xf32, #tpu.memory_space<vmem>>, vector<1x16xf32>,
          %parallel_loop3A_2566 = arith.constant 12 : i32
          %parallel_loop3A_2567 = arith.addi %parallel_loop3A_120, %parallel_loop3A_2566 : i32
          %parallel_loop3A_2568 = arith.index_cast %parallel_loop3A_2567 : i32 to index
          %parallel_loop3A_2569 = arith.constant 80 : index
          %parallel_loop3A_2570 = tpu.vector_load %arg8[%parallel_loop3A_2568, %parallel_loop3A_2569] {strides = array<i32>} : memref<160x256xf32, #tpu.memory_space<vmem>>, vector<1x16xf32>,
          %parallel_loop3A_2571 = vector.shape_cast %parallel_loop3A_2570 : vector<1x16xf32> to vector<16xf32>
          %parallel_loop3A_2572 = vector.shape_cast %parallel_loop3A_2480 : vector<16xf32> to vector<1x16xf32>
          tpu.vector_store %arg8[%parallel_loop3A_2568, %parallel_loop3A_2569], %parallel_loop3A_2572 {strides = array<i32>} : memref<160x256xf32, #tpu.memory_space<vmem>>, vector<1x16xf32>,
          %parallel_loop3A_2573 = arith.constant 12 : i32
          %parallel_loop3A_2574 = arith.addi %parallel_loop3A_120, %parallel_loop3A_2573 : i32
          %parallel_loop3A_2575 = arith.index_cast %parallel_loop3A_2574 : i32 to index
          %parallel_loop3A_2576 = arith.constant 96 : index
          %parallel_loop3A_2577 = tpu.vector_load %arg8[%parallel_loop3A_2575, %parallel_loop3A_2576] {strides = array<i32>} : memref<160x256xf32, #tpu.memory_space<vmem>>, vector<1x16xf32>,
          %parallel_loop3A_2578 = vector.shape_cast %parallel_loop3A_2577 : vector<1x16xf32> to vector<16xf32>
          %parallel_loop3A_2579 = vector.shape_cast %parallel_loop3A_2485 : vector<16xf32> to vector<1x16xf32>
          tpu.vector_store %arg8[%parallel_loop3A_2575, %parallel_loop3A_2576], %parallel_loop3A_2579 {strides = array<i32>} : memref<160x256xf32, #tpu.memory_space<vmem>>, vector<1x16xf32>,
          %parallel_loop3A_2580 = arith.constant 12 : i32
          %parallel_loop3A_2581 = arith.addi %parallel_loop3A_120, %parallel_loop3A_2580 : i32
          %parallel_loop3A_2582 = arith.index_cast %parallel_loop3A_2581 : i32 to index
          %parallel_loop3A_2583 = arith.constant 112 : index
          %parallel_loop3A_2584 = tpu.vector_load %arg8[%parallel_loop3A_2582, %parallel_loop3A_2583] {strides = array<i32>} : memref<160x256xf32, #tpu.memory_space<vmem>>, vector<1x16xf32>,
          %parallel_loop3A_2585 = vector.shape_cast %parallel_loop3A_2584 : vector<1x16xf32> to vector<16xf32>
          %parallel_loop3A_2586 = vector.shape_cast %parallel_loop3A_2490 : vector<16xf32> to vector<1x16xf32>
          tpu.vector_store %arg8[%parallel_loop3A_2582, %parallel_loop3A_2583], %parallel_loop3A_2586 {strides = array<i32>} : memref<160x256xf32, #tpu.memory_space<vmem>>, vector<1x16xf32>,
          %parallel_loop3A_2587 = arith.constant 12 : i32
          %parallel_loop3A_2588 = arith.addi %parallel_loop3A_120, %parallel_loop3A_2587 : i32
          %parallel_loop3A_2589 = arith.index_cast %parallel_loop3A_2588 : i32 to index
          %parallel_loop3A_2590 = arith.constant 128 : index
          %parallel_loop3A_2591 = tpu.vector_load %arg8[%parallel_loop3A_2589, %parallel_loop3A_2590] {strides = array<i32>} : memref<160x256xf32, #tpu.memory_space<vmem>>, vector<1x16xf32>,
          %parallel_loop3A_2592 = vector.shape_cast %parallel_loop3A_2591 : vector<1x16xf32> to vector<16xf32>
          %parallel_loop3A_2593 = vector.shape_cast %parallel_loop3A_2495 : vector<16xf32> to vector<1x16xf32>
          tpu.vector_store %arg8[%parallel_loop3A_2589, %parallel_loop3A_2590], %parallel_loop3A_2593 {strides = array<i32>} : memref<160x256xf32, #tpu.memory_space<vmem>>, vector<1x16xf32>,
          %parallel_loop3A_2594 = arith.constant 12 : i32
          %parallel_loop3A_2595 = arith.addi %parallel_loop3A_120, %parallel_loop3A_2594 : i32
          %parallel_loop3A_2596 = arith.index_cast %parallel_loop3A_2595 : i32 to index
          %parallel_loop3A_2597 = arith.constant 144 : index
          %parallel_loop3A_2598 = tpu.vector_load %arg8[%parallel_loop3A_2596, %parallel_loop3A_2597] {strides = array<i32>} : memref<160x256xf32, #tpu.memory_space<vmem>>, vector<1x16xf32>,
          %parallel_loop3A_2599 = vector.shape_cast %parallel_loop3A_2598 : vector<1x16xf32> to vector<16xf32>
          %parallel_loop3A_2600 = vector.shape_cast %parallel_loop3A_2500 : vector<16xf32> to vector<1x16xf32>
          tpu.vector_store %arg8[%parallel_loop3A_2596, %parallel_loop3A_2597], %parallel_loop3A_2600 {strides = array<i32>} : memref<160x256xf32, #tpu.memory_space<vmem>>, vector<1x16xf32>,
          %parallel_loop3A_2601 = arith.constant 12 : i32
          %parallel_loop3A_2602 = arith.addi %parallel_loop3A_120, %parallel_loop3A_2601 : i32
          %parallel_loop3A_2603 = arith.index_cast %parallel_loop3A_2602 : i32 to index
          %parallel_loop3A_2604 = arith.constant 160 : index
          %parallel_loop3A_2605 = tpu.vector_load %arg8[%parallel_loop3A_2603, %parallel_loop3A_2604] {strides = array<i32>} : memref<160x256xf32, #tpu.memory_space<vmem>>, vector<1x16xf32>,
          %parallel_loop3A_2606 = vector.shape_cast %parallel_loop3A_2605 : vector<1x16xf32> to vector<16xf32>
          %parallel_loop3A_2607 = vector.shape_cast %parallel_loop3A_2505 : vector<16xf32> to vector<1x16xf32>
          tpu.vector_store %arg8[%parallel_loop3A_2603, %parallel_loop3A_2604], %parallel_loop3A_2607 {strides = array<i32>} : memref<160x256xf32, #tpu.memory_space<vmem>>, vector<1x16xf32>,
          %parallel_loop3A_2608 = arith.constant 12 : i32
          %parallel_loop3A_2609 = arith.addi %parallel_loop3A_120, %parallel_loop3A_2608 : i32
          %parallel_loop3A_2610 = arith.index_cast %parallel_loop3A_2609 : i32 to index
          %parallel_loop3A_2611 = arith.constant 176 : index
          %parallel_loop3A_2612 = tpu.vector_load %arg8[%parallel_loop3A_2610, %parallel_loop3A_2611] {strides = array<i32>} : memref<160x256xf32, #tpu.memory_space<vmem>>, vector<1x16xf32>,
          %parallel_loop3A_2613 = vector.shape_cast %parallel_loop3A_2612 : vector<1x16xf32> to vector<16xf32>
          %parallel_loop3A_2614 = vector.shape_cast %parallel_loop3A_2510 : vector<16xf32> to vector<1x16xf32>
          tpu.vector_store %arg8[%parallel_loop3A_2610, %parallel_loop3A_2611], %parallel_loop3A_2614 {strides = array<i32>} : memref<160x256xf32, #tpu.memory_space<vmem>>, vector<1x16xf32>,
          %parallel_loop3A_2615 = arith.constant 12 : i32
          %parallel_loop3A_2616 = arith.addi %parallel_loop3A_120, %parallel_loop3A_2615 : i32
          %parallel_loop3A_2617 = arith.index_cast %parallel_loop3A_2616 : i32 to index
          %parallel_loop3A_2618 = arith.constant 192 : index
          %parallel_loop3A_2619 = tpu.vector_load %arg8[%parallel_loop3A_2617, %parallel_loop3A_2618] {strides = array<i32>} : memref<160x256xf32, #tpu.memory_space<vmem>>, vector<1x16xf32>,
          %parallel_loop3A_2620 = vector.shape_cast %parallel_loop3A_2619 : vector<1x16xf32> to vector<16xf32>
          %parallel_loop3A_2621 = vector.shape_cast %parallel_loop3A_2515 : vector<16xf32> to vector<1x16xf32>
          tpu.vector_store %arg8[%parallel_loop3A_2617, %parallel_loop3A_2618], %parallel_loop3A_2621 {strides = array<i32>} : memref<160x256xf32, #tpu.memory_space<vmem>>, vector<1x16xf32>,
          %parallel_loop3A_2622 = arith.constant 12 : i32
          %parallel_loop3A_2623 = arith.addi %parallel_loop3A_120, %parallel_loop3A_2622 : i32
          %parallel_loop3A_2624 = arith.index_cast %parallel_loop3A_2623 : i32 to index
          %parallel_loop3A_2625 = arith.constant 208 : index
          %parallel_loop3A_2626 = tpu.vector_load %arg8[%parallel_loop3A_2624, %parallel_loop3A_2625] {strides = array<i32>} : memref<160x256xf32, #tpu.memory_space<vmem>>, vector<1x16xf32>,
          %parallel_loop3A_2627 = vector.shape_cast %parallel_loop3A_2626 : vector<1x16xf32> to vector<16xf32>
          %parallel_loop3A_2628 = vector.shape_cast %parallel_loop3A_2520 : vector<16xf32> to vector<1x16xf32>
          tpu.vector_store %arg8[%parallel_loop3A_2624, %parallel_loop3A_2625], %parallel_loop3A_2628 {strides = array<i32>} : memref<160x256xf32, #tpu.memory_space<vmem>>, vector<1x16xf32>,
          %parallel_loop3A_2629 = arith.constant 12 : i32
          %parallel_loop3A_2630 = arith.addi %parallel_loop3A_120, %parallel_loop3A_2629 : i32
          %parallel_loop3A_2631 = arith.index_cast %parallel_loop3A_2630 : i32 to index
          %parallel_loop3A_2632 = arith.constant 224 : index
          %parallel_loop3A_2633 = tpu.vector_load %arg8[%parallel_loop3A_2631, %parallel_loop3A_2632] {strides = array<i32>} : memref<160x256xf32, #tpu.memory_space<vmem>>, vector<1x16xf32>,
          %parallel_loop3A_2634 = vector.shape_cast %parallel_loop3A_2633 : vector<1x16xf32> to vector<16xf32>
          %parallel_loop3A_2635 = vector.shape_cast %parallel_loop3A_2525 : vector<16xf32> to vector<1x16xf32>
          tpu.vector_store %arg8[%parallel_loop3A_2631, %parallel_loop3A_2632], %parallel_loop3A_2635 {strides = array<i32>} : memref<160x256xf32, #tpu.memory_space<vmem>>, vector<1x16xf32>,
          %parallel_loop3A_2636 = arith.constant 12 : i32
          %parallel_loop3A_2637 = arith.addi %parallel_loop3A_120, %parallel_loop3A_2636 : i32
          %parallel_loop3A_2638 = arith.index_cast %parallel_loop3A_2637 : i32 to index
          %parallel_loop3A_2639 = arith.constant 240 : index
          %parallel_loop3A_2640 = tpu.vector_load %arg8[%parallel_loop3A_2638, %parallel_loop3A_2639] {strides = array<i32>} : memref<160x256xf32, #tpu.memory_space<vmem>>, vector<1x16xf32>,
          %parallel_loop3A_2641 = vector.shape_cast %parallel_loop3A_2640 : vector<1x16xf32> to vector<16xf32>
          %parallel_loop3A_2642 = vector.shape_cast %parallel_loop3A_2530 : vector<16xf32> to vector<1x16xf32>
          tpu.vector_store %arg8[%parallel_loop3A_2638, %parallel_loop3A_2639], %parallel_loop3A_2642 {strides = array<i32>} : memref<160x256xf32, #tpu.memory_space<vmem>>, vector<1x16xf32>,
          %parallel_loop3A_2643 = vector.extract_strided_slice %parallel_loop3A_115 {offsets = [13], sizes = [1], strides = [1]} : vector<16xi32> to vector<1xi32>
          %parallel_loop3A_2644 = vector.extract %parallel_loop3A_2643[0] : i32 from vector<1xi32>
          %parallel_loop3A_2645 = arith.constant 0 : i32
          %parallel_loop3A_2646 = arith.addi %parallel_loop3A_2644, %parallel_loop3A_2645 : i32
          %parallel_loop3A_2647 = arith.index_cast %parallel_loop3A_2646 : i32 to index
          %parallel_loop3A_2648 = tpu.vector_load %arg9[%parallel_loop3A_2647] {strides = array<i32>} : memref<15360xf32, #tpu.memory_space<vmem>>, vector<16xf32>,
          %parallel_loop3A_2649 = vector.shape_cast %parallel_loop3A_2648 : vector<16xf32> to vector<16xf32>
          %parallel_loop3A_2650 = arith.constant 16 : i32
          %parallel_loop3A_2651 = arith.addi %parallel_loop3A_2644, %parallel_loop3A_2650 : i32
          %parallel_loop3A_2652 = arith.index_cast %parallel_loop3A_2651 : i32 to index
          %parallel_loop3A_2653 = tpu.vector_load %arg9[%parallel_loop3A_2652] {strides = array<i32>} : memref<15360xf32, #tpu.memory_space<vmem>>, vector<16xf32>,
          %parallel_loop3A_2654 = vector.shape_cast %parallel_loop3A_2653 : vector<16xf32> to vector<16xf32>
          %parallel_loop3A_2655 = arith.constant 32 : i32
          %parallel_loop3A_2656 = arith.addi %parallel_loop3A_2644, %parallel_loop3A_2655 : i32
          %parallel_loop3A_2657 = arith.index_cast %parallel_loop3A_2656 : i32 to index
          %parallel_loop3A_2658 = tpu.vector_load %arg9[%parallel_loop3A_2657] {strides = array<i32>} : memref<15360xf32, #tpu.memory_space<vmem>>, vector<16xf32>,
          %parallel_loop3A_2659 = vector.shape_cast %parallel_loop3A_2658 : vector<16xf32> to vector<16xf32>
          %parallel_loop3A_2660 = arith.constant 48 : i32
          %parallel_loop3A_2661 = arith.addi %parallel_loop3A_2644, %parallel_loop3A_2660 : i32
          %parallel_loop3A_2662 = arith.index_cast %parallel_loop3A_2661 : i32 to index
          %parallel_loop3A_2663 = tpu.vector_load %arg9[%parallel_loop3A_2662] {strides = array<i32>} : memref<15360xf32, #tpu.memory_space<vmem>>, vector<16xf32>,
          %parallel_loop3A_2664 = vector.shape_cast %parallel_loop3A_2663 : vector<16xf32> to vector<16xf32>
          %parallel_loop3A_2665 = arith.constant 64 : i32
          %parallel_loop3A_2666 = arith.addi %parallel_loop3A_2644, %parallel_loop3A_2665 : i32
          %parallel_loop3A_2667 = arith.index_cast %parallel_loop3A_2666 : i32 to index
          %parallel_loop3A_2668 = tpu.vector_load %arg9[%parallel_loop3A_2667] {strides = array<i32>} : memref<15360xf32, #tpu.memory_space<vmem>>, vector<16xf32>,
          %parallel_loop3A_2669 = vector.shape_cast %parallel_loop3A_2668 : vector<16xf32> to vector<16xf32>
          %parallel_loop3A_2670 = arith.constant 80 : i32
          %parallel_loop3A_2671 = arith.addi %parallel_loop3A_2644, %parallel_loop3A_2670 : i32
          %parallel_loop3A_2672 = arith.index_cast %parallel_loop3A_2671 : i32 to index
          %parallel_loop3A_2673 = tpu.vector_load %arg9[%parallel_loop3A_2672] {strides = array<i32>} : memref<15360xf32, #tpu.memory_space<vmem>>, vector<16xf32>,
          %parallel_loop3A_2674 = vector.shape_cast %parallel_loop3A_2673 : vector<16xf32> to vector<16xf32>
          %parallel_loop3A_2675 = arith.constant 96 : i32
          %parallel_loop3A_2676 = arith.addi %parallel_loop3A_2644, %parallel_loop3A_2675 : i32
          %parallel_loop3A_2677 = arith.index_cast %parallel_loop3A_2676 : i32 to index
          %parallel_loop3A_2678 = tpu.vector_load %arg9[%parallel_loop3A_2677] {strides = array<i32>} : memref<15360xf32, #tpu.memory_space<vmem>>, vector<16xf32>,
          %parallel_loop3A_2679 = vector.shape_cast %parallel_loop3A_2678 : vector<16xf32> to vector<16xf32>
          %parallel_loop3A_2680 = arith.constant 112 : i32
          %parallel_loop3A_2681 = arith.addi %parallel_loop3A_2644, %parallel_loop3A_2680 : i32
          %parallel_loop3A_2682 = arith.index_cast %parallel_loop3A_2681 : i32 to index
          %parallel_loop3A_2683 = tpu.vector_load %arg9[%parallel_loop3A_2682] {strides = array<i32>} : memref<15360xf32, #tpu.memory_space<vmem>>, vector<16xf32>,
          %parallel_loop3A_2684 = vector.shape_cast %parallel_loop3A_2683 : vector<16xf32> to vector<16xf32>
          %parallel_loop3A_2685 = arith.constant 128 : i32
          %parallel_loop3A_2686 = arith.addi %parallel_loop3A_2644, %parallel_loop3A_2685 : i32
          %parallel_loop3A_2687 = arith.index_cast %parallel_loop3A_2686 : i32 to index
          %parallel_loop3A_2688 = tpu.vector_load %arg9[%parallel_loop3A_2687] {strides = array<i32>} : memref<15360xf32, #tpu.memory_space<vmem>>, vector<16xf32>,
          %parallel_loop3A_2689 = vector.shape_cast %parallel_loop3A_2688 : vector<16xf32> to vector<16xf32>
          %parallel_loop3A_2690 = arith.constant 144 : i32
          %parallel_loop3A_2691 = arith.addi %parallel_loop3A_2644, %parallel_loop3A_2690 : i32
          %parallel_loop3A_2692 = arith.index_cast %parallel_loop3A_2691 : i32 to index
          %parallel_loop3A_2693 = tpu.vector_load %arg9[%parallel_loop3A_2692] {strides = array<i32>} : memref<15360xf32, #tpu.memory_space<vmem>>, vector<16xf32>,
          %parallel_loop3A_2694 = vector.shape_cast %parallel_loop3A_2693 : vector<16xf32> to vector<16xf32>
          %parallel_loop3A_2695 = arith.constant 160 : i32
          %parallel_loop3A_2696 = arith.addi %parallel_loop3A_2644, %parallel_loop3A_2695 : i32
          %parallel_loop3A_2697 = arith.index_cast %parallel_loop3A_2696 : i32 to index
          %parallel_loop3A_2698 = tpu.vector_load %arg9[%parallel_loop3A_2697] {strides = array<i32>} : memref<15360xf32, #tpu.memory_space<vmem>>, vector<16xf32>,
          %parallel_loop3A_2699 = vector.shape_cast %parallel_loop3A_2698 : vector<16xf32> to vector<16xf32>
          %parallel_loop3A_2700 = arith.constant 176 : i32
          %parallel_loop3A_2701 = arith.addi %parallel_loop3A_2644, %parallel_loop3A_2700 : i32
          %parallel_loop3A_2702 = arith.index_cast %parallel_loop3A_2701 : i32 to index
          %parallel_loop3A_2703 = tpu.vector_load %arg9[%parallel_loop3A_2702] {strides = array<i32>} : memref<15360xf32, #tpu.memory_space<vmem>>, vector<16xf32>,
          %parallel_loop3A_2704 = vector.shape_cast %parallel_loop3A_2703 : vector<16xf32> to vector<16xf32>
          %parallel_loop3A_2705 = arith.constant 192 : i32
          %parallel_loop3A_2706 = arith.addi %parallel_loop3A_2644, %parallel_loop3A_2705 : i32
          %parallel_loop3A_2707 = arith.index_cast %parallel_loop3A_2706 : i32 to index
          %parallel_loop3A_2708 = tpu.vector_load %arg9[%parallel_loop3A_2707] {strides = array<i32>} : memref<15360xf32, #tpu.memory_space<vmem>>, vector<16xf32>,
          %parallel_loop3A_2709 = vector.shape_cast %parallel_loop3A_2708 : vector<16xf32> to vector<16xf32>
          %parallel_loop3A_2710 = arith.constant 208 : i32
          %parallel_loop3A_2711 = arith.addi %parallel_loop3A_2644, %parallel_loop3A_2710 : i32
          %parallel_loop3A_2712 = arith.index_cast %parallel_loop3A_2711 : i32 to index
          %parallel_loop3A_2713 = tpu.vector_load %arg9[%parallel_loop3A_2712] {strides = array<i32>} : memref<15360xf32, #tpu.memory_space<vmem>>, vector<16xf32>,
          %parallel_loop3A_2714 = vector.shape_cast %parallel_loop3A_2713 : vector<16xf32> to vector<16xf32>
          %parallel_loop3A_2715 = arith.constant 224 : i32
          %parallel_loop3A_2716 = arith.addi %parallel_loop3A_2644, %parallel_loop3A_2715 : i32
          %parallel_loop3A_2717 = arith.index_cast %parallel_loop3A_2716 : i32 to index
          %parallel_loop3A_2718 = tpu.vector_load %arg9[%parallel_loop3A_2717] {strides = array<i32>} : memref<15360xf32, #tpu.memory_space<vmem>>, vector<16xf32>,
          %parallel_loop3A_2719 = vector.shape_cast %parallel_loop3A_2718 : vector<16xf32> to vector<16xf32>
          %parallel_loop3A_2720 = arith.constant 240 : i32
          %parallel_loop3A_2721 = arith.addi %parallel_loop3A_2644, %parallel_loop3A_2720 : i32
          %parallel_loop3A_2722 = arith.index_cast %parallel_loop3A_2721 : i32 to index
          %parallel_loop3A_2723 = tpu.vector_load %arg9[%parallel_loop3A_2722] {strides = array<i32>} : memref<15360xf32, #tpu.memory_space<vmem>>, vector<16xf32>,
          %parallel_loop3A_2724 = vector.shape_cast %parallel_loop3A_2723 : vector<16xf32> to vector<16xf32>
          %parallel_loop3A_2725 = arith.constant 13 : i32
          %parallel_loop3A_2726 = arith.addi %parallel_loop3A_120, %parallel_loop3A_2725 : i32
          %parallel_loop3A_2727 = arith.index_cast %parallel_loop3A_2726 : i32 to index
          %parallel_loop3A_2728 = arith.constant 0 : index
          %parallel_loop3A_2729 = tpu.vector_load %arg8[%parallel_loop3A_2727, %parallel_loop3A_2728] {strides = array<i32>} : memref<160x256xf32, #tpu.memory_space<vmem>>, vector<1x16xf32>,
          %parallel_loop3A_2730 = vector.shape_cast %parallel_loop3A_2729 : vector<1x16xf32> to vector<16xf32>
          %parallel_loop3A_2731 = vector.shape_cast %parallel_loop3A_2649 : vector<16xf32> to vector<1x16xf32>
          tpu.vector_store %arg8[%parallel_loop3A_2727, %parallel_loop3A_2728], %parallel_loop3A_2731 {strides = array<i32>} : memref<160x256xf32, #tpu.memory_space<vmem>>, vector<1x16xf32>,
          %parallel_loop3A_2732 = arith.constant 13 : i32
          %parallel_loop3A_2733 = arith.addi %parallel_loop3A_120, %parallel_loop3A_2732 : i32
          %parallel_loop3A_2734 = arith.index_cast %parallel_loop3A_2733 : i32 to index
          %parallel_loop3A_2735 = arith.constant 16 : index
          %parallel_loop3A_2736 = tpu.vector_load %arg8[%parallel_loop3A_2734, %parallel_loop3A_2735] {strides = array<i32>} : memref<160x256xf32, #tpu.memory_space<vmem>>, vector<1x16xf32>,
          %parallel_loop3A_2737 = vector.shape_cast %parallel_loop3A_2736 : vector<1x16xf32> to vector<16xf32>
          %parallel_loop3A_2738 = vector.shape_cast %parallel_loop3A_2654 : vector<16xf32> to vector<1x16xf32>
          tpu.vector_store %arg8[%parallel_loop3A_2734, %parallel_loop3A_2735], %parallel_loop3A_2738 {strides = array<i32>} : memref<160x256xf32, #tpu.memory_space<vmem>>, vector<1x16xf32>,
          %parallel_loop3A_2739 = arith.constant 13 : i32
          %parallel_loop3A_2740 = arith.addi %parallel_loop3A_120, %parallel_loop3A_2739 : i32
          %parallel_loop3A_2741 = arith.index_cast %parallel_loop3A_2740 : i32 to index
          %parallel_loop3A_2742 = arith.constant 32 : index
          %parallel_loop3A_2743 = tpu.vector_load %arg8[%parallel_loop3A_2741, %parallel_loop3A_2742] {strides = array<i32>} : memref<160x256xf32, #tpu.memory_space<vmem>>, vector<1x16xf32>,
          %parallel_loop3A_2744 = vector.shape_cast %parallel_loop3A_2743 : vector<1x16xf32> to vector<16xf32>
          %parallel_loop3A_2745 = vector.shape_cast %parallel_loop3A_2659 : vector<16xf32> to vector<1x16xf32>
          tpu.vector_store %arg8[%parallel_loop3A_2741, %parallel_loop3A_2742], %parallel_loop3A_2745 {strides = array<i32>} : memref<160x256xf32, #tpu.memory_space<vmem>>, vector<1x16xf32>,
          %parallel_loop3A_2746 = arith.constant 13 : i32
          %parallel_loop3A_2747 = arith.addi %parallel_loop3A_120, %parallel_loop3A_2746 : i32
          %parallel_loop3A_2748 = arith.index_cast %parallel_loop3A_2747 : i32 to index
          %parallel_loop3A_2749 = arith.constant 48 : index
          %parallel_loop3A_2750 = tpu.vector_load %arg8[%parallel_loop3A_2748, %parallel_loop3A_2749] {strides = array<i32>} : memref<160x256xf32, #tpu.memory_space<vmem>>, vector<1x16xf32>,
          %parallel_loop3A_2751 = vector.shape_cast %parallel_loop3A_2750 : vector<1x16xf32> to vector<16xf32>
          %parallel_loop3A_2752 = vector.shape_cast %parallel_loop3A_2664 : vector<16xf32> to vector<1x16xf32>
          tpu.vector_store %arg8[%parallel_loop3A_2748, %parallel_loop3A_2749], %parallel_loop3A_2752 {strides = array<i32>} : memref<160x256xf32, #tpu.memory_space<vmem>>, vector<1x16xf32>,
          %parallel_loop3A_2753 = arith.constant 13 : i32
          %parallel_loop3A_2754 = arith.addi %parallel_loop3A_120, %parallel_loop3A_2753 : i32
          %parallel_loop3A_2755 = arith.index_cast %parallel_loop3A_2754 : i32 to index
          %parallel_loop3A_2756 = arith.constant 64 : index
          %parallel_loop3A_2757 = tpu.vector_load %arg8[%parallel_loop3A_2755, %parallel_loop3A_2756] {strides = array<i32>} : memref<160x256xf32, #tpu.memory_space<vmem>>, vector<1x16xf32>,
          %parallel_loop3A_2758 = vector.shape_cast %parallel_loop3A_2757 : vector<1x16xf32> to vector<16xf32>
          %parallel_loop3A_2759 = vector.shape_cast %parallel_loop3A_2669 : vector<16xf32> to vector<1x16xf32>
          tpu.vector_store %arg8[%parallel_loop3A_2755, %parallel_loop3A_2756], %parallel_loop3A_2759 {strides = array<i32>} : memref<160x256xf32, #tpu.memory_space<vmem>>, vector<1x16xf32>,
          %parallel_loop3A_2760 = arith.constant 13 : i32
          %parallel_loop3A_2761 = arith.addi %parallel_loop3A_120, %parallel_loop3A_2760 : i32
          %parallel_loop3A_2762 = arith.index_cast %parallel_loop3A_2761 : i32 to index
          %parallel_loop3A_2763 = arith.constant 80 : index
          %parallel_loop3A_2764 = tpu.vector_load %arg8[%parallel_loop3A_2762, %parallel_loop3A_2763] {strides = array<i32>} : memref<160x256xf32, #tpu.memory_space<vmem>>, vector<1x16xf32>,
          %parallel_loop3A_2765 = vector.shape_cast %parallel_loop3A_2764 : vector<1x16xf32> to vector<16xf32>
          %parallel_loop3A_2766 = vector.shape_cast %parallel_loop3A_2674 : vector<16xf32> to vector<1x16xf32>
          tpu.vector_store %arg8[%parallel_loop3A_2762, %parallel_loop3A_2763], %parallel_loop3A_2766 {strides = array<i32>} : memref<160x256xf32, #tpu.memory_space<vmem>>, vector<1x16xf32>,
          %parallel_loop3A_2767 = arith.constant 13 : i32
          %parallel_loop3A_2768 = arith.addi %parallel_loop3A_120, %parallel_loop3A_2767 : i32
          %parallel_loop3A_2769 = arith.index_cast %parallel_loop3A_2768 : i32 to index
          %parallel_loop3A_2770 = arith.constant 96 : index
          %parallel_loop3A_2771 = tpu.vector_load %arg8[%parallel_loop3A_2769, %parallel_loop3A_2770] {strides = array<i32>} : memref<160x256xf32, #tpu.memory_space<vmem>>, vector<1x16xf32>,
          %parallel_loop3A_2772 = vector.shape_cast %parallel_loop3A_2771 : vector<1x16xf32> to vector<16xf32>
          %parallel_loop3A_2773 = vector.shape_cast %parallel_loop3A_2679 : vector<16xf32> to vector<1x16xf32>
          tpu.vector_store %arg8[%parallel_loop3A_2769, %parallel_loop3A_2770], %parallel_loop3A_2773 {strides = array<i32>} : memref<160x256xf32, #tpu.memory_space<vmem>>, vector<1x16xf32>,
          %parallel_loop3A_2774 = arith.constant 13 : i32
          %parallel_loop3A_2775 = arith.addi %parallel_loop3A_120, %parallel_loop3A_2774 : i32
          %parallel_loop3A_2776 = arith.index_cast %parallel_loop3A_2775 : i32 to index
          %parallel_loop3A_2777 = arith.constant 112 : index
          %parallel_loop3A_2778 = tpu.vector_load %arg8[%parallel_loop3A_2776, %parallel_loop3A_2777] {strides = array<i32>} : memref<160x256xf32, #tpu.memory_space<vmem>>, vector<1x16xf32>,
          %parallel_loop3A_2779 = vector.shape_cast %parallel_loop3A_2778 : vector<1x16xf32> to vector<16xf32>
          %parallel_loop3A_2780 = vector.shape_cast %parallel_loop3A_2684 : vector<16xf32> to vector<1x16xf32>
          tpu.vector_store %arg8[%parallel_loop3A_2776, %parallel_loop3A_2777], %parallel_loop3A_2780 {strides = array<i32>} : memref<160x256xf32, #tpu.memory_space<vmem>>, vector<1x16xf32>,
          %parallel_loop3A_2781 = arith.constant 13 : i32
          %parallel_loop3A_2782 = arith.addi %parallel_loop3A_120, %parallel_loop3A_2781 : i32
          %parallel_loop3A_2783 = arith.index_cast %parallel_loop3A_2782 : i32 to index
          %parallel_loop3A_2784 = arith.constant 128 : index
          %parallel_loop3A_2785 = tpu.vector_load %arg8[%parallel_loop3A_2783, %parallel_loop3A_2784] {strides = array<i32>} : memref<160x256xf32, #tpu.memory_space<vmem>>, vector<1x16xf32>,
          %parallel_loop3A_2786 = vector.shape_cast %parallel_loop3A_2785 : vector<1x16xf32> to vector<16xf32>
          %parallel_loop3A_2787 = vector.shape_cast %parallel_loop3A_2689 : vector<16xf32> to vector<1x16xf32>
          tpu.vector_store %arg8[%parallel_loop3A_2783, %parallel_loop3A_2784], %parallel_loop3A_2787 {strides = array<i32>} : memref<160x256xf32, #tpu.memory_space<vmem>>, vector<1x16xf32>,
          %parallel_loop3A_2788 = arith.constant 13 : i32
          %parallel_loop3A_2789 = arith.addi %parallel_loop3A_120, %parallel_loop3A_2788 : i32
          %parallel_loop3A_2790 = arith.index_cast %parallel_loop3A_2789 : i32 to index
          %parallel_loop3A_2791 = arith.constant 144 : index
          %parallel_loop3A_2792 = tpu.vector_load %arg8[%parallel_loop3A_2790, %parallel_loop3A_2791] {strides = array<i32>} : memref<160x256xf32, #tpu.memory_space<vmem>>, vector<1x16xf32>,
          %parallel_loop3A_2793 = vector.shape_cast %parallel_loop3A_2792 : vector<1x16xf32> to vector<16xf32>
          %parallel_loop3A_2794 = vector.shape_cast %parallel_loop3A_2694 : vector<16xf32> to vector<1x16xf32>
          tpu.vector_store %arg8[%parallel_loop3A_2790, %parallel_loop3A_2791], %parallel_loop3A_2794 {strides = array<i32>} : memref<160x256xf32, #tpu.memory_space<vmem>>, vector<1x16xf32>,
          %parallel_loop3A_2795 = arith.constant 13 : i32
          %parallel_loop3A_2796 = arith.addi %parallel_loop3A_120, %parallel_loop3A_2795 : i32
          %parallel_loop3A_2797 = arith.index_cast %parallel_loop3A_2796 : i32 to index
          %parallel_loop3A_2798 = arith.constant 160 : index
          %parallel_loop3A_2799 = tpu.vector_load %arg8[%parallel_loop3A_2797, %parallel_loop3A_2798] {strides = array<i32>} : memref<160x256xf32, #tpu.memory_space<vmem>>, vector<1x16xf32>,
          %parallel_loop3A_2800 = vector.shape_cast %parallel_loop3A_2799 : vector<1x16xf32> to vector<16xf32>
          %parallel_loop3A_2801 = vector.shape_cast %parallel_loop3A_2699 : vector<16xf32> to vector<1x16xf32>
          tpu.vector_store %arg8[%parallel_loop3A_2797, %parallel_loop3A_2798], %parallel_loop3A_2801 {strides = array<i32>} : memref<160x256xf32, #tpu.memory_space<vmem>>, vector<1x16xf32>,
          %parallel_loop3A_2802 = arith.constant 13 : i32
          %parallel_loop3A_2803 = arith.addi %parallel_loop3A_120, %parallel_loop3A_2802 : i32
          %parallel_loop3A_2804 = arith.index_cast %parallel_loop3A_2803 : i32 to index
          %parallel_loop3A_2805 = arith.constant 176 : index
          %parallel_loop3A_2806 = tpu.vector_load %arg8[%parallel_loop3A_2804, %parallel_loop3A_2805] {strides = array<i32>} : memref<160x256xf32, #tpu.memory_space<vmem>>, vector<1x16xf32>,
          %parallel_loop3A_2807 = vector.shape_cast %parallel_loop3A_2806 : vector<1x16xf32> to vector<16xf32>
          %parallel_loop3A_2808 = vector.shape_cast %parallel_loop3A_2704 : vector<16xf32> to vector<1x16xf32>
          tpu.vector_store %arg8[%parallel_loop3A_2804, %parallel_loop3A_2805], %parallel_loop3A_2808 {strides = array<i32>} : memref<160x256xf32, #tpu.memory_space<vmem>>, vector<1x16xf32>,
          %parallel_loop3A_2809 = arith.constant 13 : i32
          %parallel_loop3A_2810 = arith.addi %parallel_loop3A_120, %parallel_loop3A_2809 : i32
          %parallel_loop3A_2811 = arith.index_cast %parallel_loop3A_2810 : i32 to index
          %parallel_loop3A_2812 = arith.constant 192 : index
          %parallel_loop3A_2813 = tpu.vector_load %arg8[%parallel_loop3A_2811, %parallel_loop3A_2812] {strides = array<i32>} : memref<160x256xf32, #tpu.memory_space<vmem>>, vector<1x16xf32>,
          %parallel_loop3A_2814 = vector.shape_cast %parallel_loop3A_2813 : vector<1x16xf32> to vector<16xf32>
          %parallel_loop3A_2815 = vector.shape_cast %parallel_loop3A_2709 : vector<16xf32> to vector<1x16xf32>
          tpu.vector_store %arg8[%parallel_loop3A_2811, %parallel_loop3A_2812], %parallel_loop3A_2815 {strides = array<i32>} : memref<160x256xf32, #tpu.memory_space<vmem>>, vector<1x16xf32>,
          %parallel_loop3A_2816 = arith.constant 13 : i32
          %parallel_loop3A_2817 = arith.addi %parallel_loop3A_120, %parallel_loop3A_2816 : i32
          %parallel_loop3A_2818 = arith.index_cast %parallel_loop3A_2817 : i32 to index
          %parallel_loop3A_2819 = arith.constant 208 : index
          %parallel_loop3A_2820 = tpu.vector_load %arg8[%parallel_loop3A_2818, %parallel_loop3A_2819] {strides = array<i32>} : memref<160x256xf32, #tpu.memory_space<vmem>>, vector<1x16xf32>,
          %parallel_loop3A_2821 = vector.shape_cast %parallel_loop3A_2820 : vector<1x16xf32> to vector<16xf32>
          %parallel_loop3A_2822 = vector.shape_cast %parallel_loop3A_2714 : vector<16xf32> to vector<1x16xf32>
          tpu.vector_store %arg8[%parallel_loop3A_2818, %parallel_loop3A_2819], %parallel_loop3A_2822 {strides = array<i32>} : memref<160x256xf32, #tpu.memory_space<vmem>>, vector<1x16xf32>,
          %parallel_loop3A_2823 = arith.constant 13 : i32
          %parallel_loop3A_2824 = arith.addi %parallel_loop3A_120, %parallel_loop3A_2823 : i32
          %parallel_loop3A_2825 = arith.index_cast %parallel_loop3A_2824 : i32 to index
          %parallel_loop3A_2826 = arith.constant 224 : index
          %parallel_loop3A_2827 = tpu.vector_load %arg8[%parallel_loop3A_2825, %parallel_loop3A_2826] {strides = array<i32>} : memref<160x256xf32, #tpu.memory_space<vmem>>, vector<1x16xf32>,
          %parallel_loop3A_2828 = vector.shape_cast %parallel_loop3A_2827 : vector<1x16xf32> to vector<16xf32>
          %parallel_loop3A_2829 = vector.shape_cast %parallel_loop3A_2719 : vector<16xf32> to vector<1x16xf32>
          tpu.vector_store %arg8[%parallel_loop3A_2825, %parallel_loop3A_2826], %parallel_loop3A_2829 {strides = array<i32>} : memref<160x256xf32, #tpu.memory_space<vmem>>, vector<1x16xf32>,
          %parallel_loop3A_2830 = arith.constant 13 : i32
          %parallel_loop3A_2831 = arith.addi %parallel_loop3A_120, %parallel_loop3A_2830 : i32
          %parallel_loop3A_2832 = arith.index_cast %parallel_loop3A_2831 : i32 to index
          %parallel_loop3A_2833 = arith.constant 240 : index
          %parallel_loop3A_2834 = tpu.vector_load %arg8[%parallel_loop3A_2832, %parallel_loop3A_2833] {strides = array<i32>} : memref<160x256xf32, #tpu.memory_space<vmem>>, vector<1x16xf32>,
          %parallel_loop3A_2835 = vector.shape_cast %parallel_loop3A_2834 : vector<1x16xf32> to vector<16xf32>
          %parallel_loop3A_2836 = vector.shape_cast %parallel_loop3A_2724 : vector<16xf32> to vector<1x16xf32>
          tpu.vector_store %arg8[%parallel_loop3A_2832, %parallel_loop3A_2833], %parallel_loop3A_2836 {strides = array<i32>} : memref<160x256xf32, #tpu.memory_space<vmem>>, vector<1x16xf32>,
          %parallel_loop3A_2837 = vector.extract_strided_slice %parallel_loop3A_115 {offsets = [14], sizes = [1], strides = [1]} : vector<16xi32> to vector<1xi32>
          %parallel_loop3A_2838 = vector.extract %parallel_loop3A_2837[0] : i32 from vector<1xi32>
          %parallel_loop3A_2839 = arith.constant 0 : i32
          %parallel_loop3A_2840 = arith.addi %parallel_loop3A_2838, %parallel_loop3A_2839 : i32
          %parallel_loop3A_2841 = arith.index_cast %parallel_loop3A_2840 : i32 to index
          %parallel_loop3A_2842 = tpu.vector_load %arg9[%parallel_loop3A_2841] {strides = array<i32>} : memref<15360xf32, #tpu.memory_space<vmem>>, vector<16xf32>,
          %parallel_loop3A_2843 = vector.shape_cast %parallel_loop3A_2842 : vector<16xf32> to vector<16xf32>
          %parallel_loop3A_2844 = arith.constant 16 : i32
          %parallel_loop3A_2845 = arith.addi %parallel_loop3A_2838, %parallel_loop3A_2844 : i32
          %parallel_loop3A_2846 = arith.index_cast %parallel_loop3A_2845 : i32 to index
          %parallel_loop3A_2847 = tpu.vector_load %arg9[%parallel_loop3A_2846] {strides = array<i32>} : memref<15360xf32, #tpu.memory_space<vmem>>, vector<16xf32>,
          %parallel_loop3A_2848 = vector.shape_cast %parallel_loop3A_2847 : vector<16xf32> to vector<16xf32>
          %parallel_loop3A_2849 = arith.constant 32 : i32
          %parallel_loop3A_2850 = arith.addi %parallel_loop3A_2838, %parallel_loop3A_2849 : i32
          %parallel_loop3A_2851 = arith.index_cast %parallel_loop3A_2850 : i32 to index
          %parallel_loop3A_2852 = tpu.vector_load %arg9[%parallel_loop3A_2851] {strides = array<i32>} : memref<15360xf32, #tpu.memory_space<vmem>>, vector<16xf32>,
          %parallel_loop3A_2853 = vector.shape_cast %parallel_loop3A_2852 : vector<16xf32> to vector<16xf32>
          %parallel_loop3A_2854 = arith.constant 48 : i32
          %parallel_loop3A_2855 = arith.addi %parallel_loop3A_2838, %parallel_loop3A_2854 : i32
          %parallel_loop3A_2856 = arith.index_cast %parallel_loop3A_2855 : i32 to index
          %parallel_loop3A_2857 = tpu.vector_load %arg9[%parallel_loop3A_2856] {strides = array<i32>} : memref<15360xf32, #tpu.memory_space<vmem>>, vector<16xf32>,
          %parallel_loop3A_2858 = vector.shape_cast %parallel_loop3A_2857 : vector<16xf32> to vector<16xf32>
          %parallel_loop3A_2859 = arith.constant 64 : i32
          %parallel_loop3A_2860 = arith.addi %parallel_loop3A_2838, %parallel_loop3A_2859 : i32
          %parallel_loop3A_2861 = arith.index_cast %parallel_loop3A_2860 : i32 to index
          %parallel_loop3A_2862 = tpu.vector_load %arg9[%parallel_loop3A_2861] {strides = array<i32>} : memref<15360xf32, #tpu.memory_space<vmem>>, vector<16xf32>,
          %parallel_loop3A_2863 = vector.shape_cast %parallel_loop3A_2862 : vector<16xf32> to vector<16xf32>
          %parallel_loop3A_2864 = arith.constant 80 : i32
          %parallel_loop3A_2865 = arith.addi %parallel_loop3A_2838, %parallel_loop3A_2864 : i32
          %parallel_loop3A_2866 = arith.index_cast %parallel_loop3A_2865 : i32 to index
          %parallel_loop3A_2867 = tpu.vector_load %arg9[%parallel_loop3A_2866] {strides = array<i32>} : memref<15360xf32, #tpu.memory_space<vmem>>, vector<16xf32>,
          %parallel_loop3A_2868 = vector.shape_cast %parallel_loop3A_2867 : vector<16xf32> to vector<16xf32>
          %parallel_loop3A_2869 = arith.constant 96 : i32
          %parallel_loop3A_2870 = arith.addi %parallel_loop3A_2838, %parallel_loop3A_2869 : i32
          %parallel_loop3A_2871 = arith.index_cast %parallel_loop3A_2870 : i32 to index
          %parallel_loop3A_2872 = tpu.vector_load %arg9[%parallel_loop3A_2871] {strides = array<i32>} : memref<15360xf32, #tpu.memory_space<vmem>>, vector<16xf32>,
          %parallel_loop3A_2873 = vector.shape_cast %parallel_loop3A_2872 : vector<16xf32> to vector<16xf32>
          %parallel_loop3A_2874 = arith.constant 112 : i32
          %parallel_loop3A_2875 = arith.addi %parallel_loop3A_2838, %parallel_loop3A_2874 : i32
          %parallel_loop3A_2876 = arith.index_cast %parallel_loop3A_2875 : i32 to index
          %parallel_loop3A_2877 = tpu.vector_load %arg9[%parallel_loop3A_2876] {strides = array<i32>} : memref<15360xf32, #tpu.memory_space<vmem>>, vector<16xf32>,
          %parallel_loop3A_2878 = vector.shape_cast %parallel_loop3A_2877 : vector<16xf32> to vector<16xf32>
          %parallel_loop3A_2879 = arith.constant 128 : i32
          %parallel_loop3A_2880 = arith.addi %parallel_loop3A_2838, %parallel_loop3A_2879 : i32
          %parallel_loop3A_2881 = arith.index_cast %parallel_loop3A_2880 : i32 to index
          %parallel_loop3A_2882 = tpu.vector_load %arg9[%parallel_loop3A_2881] {strides = array<i32>} : memref<15360xf32, #tpu.memory_space<vmem>>, vector<16xf32>,
          %parallel_loop3A_2883 = vector.shape_cast %parallel_loop3A_2882 : vector<16xf32> to vector<16xf32>
          %parallel_loop3A_2884 = arith.constant 144 : i32
          %parallel_loop3A_2885 = arith.addi %parallel_loop3A_2838, %parallel_loop3A_2884 : i32
          %parallel_loop3A_2886 = arith.index_cast %parallel_loop3A_2885 : i32 to index
          %parallel_loop3A_2887 = tpu.vector_load %arg9[%parallel_loop3A_2886] {strides = array<i32>} : memref<15360xf32, #tpu.memory_space<vmem>>, vector<16xf32>,
          %parallel_loop3A_2888 = vector.shape_cast %parallel_loop3A_2887 : vector<16xf32> to vector<16xf32>
          %parallel_loop3A_2889 = arith.constant 160 : i32
          %parallel_loop3A_2890 = arith.addi %parallel_loop3A_2838, %parallel_loop3A_2889 : i32
          %parallel_loop3A_2891 = arith.index_cast %parallel_loop3A_2890 : i32 to index
          %parallel_loop3A_2892 = tpu.vector_load %arg9[%parallel_loop3A_2891] {strides = array<i32>} : memref<15360xf32, #tpu.memory_space<vmem>>, vector<16xf32>,
          %parallel_loop3A_2893 = vector.shape_cast %parallel_loop3A_2892 : vector<16xf32> to vector<16xf32>
          %parallel_loop3A_2894 = arith.constant 176 : i32
          %parallel_loop3A_2895 = arith.addi %parallel_loop3A_2838, %parallel_loop3A_2894 : i32
          %parallel_loop3A_2896 = arith.index_cast %parallel_loop3A_2895 : i32 to index
          %parallel_loop3A_2897 = tpu.vector_load %arg9[%parallel_loop3A_2896] {strides = array<i32>} : memref<15360xf32, #tpu.memory_space<vmem>>, vector<16xf32>,
          %parallel_loop3A_2898 = vector.shape_cast %parallel_loop3A_2897 : vector<16xf32> to vector<16xf32>
          %parallel_loop3A_2899 = arith.constant 192 : i32
          %parallel_loop3A_2900 = arith.addi %parallel_loop3A_2838, %parallel_loop3A_2899 : i32
          %parallel_loop3A_2901 = arith.index_cast %parallel_loop3A_2900 : i32 to index
          %parallel_loop3A_2902 = tpu.vector_load %arg9[%parallel_loop3A_2901] {strides = array<i32>} : memref<15360xf32, #tpu.memory_space<vmem>>, vector<16xf32>,
          %parallel_loop3A_2903 = vector.shape_cast %parallel_loop3A_2902 : vector<16xf32> to vector<16xf32>
          %parallel_loop3A_2904 = arith.constant 208 : i32
          %parallel_loop3A_2905 = arith.addi %parallel_loop3A_2838, %parallel_loop3A_2904 : i32
          %parallel_loop3A_2906 = arith.index_cast %parallel_loop3A_2905 : i32 to index
          %parallel_loop3A_2907 = tpu.vector_load %arg9[%parallel_loop3A_2906] {strides = array<i32>} : memref<15360xf32, #tpu.memory_space<vmem>>, vector<16xf32>,
          %parallel_loop3A_2908 = vector.shape_cast %parallel_loop3A_2907 : vector<16xf32> to vector<16xf32>
          %parallel_loop3A_2909 = arith.constant 224 : i32
          %parallel_loop3A_2910 = arith.addi %parallel_loop3A_2838, %parallel_loop3A_2909 : i32
          %parallel_loop3A_2911 = arith.index_cast %parallel_loop3A_2910 : i32 to index
          %parallel_loop3A_2912 = tpu.vector_load %arg9[%parallel_loop3A_2911] {strides = array<i32>} : memref<15360xf32, #tpu.memory_space<vmem>>, vector<16xf32>,
          %parallel_loop3A_2913 = vector.shape_cast %parallel_loop3A_2912 : vector<16xf32> to vector<16xf32>
          %parallel_loop3A_2914 = arith.constant 240 : i32
          %parallel_loop3A_2915 = arith.addi %parallel_loop3A_2838, %parallel_loop3A_2914 : i32
          %parallel_loop3A_2916 = arith.index_cast %parallel_loop3A_2915 : i32 to index
          %parallel_loop3A_2917 = tpu.vector_load %arg9[%parallel_loop3A_2916] {strides = array<i32>} : memref<15360xf32, #tpu.memory_space<vmem>>, vector<16xf32>,
          %parallel_loop3A_2918 = vector.shape_cast %parallel_loop3A_2917 : vector<16xf32> to vector<16xf32>
          %parallel_loop3A_2919 = arith.constant 14 : i32
          %parallel_loop3A_2920 = arith.addi %parallel_loop3A_120, %parallel_loop3A_2919 : i32
          %parallel_loop3A_2921 = arith.index_cast %parallel_loop3A_2920 : i32 to index
          %parallel_loop3A_2922 = arith.constant 0 : index
          %parallel_loop3A_2923 = tpu.vector_load %arg8[%parallel_loop3A_2921, %parallel_loop3A_2922] {strides = array<i32>} : memref<160x256xf32, #tpu.memory_space<vmem>>, vector<1x16xf32>,
          %parallel_loop3A_2924 = vector.shape_cast %parallel_loop3A_2923 : vector<1x16xf32> to vector<16xf32>
          %parallel_loop3A_2925 = vector.shape_cast %parallel_loop3A_2843 : vector<16xf32> to vector<1x16xf32>
          tpu.vector_store %arg8[%parallel_loop3A_2921, %parallel_loop3A_2922], %parallel_loop3A_2925 {strides = array<i32>} : memref<160x256xf32, #tpu.memory_space<vmem>>, vector<1x16xf32>,
          %parallel_loop3A_2926 = arith.constant 14 : i32
          %parallel_loop3A_2927 = arith.addi %parallel_loop3A_120, %parallel_loop3A_2926 : i32
          %parallel_loop3A_2928 = arith.index_cast %parallel_loop3A_2927 : i32 to index
          %parallel_loop3A_2929 = arith.constant 16 : index
          %parallel_loop3A_2930 = tpu.vector_load %arg8[%parallel_loop3A_2928, %parallel_loop3A_2929] {strides = array<i32>} : memref<160x256xf32, #tpu.memory_space<vmem>>, vector<1x16xf32>,
          %parallel_loop3A_2931 = vector.shape_cast %parallel_loop3A_2930 : vector<1x16xf32> to vector<16xf32>
          %parallel_loop3A_2932 = vector.shape_cast %parallel_loop3A_2848 : vector<16xf32> to vector<1x16xf32>
          tpu.vector_store %arg8[%parallel_loop3A_2928, %parallel_loop3A_2929], %parallel_loop3A_2932 {strides = array<i32>} : memref<160x256xf32, #tpu.memory_space<vmem>>, vector<1x16xf32>,
          %parallel_loop3A_2933 = arith.constant 14 : i32
          %parallel_loop3A_2934 = arith.addi %parallel_loop3A_120, %parallel_loop3A_2933 : i32
          %parallel_loop3A_2935 = arith.index_cast %parallel_loop3A_2934 : i32 to index
          %parallel_loop3A_2936 = arith.constant 32 : index
          %parallel_loop3A_2937 = tpu.vector_load %arg8[%parallel_loop3A_2935, %parallel_loop3A_2936] {strides = array<i32>} : memref<160x256xf32, #tpu.memory_space<vmem>>, vector<1x16xf32>,
          %parallel_loop3A_2938 = vector.shape_cast %parallel_loop3A_2937 : vector<1x16xf32> to vector<16xf32>
          %parallel_loop3A_2939 = vector.shape_cast %parallel_loop3A_2853 : vector<16xf32> to vector<1x16xf32>
          tpu.vector_store %arg8[%parallel_loop3A_2935, %parallel_loop3A_2936], %parallel_loop3A_2939 {strides = array<i32>} : memref<160x256xf32, #tpu.memory_space<vmem>>, vector<1x16xf32>,
          %parallel_loop3A_2940 = arith.constant 14 : i32
          %parallel_loop3A_2941 = arith.addi %parallel_loop3A_120, %parallel_loop3A_2940 : i32
          %parallel_loop3A_2942 = arith.index_cast %parallel_loop3A_2941 : i32 to index
          %parallel_loop3A_2943 = arith.constant 48 : index
          %parallel_loop3A_2944 = tpu.vector_load %arg8[%parallel_loop3A_2942, %parallel_loop3A_2943] {strides = array<i32>} : memref<160x256xf32, #tpu.memory_space<vmem>>, vector<1x16xf32>,
          %parallel_loop3A_2945 = vector.shape_cast %parallel_loop3A_2944 : vector<1x16xf32> to vector<16xf32>
          %parallel_loop3A_2946 = vector.shape_cast %parallel_loop3A_2858 : vector<16xf32> to vector<1x16xf32>
          tpu.vector_store %arg8[%parallel_loop3A_2942, %parallel_loop3A_2943], %parallel_loop3A_2946 {strides = array<i32>} : memref<160x256xf32, #tpu.memory_space<vmem>>, vector<1x16xf32>,
          %parallel_loop3A_2947 = arith.constant 14 : i32
          %parallel_loop3A_2948 = arith.addi %parallel_loop3A_120, %parallel_loop3A_2947 : i32
          %parallel_loop3A_2949 = arith.index_cast %parallel_loop3A_2948 : i32 to index
          %parallel_loop3A_2950 = arith.constant 64 : index
          %parallel_loop3A_2951 = tpu.vector_load %arg8[%parallel_loop3A_2949, %parallel_loop3A_2950] {strides = array<i32>} : memref<160x256xf32, #tpu.memory_space<vmem>>, vector<1x16xf32>,
          %parallel_loop3A_2952 = vector.shape_cast %parallel_loop3A_2951 : vector<1x16xf32> to vector<16xf32>
          %parallel_loop3A_2953 = vector.shape_cast %parallel_loop3A_2863 : vector<16xf32> to vector<1x16xf32>
          tpu.vector_store %arg8[%parallel_loop3A_2949, %parallel_loop3A_2950], %parallel_loop3A_2953 {strides = array<i32>} : memref<160x256xf32, #tpu.memory_space<vmem>>, vector<1x16xf32>,
          %parallel_loop3A_2954 = arith.constant 14 : i32
          %parallel_loop3A_2955 = arith.addi %parallel_loop3A_120, %parallel_loop3A_2954 : i32
          %parallel_loop3A_2956 = arith.index_cast %parallel_loop3A_2955 : i32 to index
          %parallel_loop3A_2957 = arith.constant 80 : index
          %parallel_loop3A_2958 = tpu.vector_load %arg8[%parallel_loop3A_2956, %parallel_loop3A_2957] {strides = array<i32>} : memref<160x256xf32, #tpu.memory_space<vmem>>, vector<1x16xf32>,
          %parallel_loop3A_2959 = vector.shape_cast %parallel_loop3A_2958 : vector<1x16xf32> to vector<16xf32>
          %parallel_loop3A_2960 = vector.shape_cast %parallel_loop3A_2868 : vector<16xf32> to vector<1x16xf32>
          tpu.vector_store %arg8[%parallel_loop3A_2956, %parallel_loop3A_2957], %parallel_loop3A_2960 {strides = array<i32>} : memref<160x256xf32, #tpu.memory_space<vmem>>, vector<1x16xf32>,
          %parallel_loop3A_2961 = arith.constant 14 : i32
          %parallel_loop3A_2962 = arith.addi %parallel_loop3A_120, %parallel_loop3A_2961 : i32
          %parallel_loop3A_2963 = arith.index_cast %parallel_loop3A_2962 : i32 to index
          %parallel_loop3A_2964 = arith.constant 96 : index
          %parallel_loop3A_2965 = tpu.vector_load %arg8[%parallel_loop3A_2963, %parallel_loop3A_2964] {strides = array<i32>} : memref<160x256xf32, #tpu.memory_space<vmem>>, vector<1x16xf32>,
          %parallel_loop3A_2966 = vector.shape_cast %parallel_loop3A_2965 : vector<1x16xf32> to vector<16xf32>
          %parallel_loop3A_2967 = vector.shape_cast %parallel_loop3A_2873 : vector<16xf32> to vector<1x16xf32>
          tpu.vector_store %arg8[%parallel_loop3A_2963, %parallel_loop3A_2964], %parallel_loop3A_2967 {strides = array<i32>} : memref<160x256xf32, #tpu.memory_space<vmem>>, vector<1x16xf32>,
          %parallel_loop3A_2968 = arith.constant 14 : i32
          %parallel_loop3A_2969 = arith.addi %parallel_loop3A_120, %parallel_loop3A_2968 : i32
          %parallel_loop3A_2970 = arith.index_cast %parallel_loop3A_2969 : i32 to index
          %parallel_loop3A_2971 = arith.constant 112 : index
          %parallel_loop3A_2972 = tpu.vector_load %arg8[%parallel_loop3A_2970, %parallel_loop3A_2971] {strides = array<i32>} : memref<160x256xf32, #tpu.memory_space<vmem>>, vector<1x16xf32>,
          %parallel_loop3A_2973 = vector.shape_cast %parallel_loop3A_2972 : vector<1x16xf32> to vector<16xf32>
          %parallel_loop3A_2974 = vector.shape_cast %parallel_loop3A_2878 : vector<16xf32> to vector<1x16xf32>
          tpu.vector_store %arg8[%parallel_loop3A_2970, %parallel_loop3A_2971], %parallel_loop3A_2974 {strides = array<i32>} : memref<160x256xf32, #tpu.memory_space<vmem>>, vector<1x16xf32>,
          %parallel_loop3A_2975 = arith.constant 14 : i32
          %parallel_loop3A_2976 = arith.addi %parallel_loop3A_120, %parallel_loop3A_2975 : i32
          %parallel_loop3A_2977 = arith.index_cast %parallel_loop3A_2976 : i32 to index
          %parallel_loop3A_2978 = arith.constant 128 : index
          %parallel_loop3A_2979 = tpu.vector_load %arg8[%parallel_loop3A_2977, %parallel_loop3A_2978] {strides = array<i32>} : memref<160x256xf32, #tpu.memory_space<vmem>>, vector<1x16xf32>,
          %parallel_loop3A_2980 = vector.shape_cast %parallel_loop3A_2979 : vector<1x16xf32> to vector<16xf32>
          %parallel_loop3A_2981 = vector.shape_cast %parallel_loop3A_2883 : vector<16xf32> to vector<1x16xf32>
          tpu.vector_store %arg8[%parallel_loop3A_2977, %parallel_loop3A_2978], %parallel_loop3A_2981 {strides = array<i32>} : memref<160x256xf32, #tpu.memory_space<vmem>>, vector<1x16xf32>,
          %parallel_loop3A_2982 = arith.constant 14 : i32
          %parallel_loop3A_2983 = arith.addi %parallel_loop3A_120, %parallel_loop3A_2982 : i32
          %parallel_loop3A_2984 = arith.index_cast %parallel_loop3A_2983 : i32 to index
          %parallel_loop3A_2985 = arith.constant 144 : index
          %parallel_loop3A_2986 = tpu.vector_load %arg8[%parallel_loop3A_2984, %parallel_loop3A_2985] {strides = array<i32>} : memref<160x256xf32, #tpu.memory_space<vmem>>, vector<1x16xf32>,
          %parallel_loop3A_2987 = vector.shape_cast %parallel_loop3A_2986 : vector<1x16xf32> to vector<16xf32>
          %parallel_loop3A_2988 = vector.shape_cast %parallel_loop3A_2888 : vector<16xf32> to vector<1x16xf32>
          tpu.vector_store %arg8[%parallel_loop3A_2984, %parallel_loop3A_2985], %parallel_loop3A_2988 {strides = array<i32>} : memref<160x256xf32, #tpu.memory_space<vmem>>, vector<1x16xf32>,
          %parallel_loop3A_2989 = arith.constant 14 : i32
          %parallel_loop3A_2990 = arith.addi %parallel_loop3A_120, %parallel_loop3A_2989 : i32
          %parallel_loop3A_2991 = arith.index_cast %parallel_loop3A_2990 : i32 to index
          %parallel_loop3A_2992 = arith.constant 160 : index
          %parallel_loop3A_2993 = tpu.vector_load %arg8[%parallel_loop3A_2991, %parallel_loop3A_2992] {strides = array<i32>} : memref<160x256xf32, #tpu.memory_space<vmem>>, vector<1x16xf32>,
          %parallel_loop3A_2994 = vector.shape_cast %parallel_loop3A_2993 : vector<1x16xf32> to vector<16xf32>
          %parallel_loop3A_2995 = vector.shape_cast %parallel_loop3A_2893 : vector<16xf32> to vector<1x16xf32>
          tpu.vector_store %arg8[%parallel_loop3A_2991, %parallel_loop3A_2992], %parallel_loop3A_2995 {strides = array<i32>} : memref<160x256xf32, #tpu.memory_space<vmem>>, vector<1x16xf32>,
          %parallel_loop3A_2996 = arith.constant 14 : i32
          %parallel_loop3A_2997 = arith.addi %parallel_loop3A_120, %parallel_loop3A_2996 : i32
          %parallel_loop3A_2998 = arith.index_cast %parallel_loop3A_2997 : i32 to index
          %parallel_loop3A_2999 = arith.constant 176 : index
          %parallel_loop3A_3000 = tpu.vector_load %arg8[%parallel_loop3A_2998, %parallel_loop3A_2999] {strides = array<i32>} : memref<160x256xf32, #tpu.memory_space<vmem>>, vector<1x16xf32>,
          %parallel_loop3A_3001 = vector.shape_cast %parallel_loop3A_3000 : vector<1x16xf32> to vector<16xf32>
          %parallel_loop3A_3002 = vector.shape_cast %parallel_loop3A_2898 : vector<16xf32> to vector<1x16xf32>
          tpu.vector_store %arg8[%parallel_loop3A_2998, %parallel_loop3A_2999], %parallel_loop3A_3002 {strides = array<i32>} : memref<160x256xf32, #tpu.memory_space<vmem>>, vector<1x16xf32>,
          %parallel_loop3A_3003 = arith.constant 14 : i32
          %parallel_loop3A_3004 = arith.addi %parallel_loop3A_120, %parallel_loop3A_3003 : i32
          %parallel_loop3A_3005 = arith.index_cast %parallel_loop3A_3004 : i32 to index
          %parallel_loop3A_3006 = arith.constant 192 : index
          %parallel_loop3A_3007 = tpu.vector_load %arg8[%parallel_loop3A_3005, %parallel_loop3A_3006] {strides = array<i32>} : memref<160x256xf32, #tpu.memory_space<vmem>>, vector<1x16xf32>,
          %parallel_loop3A_3008 = vector.shape_cast %parallel_loop3A_3007 : vector<1x16xf32> to vector<16xf32>
          %parallel_loop3A_3009 = vector.shape_cast %parallel_loop3A_2903 : vector<16xf32> to vector<1x16xf32>
          tpu.vector_store %arg8[%parallel_loop3A_3005, %parallel_loop3A_3006], %parallel_loop3A_3009 {strides = array<i32>} : memref<160x256xf32, #tpu.memory_space<vmem>>, vector<1x16xf32>,
          %parallel_loop3A_3010 = arith.constant 14 : i32
          %parallel_loop3A_3011 = arith.addi %parallel_loop3A_120, %parallel_loop3A_3010 : i32
          %parallel_loop3A_3012 = arith.index_cast %parallel_loop3A_3011 : i32 to index
          %parallel_loop3A_3013 = arith.constant 208 : index
          %parallel_loop3A_3014 = tpu.vector_load %arg8[%parallel_loop3A_3012, %parallel_loop3A_3013] {strides = array<i32>} : memref<160x256xf32, #tpu.memory_space<vmem>>, vector<1x16xf32>,
          %parallel_loop3A_3015 = vector.shape_cast %parallel_loop3A_3014 : vector<1x16xf32> to vector<16xf32>
          %parallel_loop3A_3016 = vector.shape_cast %parallel_loop3A_2908 : vector<16xf32> to vector<1x16xf32>
          tpu.vector_store %arg8[%parallel_loop3A_3012, %parallel_loop3A_3013], %parallel_loop3A_3016 {strides = array<i32>} : memref<160x256xf32, #tpu.memory_space<vmem>>, vector<1x16xf32>,
          %parallel_loop3A_3017 = arith.constant 14 : i32
          %parallel_loop3A_3018 = arith.addi %parallel_loop3A_120, %parallel_loop3A_3017 : i32
          %parallel_loop3A_3019 = arith.index_cast %parallel_loop3A_3018 : i32 to index
          %parallel_loop3A_3020 = arith.constant 224 : index
          %parallel_loop3A_3021 = tpu.vector_load %arg8[%parallel_loop3A_3019, %parallel_loop3A_3020] {strides = array<i32>} : memref<160x256xf32, #tpu.memory_space<vmem>>, vector<1x16xf32>,
          %parallel_loop3A_3022 = vector.shape_cast %parallel_loop3A_3021 : vector<1x16xf32> to vector<16xf32>
          %parallel_loop3A_3023 = vector.shape_cast %parallel_loop3A_2913 : vector<16xf32> to vector<1x16xf32>
          tpu.vector_store %arg8[%parallel_loop3A_3019, %parallel_loop3A_3020], %parallel_loop3A_3023 {strides = array<i32>} : memref<160x256xf32, #tpu.memory_space<vmem>>, vector<1x16xf32>,
          %parallel_loop3A_3024 = arith.constant 14 : i32
          %parallel_loop3A_3025 = arith.addi %parallel_loop3A_120, %parallel_loop3A_3024 : i32
          %parallel_loop3A_3026 = arith.index_cast %parallel_loop3A_3025 : i32 to index
          %parallel_loop3A_3027 = arith.constant 240 : index
          %parallel_loop3A_3028 = tpu.vector_load %arg8[%parallel_loop3A_3026, %parallel_loop3A_3027] {strides = array<i32>} : memref<160x256xf32, #tpu.memory_space<vmem>>, vector<1x16xf32>,
          %parallel_loop3A_3029 = vector.shape_cast %parallel_loop3A_3028 : vector<1x16xf32> to vector<16xf32>
          %parallel_loop3A_3030 = vector.shape_cast %parallel_loop3A_2918 : vector<16xf32> to vector<1x16xf32>
          tpu.vector_store %arg8[%parallel_loop3A_3026, %parallel_loop3A_3027], %parallel_loop3A_3030 {strides = array<i32>} : memref<160x256xf32, #tpu.memory_space<vmem>>, vector<1x16xf32>,
          %parallel_loop3A_3031 = vector.extract_strided_slice %parallel_loop3A_115 {offsets = [15], sizes = [1], strides = [1]} : vector<16xi32> to vector<1xi32>
          %parallel_loop3A_3032 = vector.extract %parallel_loop3A_3031[0] : i32 from vector<1xi32>
          %parallel_loop3A_3033 = arith.constant 0 : i32
          %parallel_loop3A_3034 = arith.addi %parallel_loop3A_3032, %parallel_loop3A_3033 : i32
          %parallel_loop3A_3035 = arith.index_cast %parallel_loop3A_3034 : i32 to index
          %parallel_loop3A_3036 = tpu.vector_load %arg9[%parallel_loop3A_3035] {strides = array<i32>} : memref<15360xf32, #tpu.memory_space<vmem>>, vector<16xf32>,
          %parallel_loop3A_3037 = vector.shape_cast %parallel_loop3A_3036 : vector<16xf32> to vector<16xf32>
          %parallel_loop3A_3038 = arith.constant 16 : i32
          %parallel_loop3A_3039 = arith.addi %parallel_loop3A_3032, %parallel_loop3A_3038 : i32
          %parallel_loop3A_3040 = arith.index_cast %parallel_loop3A_3039 : i32 to index
          %parallel_loop3A_3041 = tpu.vector_load %arg9[%parallel_loop3A_3040] {strides = array<i32>} : memref<15360xf32, #tpu.memory_space<vmem>>, vector<16xf32>,
          %parallel_loop3A_3042 = vector.shape_cast %parallel_loop3A_3041 : vector<16xf32> to vector<16xf32>
          %parallel_loop3A_3043 = arith.constant 32 : i32
          %parallel_loop3A_3044 = arith.addi %parallel_loop3A_3032, %parallel_loop3A_3043 : i32
          %parallel_loop3A_3045 = arith.index_cast %parallel_loop3A_3044 : i32 to index
          %parallel_loop3A_3046 = tpu.vector_load %arg9[%parallel_loop3A_3045] {strides = array<i32>} : memref<15360xf32, #tpu.memory_space<vmem>>, vector<16xf32>,
          %parallel_loop3A_3047 = vector.shape_cast %parallel_loop3A_3046 : vector<16xf32> to vector<16xf32>
          %parallel_loop3A_3048 = arith.constant 48 : i32
          %parallel_loop3A_3049 = arith.addi %parallel_loop3A_3032, %parallel_loop3A_3048 : i32
          %parallel_loop3A_3050 = arith.index_cast %parallel_loop3A_3049 : i32 to index
          %parallel_loop3A_3051 = tpu.vector_load %arg9[%parallel_loop3A_3050] {strides = array<i32>} : memref<15360xf32, #tpu.memory_space<vmem>>, vector<16xf32>,
          %parallel_loop3A_3052 = vector.shape_cast %parallel_loop3A_3051 : vector<16xf32> to vector<16xf32>
          %parallel_loop3A_3053 = arith.constant 64 : i32
          %parallel_loop3A_3054 = arith.addi %parallel_loop3A_3032, %parallel_loop3A_3053 : i32
          %parallel_loop3A_3055 = arith.index_cast %parallel_loop3A_3054 : i32 to index
          %parallel_loop3A_3056 = tpu.vector_load %arg9[%parallel_loop3A_3055] {strides = array<i32>} : memref<15360xf32, #tpu.memory_space<vmem>>, vector<16xf32>,
          %parallel_loop3A_3057 = vector.shape_cast %parallel_loop3A_3056 : vector<16xf32> to vector<16xf32>
          %parallel_loop3A_3058 = arith.constant 80 : i32
          %parallel_loop3A_3059 = arith.addi %parallel_loop3A_3032, %parallel_loop3A_3058 : i32
          %parallel_loop3A_3060 = arith.index_cast %parallel_loop3A_3059 : i32 to index
          %parallel_loop3A_3061 = tpu.vector_load %arg9[%parallel_loop3A_3060] {strides = array<i32>} : memref<15360xf32, #tpu.memory_space<vmem>>, vector<16xf32>,
          %parallel_loop3A_3062 = vector.shape_cast %parallel_loop3A_3061 : vector<16xf32> to vector<16xf32>
          %parallel_loop3A_3063 = arith.constant 96 : i32
          %parallel_loop3A_3064 = arith.addi %parallel_loop3A_3032, %parallel_loop3A_3063 : i32
          %parallel_loop3A_3065 = arith.index_cast %parallel_loop3A_3064 : i32 to index
          %parallel_loop3A_3066 = tpu.vector_load %arg9[%parallel_loop3A_3065] {strides = array<i32>} : memref<15360xf32, #tpu.memory_space<vmem>>, vector<16xf32>,
          %parallel_loop3A_3067 = vector.shape_cast %parallel_loop3A_3066 : vector<16xf32> to vector<16xf32>
          %parallel_loop3A_3068 = arith.constant 112 : i32
          %parallel_loop3A_3069 = arith.addi %parallel_loop3A_3032, %parallel_loop3A_3068 : i32
          %parallel_loop3A_3070 = arith.index_cast %parallel_loop3A_3069 : i32 to index
          %parallel_loop3A_3071 = tpu.vector_load %arg9[%parallel_loop3A_3070] {strides = array<i32>} : memref<15360xf32, #tpu.memory_space<vmem>>, vector<16xf32>,
          %parallel_loop3A_3072 = vector.shape_cast %parallel_loop3A_3071 : vector<16xf32> to vector<16xf32>
          %parallel_loop3A_3073 = arith.constant 128 : i32
          %parallel_loop3A_3074 = arith.addi %parallel_loop3A_3032, %parallel_loop3A_3073 : i32
          %parallel_loop3A_3075 = arith.index_cast %parallel_loop3A_3074 : i32 to index
          %parallel_loop3A_3076 = tpu.vector_load %arg9[%parallel_loop3A_3075] {strides = array<i32>} : memref<15360xf32, #tpu.memory_space<vmem>>, vector<16xf32>,
          %parallel_loop3A_3077 = vector.shape_cast %parallel_loop3A_3076 : vector<16xf32> to vector<16xf32>
          %parallel_loop3A_3078 = arith.constant 144 : i32
          %parallel_loop3A_3079 = arith.addi %parallel_loop3A_3032, %parallel_loop3A_3078 : i32
          %parallel_loop3A_3080 = arith.index_cast %parallel_loop3A_3079 : i32 to index
          %parallel_loop3A_3081 = tpu.vector_load %arg9[%parallel_loop3A_3080] {strides = array<i32>} : memref<15360xf32, #tpu.memory_space<vmem>>, vector<16xf32>,
          %parallel_loop3A_3082 = vector.shape_cast %parallel_loop3A_3081 : vector<16xf32> to vector<16xf32>
          %parallel_loop3A_3083 = arith.constant 160 : i32
          %parallel_loop3A_3084 = arith.addi %parallel_loop3A_3032, %parallel_loop3A_3083 : i32
          %parallel_loop3A_3085 = arith.index_cast %parallel_loop3A_3084 : i32 to index
          %parallel_loop3A_3086 = tpu.vector_load %arg9[%parallel_loop3A_3085] {strides = array<i32>} : memref<15360xf32, #tpu.memory_space<vmem>>, vector<16xf32>,
          %parallel_loop3A_3087 = vector.shape_cast %parallel_loop3A_3086 : vector<16xf32> to vector<16xf32>
          %parallel_loop3A_3088 = arith.constant 176 : i32
          %parallel_loop3A_3089 = arith.addi %parallel_loop3A_3032, %parallel_loop3A_3088 : i32
          %parallel_loop3A_3090 = arith.index_cast %parallel_loop3A_3089 : i32 to index
          %parallel_loop3A_3091 = tpu.vector_load %arg9[%parallel_loop3A_3090] {strides = array<i32>} : memref<15360xf32, #tpu.memory_space<vmem>>, vector<16xf32>,
          %parallel_loop3A_3092 = vector.shape_cast %parallel_loop3A_3091 : vector<16xf32> to vector<16xf32>
          %parallel_loop3A_3093 = arith.constant 192 : i32
          %parallel_loop3A_3094 = arith.addi %parallel_loop3A_3032, %parallel_loop3A_3093 : i32
          %parallel_loop3A_3095 = arith.index_cast %parallel_loop3A_3094 : i32 to index
          %parallel_loop3A_3096 = tpu.vector_load %arg9[%parallel_loop3A_3095] {strides = array<i32>} : memref<15360xf32, #tpu.memory_space<vmem>>, vector<16xf32>,
          %parallel_loop3A_3097 = vector.shape_cast %parallel_loop3A_3096 : vector<16xf32> to vector<16xf32>
          %parallel_loop3A_3098 = arith.constant 208 : i32
          %parallel_loop3A_3099 = arith.addi %parallel_loop3A_3032, %parallel_loop3A_3098 : i32
          %parallel_loop3A_3100 = arith.index_cast %parallel_loop3A_3099 : i32 to index
          %parallel_loop3A_3101 = tpu.vector_load %arg9[%parallel_loop3A_3100] {strides = array<i32>} : memref<15360xf32, #tpu.memory_space<vmem>>, vector<16xf32>,
          %parallel_loop3A_3102 = vector.shape_cast %parallel_loop3A_3101 : vector<16xf32> to vector<16xf32>
          %parallel_loop3A_3103 = arith.constant 224 : i32
          %parallel_loop3A_3104 = arith.addi %parallel_loop3A_3032, %parallel_loop3A_3103 : i32
          %parallel_loop3A_3105 = arith.index_cast %parallel_loop3A_3104 : i32 to index
          %parallel_loop3A_3106 = tpu.vector_load %arg9[%parallel_loop3A_3105] {strides = array<i32>} : memref<15360xf32, #tpu.memory_space<vmem>>, vector<16xf32>,
          %parallel_loop3A_3107 = vector.shape_cast %parallel_loop3A_3106 : vector<16xf32> to vector<16xf32>
          %parallel_loop3A_3108 = arith.constant 240 : i32
          %parallel_loop3A_3109 = arith.addi %parallel_loop3A_3032, %parallel_loop3A_3108 : i32
          %parallel_loop3A_3110 = arith.index_cast %parallel_loop3A_3109 : i32 to index
          %parallel_loop3A_3111 = tpu.vector_load %arg9[%parallel_loop3A_3110] {strides = array<i32>} : memref<15360xf32, #tpu.memory_space<vmem>>, vector<16xf32>,
          %parallel_loop3A_3112 = vector.shape_cast %parallel_loop3A_3111 : vector<16xf32> to vector<16xf32>
          %parallel_loop3A_3113 = arith.constant 15 : i32
          %parallel_loop3A_3114 = arith.addi %parallel_loop3A_120, %parallel_loop3A_3113 : i32
          %parallel_loop3A_3115 = arith.index_cast %parallel_loop3A_3114 : i32 to index
          %parallel_loop3A_3116 = arith.constant 0 : index
          %parallel_loop3A_3117 = tpu.vector_load %arg8[%parallel_loop3A_3115, %parallel_loop3A_3116] {strides = array<i32>} : memref<160x256xf32, #tpu.memory_space<vmem>>, vector<1x16xf32>,
          %parallel_loop3A_3118 = vector.shape_cast %parallel_loop3A_3117 : vector<1x16xf32> to vector<16xf32>
          %parallel_loop3A_3119 = vector.shape_cast %parallel_loop3A_3037 : vector<16xf32> to vector<1x16xf32>
          tpu.vector_store %arg8[%parallel_loop3A_3115, %parallel_loop3A_3116], %parallel_loop3A_3119 {strides = array<i32>} : memref<160x256xf32, #tpu.memory_space<vmem>>, vector<1x16xf32>,
          %parallel_loop3A_3120 = arith.constant 15 : i32
          %parallel_loop3A_3121 = arith.addi %parallel_loop3A_120, %parallel_loop3A_3120 : i32
          %parallel_loop3A_3122 = arith.index_cast %parallel_loop3A_3121 : i32 to index
          %parallel_loop3A_3123 = arith.constant 16 : index
          %parallel_loop3A_3124 = tpu.vector_load %arg8[%parallel_loop3A_3122, %parallel_loop3A_3123] {strides = array<i32>} : memref<160x256xf32, #tpu.memory_space<vmem>>, vector<1x16xf32>,
          %parallel_loop3A_3125 = vector.shape_cast %parallel_loop3A_3124 : vector<1x16xf32> to vector<16xf32>
          %parallel_loop3A_3126 = vector.shape_cast %parallel_loop3A_3042 : vector<16xf32> to vector<1x16xf32>
          tpu.vector_store %arg8[%parallel_loop3A_3122, %parallel_loop3A_3123], %parallel_loop3A_3126 {strides = array<i32>} : memref<160x256xf32, #tpu.memory_space<vmem>>, vector<1x16xf32>,
          %parallel_loop3A_3127 = arith.constant 15 : i32
          %parallel_loop3A_3128 = arith.addi %parallel_loop3A_120, %parallel_loop3A_3127 : i32
          %parallel_loop3A_3129 = arith.index_cast %parallel_loop3A_3128 : i32 to index
          %parallel_loop3A_3130 = arith.constant 32 : index
          %parallel_loop3A_3131 = tpu.vector_load %arg8[%parallel_loop3A_3129, %parallel_loop3A_3130] {strides = array<i32>} : memref<160x256xf32, #tpu.memory_space<vmem>>, vector<1x16xf32>,
          %parallel_loop3A_3132 = vector.shape_cast %parallel_loop3A_3131 : vector<1x16xf32> to vector<16xf32>
          %parallel_loop3A_3133 = vector.shape_cast %parallel_loop3A_3047 : vector<16xf32> to vector<1x16xf32>
          tpu.vector_store %arg8[%parallel_loop3A_3129, %parallel_loop3A_3130], %parallel_loop3A_3133 {strides = array<i32>} : memref<160x256xf32, #tpu.memory_space<vmem>>, vector<1x16xf32>,
          %parallel_loop3A_3134 = arith.constant 15 : i32
          %parallel_loop3A_3135 = arith.addi %parallel_loop3A_120, %parallel_loop3A_3134 : i32
          %parallel_loop3A_3136 = arith.index_cast %parallel_loop3A_3135 : i32 to index
          %parallel_loop3A_3137 = arith.constant 48 : index
          %parallel_loop3A_3138 = tpu.vector_load %arg8[%parallel_loop3A_3136, %parallel_loop3A_3137] {strides = array<i32>} : memref<160x256xf32, #tpu.memory_space<vmem>>, vector<1x16xf32>,
          %parallel_loop3A_3139 = vector.shape_cast %parallel_loop3A_3138 : vector<1x16xf32> to vector<16xf32>
          %parallel_loop3A_3140 = vector.shape_cast %parallel_loop3A_3052 : vector<16xf32> to vector<1x16xf32>
          tpu.vector_store %arg8[%parallel_loop3A_3136, %parallel_loop3A_3137], %parallel_loop3A_3140 {strides = array<i32>} : memref<160x256xf32, #tpu.memory_space<vmem>>, vector<1x16xf32>,
          %parallel_loop3A_3141 = arith.constant 15 : i32
          %parallel_loop3A_3142 = arith.addi %parallel_loop3A_120, %parallel_loop3A_3141 : i32
          %parallel_loop3A_3143 = arith.index_cast %parallel_loop3A_3142 : i32 to index
          %parallel_loop3A_3144 = arith.constant 64 : index
          %parallel_loop3A_3145 = tpu.vector_load %arg8[%parallel_loop3A_3143, %parallel_loop3A_3144] {strides = array<i32>} : memref<160x256xf32, #tpu.memory_space<vmem>>, vector<1x16xf32>,
          %parallel_loop3A_3146 = vector.shape_cast %parallel_loop3A_3145 : vector<1x16xf32> to vector<16xf32>
          %parallel_loop3A_3147 = vector.shape_cast %parallel_loop3A_3057 : vector<16xf32> to vector<1x16xf32>
          tpu.vector_store %arg8[%parallel_loop3A_3143, %parallel_loop3A_3144], %parallel_loop3A_3147 {strides = array<i32>} : memref<160x256xf32, #tpu.memory_space<vmem>>, vector<1x16xf32>,
          %parallel_loop3A_3148 = arith.constant 15 : i32
          %parallel_loop3A_3149 = arith.addi %parallel_loop3A_120, %parallel_loop3A_3148 : i32
          %parallel_loop3A_3150 = arith.index_cast %parallel_loop3A_3149 : i32 to index
          %parallel_loop3A_3151 = arith.constant 80 : index
          %parallel_loop3A_3152 = tpu.vector_load %arg8[%parallel_loop3A_3150, %parallel_loop3A_3151] {strides = array<i32>} : memref<160x256xf32, #tpu.memory_space<vmem>>, vector<1x16xf32>,
          %parallel_loop3A_3153 = vector.shape_cast %parallel_loop3A_3152 : vector<1x16xf32> to vector<16xf32>
          %parallel_loop3A_3154 = vector.shape_cast %parallel_loop3A_3062 : vector<16xf32> to vector<1x16xf32>
          tpu.vector_store %arg8[%parallel_loop3A_3150, %parallel_loop3A_3151], %parallel_loop3A_3154 {strides = array<i32>} : memref<160x256xf32, #tpu.memory_space<vmem>>, vector<1x16xf32>,
          %parallel_loop3A_3155 = arith.constant 15 : i32
          %parallel_loop3A_3156 = arith.addi %parallel_loop3A_120, %parallel_loop3A_3155 : i32
          %parallel_loop3A_3157 = arith.index_cast %parallel_loop3A_3156 : i32 to index
          %parallel_loop3A_3158 = arith.constant 96 : index
          %parallel_loop3A_3159 = tpu.vector_load %arg8[%parallel_loop3A_3157, %parallel_loop3A_3158] {strides = array<i32>} : memref<160x256xf32, #tpu.memory_space<vmem>>, vector<1x16xf32>,
          %parallel_loop3A_3160 = vector.shape_cast %parallel_loop3A_3159 : vector<1x16xf32> to vector<16xf32>
          %parallel_loop3A_3161 = vector.shape_cast %parallel_loop3A_3067 : vector<16xf32> to vector<1x16xf32>
          tpu.vector_store %arg8[%parallel_loop3A_3157, %parallel_loop3A_3158], %parallel_loop3A_3161 {strides = array<i32>} : memref<160x256xf32, #tpu.memory_space<vmem>>, vector<1x16xf32>,
          %parallel_loop3A_3162 = arith.constant 15 : i32
          %parallel_loop3A_3163 = arith.addi %parallel_loop3A_120, %parallel_loop3A_3162 : i32
          %parallel_loop3A_3164 = arith.index_cast %parallel_loop3A_3163 : i32 to index
          %parallel_loop3A_3165 = arith.constant 112 : index
          %parallel_loop3A_3166 = tpu.vector_load %arg8[%parallel_loop3A_3164, %parallel_loop3A_3165] {strides = array<i32>} : memref<160x256xf32, #tpu.memory_space<vmem>>, vector<1x16xf32>,
          %parallel_loop3A_3167 = vector.shape_cast %parallel_loop3A_3166 : vector<1x16xf32> to vector<16xf32>
          %parallel_loop3A_3168 = vector.shape_cast %parallel_loop3A_3072 : vector<16xf32> to vector<1x16xf32>
          tpu.vector_store %arg8[%parallel_loop3A_3164, %parallel_loop3A_3165], %parallel_loop3A_3168 {strides = array<i32>} : memref<160x256xf32, #tpu.memory_space<vmem>>, vector<1x16xf32>,
          %parallel_loop3A_3169 = arith.constant 15 : i32
          %parallel_loop3A_3170 = arith.addi %parallel_loop3A_120, %parallel_loop3A_3169 : i32
          %parallel_loop3A_3171 = arith.index_cast %parallel_loop3A_3170 : i32 to index
          %parallel_loop3A_3172 = arith.constant 128 : index
          %parallel_loop3A_3173 = tpu.vector_load %arg8[%parallel_loop3A_3171, %parallel_loop3A_3172] {strides = array<i32>} : memref<160x256xf32, #tpu.memory_space<vmem>>, vector<1x16xf32>,
          %parallel_loop3A_3174 = vector.shape_cast %parallel_loop3A_3173 : vector<1x16xf32> to vector<16xf32>
          %parallel_loop3A_3175 = vector.shape_cast %parallel_loop3A_3077 : vector<16xf32> to vector<1x16xf32>
          tpu.vector_store %arg8[%parallel_loop3A_3171, %parallel_loop3A_3172], %parallel_loop3A_3175 {strides = array<i32>} : memref<160x256xf32, #tpu.memory_space<vmem>>, vector<1x16xf32>,
          %parallel_loop3A_3176 = arith.constant 15 : i32
          %parallel_loop3A_3177 = arith.addi %parallel_loop3A_120, %parallel_loop3A_3176 : i32
          %parallel_loop3A_3178 = arith.index_cast %parallel_loop3A_3177 : i32 to index
          %parallel_loop3A_3179 = arith.constant 144 : index
          %parallel_loop3A_3180 = tpu.vector_load %arg8[%parallel_loop3A_3178, %parallel_loop3A_3179] {strides = array<i32>} : memref<160x256xf32, #tpu.memory_space<vmem>>, vector<1x16xf32>,
          %parallel_loop3A_3181 = vector.shape_cast %parallel_loop3A_3180 : vector<1x16xf32> to vector<16xf32>
          %parallel_loop3A_3182 = vector.shape_cast %parallel_loop3A_3082 : vector<16xf32> to vector<1x16xf32>
          tpu.vector_store %arg8[%parallel_loop3A_3178, %parallel_loop3A_3179], %parallel_loop3A_3182 {strides = array<i32>} : memref<160x256xf32, #tpu.memory_space<vmem>>, vector<1x16xf32>,
          %parallel_loop3A_3183 = arith.constant 15 : i32
          %parallel_loop3A_3184 = arith.addi %parallel_loop3A_120, %parallel_loop3A_3183 : i32
          %parallel_loop3A_3185 = arith.index_cast %parallel_loop3A_3184 : i32 to index
          %parallel_loop3A_3186 = arith.constant 160 : index
          %parallel_loop3A_3187 = tpu.vector_load %arg8[%parallel_loop3A_3185, %parallel_loop3A_3186] {strides = array<i32>} : memref<160x256xf32, #tpu.memory_space<vmem>>, vector<1x16xf32>,
          %parallel_loop3A_3188 = vector.shape_cast %parallel_loop3A_3187 : vector<1x16xf32> to vector<16xf32>
          %parallel_loop3A_3189 = vector.shape_cast %parallel_loop3A_3087 : vector<16xf32> to vector<1x16xf32>
          tpu.vector_store %arg8[%parallel_loop3A_3185, %parallel_loop3A_3186], %parallel_loop3A_3189 {strides = array<i32>} : memref<160x256xf32, #tpu.memory_space<vmem>>, vector<1x16xf32>,
          %parallel_loop3A_3190 = arith.constant 15 : i32
          %parallel_loop3A_3191 = arith.addi %parallel_loop3A_120, %parallel_loop3A_3190 : i32
          %parallel_loop3A_3192 = arith.index_cast %parallel_loop3A_3191 : i32 to index
          %parallel_loop3A_3193 = arith.constant 176 : index
          %parallel_loop3A_3194 = tpu.vector_load %arg8[%parallel_loop3A_3192, %parallel_loop3A_3193] {strides = array<i32>} : memref<160x256xf32, #tpu.memory_space<vmem>>, vector<1x16xf32>,
          %parallel_loop3A_3195 = vector.shape_cast %parallel_loop3A_3194 : vector<1x16xf32> to vector<16xf32>
          %parallel_loop3A_3196 = vector.shape_cast %parallel_loop3A_3092 : vector<16xf32> to vector<1x16xf32>
          tpu.vector_store %arg8[%parallel_loop3A_3192, %parallel_loop3A_3193], %parallel_loop3A_3196 {strides = array<i32>} : memref<160x256xf32, #tpu.memory_space<vmem>>, vector<1x16xf32>,
          %parallel_loop3A_3197 = arith.constant 15 : i32
          %parallel_loop3A_3198 = arith.addi %parallel_loop3A_120, %parallel_loop3A_3197 : i32
          %parallel_loop3A_3199 = arith.index_cast %parallel_loop3A_3198 : i32 to index
          %parallel_loop3A_3200 = arith.constant 192 : index
          %parallel_loop3A_3201 = tpu.vector_load %arg8[%parallel_loop3A_3199, %parallel_loop3A_3200] {strides = array<i32>} : memref<160x256xf32, #tpu.memory_space<vmem>>, vector<1x16xf32>,
          %parallel_loop3A_3202 = vector.shape_cast %parallel_loop3A_3201 : vector<1x16xf32> to vector<16xf32>
          %parallel_loop3A_3203 = vector.shape_cast %parallel_loop3A_3097 : vector<16xf32> to vector<1x16xf32>
          tpu.vector_store %arg8[%parallel_loop3A_3199, %parallel_loop3A_3200], %parallel_loop3A_3203 {strides = array<i32>} : memref<160x256xf32, #tpu.memory_space<vmem>>, vector<1x16xf32>,
          %parallel_loop3A_3204 = arith.constant 15 : i32
          %parallel_loop3A_3205 = arith.addi %parallel_loop3A_120, %parallel_loop3A_3204 : i32
          %parallel_loop3A_3206 = arith.index_cast %parallel_loop3A_3205 : i32 to index
          %parallel_loop3A_3207 = arith.constant 208 : index
          %parallel_loop3A_3208 = tpu.vector_load %arg8[%parallel_loop3A_3206, %parallel_loop3A_3207] {strides = array<i32>} : memref<160x256xf32, #tpu.memory_space<vmem>>, vector<1x16xf32>,
          %parallel_loop3A_3209 = vector.shape_cast %parallel_loop3A_3208 : vector<1x16xf32> to vector<16xf32>
          %parallel_loop3A_3210 = vector.shape_cast %parallel_loop3A_3102 : vector<16xf32> to vector<1x16xf32>
          tpu.vector_store %arg8[%parallel_loop3A_3206, %parallel_loop3A_3207], %parallel_loop3A_3210 {strides = array<i32>} : memref<160x256xf32, #tpu.memory_space<vmem>>, vector<1x16xf32>,
          %parallel_loop3A_3211 = arith.constant 15 : i32
          %parallel_loop3A_3212 = arith.addi %parallel_loop3A_120, %parallel_loop3A_3211 : i32
          %parallel_loop3A_3213 = arith.index_cast %parallel_loop3A_3212 : i32 to index
          %parallel_loop3A_3214 = arith.constant 224 : index
          %parallel_loop3A_3215 = tpu.vector_load %arg8[%parallel_loop3A_3213, %parallel_loop3A_3214] {strides = array<i32>} : memref<160x256xf32, #tpu.memory_space<vmem>>, vector<1x16xf32>,
          %parallel_loop3A_3216 = vector.shape_cast %parallel_loop3A_3215 : vector<1x16xf32> to vector<16xf32>
          %parallel_loop3A_3217 = vector.shape_cast %parallel_loop3A_3107 : vector<16xf32> to vector<1x16xf32>
          tpu.vector_store %arg8[%parallel_loop3A_3213, %parallel_loop3A_3214], %parallel_loop3A_3217 {strides = array<i32>} : memref<160x256xf32, #tpu.memory_space<vmem>>, vector<1x16xf32>,
          %parallel_loop3A_3218 = arith.constant 15 : i32
          %parallel_loop3A_3219 = arith.addi %parallel_loop3A_120, %parallel_loop3A_3218 : i32
          %parallel_loop3A_3220 = arith.index_cast %parallel_loop3A_3219 : i32 to index
          %parallel_loop3A_3221 = arith.constant 240 : index
          %parallel_loop3A_3222 = tpu.vector_load %arg8[%parallel_loop3A_3220, %parallel_loop3A_3221] {strides = array<i32>} : memref<160x256xf32, #tpu.memory_space<vmem>>, vector<1x16xf32>,
          %parallel_loop3A_3223 = vector.shape_cast %parallel_loop3A_3222 : vector<1x16xf32> to vector<16xf32>
          %parallel_loop3A_3224 = vector.shape_cast %parallel_loop3A_3112 : vector<16xf32> to vector<1x16xf32>
          tpu.vector_store %arg8[%parallel_loop3A_3220, %parallel_loop3A_3221], %parallel_loop3A_3224 {strides = array<i32>} : memref<160x256xf32, #tpu.memory_space<vmem>>, vector<1x16xf32>,
        } {sc.loop_unroll_factor = 1 : i64, sc.parallel_access}
        %mul3A_89 = arith.constant 80 : i32
        %mul3A_90 = arith.muli %rem3A_66, %mul3A_89 : i32
        %add3A_91 = arith.addi %add3A_4, %add3A_72 : i32
        %mul3A_92 = arith.constant 80 : i32
        %mul3A_93 = arith.muli %add3A_91, %mul3A_92 : i32
        %dma_start3A_94 = arith.constant 0 : i32
        %dma_start3A_95 = tpu.memref_slice %arg8[%mul3A_90, %dma_start3A_94] : memref<160x256xf32, #tpu.memory_space<vmem>> -> memref<80x256xf32, #tpu.memory_space<vmem>>
        %dma_start3A_96 = arith.constant 0 : i32
        %dma_start3A_97 = tpu.memref_slice %arg5[%mul3A_93, %dma_start3A_96] : memref<160000x256xf32, #tpu.memory_space<hbm>> -> memref<80x256xf32, #tpu.memory_space<hbm>>
        %dma_start3A_98 = arith.constant 0 : i32
        %dma_start3A_99 = tpu.memref_slice %arg5[%mul3A_93, %dma_start3A_98] : memref<160000x256xf32, #tpu.memory_space<hbm>> -> memref<80x256xf32, #tpu.memory_space<hbm>>
        %dma_start3A_100 = arith.constant 0 : i32
        %dma_start3A_101 = tpu.memref_slice %arg8[%mul3A_90, %dma_start3A_100] : memref<160x256xf32, #tpu.memory_space<vmem>> -> memref<80x256xf32, #tpu.memory_space<vmem>>
        tpu.enqueue_dma source(%dma_start3A_101 : memref<80x256xf32, #tpu.memory_space<vmem>>) target(%dma_start3A_99 : memref<80x256xf32, #tpu.memory_space<hbm>>) target_semaphore(%arg12 : memref<!tpu.dma_semaphore, #tpu.memory_space<semaphore_mem>>)
      } else {
      }
    }
    %scan3A_29 = arith.constant 32 : i32
    %dma_wait3A = arith.constant 0 : i32
    %dma_wait3A_30 = arith.constant 0 : i32
    %dma_wait3A_31 = tpu.memref_slice %arg7[%dma_wait3A, %dma_wait3A_30] : memref<160x256xf32, #tpu.memory_space<vmem>> -> memref<80x256xf32, #tpu.memory_space<vmem>>
    %dma_wait3A_32 = arith.constant 0 : i32
    %dma_wait3A_33 = arith.constant 0 : i32
    %dma_wait3A_34 = tpu.memref_slice %arg5[%dma_wait3A_32, %dma_wait3A_33] : memref<160000x256xf32, #tpu.memory_space<hbm>> -> memref<80x256xf32, #tpu.memory_space<hbm>>
    %dma_wait3A_35 = arith.constant 0 : i32
    %dma_wait3A_36 = arith.constant 0 : i32
    %dma_wait3A_37 = tpu.memref_slice %arg5[%dma_wait3A_35, %dma_wait3A_36] : memref<160000x256xf32, #tpu.memory_space<hbm>> -> memref<80x256xf32, #tpu.memory_space<hbm>>
    %dma_wait3A_38 = arith.constant 0 : i32
    %dma_wait3A_39 = arith.constant 0 : i32
    %dma_wait3A_40 = tpu.memref_slice %arg7[%dma_wait3A_38, %dma_wait3A_39] : memref<160x256xf32, #tpu.memory_space<vmem>> -> memref<80x256xf32, #tpu.memory_space<vmem>>
    tpu.wait_dma2 semaphore(%arg11 : memref<!tpu.dma_semaphore, #tpu.memory_space<semaphore_mem>>) src(%dma_wait3A_40 : memref<80x256xf32, #tpu.memory_space<vmem>>) dst(%dma_wait3A_37 : memref<80x256xf32, #tpu.memory_space<hbm>>)
    %dma_wait3A_41 = arith.constant 0 : i32
    %dma_wait3A_42 = arith.constant 0 : i32
    %dma_wait3A_43 = tpu.memref_slice %arg8[%dma_wait3A_41, %dma_wait3A_42] : memref<160x256xf32, #tpu.memory_space<vmem>> -> memref<80x256xf32, #tpu.memory_space<vmem>>
    %dma_wait3A_44 = arith.constant 0 : i32
    %dma_wait3A_45 = arith.constant 0 : i32
    %dma_wait3A_46 = tpu.memref_slice %arg5[%dma_wait3A_44, %dma_wait3A_45] : memref<160000x256xf32, #tpu.memory_space<hbm>> -> memref<80x256xf32, #tpu.memory_space<hbm>>
    %dma_wait3A_47 = arith.constant 0 : i32
    %dma_wait3A_48 = arith.constant 0 : i32
    %dma_wait3A_49 = tpu.memref_slice %arg5[%dma_wait3A_47, %dma_wait3A_48] : memref<160000x256xf32, #tpu.memory_space<hbm>> -> memref<80x256xf32, #tpu.memory_space<hbm>>
    %dma_wait3A_50 = arith.constant 0 : i32
    %dma_wait3A_51 = arith.constant 0 : i32
    %dma_wait3A_52 = tpu.memref_slice %arg8[%dma_wait3A_50, %dma_wait3A_51] : memref<160x256xf32, #tpu.memory_space<vmem>> -> memref<80x256xf32, #tpu.memory_space<vmem>>
    tpu.wait_dma2 semaphore(%arg12 : memref<!tpu.dma_semaphore, #tpu.memory_space<semaphore_mem>>) src(%dma_wait3A_52 : memref<80x256xf32, #tpu.memory_space<vmem>>) dst(%dma_wait3A_49 : memref<80x256xf32, #tpu.memory_space<hbm>>)
    %dma_wait3A_53 = arith.constant 0 : i32
    %dma_wait3A_54 = arith.constant 0 : i32
    %dma_wait3A_55 = tpu.memref_slice %arg8[%dma_wait3A_53, %dma_wait3A_54] : memref<160x256xf32, #tpu.memory_space<vmem>> -> memref<80x256xf32, #tpu.memory_space<vmem>>
    %dma_wait3A_56 = arith.constant 0 : i32
    %dma_wait3A_57 = arith.constant 0 : i32
    %dma_wait3A_58 = tpu.memref_slice %arg5[%dma_wait3A_56, %dma_wait3A_57] : memref<160000x256xf32, #tpu.memory_space<hbm>> -> memref<80x256xf32, #tpu.memory_space<hbm>>
    %dma_wait3A_59 = arith.constant 0 : i32
    %dma_wait3A_60 = arith.constant 0 : i32
    %dma_wait3A_61 = tpu.memref_slice %arg5[%dma_wait3A_59, %dma_wait3A_60] : memref<160000x256xf32, #tpu.memory_space<hbm>> -> memref<80x256xf32, #tpu.memory_space<hbm>>
    %dma_wait3A_62 = arith.constant 0 : i32
    %dma_wait3A_63 = arith.constant 0 : i32
    %dma_wait3A_64 = tpu.memref_slice %arg8[%dma_wait3A_62, %dma_wait3A_63] : memref<160x256xf32, #tpu.memory_space<vmem>> -> memref<80x256xf32, #tpu.memory_space<vmem>>
    tpu.wait_dma2 semaphore(%arg12 : memref<!tpu.dma_semaphore, #tpu.memory_space<semaphore_mem>>) src(%dma_wait3A_64 : memref<80x256xf32, #tpu.memory_space<vmem>>) dst(%dma_wait3A_61 : memref<80x256xf32, #tpu.memory_space<hbm>>)
    return
  }
}

module attributes {stable_mosaic.version = 14 : i64} {
  func.func @_prep_body(%arg0: memref<5x256xf32, #tpu.memory_space<vmem>>, %arg1: memref<6x256xf32, #tpu.memory_space<vmem>>, %arg2: memref<2x256xf32, #tpu.memory_space<vmem>>, %arg3: memref<2000x80xi32, #tpu.memory_space<vmem>>, %arg4: memref<2000x80xi32, #tpu.memory_space<vmem>>, %arg5: memref<2000x80xi32, #tpu.memory_space<vmem>>, %arg6: memref<32x60x256xf32, #tpu.memory_space<vmem>>, %arg7: memref<2000x80xi32, #tpu.memory_space<vmem>>) attributes {dimension_semantics = [], scalar_prefetch = 0 : i64, scratch_operands = 0 : i64, tpu.core_type = #tpu.core_type<tc>} {
    %get3A = arith.constant 0 : index
    %get3A_0 = arith.constant 0 : index
    %get3A_1 = vector.load %arg0[%get3A, %get3A_0] : memref<5x256xf32, #tpu.memory_space<vmem>>, vector<1x256xf32>
    %get3A_2 = vector.shape_cast %get3A_1 : vector<1x256xf32> to vector<256xf32>
    %get3A_3 = arith.constant 0 : index
    %get3A_4 = arith.constant 0 : index
    %get3A_5 = vector.load %arg1[%get3A_3, %get3A_4] : memref<6x256xf32, #tpu.memory_space<vmem>>, vector<1x256xf32>
    %get3A_6 = vector.shape_cast %get3A_5 : vector<1x256xf32> to vector<256xf32>
    %add3A = arith.addf %get3A_2, %get3A_6 : vector<256xf32>
    %get3A_7 = arith.constant 0 : index
    %get3A_8 = arith.constant 0 : index
    %get3A_9 = vector.load %arg2[%get3A_7, %get3A_8] : memref<2x256xf32, #tpu.memory_space<vmem>>, vector<1x256xf32>
    %get3A_10 = vector.shape_cast %get3A_9 : vector<1x256xf32> to vector<256xf32>
    %add3A_11 = arith.addf %add3A, %get3A_10 : vector<256xf32>
    %swap3A = arith.constant 0 : index
    %swap3A_12 = arith.constant 0 : index
    %swap3A_13 = arith.constant 0 : index
    %swap3A_14 = vector.load %arg6[%swap3A, %swap3A_12, %swap3A_13] : memref<32x60x256xf32, #tpu.memory_space<vmem>>, vector<1x1x256xf32>
    %swap3A_15 = vector.shape_cast %swap3A_14 : vector<1x1x256xf32> to vector<256xf32>
    %swap3A_16 = vector.shape_cast %add3A_11 : vector<256xf32> to vector<1x1x256xf32>
    tpu.vector_store %arg6[%swap3A, %swap3A_12, %swap3A_13], %swap3A_16 {strides = array<i32>} : memref<32x60x256xf32, #tpu.memory_space<vmem>>, vector<1x1x256xf32>,
    %get3A_17 = arith.constant 0 : index
    %get3A_18 = arith.constant 0 : index
    %get3A_19 = vector.load %arg0[%get3A_17, %get3A_18] : memref<5x256xf32, #tpu.memory_space<vmem>>, vector<1x256xf32>
    %get3A_20 = vector.shape_cast %get3A_19 : vector<1x256xf32> to vector<256xf32>
    %get3A_21 = arith.constant 0 : index
    %get3A_22 = arith.constant 0 : index
    %get3A_23 = vector.load %arg1[%get3A_21, %get3A_22] : memref<6x256xf32, #tpu.memory_space<vmem>>, vector<1x256xf32>
    %get3A_24 = vector.shape_cast %get3A_23 : vector<1x256xf32> to vector<256xf32>
    %add3A_25 = arith.addf %get3A_20, %get3A_24 : vector<256xf32>
    %get3A_26 = arith.constant 1 : index
    %get3A_27 = arith.constant 0 : index
    %get3A_28 = vector.load %arg2[%get3A_26, %get3A_27] : memref<2x256xf32, #tpu.memory_space<vmem>>, vector<1x256xf32>
    %get3A_29 = vector.shape_cast %get3A_28 : vector<1x256xf32> to vector<256xf32>
    %add3A_30 = arith.addf %add3A_25, %get3A_29 : vector<256xf32>
    %swap3A_31 = arith.constant 0 : index
    %swap3A_32 = arith.constant 1 : index
    %swap3A_33 = arith.constant 0 : index
    %swap3A_34 = vector.load %arg6[%swap3A_31, %swap3A_32, %swap3A_33] : memref<32x60x256xf32, #tpu.memory_space<vmem>>, vector<1x1x256xf32>
    %swap3A_35 = vector.shape_cast %swap3A_34 : vector<1x1x256xf32> to vector<256xf32>
    %swap3A_36 = vector.shape_cast %add3A_30 : vector<256xf32> to vector<1x1x256xf32>
    tpu.vector_store %arg6[%swap3A_31, %swap3A_32, %swap3A_33], %swap3A_36 {strides = array<i32>} : memref<32x60x256xf32, #tpu.memory_space<vmem>>, vector<1x1x256xf32>,
    %get3A_37 = arith.constant 0 : index
    %get3A_38 = arith.constant 0 : index
    %get3A_39 = vector.load %arg0[%get3A_37, %get3A_38] : memref<5x256xf32, #tpu.memory_space<vmem>>, vector<1x256xf32>
    %get3A_40 = vector.shape_cast %get3A_39 : vector<1x256xf32> to vector<256xf32>
    %get3A_41 = arith.constant 1 : index
    %get3A_42 = arith.constant 0 : index
    %get3A_43 = vector.load %arg1[%get3A_41, %get3A_42] : memref<6x256xf32, #tpu.memory_space<vmem>>, vector<1x256xf32>
    %get3A_44 = vector.shape_cast %get3A_43 : vector<1x256xf32> to vector<256xf32>
    %add3A_45 = arith.addf %get3A_40, %get3A_44 : vector<256xf32>
    %get3A_46 = arith.constant 0 : index
    %get3A_47 = arith.constant 0 : index
    %get3A_48 = vector.load %arg2[%get3A_46, %get3A_47] : memref<2x256xf32, #tpu.memory_space<vmem>>, vector<1x256xf32>
    %get3A_49 = vector.shape_cast %get3A_48 : vector<1x256xf32> to vector<256xf32>
    %add3A_50 = arith.addf %add3A_45, %get3A_49 : vector<256xf32>
    %swap3A_51 = arith.constant 0 : index
    %swap3A_52 = arith.constant 2 : index
    %swap3A_53 = arith.constant 0 : index
    %swap3A_54 = vector.load %arg6[%swap3A_51, %swap3A_52, %swap3A_53] : memref<32x60x256xf32, #tpu.memory_space<vmem>>, vector<1x1x256xf32>
    %swap3A_55 = vector.shape_cast %swap3A_54 : vector<1x1x256xf32> to vector<256xf32>
    %swap3A_56 = vector.shape_cast %add3A_50 : vector<256xf32> to vector<1x1x256xf32>
    tpu.vector_store %arg6[%swap3A_51, %swap3A_52, %swap3A_53], %swap3A_56 {strides = array<i32>} : memref<32x60x256xf32, #tpu.memory_space<vmem>>, vector<1x1x256xf32>,
    %get3A_57 = arith.constant 0 : index
    %get3A_58 = arith.constant 0 : index
    %get3A_59 = vector.load %arg0[%get3A_57, %get3A_58] : memref<5x256xf32, #tpu.memory_space<vmem>>, vector<1x256xf32>
    %get3A_60 = vector.shape_cast %get3A_59 : vector<1x256xf32> to vector<256xf32>
    %get3A_61 = arith.constant 1 : index
    %get3A_62 = arith.constant 0 : index
    %get3A_63 = vector.load %arg1[%get3A_61, %get3A_62] : memref<6x256xf32, #tpu.memory_space<vmem>>, vector<1x256xf32>
    %get3A_64 = vector.shape_cast %get3A_63 : vector<1x256xf32> to vector<256xf32>
    %add3A_65 = arith.addf %get3A_60, %get3A_64 : vector<256xf32>
    %get3A_66 = arith.constant 1 : index
    %get3A_67 = arith.constant 0 : index
    %get3A_68 = vector.load %arg2[%get3A_66, %get3A_67] : memref<2x256xf32, #tpu.memory_space<vmem>>, vector<1x256xf32>
    %get3A_69 = vector.shape_cast %get3A_68 : vector<1x256xf32> to vector<256xf32>
    %add3A_70 = arith.addf %add3A_65, %get3A_69 : vector<256xf32>
    %swap3A_71 = arith.constant 0 : index
    %swap3A_72 = arith.constant 3 : index
    %swap3A_73 = arith.constant 0 : index
    %swap3A_74 = vector.load %arg6[%swap3A_71, %swap3A_72, %swap3A_73] : memref<32x60x256xf32, #tpu.memory_space<vmem>>, vector<1x1x256xf32>
    %swap3A_75 = vector.shape_cast %swap3A_74 : vector<1x1x256xf32> to vector<256xf32>
    %swap3A_76 = vector.shape_cast %add3A_70 : vector<256xf32> to vector<1x1x256xf32>
    tpu.vector_store %arg6[%swap3A_71, %swap3A_72, %swap3A_73], %swap3A_76 {strides = array<i32>} : memref<32x60x256xf32, #tpu.memory_space<vmem>>, vector<1x1x256xf32>,
    %get3A_77 = arith.constant 0 : index
    %get3A_78 = arith.constant 0 : index
    %get3A_79 = vector.load %arg0[%get3A_77, %get3A_78] : memref<5x256xf32, #tpu.memory_space<vmem>>, vector<1x256xf32>
    %get3A_80 = vector.shape_cast %get3A_79 : vector<1x256xf32> to vector<256xf32>
    %get3A_81 = arith.constant 2 : index
    %get3A_82 = arith.constant 0 : index
    %get3A_83 = vector.load %arg1[%get3A_81, %get3A_82] : memref<6x256xf32, #tpu.memory_space<vmem>>, vector<1x256xf32>
    %get3A_84 = vector.shape_cast %get3A_83 : vector<1x256xf32> to vector<256xf32>
    %add3A_85 = arith.addf %get3A_80, %get3A_84 : vector<256xf32>
    %get3A_86 = arith.constant 0 : index
    %get3A_87 = arith.constant 0 : index
    %get3A_88 = vector.load %arg2[%get3A_86, %get3A_87] : memref<2x256xf32, #tpu.memory_space<vmem>>, vector<1x256xf32>
    %get3A_89 = vector.shape_cast %get3A_88 : vector<1x256xf32> to vector<256xf32>
    %add3A_90 = arith.addf %add3A_85, %get3A_89 : vector<256xf32>
    %swap3A_91 = arith.constant 0 : index
    %swap3A_92 = arith.constant 4 : index
    %swap3A_93 = arith.constant 0 : index
    %swap3A_94 = vector.load %arg6[%swap3A_91, %swap3A_92, %swap3A_93] : memref<32x60x256xf32, #tpu.memory_space<vmem>>, vector<1x1x256xf32>
    %swap3A_95 = vector.shape_cast %swap3A_94 : vector<1x1x256xf32> to vector<256xf32>
    %swap3A_96 = vector.shape_cast %add3A_90 : vector<256xf32> to vector<1x1x256xf32>
    tpu.vector_store %arg6[%swap3A_91, %swap3A_92, %swap3A_93], %swap3A_96 {strides = array<i32>} : memref<32x60x256xf32, #tpu.memory_space<vmem>>, vector<1x1x256xf32>,
    %get3A_97 = arith.constant 0 : index
    %get3A_98 = arith.constant 0 : index
    %get3A_99 = vector.load %arg0[%get3A_97, %get3A_98] : memref<5x256xf32, #tpu.memory_space<vmem>>, vector<1x256xf32>
    %get3A_100 = vector.shape_cast %get3A_99 : vector<1x256xf32> to vector<256xf32>
    %get3A_101 = arith.constant 2 : index
    %get3A_102 = arith.constant 0 : index
    %get3A_103 = vector.load %arg1[%get3A_101, %get3A_102] : memref<6x256xf32, #tpu.memory_space<vmem>>, vector<1x256xf32>
    %get3A_104 = vector.shape_cast %get3A_103 : vector<1x256xf32> to vector<256xf32>
    %add3A_105 = arith.addf %get3A_100, %get3A_104 : vector<256xf32>
    %get3A_106 = arith.constant 1 : index
    %get3A_107 = arith.constant 0 : index
    %get3A_108 = vector.load %arg2[%get3A_106, %get3A_107] : memref<2x256xf32, #tpu.memory_space<vmem>>, vector<1x256xf32>
    %get3A_109 = vector.shape_cast %get3A_108 : vector<1x256xf32> to vector<256xf32>
    %add3A_110 = arith.addf %add3A_105, %get3A_109 : vector<256xf32>
    %swap3A_111 = arith.constant 0 : index
    %swap3A_112 = arith.constant 5 : index
    %swap3A_113 = arith.constant 0 : index
    %swap3A_114 = vector.load %arg6[%swap3A_111, %swap3A_112, %swap3A_113] : memref<32x60x256xf32, #tpu.memory_space<vmem>>, vector<1x1x256xf32>
    %swap3A_115 = vector.shape_cast %swap3A_114 : vector<1x1x256xf32> to vector<256xf32>
    %swap3A_116 = vector.shape_cast %add3A_110 : vector<256xf32> to vector<1x1x256xf32>
    tpu.vector_store %arg6[%swap3A_111, %swap3A_112, %swap3A_113], %swap3A_116 {strides = array<i32>} : memref<32x60x256xf32, #tpu.memory_space<vmem>>, vector<1x1x256xf32>,
    %get3A_117 = arith.constant 0 : index
    %get3A_118 = arith.constant 0 : index
    %get3A_119 = vector.load %arg0[%get3A_117, %get3A_118] : memref<5x256xf32, #tpu.memory_space<vmem>>, vector<1x256xf32>
    %get3A_120 = vector.shape_cast %get3A_119 : vector<1x256xf32> to vector<256xf32>
    %get3A_121 = arith.constant 3 : index
    %get3A_122 = arith.constant 0 : index
    %get3A_123 = vector.load %arg1[%get3A_121, %get3A_122] : memref<6x256xf32, #tpu.memory_space<vmem>>, vector<1x256xf32>
    %get3A_124 = vector.shape_cast %get3A_123 : vector<1x256xf32> to vector<256xf32>
    %add3A_125 = arith.addf %get3A_120, %get3A_124 : vector<256xf32>
    %get3A_126 = arith.constant 0 : index
    %get3A_127 = arith.constant 0 : index
    %get3A_128 = vector.load %arg2[%get3A_126, %get3A_127] : memref<2x256xf32, #tpu.memory_space<vmem>>, vector<1x256xf32>
    %get3A_129 = vector.shape_cast %get3A_128 : vector<1x256xf32> to vector<256xf32>
    %add3A_130 = arith.addf %add3A_125, %get3A_129 : vector<256xf32>
    %swap3A_131 = arith.constant 0 : index
    %swap3A_132 = arith.constant 6 : index
    %swap3A_133 = arith.constant 0 : index
    %swap3A_134 = vector.load %arg6[%swap3A_131, %swap3A_132, %swap3A_133] : memref<32x60x256xf32, #tpu.memory_space<vmem>>, vector<1x1x256xf32>
    %swap3A_135 = vector.shape_cast %swap3A_134 : vector<1x1x256xf32> to vector<256xf32>
    %swap3A_136 = vector.shape_cast %add3A_130 : vector<256xf32> to vector<1x1x256xf32>
    tpu.vector_store %arg6[%swap3A_131, %swap3A_132, %swap3A_133], %swap3A_136 {strides = array<i32>} : memref<32x60x256xf32, #tpu.memory_space<vmem>>, vector<1x1x256xf32>,
    %get3A_137 = arith.constant 0 : index
    %get3A_138 = arith.constant 0 : index
    %get3A_139 = vector.load %arg0[%get3A_137, %get3A_138] : memref<5x256xf32, #tpu.memory_space<vmem>>, vector<1x256xf32>
    %get3A_140 = vector.shape_cast %get3A_139 : vector<1x256xf32> to vector<256xf32>
    %get3A_141 = arith.constant 3 : index
    %get3A_142 = arith.constant 0 : index
    %get3A_143 = vector.load %arg1[%get3A_141, %get3A_142] : memref<6x256xf32, #tpu.memory_space<vmem>>, vector<1x256xf32>
    %get3A_144 = vector.shape_cast %get3A_143 : vector<1x256xf32> to vector<256xf32>
    %add3A_145 = arith.addf %get3A_140, %get3A_144 : vector<256xf32>
    %get3A_146 = arith.constant 1 : index
    %get3A_147 = arith.constant 0 : index
    %get3A_148 = vector.load %arg2[%get3A_146, %get3A_147] : memref<2x256xf32, #tpu.memory_space<vmem>>, vector<1x256xf32>
    %get3A_149 = vector.shape_cast %get3A_148 : vector<1x256xf32> to vector<256xf32>
    %add3A_150 = arith.addf %add3A_145, %get3A_149 : vector<256xf32>
    %swap3A_151 = arith.constant 0 : index
    %swap3A_152 = arith.constant 7 : index
    %swap3A_153 = arith.constant 0 : index
    %swap3A_154 = vector.load %arg6[%swap3A_151, %swap3A_152, %swap3A_153] : memref<32x60x256xf32, #tpu.memory_space<vmem>>, vector<1x1x256xf32>
    %swap3A_155 = vector.shape_cast %swap3A_154 : vector<1x1x256xf32> to vector<256xf32>
    %swap3A_156 = vector.shape_cast %add3A_150 : vector<256xf32> to vector<1x1x256xf32>
    tpu.vector_store %arg6[%swap3A_151, %swap3A_152, %swap3A_153], %swap3A_156 {strides = array<i32>} : memref<32x60x256xf32, #tpu.memory_space<vmem>>, vector<1x1x256xf32>,
    %get3A_157 = arith.constant 0 : index
    %get3A_158 = arith.constant 0 : index
    %get3A_159 = vector.load %arg0[%get3A_157, %get3A_158] : memref<5x256xf32, #tpu.memory_space<vmem>>, vector<1x256xf32>
    %get3A_160 = vector.shape_cast %get3A_159 : vector<1x256xf32> to vector<256xf32>
    %get3A_161 = arith.constant 4 : index
    %get3A_162 = arith.constant 0 : index
    %get3A_163 = vector.load %arg1[%get3A_161, %get3A_162] : memref<6x256xf32, #tpu.memory_space<vmem>>, vector<1x256xf32>
    %get3A_164 = vector.shape_cast %get3A_163 : vector<1x256xf32> to vector<256xf32>
    %add3A_165 = arith.addf %get3A_160, %get3A_164 : vector<256xf32>
    %get3A_166 = arith.constant 0 : index
    %get3A_167 = arith.constant 0 : index
    %get3A_168 = vector.load %arg2[%get3A_166, %get3A_167] : memref<2x256xf32, #tpu.memory_space<vmem>>, vector<1x256xf32>
    %get3A_169 = vector.shape_cast %get3A_168 : vector<1x256xf32> to vector<256xf32>
    %add3A_170 = arith.addf %add3A_165, %get3A_169 : vector<256xf32>
    %swap3A_171 = arith.constant 0 : index
    %swap3A_172 = arith.constant 8 : index
    %swap3A_173 = arith.constant 0 : index
    %swap3A_174 = vector.load %arg6[%swap3A_171, %swap3A_172, %swap3A_173] : memref<32x60x256xf32, #tpu.memory_space<vmem>>, vector<1x1x256xf32>
    %swap3A_175 = vector.shape_cast %swap3A_174 : vector<1x1x256xf32> to vector<256xf32>
    %swap3A_176 = vector.shape_cast %add3A_170 : vector<256xf32> to vector<1x1x256xf32>
    tpu.vector_store %arg6[%swap3A_171, %swap3A_172, %swap3A_173], %swap3A_176 {strides = array<i32>} : memref<32x60x256xf32, #tpu.memory_space<vmem>>, vector<1x1x256xf32>,
    %get3A_177 = arith.constant 0 : index
    %get3A_178 = arith.constant 0 : index
    %get3A_179 = vector.load %arg0[%get3A_177, %get3A_178] : memref<5x256xf32, #tpu.memory_space<vmem>>, vector<1x256xf32>
    %get3A_180 = vector.shape_cast %get3A_179 : vector<1x256xf32> to vector<256xf32>
    %get3A_181 = arith.constant 4 : index
    %get3A_182 = arith.constant 0 : index
    %get3A_183 = vector.load %arg1[%get3A_181, %get3A_182] : memref<6x256xf32, #tpu.memory_space<vmem>>, vector<1x256xf32>
    %get3A_184 = vector.shape_cast %get3A_183 : vector<1x256xf32> to vector<256xf32>
    %add3A_185 = arith.addf %get3A_180, %get3A_184 : vector<256xf32>
    %get3A_186 = arith.constant 1 : index
    %get3A_187 = arith.constant 0 : index
    %get3A_188 = vector.load %arg2[%get3A_186, %get3A_187] : memref<2x256xf32, #tpu.memory_space<vmem>>, vector<1x256xf32>
    %get3A_189 = vector.shape_cast %get3A_188 : vector<1x256xf32> to vector<256xf32>
    %add3A_190 = arith.addf %add3A_185, %get3A_189 : vector<256xf32>
    %swap3A_191 = arith.constant 0 : index
    %swap3A_192 = arith.constant 9 : index
    %swap3A_193 = arith.constant 0 : index
    %swap3A_194 = vector.load %arg6[%swap3A_191, %swap3A_192, %swap3A_193] : memref<32x60x256xf32, #tpu.memory_space<vmem>>, vector<1x1x256xf32>
    %swap3A_195 = vector.shape_cast %swap3A_194 : vector<1x1x256xf32> to vector<256xf32>
    %swap3A_196 = vector.shape_cast %add3A_190 : vector<256xf32> to vector<1x1x256xf32>
    tpu.vector_store %arg6[%swap3A_191, %swap3A_192, %swap3A_193], %swap3A_196 {strides = array<i32>} : memref<32x60x256xf32, #tpu.memory_space<vmem>>, vector<1x1x256xf32>,
    %get3A_197 = arith.constant 0 : index
    %get3A_198 = arith.constant 0 : index
    %get3A_199 = vector.load %arg0[%get3A_197, %get3A_198] : memref<5x256xf32, #tpu.memory_space<vmem>>, vector<1x256xf32>
    %get3A_200 = vector.shape_cast %get3A_199 : vector<1x256xf32> to vector<256xf32>
    %get3A_201 = arith.constant 5 : index
    %get3A_202 = arith.constant 0 : index
    %get3A_203 = vector.load %arg1[%get3A_201, %get3A_202] : memref<6x256xf32, #tpu.memory_space<vmem>>, vector<1x256xf32>
    %get3A_204 = vector.shape_cast %get3A_203 : vector<1x256xf32> to vector<256xf32>
    %add3A_205 = arith.addf %get3A_200, %get3A_204 : vector<256xf32>
    %get3A_206 = arith.constant 0 : index
    %get3A_207 = arith.constant 0 : index
    %get3A_208 = vector.load %arg2[%get3A_206, %get3A_207] : memref<2x256xf32, #tpu.memory_space<vmem>>, vector<1x256xf32>
    %get3A_209 = vector.shape_cast %get3A_208 : vector<1x256xf32> to vector<256xf32>
    %add3A_210 = arith.addf %add3A_205, %get3A_209 : vector<256xf32>
    %swap3A_211 = arith.constant 0 : index
    %swap3A_212 = arith.constant 10 : index
    %swap3A_213 = arith.constant 0 : index
    %swap3A_214 = vector.load %arg6[%swap3A_211, %swap3A_212, %swap3A_213] : memref<32x60x256xf32, #tpu.memory_space<vmem>>, vector<1x1x256xf32>
    %swap3A_215 = vector.shape_cast %swap3A_214 : vector<1x1x256xf32> to vector<256xf32>
    %swap3A_216 = vector.shape_cast %add3A_210 : vector<256xf32> to vector<1x1x256xf32>
    tpu.vector_store %arg6[%swap3A_211, %swap3A_212, %swap3A_213], %swap3A_216 {strides = array<i32>} : memref<32x60x256xf32, #tpu.memory_space<vmem>>, vector<1x1x256xf32>,
    %get3A_217 = arith.constant 0 : index
    %get3A_218 = arith.constant 0 : index
    %get3A_219 = vector.load %arg0[%get3A_217, %get3A_218] : memref<5x256xf32, #tpu.memory_space<vmem>>, vector<1x256xf32>
    %get3A_220 = vector.shape_cast %get3A_219 : vector<1x256xf32> to vector<256xf32>
    %get3A_221 = arith.constant 5 : index
    %get3A_222 = arith.constant 0 : index
    %get3A_223 = vector.load %arg1[%get3A_221, %get3A_222] : memref<6x256xf32, #tpu.memory_space<vmem>>, vector<1x256xf32>
    %get3A_224 = vector.shape_cast %get3A_223 : vector<1x256xf32> to vector<256xf32>
    %add3A_225 = arith.addf %get3A_220, %get3A_224 : vector<256xf32>
    %get3A_226 = arith.constant 1 : index
    %get3A_227 = arith.constant 0 : index
    %get3A_228 = vector.load %arg2[%get3A_226, %get3A_227] : memref<2x256xf32, #tpu.memory_space<vmem>>, vector<1x256xf32>
    %get3A_229 = vector.shape_cast %get3A_228 : vector<1x256xf32> to vector<256xf32>
    %add3A_230 = arith.addf %add3A_225, %get3A_229 : vector<256xf32>
    %swap3A_231 = arith.constant 0 : index
    %swap3A_232 = arith.constant 11 : index
    %swap3A_233 = arith.constant 0 : index
    %swap3A_234 = vector.load %arg6[%swap3A_231, %swap3A_232, %swap3A_233] : memref<32x60x256xf32, #tpu.memory_space<vmem>>, vector<1x1x256xf32>
    %swap3A_235 = vector.shape_cast %swap3A_234 : vector<1x1x256xf32> to vector<256xf32>
    %swap3A_236 = vector.shape_cast %add3A_230 : vector<256xf32> to vector<1x1x256xf32>
    tpu.vector_store %arg6[%swap3A_231, %swap3A_232, %swap3A_233], %swap3A_236 {strides = array<i32>} : memref<32x60x256xf32, #tpu.memory_space<vmem>>, vector<1x1x256xf32>,
    %get3A_237 = arith.constant 1 : index
    %get3A_238 = arith.constant 0 : index
    %get3A_239 = vector.load %arg0[%get3A_237, %get3A_238] : memref<5x256xf32, #tpu.memory_space<vmem>>, vector<1x256xf32>
    %get3A_240 = vector.shape_cast %get3A_239 : vector<1x256xf32> to vector<256xf32>
    %get3A_241 = arith.constant 0 : index
    %get3A_242 = arith.constant 0 : index
    %get3A_243 = vector.load %arg1[%get3A_241, %get3A_242] : memref<6x256xf32, #tpu.memory_space<vmem>>, vector<1x256xf32>
    %get3A_244 = vector.shape_cast %get3A_243 : vector<1x256xf32> to vector<256xf32>
    %add3A_245 = arith.addf %get3A_240, %get3A_244 : vector<256xf32>
    %get3A_246 = arith.constant 0 : index
    %get3A_247 = arith.constant 0 : index
    %get3A_248 = vector.load %arg2[%get3A_246, %get3A_247] : memref<2x256xf32, #tpu.memory_space<vmem>>, vector<1x256xf32>
    %get3A_249 = vector.shape_cast %get3A_248 : vector<1x256xf32> to vector<256xf32>
    %add3A_250 = arith.addf %add3A_245, %get3A_249 : vector<256xf32>
    %swap3A_251 = arith.constant 0 : index
    %swap3A_252 = arith.constant 12 : index
    %swap3A_253 = arith.constant 0 : index
    %swap3A_254 = vector.load %arg6[%swap3A_251, %swap3A_252, %swap3A_253] : memref<32x60x256xf32, #tpu.memory_space<vmem>>, vector<1x1x256xf32>
    %swap3A_255 = vector.shape_cast %swap3A_254 : vector<1x1x256xf32> to vector<256xf32>
    %swap3A_256 = vector.shape_cast %add3A_250 : vector<256xf32> to vector<1x1x256xf32>
    tpu.vector_store %arg6[%swap3A_251, %swap3A_252, %swap3A_253], %swap3A_256 {strides = array<i32>} : memref<32x60x256xf32, #tpu.memory_space<vmem>>, vector<1x1x256xf32>,
    %get3A_257 = arith.constant 1 : index
    %get3A_258 = arith.constant 0 : index
    %get3A_259 = vector.load %arg0[%get3A_257, %get3A_258] : memref<5x256xf32, #tpu.memory_space<vmem>>, vector<1x256xf32>
    %get3A_260 = vector.shape_cast %get3A_259 : vector<1x256xf32> to vector<256xf32>
    %get3A_261 = arith.constant 0 : index
    %get3A_262 = arith.constant 0 : index
    %get3A_263 = vector.load %arg1[%get3A_261, %get3A_262] : memref<6x256xf32, #tpu.memory_space<vmem>>, vector<1x256xf32>
    %get3A_264 = vector.shape_cast %get3A_263 : vector<1x256xf32> to vector<256xf32>
    %add3A_265 = arith.addf %get3A_260, %get3A_264 : vector<256xf32>
    %get3A_266 = arith.constant 1 : index
    %get3A_267 = arith.constant 0 : index
    %get3A_268 = vector.load %arg2[%get3A_266, %get3A_267] : memref<2x256xf32, #tpu.memory_space<vmem>>, vector<1x256xf32>
    %get3A_269 = vector.shape_cast %get3A_268 : vector<1x256xf32> to vector<256xf32>
    %add3A_270 = arith.addf %add3A_265, %get3A_269 : vector<256xf32>
    %swap3A_271 = arith.constant 0 : index
    %swap3A_272 = arith.constant 13 : index
    %swap3A_273 = arith.constant 0 : index
    %swap3A_274 = vector.load %arg6[%swap3A_271, %swap3A_272, %swap3A_273] : memref<32x60x256xf32, #tpu.memory_space<vmem>>, vector<1x1x256xf32>
    %swap3A_275 = vector.shape_cast %swap3A_274 : vector<1x1x256xf32> to vector<256xf32>
    %swap3A_276 = vector.shape_cast %add3A_270 : vector<256xf32> to vector<1x1x256xf32>
    tpu.vector_store %arg6[%swap3A_271, %swap3A_272, %swap3A_273], %swap3A_276 {strides = array<i32>} : memref<32x60x256xf32, #tpu.memory_space<vmem>>, vector<1x1x256xf32>,
    %get3A_277 = arith.constant 1 : index
    %get3A_278 = arith.constant 0 : index
    %get3A_279 = vector.load %arg0[%get3A_277, %get3A_278] : memref<5x256xf32, #tpu.memory_space<vmem>>, vector<1x256xf32>
    %get3A_280 = vector.shape_cast %get3A_279 : vector<1x256xf32> to vector<256xf32>
    %get3A_281 = arith.constant 1 : index
    %get3A_282 = arith.constant 0 : index
    %get3A_283 = vector.load %arg1[%get3A_281, %get3A_282] : memref<6x256xf32, #tpu.memory_space<vmem>>, vector<1x256xf32>
    %get3A_284 = vector.shape_cast %get3A_283 : vector<1x256xf32> to vector<256xf32>
    %add3A_285 = arith.addf %get3A_280, %get3A_284 : vector<256xf32>
    %get3A_286 = arith.constant 0 : index
    %get3A_287 = arith.constant 0 : index
    %get3A_288 = vector.load %arg2[%get3A_286, %get3A_287] : memref<2x256xf32, #tpu.memory_space<vmem>>, vector<1x256xf32>
    %get3A_289 = vector.shape_cast %get3A_288 : vector<1x256xf32> to vector<256xf32>
    %add3A_290 = arith.addf %add3A_285, %get3A_289 : vector<256xf32>
    %swap3A_291 = arith.constant 0 : index
    %swap3A_292 = arith.constant 14 : index
    %swap3A_293 = arith.constant 0 : index
    %swap3A_294 = vector.load %arg6[%swap3A_291, %swap3A_292, %swap3A_293] : memref<32x60x256xf32, #tpu.memory_space<vmem>>, vector<1x1x256xf32>
    %swap3A_295 = vector.shape_cast %swap3A_294 : vector<1x1x256xf32> to vector<256xf32>
    %swap3A_296 = vector.shape_cast %add3A_290 : vector<256xf32> to vector<1x1x256xf32>
    tpu.vector_store %arg6[%swap3A_291, %swap3A_292, %swap3A_293], %swap3A_296 {strides = array<i32>} : memref<32x60x256xf32, #tpu.memory_space<vmem>>, vector<1x1x256xf32>,
    %get3A_297 = arith.constant 1 : index
    %get3A_298 = arith.constant 0 : index
    %get3A_299 = vector.load %arg0[%get3A_297, %get3A_298] : memref<5x256xf32, #tpu.memory_space<vmem>>, vector<1x256xf32>
    %get3A_300 = vector.shape_cast %get3A_299 : vector<1x256xf32> to vector<256xf32>
    %get3A_301 = arith.constant 1 : index
    %get3A_302 = arith.constant 0 : index
    %get3A_303 = vector.load %arg1[%get3A_301, %get3A_302] : memref<6x256xf32, #tpu.memory_space<vmem>>, vector<1x256xf32>
    %get3A_304 = vector.shape_cast %get3A_303 : vector<1x256xf32> to vector<256xf32>
    %add3A_305 = arith.addf %get3A_300, %get3A_304 : vector<256xf32>
    %get3A_306 = arith.constant 1 : index
    %get3A_307 = arith.constant 0 : index
    %get3A_308 = vector.load %arg2[%get3A_306, %get3A_307] : memref<2x256xf32, #tpu.memory_space<vmem>>, vector<1x256xf32>
    %get3A_309 = vector.shape_cast %get3A_308 : vector<1x256xf32> to vector<256xf32>
    %add3A_310 = arith.addf %add3A_305, %get3A_309 : vector<256xf32>
    %swap3A_311 = arith.constant 0 : index
    %swap3A_312 = arith.constant 15 : index
    %swap3A_313 = arith.constant 0 : index
    %swap3A_314 = vector.load %arg6[%swap3A_311, %swap3A_312, %swap3A_313] : memref<32x60x256xf32, #tpu.memory_space<vmem>>, vector<1x1x256xf32>
    %swap3A_315 = vector.shape_cast %swap3A_314 : vector<1x1x256xf32> to vector<256xf32>
    %swap3A_316 = vector.shape_cast %add3A_310 : vector<256xf32> to vector<1x1x256xf32>
    tpu.vector_store %arg6[%swap3A_311, %swap3A_312, %swap3A_313], %swap3A_316 {strides = array<i32>} : memref<32x60x256xf32, #tpu.memory_space<vmem>>, vector<1x1x256xf32>,
    %get3A_317 = arith.constant 1 : index
    %get3A_318 = arith.constant 0 : index
    %get3A_319 = vector.load %arg0[%get3A_317, %get3A_318] : memref<5x256xf32, #tpu.memory_space<vmem>>, vector<1x256xf32>
    %get3A_320 = vector.shape_cast %get3A_319 : vector<1x256xf32> to vector<256xf32>
    %get3A_321 = arith.constant 2 : index
    %get3A_322 = arith.constant 0 : index
    %get3A_323 = vector.load %arg1[%get3A_321, %get3A_322] : memref<6x256xf32, #tpu.memory_space<vmem>>, vector<1x256xf32>
    %get3A_324 = vector.shape_cast %get3A_323 : vector<1x256xf32> to vector<256xf32>
    %add3A_325 = arith.addf %get3A_320, %get3A_324 : vector<256xf32>
    %get3A_326 = arith.constant 0 : index
    %get3A_327 = arith.constant 0 : index
    %get3A_328 = vector.load %arg2[%get3A_326, %get3A_327] : memref<2x256xf32, #tpu.memory_space<vmem>>, vector<1x256xf32>
    %get3A_329 = vector.shape_cast %get3A_328 : vector<1x256xf32> to vector<256xf32>
    %add3A_330 = arith.addf %add3A_325, %get3A_329 : vector<256xf32>
    %swap3A_331 = arith.constant 0 : index
    %swap3A_332 = arith.constant 16 : index
    %swap3A_333 = arith.constant 0 : index
    %swap3A_334 = vector.load %arg6[%swap3A_331, %swap3A_332, %swap3A_333] : memref<32x60x256xf32, #tpu.memory_space<vmem>>, vector<1x1x256xf32>
    %swap3A_335 = vector.shape_cast %swap3A_334 : vector<1x1x256xf32> to vector<256xf32>
    %swap3A_336 = vector.shape_cast %add3A_330 : vector<256xf32> to vector<1x1x256xf32>
    tpu.vector_store %arg6[%swap3A_331, %swap3A_332, %swap3A_333], %swap3A_336 {strides = array<i32>} : memref<32x60x256xf32, #tpu.memory_space<vmem>>, vector<1x1x256xf32>,
    %get3A_337 = arith.constant 1 : index
    %get3A_338 = arith.constant 0 : index
    %get3A_339 = vector.load %arg0[%get3A_337, %get3A_338] : memref<5x256xf32, #tpu.memory_space<vmem>>, vector<1x256xf32>
    %get3A_340 = vector.shape_cast %get3A_339 : vector<1x256xf32> to vector<256xf32>
    %get3A_341 = arith.constant 2 : index
    %get3A_342 = arith.constant 0 : index
    %get3A_343 = vector.load %arg1[%get3A_341, %get3A_342] : memref<6x256xf32, #tpu.memory_space<vmem>>, vector<1x256xf32>
    %get3A_344 = vector.shape_cast %get3A_343 : vector<1x256xf32> to vector<256xf32>
    %add3A_345 = arith.addf %get3A_340, %get3A_344 : vector<256xf32>
    %get3A_346 = arith.constant 1 : index
    %get3A_347 = arith.constant 0 : index
    %get3A_348 = vector.load %arg2[%get3A_346, %get3A_347] : memref<2x256xf32, #tpu.memory_space<vmem>>, vector<1x256xf32>
    %get3A_349 = vector.shape_cast %get3A_348 : vector<1x256xf32> to vector<256xf32>
    %add3A_350 = arith.addf %add3A_345, %get3A_349 : vector<256xf32>
    %swap3A_351 = arith.constant 0 : index
    %swap3A_352 = arith.constant 17 : index
    %swap3A_353 = arith.constant 0 : index
    %swap3A_354 = vector.load %arg6[%swap3A_351, %swap3A_352, %swap3A_353] : memref<32x60x256xf32, #tpu.memory_space<vmem>>, vector<1x1x256xf32>
    %swap3A_355 = vector.shape_cast %swap3A_354 : vector<1x1x256xf32> to vector<256xf32>
    %swap3A_356 = vector.shape_cast %add3A_350 : vector<256xf32> to vector<1x1x256xf32>
    tpu.vector_store %arg6[%swap3A_351, %swap3A_352, %swap3A_353], %swap3A_356 {strides = array<i32>} : memref<32x60x256xf32, #tpu.memory_space<vmem>>, vector<1x1x256xf32>,
    %get3A_357 = arith.constant 1 : index
    %get3A_358 = arith.constant 0 : index
    %get3A_359 = vector.load %arg0[%get3A_357, %get3A_358] : memref<5x256xf32, #tpu.memory_space<vmem>>, vector<1x256xf32>
    %get3A_360 = vector.shape_cast %get3A_359 : vector<1x256xf32> to vector<256xf32>
    %get3A_361 = arith.constant 3 : index
    %get3A_362 = arith.constant 0 : index
    %get3A_363 = vector.load %arg1[%get3A_361, %get3A_362] : memref<6x256xf32, #tpu.memory_space<vmem>>, vector<1x256xf32>
    %get3A_364 = vector.shape_cast %get3A_363 : vector<1x256xf32> to vector<256xf32>
    %add3A_365 = arith.addf %get3A_360, %get3A_364 : vector<256xf32>
    %get3A_366 = arith.constant 0 : index
    %get3A_367 = arith.constant 0 : index
    %get3A_368 = vector.load %arg2[%get3A_366, %get3A_367] : memref<2x256xf32, #tpu.memory_space<vmem>>, vector<1x256xf32>
    %get3A_369 = vector.shape_cast %get3A_368 : vector<1x256xf32> to vector<256xf32>
    %add3A_370 = arith.addf %add3A_365, %get3A_369 : vector<256xf32>
    %swap3A_371 = arith.constant 0 : index
    %swap3A_372 = arith.constant 18 : index
    %swap3A_373 = arith.constant 0 : index
    %swap3A_374 = vector.load %arg6[%swap3A_371, %swap3A_372, %swap3A_373] : memref<32x60x256xf32, #tpu.memory_space<vmem>>, vector<1x1x256xf32>
    %swap3A_375 = vector.shape_cast %swap3A_374 : vector<1x1x256xf32> to vector<256xf32>
    %swap3A_376 = vector.shape_cast %add3A_370 : vector<256xf32> to vector<1x1x256xf32>
    tpu.vector_store %arg6[%swap3A_371, %swap3A_372, %swap3A_373], %swap3A_376 {strides = array<i32>} : memref<32x60x256xf32, #tpu.memory_space<vmem>>, vector<1x1x256xf32>,
    %get3A_377 = arith.constant 1 : index
    %get3A_378 = arith.constant 0 : index
    %get3A_379 = vector.load %arg0[%get3A_377, %get3A_378] : memref<5x256xf32, #tpu.memory_space<vmem>>, vector<1x256xf32>
    %get3A_380 = vector.shape_cast %get3A_379 : vector<1x256xf32> to vector<256xf32>
    %get3A_381 = arith.constant 3 : index
    %get3A_382 = arith.constant 0 : index
    %get3A_383 = vector.load %arg1[%get3A_381, %get3A_382] : memref<6x256xf32, #tpu.memory_space<vmem>>, vector<1x256xf32>
    %get3A_384 = vector.shape_cast %get3A_383 : vector<1x256xf32> to vector<256xf32>
    %add3A_385 = arith.addf %get3A_380, %get3A_384 : vector<256xf32>
    %get3A_386 = arith.constant 1 : index
    %get3A_387 = arith.constant 0 : index
    %get3A_388 = vector.load %arg2[%get3A_386, %get3A_387] : memref<2x256xf32, #tpu.memory_space<vmem>>, vector<1x256xf32>
    %get3A_389 = vector.shape_cast %get3A_388 : vector<1x256xf32> to vector<256xf32>
    %add3A_390 = arith.addf %add3A_385, %get3A_389 : vector<256xf32>
    %swap3A_391 = arith.constant 0 : index
    %swap3A_392 = arith.constant 19 : index
    %swap3A_393 = arith.constant 0 : index
    %swap3A_394 = vector.load %arg6[%swap3A_391, %swap3A_392, %swap3A_393] : memref<32x60x256xf32, #tpu.memory_space<vmem>>, vector<1x1x256xf32>
    %swap3A_395 = vector.shape_cast %swap3A_394 : vector<1x1x256xf32> to vector<256xf32>
    %swap3A_396 = vector.shape_cast %add3A_390 : vector<256xf32> to vector<1x1x256xf32>
    tpu.vector_store %arg6[%swap3A_391, %swap3A_392, %swap3A_393], %swap3A_396 {strides = array<i32>} : memref<32x60x256xf32, #tpu.memory_space<vmem>>, vector<1x1x256xf32>,
    %get3A_397 = arith.constant 1 : index
    %get3A_398 = arith.constant 0 : index
    %get3A_399 = vector.load %arg0[%get3A_397, %get3A_398] : memref<5x256xf32, #tpu.memory_space<vmem>>, vector<1x256xf32>
    %get3A_400 = vector.shape_cast %get3A_399 : vector<1x256xf32> to vector<256xf32>
    %get3A_401 = arith.constant 4 : index
    %get3A_402 = arith.constant 0 : index
    %get3A_403 = vector.load %arg1[%get3A_401, %get3A_402] : memref<6x256xf32, #tpu.memory_space<vmem>>, vector<1x256xf32>
    %get3A_404 = vector.shape_cast %get3A_403 : vector<1x256xf32> to vector<256xf32>
    %add3A_405 = arith.addf %get3A_400, %get3A_404 : vector<256xf32>
    %get3A_406 = arith.constant 0 : index
    %get3A_407 = arith.constant 0 : index
    %get3A_408 = vector.load %arg2[%get3A_406, %get3A_407] : memref<2x256xf32, #tpu.memory_space<vmem>>, vector<1x256xf32>
    %get3A_409 = vector.shape_cast %get3A_408 : vector<1x256xf32> to vector<256xf32>
    %add3A_410 = arith.addf %add3A_405, %get3A_409 : vector<256xf32>
    %swap3A_411 = arith.constant 0 : index
    %swap3A_412 = arith.constant 20 : index
    %swap3A_413 = arith.constant 0 : index
    %swap3A_414 = vector.load %arg6[%swap3A_411, %swap3A_412, %swap3A_413] : memref<32x60x256xf32, #tpu.memory_space<vmem>>, vector<1x1x256xf32>
    %swap3A_415 = vector.shape_cast %swap3A_414 : vector<1x1x256xf32> to vector<256xf32>
    %swap3A_416 = vector.shape_cast %add3A_410 : vector<256xf32> to vector<1x1x256xf32>
    tpu.vector_store %arg6[%swap3A_411, %swap3A_412, %swap3A_413], %swap3A_416 {strides = array<i32>} : memref<32x60x256xf32, #tpu.memory_space<vmem>>, vector<1x1x256xf32>,
    %get3A_417 = arith.constant 1 : index
    %get3A_418 = arith.constant 0 : index
    %get3A_419 = vector.load %arg0[%get3A_417, %get3A_418] : memref<5x256xf32, #tpu.memory_space<vmem>>, vector<1x256xf32>
    %get3A_420 = vector.shape_cast %get3A_419 : vector<1x256xf32> to vector<256xf32>
    %get3A_421 = arith.constant 4 : index
    %get3A_422 = arith.constant 0 : index
    %get3A_423 = vector.load %arg1[%get3A_421, %get3A_422] : memref<6x256xf32, #tpu.memory_space<vmem>>, vector<1x256xf32>
    %get3A_424 = vector.shape_cast %get3A_423 : vector<1x256xf32> to vector<256xf32>
    %add3A_425 = arith.addf %get3A_420, %get3A_424 : vector<256xf32>
    %get3A_426 = arith.constant 1 : index
    %get3A_427 = arith.constant 0 : index
    %get3A_428 = vector.load %arg2[%get3A_426, %get3A_427] : memref<2x256xf32, #tpu.memory_space<vmem>>, vector<1x256xf32>
    %get3A_429 = vector.shape_cast %get3A_428 : vector<1x256xf32> to vector<256xf32>
    %add3A_430 = arith.addf %add3A_425, %get3A_429 : vector<256xf32>
    %swap3A_431 = arith.constant 0 : index
    %swap3A_432 = arith.constant 21 : index
    %swap3A_433 = arith.constant 0 : index
    %swap3A_434 = vector.load %arg6[%swap3A_431, %swap3A_432, %swap3A_433] : memref<32x60x256xf32, #tpu.memory_space<vmem>>, vector<1x1x256xf32>
    %swap3A_435 = vector.shape_cast %swap3A_434 : vector<1x1x256xf32> to vector<256xf32>
    %swap3A_436 = vector.shape_cast %add3A_430 : vector<256xf32> to vector<1x1x256xf32>
    tpu.vector_store %arg6[%swap3A_431, %swap3A_432, %swap3A_433], %swap3A_436 {strides = array<i32>} : memref<32x60x256xf32, #tpu.memory_space<vmem>>, vector<1x1x256xf32>,
    %get3A_437 = arith.constant 1 : index
    %get3A_438 = arith.constant 0 : index
    %get3A_439 = vector.load %arg0[%get3A_437, %get3A_438] : memref<5x256xf32, #tpu.memory_space<vmem>>, vector<1x256xf32>
    %get3A_440 = vector.shape_cast %get3A_439 : vector<1x256xf32> to vector<256xf32>
    %get3A_441 = arith.constant 5 : index
    %get3A_442 = arith.constant 0 : index
    %get3A_443 = vector.load %arg1[%get3A_441, %get3A_442] : memref<6x256xf32, #tpu.memory_space<vmem>>, vector<1x256xf32>
    %get3A_444 = vector.shape_cast %get3A_443 : vector<1x256xf32> to vector<256xf32>
    %add3A_445 = arith.addf %get3A_440, %get3A_444 : vector<256xf32>
    %get3A_446 = arith.constant 0 : index
    %get3A_447 = arith.constant 0 : index
    %get3A_448 = vector.load %arg2[%get3A_446, %get3A_447] : memref<2x256xf32, #tpu.memory_space<vmem>>, vector<1x256xf32>
    %get3A_449 = vector.shape_cast %get3A_448 : vector<1x256xf32> to vector<256xf32>
    %add3A_450 = arith.addf %add3A_445, %get3A_449 : vector<256xf32>
    %swap3A_451 = arith.constant 0 : index
    %swap3A_452 = arith.constant 22 : index
    %swap3A_453 = arith.constant 0 : index
    %swap3A_454 = vector.load %arg6[%swap3A_451, %swap3A_452, %swap3A_453] : memref<32x60x256xf32, #tpu.memory_space<vmem>>, vector<1x1x256xf32>
    %swap3A_455 = vector.shape_cast %swap3A_454 : vector<1x1x256xf32> to vector<256xf32>
    %swap3A_456 = vector.shape_cast %add3A_450 : vector<256xf32> to vector<1x1x256xf32>
    tpu.vector_store %arg6[%swap3A_451, %swap3A_452, %swap3A_453], %swap3A_456 {strides = array<i32>} : memref<32x60x256xf32, #tpu.memory_space<vmem>>, vector<1x1x256xf32>,
    %get3A_457 = arith.constant 1 : index
    %get3A_458 = arith.constant 0 : index
    %get3A_459 = vector.load %arg0[%get3A_457, %get3A_458] : memref<5x256xf32, #tpu.memory_space<vmem>>, vector<1x256xf32>
    %get3A_460 = vector.shape_cast %get3A_459 : vector<1x256xf32> to vector<256xf32>
    %get3A_461 = arith.constant 5 : index
    %get3A_462 = arith.constant 0 : index
    %get3A_463 = vector.load %arg1[%get3A_461, %get3A_462] : memref<6x256xf32, #tpu.memory_space<vmem>>, vector<1x256xf32>
    %get3A_464 = vector.shape_cast %get3A_463 : vector<1x256xf32> to vector<256xf32>
    %add3A_465 = arith.addf %get3A_460, %get3A_464 : vector<256xf32>
    %get3A_466 = arith.constant 1 : index
    %get3A_467 = arith.constant 0 : index
    %get3A_468 = vector.load %arg2[%get3A_466, %get3A_467] : memref<2x256xf32, #tpu.memory_space<vmem>>, vector<1x256xf32>
    %get3A_469 = vector.shape_cast %get3A_468 : vector<1x256xf32> to vector<256xf32>
    %add3A_470 = arith.addf %add3A_465, %get3A_469 : vector<256xf32>
    %swap3A_471 = arith.constant 0 : index
    %swap3A_472 = arith.constant 23 : index
    %swap3A_473 = arith.constant 0 : index
    %swap3A_474 = vector.load %arg6[%swap3A_471, %swap3A_472, %swap3A_473] : memref<32x60x256xf32, #tpu.memory_space<vmem>>, vector<1x1x256xf32>
    %swap3A_475 = vector.shape_cast %swap3A_474 : vector<1x1x256xf32> to vector<256xf32>
    %swap3A_476 = vector.shape_cast %add3A_470 : vector<256xf32> to vector<1x1x256xf32>
    tpu.vector_store %arg6[%swap3A_471, %swap3A_472, %swap3A_473], %swap3A_476 {strides = array<i32>} : memref<32x60x256xf32, #tpu.memory_space<vmem>>, vector<1x1x256xf32>,
    %get3A_477 = arith.constant 2 : index
    %get3A_478 = arith.constant 0 : index
    %get3A_479 = vector.load %arg0[%get3A_477, %get3A_478] : memref<5x256xf32, #tpu.memory_space<vmem>>, vector<1x256xf32>
    %get3A_480 = vector.shape_cast %get3A_479 : vector<1x256xf32> to vector<256xf32>
    %get3A_481 = arith.constant 0 : index
    %get3A_482 = arith.constant 0 : index
    %get3A_483 = vector.load %arg1[%get3A_481, %get3A_482] : memref<6x256xf32, #tpu.memory_space<vmem>>, vector<1x256xf32>
    %get3A_484 = vector.shape_cast %get3A_483 : vector<1x256xf32> to vector<256xf32>
    %add3A_485 = arith.addf %get3A_480, %get3A_484 : vector<256xf32>
    %get3A_486 = arith.constant 0 : index
    %get3A_487 = arith.constant 0 : index
    %get3A_488 = vector.load %arg2[%get3A_486, %get3A_487] : memref<2x256xf32, #tpu.memory_space<vmem>>, vector<1x256xf32>
    %get3A_489 = vector.shape_cast %get3A_488 : vector<1x256xf32> to vector<256xf32>
    %add3A_490 = arith.addf %add3A_485, %get3A_489 : vector<256xf32>
    %swap3A_491 = arith.constant 0 : index
    %swap3A_492 = arith.constant 24 : index
    %swap3A_493 = arith.constant 0 : index
    %swap3A_494 = vector.load %arg6[%swap3A_491, %swap3A_492, %swap3A_493] : memref<32x60x256xf32, #tpu.memory_space<vmem>>, vector<1x1x256xf32>
    %swap3A_495 = vector.shape_cast %swap3A_494 : vector<1x1x256xf32> to vector<256xf32>
    %swap3A_496 = vector.shape_cast %add3A_490 : vector<256xf32> to vector<1x1x256xf32>
    tpu.vector_store %arg6[%swap3A_491, %swap3A_492, %swap3A_493], %swap3A_496 {strides = array<i32>} : memref<32x60x256xf32, #tpu.memory_space<vmem>>, vector<1x1x256xf32>,
    %get3A_497 = arith.constant 2 : index
    %get3A_498 = arith.constant 0 : index
    %get3A_499 = vector.load %arg0[%get3A_497, %get3A_498] : memref<5x256xf32, #tpu.memory_space<vmem>>, vector<1x256xf32>
    %get3A_500 = vector.shape_cast %get3A_499 : vector<1x256xf32> to vector<256xf32>
    %get3A_501 = arith.constant 0 : index
    %get3A_502 = arith.constant 0 : index
    %get3A_503 = vector.load %arg1[%get3A_501, %get3A_502] : memref<6x256xf32, #tpu.memory_space<vmem>>, vector<1x256xf32>
    %get3A_504 = vector.shape_cast %get3A_503 : vector<1x256xf32> to vector<256xf32>
    %add3A_505 = arith.addf %get3A_500, %get3A_504 : vector<256xf32>
    %get3A_506 = arith.constant 1 : index
    %get3A_507 = arith.constant 0 : index
    %get3A_508 = vector.load %arg2[%get3A_506, %get3A_507] : memref<2x256xf32, #tpu.memory_space<vmem>>, vector<1x256xf32>
    %get3A_509 = vector.shape_cast %get3A_508 : vector<1x256xf32> to vector<256xf32>
    %add3A_510 = arith.addf %add3A_505, %get3A_509 : vector<256xf32>
    %swap3A_511 = arith.constant 0 : index
    %swap3A_512 = arith.constant 25 : index
    %swap3A_513 = arith.constant 0 : index
    %swap3A_514 = vector.load %arg6[%swap3A_511, %swap3A_512, %swap3A_513] : memref<32x60x256xf32, #tpu.memory_space<vmem>>, vector<1x1x256xf32>
    %swap3A_515 = vector.shape_cast %swap3A_514 : vector<1x1x256xf32> to vector<256xf32>
    %swap3A_516 = vector.shape_cast %add3A_510 : vector<256xf32> to vector<1x1x256xf32>
    tpu.vector_store %arg6[%swap3A_511, %swap3A_512, %swap3A_513], %swap3A_516 {strides = array<i32>} : memref<32x60x256xf32, #tpu.memory_space<vmem>>, vector<1x1x256xf32>,
    %get3A_517 = arith.constant 2 : index
    %get3A_518 = arith.constant 0 : index
    %get3A_519 = vector.load %arg0[%get3A_517, %get3A_518] : memref<5x256xf32, #tpu.memory_space<vmem>>, vector<1x256xf32>
    %get3A_520 = vector.shape_cast %get3A_519 : vector<1x256xf32> to vector<256xf32>
    %get3A_521 = arith.constant 1 : index
    %get3A_522 = arith.constant 0 : index
    %get3A_523 = vector.load %arg1[%get3A_521, %get3A_522] : memref<6x256xf32, #tpu.memory_space<vmem>>, vector<1x256xf32>
    %get3A_524 = vector.shape_cast %get3A_523 : vector<1x256xf32> to vector<256xf32>
    %add3A_525 = arith.addf %get3A_520, %get3A_524 : vector<256xf32>
    %get3A_526 = arith.constant 0 : index
    %get3A_527 = arith.constant 0 : index
    %get3A_528 = vector.load %arg2[%get3A_526, %get3A_527] : memref<2x256xf32, #tpu.memory_space<vmem>>, vector<1x256xf32>
    %get3A_529 = vector.shape_cast %get3A_528 : vector<1x256xf32> to vector<256xf32>
    %add3A_530 = arith.addf %add3A_525, %get3A_529 : vector<256xf32>
    %swap3A_531 = arith.constant 0 : index
    %swap3A_532 = arith.constant 26 : index
    %swap3A_533 = arith.constant 0 : index
    %swap3A_534 = vector.load %arg6[%swap3A_531, %swap3A_532, %swap3A_533] : memref<32x60x256xf32, #tpu.memory_space<vmem>>, vector<1x1x256xf32>
    %swap3A_535 = vector.shape_cast %swap3A_534 : vector<1x1x256xf32> to vector<256xf32>
    %swap3A_536 = vector.shape_cast %add3A_530 : vector<256xf32> to vector<1x1x256xf32>
    tpu.vector_store %arg6[%swap3A_531, %swap3A_532, %swap3A_533], %swap3A_536 {strides = array<i32>} : memref<32x60x256xf32, #tpu.memory_space<vmem>>, vector<1x1x256xf32>,
    %get3A_537 = arith.constant 2 : index
    %get3A_538 = arith.constant 0 : index
    %get3A_539 = vector.load %arg0[%get3A_537, %get3A_538] : memref<5x256xf32, #tpu.memory_space<vmem>>, vector<1x256xf32>
    %get3A_540 = vector.shape_cast %get3A_539 : vector<1x256xf32> to vector<256xf32>
    %get3A_541 = arith.constant 1 : index
    %get3A_542 = arith.constant 0 : index
    %get3A_543 = vector.load %arg1[%get3A_541, %get3A_542] : memref<6x256xf32, #tpu.memory_space<vmem>>, vector<1x256xf32>
    %get3A_544 = vector.shape_cast %get3A_543 : vector<1x256xf32> to vector<256xf32>
    %add3A_545 = arith.addf %get3A_540, %get3A_544 : vector<256xf32>
    %get3A_546 = arith.constant 1 : index
    %get3A_547 = arith.constant 0 : index
    %get3A_548 = vector.load %arg2[%get3A_546, %get3A_547] : memref<2x256xf32, #tpu.memory_space<vmem>>, vector<1x256xf32>
    %get3A_549 = vector.shape_cast %get3A_548 : vector<1x256xf32> to vector<256xf32>
    %add3A_550 = arith.addf %add3A_545, %get3A_549 : vector<256xf32>
    %swap3A_551 = arith.constant 0 : index
    %swap3A_552 = arith.constant 27 : index
    %swap3A_553 = arith.constant 0 : index
    %swap3A_554 = vector.load %arg6[%swap3A_551, %swap3A_552, %swap3A_553] : memref<32x60x256xf32, #tpu.memory_space<vmem>>, vector<1x1x256xf32>
    %swap3A_555 = vector.shape_cast %swap3A_554 : vector<1x1x256xf32> to vector<256xf32>
    %swap3A_556 = vector.shape_cast %add3A_550 : vector<256xf32> to vector<1x1x256xf32>
    tpu.vector_store %arg6[%swap3A_551, %swap3A_552, %swap3A_553], %swap3A_556 {strides = array<i32>} : memref<32x60x256xf32, #tpu.memory_space<vmem>>, vector<1x1x256xf32>,
    %get3A_557 = arith.constant 2 : index
    %get3A_558 = arith.constant 0 : index
    %get3A_559 = vector.load %arg0[%get3A_557, %get3A_558] : memref<5x256xf32, #tpu.memory_space<vmem>>, vector<1x256xf32>
    %get3A_560 = vector.shape_cast %get3A_559 : vector<1x256xf32> to vector<256xf32>
    %get3A_561 = arith.constant 2 : index
    %get3A_562 = arith.constant 0 : index
    %get3A_563 = vector.load %arg1[%get3A_561, %get3A_562] : memref<6x256xf32, #tpu.memory_space<vmem>>, vector<1x256xf32>
    %get3A_564 = vector.shape_cast %get3A_563 : vector<1x256xf32> to vector<256xf32>
    %add3A_565 = arith.addf %get3A_560, %get3A_564 : vector<256xf32>
    %get3A_566 = arith.constant 0 : index
    %get3A_567 = arith.constant 0 : index
    %get3A_568 = vector.load %arg2[%get3A_566, %get3A_567] : memref<2x256xf32, #tpu.memory_space<vmem>>, vector<1x256xf32>
    %get3A_569 = vector.shape_cast %get3A_568 : vector<1x256xf32> to vector<256xf32>
    %add3A_570 = arith.addf %add3A_565, %get3A_569 : vector<256xf32>
    %swap3A_571 = arith.constant 0 : index
    %swap3A_572 = arith.constant 28 : index
    %swap3A_573 = arith.constant 0 : index
    %swap3A_574 = vector.load %arg6[%swap3A_571, %swap3A_572, %swap3A_573] : memref<32x60x256xf32, #tpu.memory_space<vmem>>, vector<1x1x256xf32>
    %swap3A_575 = vector.shape_cast %swap3A_574 : vector<1x1x256xf32> to vector<256xf32>
    %swap3A_576 = vector.shape_cast %add3A_570 : vector<256xf32> to vector<1x1x256xf32>
    tpu.vector_store %arg6[%swap3A_571, %swap3A_572, %swap3A_573], %swap3A_576 {strides = array<i32>} : memref<32x60x256xf32, #tpu.memory_space<vmem>>, vector<1x1x256xf32>,
    %get3A_577 = arith.constant 2 : index
    %get3A_578 = arith.constant 0 : index
    %get3A_579 = vector.load %arg0[%get3A_577, %get3A_578] : memref<5x256xf32, #tpu.memory_space<vmem>>, vector<1x256xf32>
    %get3A_580 = vector.shape_cast %get3A_579 : vector<1x256xf32> to vector<256xf32>
    %get3A_581 = arith.constant 2 : index
    %get3A_582 = arith.constant 0 : index
    %get3A_583 = vector.load %arg1[%get3A_581, %get3A_582] : memref<6x256xf32, #tpu.memory_space<vmem>>, vector<1x256xf32>
    %get3A_584 = vector.shape_cast %get3A_583 : vector<1x256xf32> to vector<256xf32>
    %add3A_585 = arith.addf %get3A_580, %get3A_584 : vector<256xf32>
    %get3A_586 = arith.constant 1 : index
    %get3A_587 = arith.constant 0 : index
    %get3A_588 = vector.load %arg2[%get3A_586, %get3A_587] : memref<2x256xf32, #tpu.memory_space<vmem>>, vector<1x256xf32>
    %get3A_589 = vector.shape_cast %get3A_588 : vector<1x256xf32> to vector<256xf32>
    %add3A_590 = arith.addf %add3A_585, %get3A_589 : vector<256xf32>
    %swap3A_591 = arith.constant 0 : index
    %swap3A_592 = arith.constant 29 : index
    %swap3A_593 = arith.constant 0 : index
    %swap3A_594 = vector.load %arg6[%swap3A_591, %swap3A_592, %swap3A_593] : memref<32x60x256xf32, #tpu.memory_space<vmem>>, vector<1x1x256xf32>
    %swap3A_595 = vector.shape_cast %swap3A_594 : vector<1x1x256xf32> to vector<256xf32>
    %swap3A_596 = vector.shape_cast %add3A_590 : vector<256xf32> to vector<1x1x256xf32>
    tpu.vector_store %arg6[%swap3A_591, %swap3A_592, %swap3A_593], %swap3A_596 {strides = array<i32>} : memref<32x60x256xf32, #tpu.memory_space<vmem>>, vector<1x1x256xf32>,
    %get3A_597 = arith.constant 2 : index
    %get3A_598 = arith.constant 0 : index
    %get3A_599 = vector.load %arg0[%get3A_597, %get3A_598] : memref<5x256xf32, #tpu.memory_space<vmem>>, vector<1x256xf32>
    %get3A_600 = vector.shape_cast %get3A_599 : vector<1x256xf32> to vector<256xf32>
    %get3A_601 = arith.constant 3 : index
    %get3A_602 = arith.constant 0 : index
    %get3A_603 = vector.load %arg1[%get3A_601, %get3A_602] : memref<6x256xf32, #tpu.memory_space<vmem>>, vector<1x256xf32>
    %get3A_604 = vector.shape_cast %get3A_603 : vector<1x256xf32> to vector<256xf32>
    %add3A_605 = arith.addf %get3A_600, %get3A_604 : vector<256xf32>
    %get3A_606 = arith.constant 0 : index
    %get3A_607 = arith.constant 0 : index
    %get3A_608 = vector.load %arg2[%get3A_606, %get3A_607] : memref<2x256xf32, #tpu.memory_space<vmem>>, vector<1x256xf32>
    %get3A_609 = vector.shape_cast %get3A_608 : vector<1x256xf32> to vector<256xf32>
    %add3A_610 = arith.addf %add3A_605, %get3A_609 : vector<256xf32>
    %swap3A_611 = arith.constant 0 : index
    %swap3A_612 = arith.constant 30 : index
    %swap3A_613 = arith.constant 0 : index
    %swap3A_614 = vector.load %arg6[%swap3A_611, %swap3A_612, %swap3A_613] : memref<32x60x256xf32, #tpu.memory_space<vmem>>, vector<1x1x256xf32>
    %swap3A_615 = vector.shape_cast %swap3A_614 : vector<1x1x256xf32> to vector<256xf32>
    %swap3A_616 = vector.shape_cast %add3A_610 : vector<256xf32> to vector<1x1x256xf32>
    tpu.vector_store %arg6[%swap3A_611, %swap3A_612, %swap3A_613], %swap3A_616 {strides = array<i32>} : memref<32x60x256xf32, #tpu.memory_space<vmem>>, vector<1x1x256xf32>,
    %get3A_617 = arith.constant 2 : index
    %get3A_618 = arith.constant 0 : index
    %get3A_619 = vector.load %arg0[%get3A_617, %get3A_618] : memref<5x256xf32, #tpu.memory_space<vmem>>, vector<1x256xf32>
    %get3A_620 = vector.shape_cast %get3A_619 : vector<1x256xf32> to vector<256xf32>
    %get3A_621 = arith.constant 3 : index
    %get3A_622 = arith.constant 0 : index
    %get3A_623 = vector.load %arg1[%get3A_621, %get3A_622] : memref<6x256xf32, #tpu.memory_space<vmem>>, vector<1x256xf32>
    %get3A_624 = vector.shape_cast %get3A_623 : vector<1x256xf32> to vector<256xf32>
    %add3A_625 = arith.addf %get3A_620, %get3A_624 : vector<256xf32>
    %get3A_626 = arith.constant 1 : index
    %get3A_627 = arith.constant 0 : index
    %get3A_628 = vector.load %arg2[%get3A_626, %get3A_627] : memref<2x256xf32, #tpu.memory_space<vmem>>, vector<1x256xf32>
    %get3A_629 = vector.shape_cast %get3A_628 : vector<1x256xf32> to vector<256xf32>
    %add3A_630 = arith.addf %add3A_625, %get3A_629 : vector<256xf32>
    %swap3A_631 = arith.constant 0 : index
    %swap3A_632 = arith.constant 31 : index
    %swap3A_633 = arith.constant 0 : index
    %swap3A_634 = vector.load %arg6[%swap3A_631, %swap3A_632, %swap3A_633] : memref<32x60x256xf32, #tpu.memory_space<vmem>>, vector<1x1x256xf32>
    %swap3A_635 = vector.shape_cast %swap3A_634 : vector<1x1x256xf32> to vector<256xf32>
    %swap3A_636 = vector.shape_cast %add3A_630 : vector<256xf32> to vector<1x1x256xf32>
    tpu.vector_store %arg6[%swap3A_631, %swap3A_632, %swap3A_633], %swap3A_636 {strides = array<i32>} : memref<32x60x256xf32, #tpu.memory_space<vmem>>, vector<1x1x256xf32>,
    %get3A_637 = arith.constant 2 : index
    %get3A_638 = arith.constant 0 : index
    %get3A_639 = vector.load %arg0[%get3A_637, %get3A_638] : memref<5x256xf32, #tpu.memory_space<vmem>>, vector<1x256xf32>
    %get3A_640 = vector.shape_cast %get3A_639 : vector<1x256xf32> to vector<256xf32>
    %get3A_641 = arith.constant 4 : index
    %get3A_642 = arith.constant 0 : index
    %get3A_643 = vector.load %arg1[%get3A_641, %get3A_642] : memref<6x256xf32, #tpu.memory_space<vmem>>, vector<1x256xf32>
    %get3A_644 = vector.shape_cast %get3A_643 : vector<1x256xf32> to vector<256xf32>
    %add3A_645 = arith.addf %get3A_640, %get3A_644 : vector<256xf32>
    %get3A_646 = arith.constant 0 : index
    %get3A_647 = arith.constant 0 : index
    %get3A_648 = vector.load %arg2[%get3A_646, %get3A_647] : memref<2x256xf32, #tpu.memory_space<vmem>>, vector<1x256xf32>
    %get3A_649 = vector.shape_cast %get3A_648 : vector<1x256xf32> to vector<256xf32>
    %add3A_650 = arith.addf %add3A_645, %get3A_649 : vector<256xf32>
    %swap3A_651 = arith.constant 0 : index
    %swap3A_652 = arith.constant 32 : index
    %swap3A_653 = arith.constant 0 : index
    %swap3A_654 = vector.load %arg6[%swap3A_651, %swap3A_652, %swap3A_653] : memref<32x60x256xf32, #tpu.memory_space<vmem>>, vector<1x1x256xf32>
    %swap3A_655 = vector.shape_cast %swap3A_654 : vector<1x1x256xf32> to vector<256xf32>
    %swap3A_656 = vector.shape_cast %add3A_650 : vector<256xf32> to vector<1x1x256xf32>
    tpu.vector_store %arg6[%swap3A_651, %swap3A_652, %swap3A_653], %swap3A_656 {strides = array<i32>} : memref<32x60x256xf32, #tpu.memory_space<vmem>>, vector<1x1x256xf32>,
    %get3A_657 = arith.constant 2 : index
    %get3A_658 = arith.constant 0 : index
    %get3A_659 = vector.load %arg0[%get3A_657, %get3A_658] : memref<5x256xf32, #tpu.memory_space<vmem>>, vector<1x256xf32>
    %get3A_660 = vector.shape_cast %get3A_659 : vector<1x256xf32> to vector<256xf32>
    %get3A_661 = arith.constant 4 : index
    %get3A_662 = arith.constant 0 : index
    %get3A_663 = vector.load %arg1[%get3A_661, %get3A_662] : memref<6x256xf32, #tpu.memory_space<vmem>>, vector<1x256xf32>
    %get3A_664 = vector.shape_cast %get3A_663 : vector<1x256xf32> to vector<256xf32>
    %add3A_665 = arith.addf %get3A_660, %get3A_664 : vector<256xf32>
    %get3A_666 = arith.constant 1 : index
    %get3A_667 = arith.constant 0 : index
    %get3A_668 = vector.load %arg2[%get3A_666, %get3A_667] : memref<2x256xf32, #tpu.memory_space<vmem>>, vector<1x256xf32>
    %get3A_669 = vector.shape_cast %get3A_668 : vector<1x256xf32> to vector<256xf32>
    %add3A_670 = arith.addf %add3A_665, %get3A_669 : vector<256xf32>
    %swap3A_671 = arith.constant 0 : index
    %swap3A_672 = arith.constant 33 : index
    %swap3A_673 = arith.constant 0 : index
    %swap3A_674 = vector.load %arg6[%swap3A_671, %swap3A_672, %swap3A_673] : memref<32x60x256xf32, #tpu.memory_space<vmem>>, vector<1x1x256xf32>
    %swap3A_675 = vector.shape_cast %swap3A_674 : vector<1x1x256xf32> to vector<256xf32>
    %swap3A_676 = vector.shape_cast %add3A_670 : vector<256xf32> to vector<1x1x256xf32>
    tpu.vector_store %arg6[%swap3A_671, %swap3A_672, %swap3A_673], %swap3A_676 {strides = array<i32>} : memref<32x60x256xf32, #tpu.memory_space<vmem>>, vector<1x1x256xf32>,
    %get3A_677 = arith.constant 2 : index
    %get3A_678 = arith.constant 0 : index
    %get3A_679 = vector.load %arg0[%get3A_677, %get3A_678] : memref<5x256xf32, #tpu.memory_space<vmem>>, vector<1x256xf32>
    %get3A_680 = vector.shape_cast %get3A_679 : vector<1x256xf32> to vector<256xf32>
    %get3A_681 = arith.constant 5 : index
    %get3A_682 = arith.constant 0 : index
    %get3A_683 = vector.load %arg1[%get3A_681, %get3A_682] : memref<6x256xf32, #tpu.memory_space<vmem>>, vector<1x256xf32>
    %get3A_684 = vector.shape_cast %get3A_683 : vector<1x256xf32> to vector<256xf32>
    %add3A_685 = arith.addf %get3A_680, %get3A_684 : vector<256xf32>
    %get3A_686 = arith.constant 0 : index
    %get3A_687 = arith.constant 0 : index
    %get3A_688 = vector.load %arg2[%get3A_686, %get3A_687] : memref<2x256xf32, #tpu.memory_space<vmem>>, vector<1x256xf32>
    %get3A_689 = vector.shape_cast %get3A_688 : vector<1x256xf32> to vector<256xf32>
    %add3A_690 = arith.addf %add3A_685, %get3A_689 : vector<256xf32>
    %swap3A_691 = arith.constant 0 : index
    %swap3A_692 = arith.constant 34 : index
    %swap3A_693 = arith.constant 0 : index
    %swap3A_694 = vector.load %arg6[%swap3A_691, %swap3A_692, %swap3A_693] : memref<32x60x256xf32, #tpu.memory_space<vmem>>, vector<1x1x256xf32>
    %swap3A_695 = vector.shape_cast %swap3A_694 : vector<1x1x256xf32> to vector<256xf32>
    %swap3A_696 = vector.shape_cast %add3A_690 : vector<256xf32> to vector<1x1x256xf32>
    tpu.vector_store %arg6[%swap3A_691, %swap3A_692, %swap3A_693], %swap3A_696 {strides = array<i32>} : memref<32x60x256xf32, #tpu.memory_space<vmem>>, vector<1x1x256xf32>,
    %get3A_697 = arith.constant 2 : index
    %get3A_698 = arith.constant 0 : index
    %get3A_699 = vector.load %arg0[%get3A_697, %get3A_698] : memref<5x256xf32, #tpu.memory_space<vmem>>, vector<1x256xf32>
    %get3A_700 = vector.shape_cast %get3A_699 : vector<1x256xf32> to vector<256xf32>
    %get3A_701 = arith.constant 5 : index
    %get3A_702 = arith.constant 0 : index
    %get3A_703 = vector.load %arg1[%get3A_701, %get3A_702] : memref<6x256xf32, #tpu.memory_space<vmem>>, vector<1x256xf32>
    %get3A_704 = vector.shape_cast %get3A_703 : vector<1x256xf32> to vector<256xf32>
    %add3A_705 = arith.addf %get3A_700, %get3A_704 : vector<256xf32>
    %get3A_706 = arith.constant 1 : index
    %get3A_707 = arith.constant 0 : index
    %get3A_708 = vector.load %arg2[%get3A_706, %get3A_707] : memref<2x256xf32, #tpu.memory_space<vmem>>, vector<1x256xf32>
    %get3A_709 = vector.shape_cast %get3A_708 : vector<1x256xf32> to vector<256xf32>
    %add3A_710 = arith.addf %add3A_705, %get3A_709 : vector<256xf32>
    %swap3A_711 = arith.constant 0 : index
    %swap3A_712 = arith.constant 35 : index
    %swap3A_713 = arith.constant 0 : index
    %swap3A_714 = vector.load %arg6[%swap3A_711, %swap3A_712, %swap3A_713] : memref<32x60x256xf32, #tpu.memory_space<vmem>>, vector<1x1x256xf32>
    %swap3A_715 = vector.shape_cast %swap3A_714 : vector<1x1x256xf32> to vector<256xf32>
    %swap3A_716 = vector.shape_cast %add3A_710 : vector<256xf32> to vector<1x1x256xf32>
    tpu.vector_store %arg6[%swap3A_711, %swap3A_712, %swap3A_713], %swap3A_716 {strides = array<i32>} : memref<32x60x256xf32, #tpu.memory_space<vmem>>, vector<1x1x256xf32>,
    %get3A_717 = arith.constant 3 : index
    %get3A_718 = arith.constant 0 : index
    %get3A_719 = vector.load %arg0[%get3A_717, %get3A_718] : memref<5x256xf32, #tpu.memory_space<vmem>>, vector<1x256xf32>
    %get3A_720 = vector.shape_cast %get3A_719 : vector<1x256xf32> to vector<256xf32>
    %get3A_721 = arith.constant 0 : index
    %get3A_722 = arith.constant 0 : index
    %get3A_723 = vector.load %arg1[%get3A_721, %get3A_722] : memref<6x256xf32, #tpu.memory_space<vmem>>, vector<1x256xf32>
    %get3A_724 = vector.shape_cast %get3A_723 : vector<1x256xf32> to vector<256xf32>
    %add3A_725 = arith.addf %get3A_720, %get3A_724 : vector<256xf32>
    %get3A_726 = arith.constant 0 : index
    %get3A_727 = arith.constant 0 : index
    %get3A_728 = vector.load %arg2[%get3A_726, %get3A_727] : memref<2x256xf32, #tpu.memory_space<vmem>>, vector<1x256xf32>
    %get3A_729 = vector.shape_cast %get3A_728 : vector<1x256xf32> to vector<256xf32>
    %add3A_730 = arith.addf %add3A_725, %get3A_729 : vector<256xf32>
    %swap3A_731 = arith.constant 0 : index
    %swap3A_732 = arith.constant 36 : index
    %swap3A_733 = arith.constant 0 : index
    %swap3A_734 = vector.load %arg6[%swap3A_731, %swap3A_732, %swap3A_733] : memref<32x60x256xf32, #tpu.memory_space<vmem>>, vector<1x1x256xf32>
    %swap3A_735 = vector.shape_cast %swap3A_734 : vector<1x1x256xf32> to vector<256xf32>
    %swap3A_736 = vector.shape_cast %add3A_730 : vector<256xf32> to vector<1x1x256xf32>
    tpu.vector_store %arg6[%swap3A_731, %swap3A_732, %swap3A_733], %swap3A_736 {strides = array<i32>} : memref<32x60x256xf32, #tpu.memory_space<vmem>>, vector<1x1x256xf32>,
    %get3A_737 = arith.constant 3 : index
    %get3A_738 = arith.constant 0 : index
    %get3A_739 = vector.load %arg0[%get3A_737, %get3A_738] : memref<5x256xf32, #tpu.memory_space<vmem>>, vector<1x256xf32>
    %get3A_740 = vector.shape_cast %get3A_739 : vector<1x256xf32> to vector<256xf32>
    %get3A_741 = arith.constant 0 : index
    %get3A_742 = arith.constant 0 : index
    %get3A_743 = vector.load %arg1[%get3A_741, %get3A_742] : memref<6x256xf32, #tpu.memory_space<vmem>>, vector<1x256xf32>
    %get3A_744 = vector.shape_cast %get3A_743 : vector<1x256xf32> to vector<256xf32>
    %add3A_745 = arith.addf %get3A_740, %get3A_744 : vector<256xf32>
    %get3A_746 = arith.constant 1 : index
    %get3A_747 = arith.constant 0 : index
    %get3A_748 = vector.load %arg2[%get3A_746, %get3A_747] : memref<2x256xf32, #tpu.memory_space<vmem>>, vector<1x256xf32>
    %get3A_749 = vector.shape_cast %get3A_748 : vector<1x256xf32> to vector<256xf32>
    %add3A_750 = arith.addf %add3A_745, %get3A_749 : vector<256xf32>
    %swap3A_751 = arith.constant 0 : index
    %swap3A_752 = arith.constant 37 : index
    %swap3A_753 = arith.constant 0 : index
    %swap3A_754 = vector.load %arg6[%swap3A_751, %swap3A_752, %swap3A_753] : memref<32x60x256xf32, #tpu.memory_space<vmem>>, vector<1x1x256xf32>
    %swap3A_755 = vector.shape_cast %swap3A_754 : vector<1x1x256xf32> to vector<256xf32>
    %swap3A_756 = vector.shape_cast %add3A_750 : vector<256xf32> to vector<1x1x256xf32>
    tpu.vector_store %arg6[%swap3A_751, %swap3A_752, %swap3A_753], %swap3A_756 {strides = array<i32>} : memref<32x60x256xf32, #tpu.memory_space<vmem>>, vector<1x1x256xf32>,
    %get3A_757 = arith.constant 3 : index
    %get3A_758 = arith.constant 0 : index
    %get3A_759 = vector.load %arg0[%get3A_757, %get3A_758] : memref<5x256xf32, #tpu.memory_space<vmem>>, vector<1x256xf32>
    %get3A_760 = vector.shape_cast %get3A_759 : vector<1x256xf32> to vector<256xf32>
    %get3A_761 = arith.constant 1 : index
    %get3A_762 = arith.constant 0 : index
    %get3A_763 = vector.load %arg1[%get3A_761, %get3A_762] : memref<6x256xf32, #tpu.memory_space<vmem>>, vector<1x256xf32>
    %get3A_764 = vector.shape_cast %get3A_763 : vector<1x256xf32> to vector<256xf32>
    %add3A_765 = arith.addf %get3A_760, %get3A_764 : vector<256xf32>
    %get3A_766 = arith.constant 0 : index
    %get3A_767 = arith.constant 0 : index
    %get3A_768 = vector.load %arg2[%get3A_766, %get3A_767] : memref<2x256xf32, #tpu.memory_space<vmem>>, vector<1x256xf32>
    %get3A_769 = vector.shape_cast %get3A_768 : vector<1x256xf32> to vector<256xf32>
    %add3A_770 = arith.addf %add3A_765, %get3A_769 : vector<256xf32>
    %swap3A_771 = arith.constant 0 : index
    %swap3A_772 = arith.constant 38 : index
    %swap3A_773 = arith.constant 0 : index
    %swap3A_774 = vector.load %arg6[%swap3A_771, %swap3A_772, %swap3A_773] : memref<32x60x256xf32, #tpu.memory_space<vmem>>, vector<1x1x256xf32>
    %swap3A_775 = vector.shape_cast %swap3A_774 : vector<1x1x256xf32> to vector<256xf32>
    %swap3A_776 = vector.shape_cast %add3A_770 : vector<256xf32> to vector<1x1x256xf32>
    tpu.vector_store %arg6[%swap3A_771, %swap3A_772, %swap3A_773], %swap3A_776 {strides = array<i32>} : memref<32x60x256xf32, #tpu.memory_space<vmem>>, vector<1x1x256xf32>,
    %get3A_777 = arith.constant 3 : index
    %get3A_778 = arith.constant 0 : index
    %get3A_779 = vector.load %arg0[%get3A_777, %get3A_778] : memref<5x256xf32, #tpu.memory_space<vmem>>, vector<1x256xf32>
    %get3A_780 = vector.shape_cast %get3A_779 : vector<1x256xf32> to vector<256xf32>
    %get3A_781 = arith.constant 1 : index
    %get3A_782 = arith.constant 0 : index
    %get3A_783 = vector.load %arg1[%get3A_781, %get3A_782] : memref<6x256xf32, #tpu.memory_space<vmem>>, vector<1x256xf32>
    %get3A_784 = vector.shape_cast %get3A_783 : vector<1x256xf32> to vector<256xf32>
    %add3A_785 = arith.addf %get3A_780, %get3A_784 : vector<256xf32>
    %get3A_786 = arith.constant 1 : index
    %get3A_787 = arith.constant 0 : index
    %get3A_788 = vector.load %arg2[%get3A_786, %get3A_787] : memref<2x256xf32, #tpu.memory_space<vmem>>, vector<1x256xf32>
    %get3A_789 = vector.shape_cast %get3A_788 : vector<1x256xf32> to vector<256xf32>
    %add3A_790 = arith.addf %add3A_785, %get3A_789 : vector<256xf32>
    %swap3A_791 = arith.constant 0 : index
    %swap3A_792 = arith.constant 39 : index
    %swap3A_793 = arith.constant 0 : index
    %swap3A_794 = vector.load %arg6[%swap3A_791, %swap3A_792, %swap3A_793] : memref<32x60x256xf32, #tpu.memory_space<vmem>>, vector<1x1x256xf32>
    %swap3A_795 = vector.shape_cast %swap3A_794 : vector<1x1x256xf32> to vector<256xf32>
    %swap3A_796 = vector.shape_cast %add3A_790 : vector<256xf32> to vector<1x1x256xf32>
    tpu.vector_store %arg6[%swap3A_791, %swap3A_792, %swap3A_793], %swap3A_796 {strides = array<i32>} : memref<32x60x256xf32, #tpu.memory_space<vmem>>, vector<1x1x256xf32>,
    %get3A_797 = arith.constant 3 : index
    %get3A_798 = arith.constant 0 : index
    %get3A_799 = vector.load %arg0[%get3A_797, %get3A_798] : memref<5x256xf32, #tpu.memory_space<vmem>>, vector<1x256xf32>
    %get3A_800 = vector.shape_cast %get3A_799 : vector<1x256xf32> to vector<256xf32>
    %get3A_801 = arith.constant 2 : index
    %get3A_802 = arith.constant 0 : index
    %get3A_803 = vector.load %arg1[%get3A_801, %get3A_802] : memref<6x256xf32, #tpu.memory_space<vmem>>, vector<1x256xf32>
    %get3A_804 = vector.shape_cast %get3A_803 : vector<1x256xf32> to vector<256xf32>
    %add3A_805 = arith.addf %get3A_800, %get3A_804 : vector<256xf32>
    %get3A_806 = arith.constant 0 : index
    %get3A_807 = arith.constant 0 : index
    %get3A_808 = vector.load %arg2[%get3A_806, %get3A_807] : memref<2x256xf32, #tpu.memory_space<vmem>>, vector<1x256xf32>
    %get3A_809 = vector.shape_cast %get3A_808 : vector<1x256xf32> to vector<256xf32>
    %add3A_810 = arith.addf %add3A_805, %get3A_809 : vector<256xf32>
    %swap3A_811 = arith.constant 0 : index
    %swap3A_812 = arith.constant 40 : index
    %swap3A_813 = arith.constant 0 : index
    %swap3A_814 = vector.load %arg6[%swap3A_811, %swap3A_812, %swap3A_813] : memref<32x60x256xf32, #tpu.memory_space<vmem>>, vector<1x1x256xf32>
    %swap3A_815 = vector.shape_cast %swap3A_814 : vector<1x1x256xf32> to vector<256xf32>
    %swap3A_816 = vector.shape_cast %add3A_810 : vector<256xf32> to vector<1x1x256xf32>
    tpu.vector_store %arg6[%swap3A_811, %swap3A_812, %swap3A_813], %swap3A_816 {strides = array<i32>} : memref<32x60x256xf32, #tpu.memory_space<vmem>>, vector<1x1x256xf32>,
    %get3A_817 = arith.constant 3 : index
    %get3A_818 = arith.constant 0 : index
    %get3A_819 = vector.load %arg0[%get3A_817, %get3A_818] : memref<5x256xf32, #tpu.memory_space<vmem>>, vector<1x256xf32>
    %get3A_820 = vector.shape_cast %get3A_819 : vector<1x256xf32> to vector<256xf32>
    %get3A_821 = arith.constant 2 : index
    %get3A_822 = arith.constant 0 : index
    %get3A_823 = vector.load %arg1[%get3A_821, %get3A_822] : memref<6x256xf32, #tpu.memory_space<vmem>>, vector<1x256xf32>
    %get3A_824 = vector.shape_cast %get3A_823 : vector<1x256xf32> to vector<256xf32>
    %add3A_825 = arith.addf %get3A_820, %get3A_824 : vector<256xf32>
    %get3A_826 = arith.constant 1 : index
    %get3A_827 = arith.constant 0 : index
    %get3A_828 = vector.load %arg2[%get3A_826, %get3A_827] : memref<2x256xf32, #tpu.memory_space<vmem>>, vector<1x256xf32>
    %get3A_829 = vector.shape_cast %get3A_828 : vector<1x256xf32> to vector<256xf32>
    %add3A_830 = arith.addf %add3A_825, %get3A_829 : vector<256xf32>
    %swap3A_831 = arith.constant 0 : index
    %swap3A_832 = arith.constant 41 : index
    %swap3A_833 = arith.constant 0 : index
    %swap3A_834 = vector.load %arg6[%swap3A_831, %swap3A_832, %swap3A_833] : memref<32x60x256xf32, #tpu.memory_space<vmem>>, vector<1x1x256xf32>
    %swap3A_835 = vector.shape_cast %swap3A_834 : vector<1x1x256xf32> to vector<256xf32>
    %swap3A_836 = vector.shape_cast %add3A_830 : vector<256xf32> to vector<1x1x256xf32>
    tpu.vector_store %arg6[%swap3A_831, %swap3A_832, %swap3A_833], %swap3A_836 {strides = array<i32>} : memref<32x60x256xf32, #tpu.memory_space<vmem>>, vector<1x1x256xf32>,
    %get3A_837 = arith.constant 3 : index
    %get3A_838 = arith.constant 0 : index
    %get3A_839 = vector.load %arg0[%get3A_837, %get3A_838] : memref<5x256xf32, #tpu.memory_space<vmem>>, vector<1x256xf32>
    %get3A_840 = vector.shape_cast %get3A_839 : vector<1x256xf32> to vector<256xf32>
    %get3A_841 = arith.constant 3 : index
    %get3A_842 = arith.constant 0 : index
    %get3A_843 = vector.load %arg1[%get3A_841, %get3A_842] : memref<6x256xf32, #tpu.memory_space<vmem>>, vector<1x256xf32>
    %get3A_844 = vector.shape_cast %get3A_843 : vector<1x256xf32> to vector<256xf32>
    %add3A_845 = arith.addf %get3A_840, %get3A_844 : vector<256xf32>
    %get3A_846 = arith.constant 0 : index
    %get3A_847 = arith.constant 0 : index
    %get3A_848 = vector.load %arg2[%get3A_846, %get3A_847] : memref<2x256xf32, #tpu.memory_space<vmem>>, vector<1x256xf32>
    %get3A_849 = vector.shape_cast %get3A_848 : vector<1x256xf32> to vector<256xf32>
    %add3A_850 = arith.addf %add3A_845, %get3A_849 : vector<256xf32>
    %swap3A_851 = arith.constant 0 : index
    %swap3A_852 = arith.constant 42 : index
    %swap3A_853 = arith.constant 0 : index
    %swap3A_854 = vector.load %arg6[%swap3A_851, %swap3A_852, %swap3A_853] : memref<32x60x256xf32, #tpu.memory_space<vmem>>, vector<1x1x256xf32>
    %swap3A_855 = vector.shape_cast %swap3A_854 : vector<1x1x256xf32> to vector<256xf32>
    %swap3A_856 = vector.shape_cast %add3A_850 : vector<256xf32> to vector<1x1x256xf32>
    tpu.vector_store %arg6[%swap3A_851, %swap3A_852, %swap3A_853], %swap3A_856 {strides = array<i32>} : memref<32x60x256xf32, #tpu.memory_space<vmem>>, vector<1x1x256xf32>,
    %get3A_857 = arith.constant 3 : index
    %get3A_858 = arith.constant 0 : index
    %get3A_859 = vector.load %arg0[%get3A_857, %get3A_858] : memref<5x256xf32, #tpu.memory_space<vmem>>, vector<1x256xf32>
    %get3A_860 = vector.shape_cast %get3A_859 : vector<1x256xf32> to vector<256xf32>
    %get3A_861 = arith.constant 3 : index
    %get3A_862 = arith.constant 0 : index
    %get3A_863 = vector.load %arg1[%get3A_861, %get3A_862] : memref<6x256xf32, #tpu.memory_space<vmem>>, vector<1x256xf32>
    %get3A_864 = vector.shape_cast %get3A_863 : vector<1x256xf32> to vector<256xf32>
    %add3A_865 = arith.addf %get3A_860, %get3A_864 : vector<256xf32>
    %get3A_866 = arith.constant 1 : index
    %get3A_867 = arith.constant 0 : index
    %get3A_868 = vector.load %arg2[%get3A_866, %get3A_867] : memref<2x256xf32, #tpu.memory_space<vmem>>, vector<1x256xf32>
    %get3A_869 = vector.shape_cast %get3A_868 : vector<1x256xf32> to vector<256xf32>
    %add3A_870 = arith.addf %add3A_865, %get3A_869 : vector<256xf32>
    %swap3A_871 = arith.constant 0 : index
    %swap3A_872 = arith.constant 43 : index
    %swap3A_873 = arith.constant 0 : index
    %swap3A_874 = vector.load %arg6[%swap3A_871, %swap3A_872, %swap3A_873] : memref<32x60x256xf32, #tpu.memory_space<vmem>>, vector<1x1x256xf32>
    %swap3A_875 = vector.shape_cast %swap3A_874 : vector<1x1x256xf32> to vector<256xf32>
    %swap3A_876 = vector.shape_cast %add3A_870 : vector<256xf32> to vector<1x1x256xf32>
    tpu.vector_store %arg6[%swap3A_871, %swap3A_872, %swap3A_873], %swap3A_876 {strides = array<i32>} : memref<32x60x256xf32, #tpu.memory_space<vmem>>, vector<1x1x256xf32>,
    %get3A_877 = arith.constant 3 : index
    %get3A_878 = arith.constant 0 : index
    %get3A_879 = vector.load %arg0[%get3A_877, %get3A_878] : memref<5x256xf32, #tpu.memory_space<vmem>>, vector<1x256xf32>
    %get3A_880 = vector.shape_cast %get3A_879 : vector<1x256xf32> to vector<256xf32>
    %get3A_881 = arith.constant 4 : index
    %get3A_882 = arith.constant 0 : index
    %get3A_883 = vector.load %arg1[%get3A_881, %get3A_882] : memref<6x256xf32, #tpu.memory_space<vmem>>, vector<1x256xf32>
    %get3A_884 = vector.shape_cast %get3A_883 : vector<1x256xf32> to vector<256xf32>
    %add3A_885 = arith.addf %get3A_880, %get3A_884 : vector<256xf32>
    %get3A_886 = arith.constant 0 : index
    %get3A_887 = arith.constant 0 : index
    %get3A_888 = vector.load %arg2[%get3A_886, %get3A_887] : memref<2x256xf32, #tpu.memory_space<vmem>>, vector<1x256xf32>
    %get3A_889 = vector.shape_cast %get3A_888 : vector<1x256xf32> to vector<256xf32>
    %add3A_890 = arith.addf %add3A_885, %get3A_889 : vector<256xf32>
    %swap3A_891 = arith.constant 0 : index
    %swap3A_892 = arith.constant 44 : index
    %swap3A_893 = arith.constant 0 : index
    %swap3A_894 = vector.load %arg6[%swap3A_891, %swap3A_892, %swap3A_893] : memref<32x60x256xf32, #tpu.memory_space<vmem>>, vector<1x1x256xf32>
    %swap3A_895 = vector.shape_cast %swap3A_894 : vector<1x1x256xf32> to vector<256xf32>
    %swap3A_896 = vector.shape_cast %add3A_890 : vector<256xf32> to vector<1x1x256xf32>
    tpu.vector_store %arg6[%swap3A_891, %swap3A_892, %swap3A_893], %swap3A_896 {strides = array<i32>} : memref<32x60x256xf32, #tpu.memory_space<vmem>>, vector<1x1x256xf32>,
    %get3A_897 = arith.constant 3 : index
    %get3A_898 = arith.constant 0 : index
    %get3A_899 = vector.load %arg0[%get3A_897, %get3A_898] : memref<5x256xf32, #tpu.memory_space<vmem>>, vector<1x256xf32>
    %get3A_900 = vector.shape_cast %get3A_899 : vector<1x256xf32> to vector<256xf32>
    %get3A_901 = arith.constant 4 : index
    %get3A_902 = arith.constant 0 : index
    %get3A_903 = vector.load %arg1[%get3A_901, %get3A_902] : memref<6x256xf32, #tpu.memory_space<vmem>>, vector<1x256xf32>
    %get3A_904 = vector.shape_cast %get3A_903 : vector<1x256xf32> to vector<256xf32>
    %add3A_905 = arith.addf %get3A_900, %get3A_904 : vector<256xf32>
    %get3A_906 = arith.constant 1 : index
    %get3A_907 = arith.constant 0 : index
    %get3A_908 = vector.load %arg2[%get3A_906, %get3A_907] : memref<2x256xf32, #tpu.memory_space<vmem>>, vector<1x256xf32>
    %get3A_909 = vector.shape_cast %get3A_908 : vector<1x256xf32> to vector<256xf32>
    %add3A_910 = arith.addf %add3A_905, %get3A_909 : vector<256xf32>
    %swap3A_911 = arith.constant 0 : index
    %swap3A_912 = arith.constant 45 : index
    %swap3A_913 = arith.constant 0 : index
    %swap3A_914 = vector.load %arg6[%swap3A_911, %swap3A_912, %swap3A_913] : memref<32x60x256xf32, #tpu.memory_space<vmem>>, vector<1x1x256xf32>
    %swap3A_915 = vector.shape_cast %swap3A_914 : vector<1x1x256xf32> to vector<256xf32>
    %swap3A_916 = vector.shape_cast %add3A_910 : vector<256xf32> to vector<1x1x256xf32>
    tpu.vector_store %arg6[%swap3A_911, %swap3A_912, %swap3A_913], %swap3A_916 {strides = array<i32>} : memref<32x60x256xf32, #tpu.memory_space<vmem>>, vector<1x1x256xf32>,
    %get3A_917 = arith.constant 3 : index
    %get3A_918 = arith.constant 0 : index
    %get3A_919 = vector.load %arg0[%get3A_917, %get3A_918] : memref<5x256xf32, #tpu.memory_space<vmem>>, vector<1x256xf32>
    %get3A_920 = vector.shape_cast %get3A_919 : vector<1x256xf32> to vector<256xf32>
    %get3A_921 = arith.constant 5 : index
    %get3A_922 = arith.constant 0 : index
    %get3A_923 = vector.load %arg1[%get3A_921, %get3A_922] : memref<6x256xf32, #tpu.memory_space<vmem>>, vector<1x256xf32>
    %get3A_924 = vector.shape_cast %get3A_923 : vector<1x256xf32> to vector<256xf32>
    %add3A_925 = arith.addf %get3A_920, %get3A_924 : vector<256xf32>
    %get3A_926 = arith.constant 0 : index
    %get3A_927 = arith.constant 0 : index
    %get3A_928 = vector.load %arg2[%get3A_926, %get3A_927] : memref<2x256xf32, #tpu.memory_space<vmem>>, vector<1x256xf32>
    %get3A_929 = vector.shape_cast %get3A_928 : vector<1x256xf32> to vector<256xf32>
    %add3A_930 = arith.addf %add3A_925, %get3A_929 : vector<256xf32>
    %swap3A_931 = arith.constant 0 : index
    %swap3A_932 = arith.constant 46 : index
    %swap3A_933 = arith.constant 0 : index
    %swap3A_934 = vector.load %arg6[%swap3A_931, %swap3A_932, %swap3A_933] : memref<32x60x256xf32, #tpu.memory_space<vmem>>, vector<1x1x256xf32>
    %swap3A_935 = vector.shape_cast %swap3A_934 : vector<1x1x256xf32> to vector<256xf32>
    %swap3A_936 = vector.shape_cast %add3A_930 : vector<256xf32> to vector<1x1x256xf32>
    tpu.vector_store %arg6[%swap3A_931, %swap3A_932, %swap3A_933], %swap3A_936 {strides = array<i32>} : memref<32x60x256xf32, #tpu.memory_space<vmem>>, vector<1x1x256xf32>,
    %get3A_937 = arith.constant 3 : index
    %get3A_938 = arith.constant 0 : index
    %get3A_939 = vector.load %arg0[%get3A_937, %get3A_938] : memref<5x256xf32, #tpu.memory_space<vmem>>, vector<1x256xf32>
    %get3A_940 = vector.shape_cast %get3A_939 : vector<1x256xf32> to vector<256xf32>
    %get3A_941 = arith.constant 5 : index
    %get3A_942 = arith.constant 0 : index
    %get3A_943 = vector.load %arg1[%get3A_941, %get3A_942] : memref<6x256xf32, #tpu.memory_space<vmem>>, vector<1x256xf32>
    %get3A_944 = vector.shape_cast %get3A_943 : vector<1x256xf32> to vector<256xf32>
    %add3A_945 = arith.addf %get3A_940, %get3A_944 : vector<256xf32>
    %get3A_946 = arith.constant 1 : index
    %get3A_947 = arith.constant 0 : index
    %get3A_948 = vector.load %arg2[%get3A_946, %get3A_947] : memref<2x256xf32, #tpu.memory_space<vmem>>, vector<1x256xf32>
    %get3A_949 = vector.shape_cast %get3A_948 : vector<1x256xf32> to vector<256xf32>
    %add3A_950 = arith.addf %add3A_945, %get3A_949 : vector<256xf32>
    %swap3A_951 = arith.constant 0 : index
    %swap3A_952 = arith.constant 47 : index
    %swap3A_953 = arith.constant 0 : index
    %swap3A_954 = vector.load %arg6[%swap3A_951, %swap3A_952, %swap3A_953] : memref<32x60x256xf32, #tpu.memory_space<vmem>>, vector<1x1x256xf32>
    %swap3A_955 = vector.shape_cast %swap3A_954 : vector<1x1x256xf32> to vector<256xf32>
    %swap3A_956 = vector.shape_cast %add3A_950 : vector<256xf32> to vector<1x1x256xf32>
    tpu.vector_store %arg6[%swap3A_951, %swap3A_952, %swap3A_953], %swap3A_956 {strides = array<i32>} : memref<32x60x256xf32, #tpu.memory_space<vmem>>, vector<1x1x256xf32>,
    %get3A_957 = arith.constant 4 : index
    %get3A_958 = arith.constant 0 : index
    %get3A_959 = vector.load %arg0[%get3A_957, %get3A_958] : memref<5x256xf32, #tpu.memory_space<vmem>>, vector<1x256xf32>
    %get3A_960 = vector.shape_cast %get3A_959 : vector<1x256xf32> to vector<256xf32>
    %get3A_961 = arith.constant 0 : index
    %get3A_962 = arith.constant 0 : index
    %get3A_963 = vector.load %arg1[%get3A_961, %get3A_962] : memref<6x256xf32, #tpu.memory_space<vmem>>, vector<1x256xf32>
    %get3A_964 = vector.shape_cast %get3A_963 : vector<1x256xf32> to vector<256xf32>
    %add3A_965 = arith.addf %get3A_960, %get3A_964 : vector<256xf32>
    %get3A_966 = arith.constant 0 : index
    %get3A_967 = arith.constant 0 : index
    %get3A_968 = vector.load %arg2[%get3A_966, %get3A_967] : memref<2x256xf32, #tpu.memory_space<vmem>>, vector<1x256xf32>
    %get3A_969 = vector.shape_cast %get3A_968 : vector<1x256xf32> to vector<256xf32>
    %add3A_970 = arith.addf %add3A_965, %get3A_969 : vector<256xf32>
    %swap3A_971 = arith.constant 0 : index
    %swap3A_972 = arith.constant 48 : index
    %swap3A_973 = arith.constant 0 : index
    %swap3A_974 = vector.load %arg6[%swap3A_971, %swap3A_972, %swap3A_973] : memref<32x60x256xf32, #tpu.memory_space<vmem>>, vector<1x1x256xf32>
    %swap3A_975 = vector.shape_cast %swap3A_974 : vector<1x1x256xf32> to vector<256xf32>
    %swap3A_976 = vector.shape_cast %add3A_970 : vector<256xf32> to vector<1x1x256xf32>
    tpu.vector_store %arg6[%swap3A_971, %swap3A_972, %swap3A_973], %swap3A_976 {strides = array<i32>} : memref<32x60x256xf32, #tpu.memory_space<vmem>>, vector<1x1x256xf32>,
    %get3A_977 = arith.constant 4 : index
    %get3A_978 = arith.constant 0 : index
    %get3A_979 = vector.load %arg0[%get3A_977, %get3A_978] : memref<5x256xf32, #tpu.memory_space<vmem>>, vector<1x256xf32>
    %get3A_980 = vector.shape_cast %get3A_979 : vector<1x256xf32> to vector<256xf32>
    %get3A_981 = arith.constant 0 : index
    %get3A_982 = arith.constant 0 : index
    %get3A_983 = vector.load %arg1[%get3A_981, %get3A_982] : memref<6x256xf32, #tpu.memory_space<vmem>>, vector<1x256xf32>
    %get3A_984 = vector.shape_cast %get3A_983 : vector<1x256xf32> to vector<256xf32>
    %add3A_985 = arith.addf %get3A_980, %get3A_984 : vector<256xf32>
    %get3A_986 = arith.constant 1 : index
    %get3A_987 = arith.constant 0 : index
    %get3A_988 = vector.load %arg2[%get3A_986, %get3A_987] : memref<2x256xf32, #tpu.memory_space<vmem>>, vector<1x256xf32>
    %get3A_989 = vector.shape_cast %get3A_988 : vector<1x256xf32> to vector<256xf32>
    %add3A_990 = arith.addf %add3A_985, %get3A_989 : vector<256xf32>
    %swap3A_991 = arith.constant 0 : index
    %swap3A_992 = arith.constant 49 : index
    %swap3A_993 = arith.constant 0 : index
    %swap3A_994 = vector.load %arg6[%swap3A_991, %swap3A_992, %swap3A_993] : memref<32x60x256xf32, #tpu.memory_space<vmem>>, vector<1x1x256xf32>
    %swap3A_995 = vector.shape_cast %swap3A_994 : vector<1x1x256xf32> to vector<256xf32>
    %swap3A_996 = vector.shape_cast %add3A_990 : vector<256xf32> to vector<1x1x256xf32>
    tpu.vector_store %arg6[%swap3A_991, %swap3A_992, %swap3A_993], %swap3A_996 {strides = array<i32>} : memref<32x60x256xf32, #tpu.memory_space<vmem>>, vector<1x1x256xf32>,
    %get3A_997 = arith.constant 4 : index
    %get3A_998 = arith.constant 0 : index
    %get3A_999 = vector.load %arg0[%get3A_997, %get3A_998] : memref<5x256xf32, #tpu.memory_space<vmem>>, vector<1x256xf32>
    %get3A_1000 = vector.shape_cast %get3A_999 : vector<1x256xf32> to vector<256xf32>
    %get3A_1001 = arith.constant 1 : index
    %get3A_1002 = arith.constant 0 : index
    %get3A_1003 = vector.load %arg1[%get3A_1001, %get3A_1002] : memref<6x256xf32, #tpu.memory_space<vmem>>, vector<1x256xf32>
    %get3A_1004 = vector.shape_cast %get3A_1003 : vector<1x256xf32> to vector<256xf32>
    %add3A_1005 = arith.addf %get3A_1000, %get3A_1004 : vector<256xf32>
    %get3A_1006 = arith.constant 0 : index
    %get3A_1007 = arith.constant 0 : index
    %get3A_1008 = vector.load %arg2[%get3A_1006, %get3A_1007] : memref<2x256xf32, #tpu.memory_space<vmem>>, vector<1x256xf32>
    %get3A_1009 = vector.shape_cast %get3A_1008 : vector<1x256xf32> to vector<256xf32>
    %add3A_1010 = arith.addf %add3A_1005, %get3A_1009 : vector<256xf32>
    %swap3A_1011 = arith.constant 0 : index
    %swap3A_1012 = arith.constant 50 : index
    %swap3A_1013 = arith.constant 0 : index
    %swap3A_1014 = vector.load %arg6[%swap3A_1011, %swap3A_1012, %swap3A_1013] : memref<32x60x256xf32, #tpu.memory_space<vmem>>, vector<1x1x256xf32>
    %swap3A_1015 = vector.shape_cast %swap3A_1014 : vector<1x1x256xf32> to vector<256xf32>
    %swap3A_1016 = vector.shape_cast %add3A_1010 : vector<256xf32> to vector<1x1x256xf32>
    tpu.vector_store %arg6[%swap3A_1011, %swap3A_1012, %swap3A_1013], %swap3A_1016 {strides = array<i32>} : memref<32x60x256xf32, #tpu.memory_space<vmem>>, vector<1x1x256xf32>,
    %get3A_1017 = arith.constant 4 : index
    %get3A_1018 = arith.constant 0 : index
    %get3A_1019 = vector.load %arg0[%get3A_1017, %get3A_1018] : memref<5x256xf32, #tpu.memory_space<vmem>>, vector<1x256xf32>
    %get3A_1020 = vector.shape_cast %get3A_1019 : vector<1x256xf32> to vector<256xf32>
    %get3A_1021 = arith.constant 1 : index
    %get3A_1022 = arith.constant 0 : index
    %get3A_1023 = vector.load %arg1[%get3A_1021, %get3A_1022] : memref<6x256xf32, #tpu.memory_space<vmem>>, vector<1x256xf32>
    %get3A_1024 = vector.shape_cast %get3A_1023 : vector<1x256xf32> to vector<256xf32>
    %add3A_1025 = arith.addf %get3A_1020, %get3A_1024 : vector<256xf32>
    %get3A_1026 = arith.constant 1 : index
    %get3A_1027 = arith.constant 0 : index
    %get3A_1028 = vector.load %arg2[%get3A_1026, %get3A_1027] : memref<2x256xf32, #tpu.memory_space<vmem>>, vector<1x256xf32>
    %get3A_1029 = vector.shape_cast %get3A_1028 : vector<1x256xf32> to vector<256xf32>
    %add3A_1030 = arith.addf %add3A_1025, %get3A_1029 : vector<256xf32>
    %swap3A_1031 = arith.constant 0 : index
    %swap3A_1032 = arith.constant 51 : index
    %swap3A_1033 = arith.constant 0 : index
    %swap3A_1034 = vector.load %arg6[%swap3A_1031, %swap3A_1032, %swap3A_1033] : memref<32x60x256xf32, #tpu.memory_space<vmem>>, vector<1x1x256xf32>
    %swap3A_1035 = vector.shape_cast %swap3A_1034 : vector<1x1x256xf32> to vector<256xf32>
    %swap3A_1036 = vector.shape_cast %add3A_1030 : vector<256xf32> to vector<1x1x256xf32>
    tpu.vector_store %arg6[%swap3A_1031, %swap3A_1032, %swap3A_1033], %swap3A_1036 {strides = array<i32>} : memref<32x60x256xf32, #tpu.memory_space<vmem>>, vector<1x1x256xf32>,
    %get3A_1037 = arith.constant 4 : index
    %get3A_1038 = arith.constant 0 : index
    %get3A_1039 = vector.load %arg0[%get3A_1037, %get3A_1038] : memref<5x256xf32, #tpu.memory_space<vmem>>, vector<1x256xf32>
    %get3A_1040 = vector.shape_cast %get3A_1039 : vector<1x256xf32> to vector<256xf32>
    %get3A_1041 = arith.constant 2 : index
    %get3A_1042 = arith.constant 0 : index
    %get3A_1043 = vector.load %arg1[%get3A_1041, %get3A_1042] : memref<6x256xf32, #tpu.memory_space<vmem>>, vector<1x256xf32>
    %get3A_1044 = vector.shape_cast %get3A_1043 : vector<1x256xf32> to vector<256xf32>
    %add3A_1045 = arith.addf %get3A_1040, %get3A_1044 : vector<256xf32>
    %get3A_1046 = arith.constant 0 : index
    %get3A_1047 = arith.constant 0 : index
    %get3A_1048 = vector.load %arg2[%get3A_1046, %get3A_1047] : memref<2x256xf32, #tpu.memory_space<vmem>>, vector<1x256xf32>
    %get3A_1049 = vector.shape_cast %get3A_1048 : vector<1x256xf32> to vector<256xf32>
    %add3A_1050 = arith.addf %add3A_1045, %get3A_1049 : vector<256xf32>
    %swap3A_1051 = arith.constant 0 : index
    %swap3A_1052 = arith.constant 52 : index
    %swap3A_1053 = arith.constant 0 : index
    %swap3A_1054 = vector.load %arg6[%swap3A_1051, %swap3A_1052, %swap3A_1053] : memref<32x60x256xf32, #tpu.memory_space<vmem>>, vector<1x1x256xf32>
    %swap3A_1055 = vector.shape_cast %swap3A_1054 : vector<1x1x256xf32> to vector<256xf32>
    %swap3A_1056 = vector.shape_cast %add3A_1050 : vector<256xf32> to vector<1x1x256xf32>
    tpu.vector_store %arg6[%swap3A_1051, %swap3A_1052, %swap3A_1053], %swap3A_1056 {strides = array<i32>} : memref<32x60x256xf32, #tpu.memory_space<vmem>>, vector<1x1x256xf32>,
    %get3A_1057 = arith.constant 4 : index
    %get3A_1058 = arith.constant 0 : index
    %get3A_1059 = vector.load %arg0[%get3A_1057, %get3A_1058] : memref<5x256xf32, #tpu.memory_space<vmem>>, vector<1x256xf32>
    %get3A_1060 = vector.shape_cast %get3A_1059 : vector<1x256xf32> to vector<256xf32>
    %get3A_1061 = arith.constant 2 : index
    %get3A_1062 = arith.constant 0 : index
    %get3A_1063 = vector.load %arg1[%get3A_1061, %get3A_1062] : memref<6x256xf32, #tpu.memory_space<vmem>>, vector<1x256xf32>
    %get3A_1064 = vector.shape_cast %get3A_1063 : vector<1x256xf32> to vector<256xf32>
    %add3A_1065 = arith.addf %get3A_1060, %get3A_1064 : vector<256xf32>
    %get3A_1066 = arith.constant 1 : index
    %get3A_1067 = arith.constant 0 : index
    %get3A_1068 = vector.load %arg2[%get3A_1066, %get3A_1067] : memref<2x256xf32, #tpu.memory_space<vmem>>, vector<1x256xf32>
    %get3A_1069 = vector.shape_cast %get3A_1068 : vector<1x256xf32> to vector<256xf32>
    %add3A_1070 = arith.addf %add3A_1065, %get3A_1069 : vector<256xf32>
    %swap3A_1071 = arith.constant 0 : index
    %swap3A_1072 = arith.constant 53 : index
    %swap3A_1073 = arith.constant 0 : index
    %swap3A_1074 = vector.load %arg6[%swap3A_1071, %swap3A_1072, %swap3A_1073] : memref<32x60x256xf32, #tpu.memory_space<vmem>>, vector<1x1x256xf32>
    %swap3A_1075 = vector.shape_cast %swap3A_1074 : vector<1x1x256xf32> to vector<256xf32>
    %swap3A_1076 = vector.shape_cast %add3A_1070 : vector<256xf32> to vector<1x1x256xf32>
    tpu.vector_store %arg6[%swap3A_1071, %swap3A_1072, %swap3A_1073], %swap3A_1076 {strides = array<i32>} : memref<32x60x256xf32, #tpu.memory_space<vmem>>, vector<1x1x256xf32>,
    %get3A_1077 = arith.constant 4 : index
    %get3A_1078 = arith.constant 0 : index
    %get3A_1079 = vector.load %arg0[%get3A_1077, %get3A_1078] : memref<5x256xf32, #tpu.memory_space<vmem>>, vector<1x256xf32>
    %get3A_1080 = vector.shape_cast %get3A_1079 : vector<1x256xf32> to vector<256xf32>
    %get3A_1081 = arith.constant 3 : index
    %get3A_1082 = arith.constant 0 : index
    %get3A_1083 = vector.load %arg1[%get3A_1081, %get3A_1082] : memref<6x256xf32, #tpu.memory_space<vmem>>, vector<1x256xf32>
    %get3A_1084 = vector.shape_cast %get3A_1083 : vector<1x256xf32> to vector<256xf32>
    %add3A_1085 = arith.addf %get3A_1080, %get3A_1084 : vector<256xf32>
    %get3A_1086 = arith.constant 0 : index
    %get3A_1087 = arith.constant 0 : index
    %get3A_1088 = vector.load %arg2[%get3A_1086, %get3A_1087] : memref<2x256xf32, #tpu.memory_space<vmem>>, vector<1x256xf32>
    %get3A_1089 = vector.shape_cast %get3A_1088 : vector<1x256xf32> to vector<256xf32>
    %add3A_1090 = arith.addf %add3A_1085, %get3A_1089 : vector<256xf32>
    %swap3A_1091 = arith.constant 0 : index
    %swap3A_1092 = arith.constant 54 : index
    %swap3A_1093 = arith.constant 0 : index
    %swap3A_1094 = vector.load %arg6[%swap3A_1091, %swap3A_1092, %swap3A_1093] : memref<32x60x256xf32, #tpu.memory_space<vmem>>, vector<1x1x256xf32>
    %swap3A_1095 = vector.shape_cast %swap3A_1094 : vector<1x1x256xf32> to vector<256xf32>
    %swap3A_1096 = vector.shape_cast %add3A_1090 : vector<256xf32> to vector<1x1x256xf32>
    tpu.vector_store %arg6[%swap3A_1091, %swap3A_1092, %swap3A_1093], %swap3A_1096 {strides = array<i32>} : memref<32x60x256xf32, #tpu.memory_space<vmem>>, vector<1x1x256xf32>,
    %get3A_1097 = arith.constant 4 : index
    %get3A_1098 = arith.constant 0 : index
    %get3A_1099 = vector.load %arg0[%get3A_1097, %get3A_1098] : memref<5x256xf32, #tpu.memory_space<vmem>>, vector<1x256xf32>
    %get3A_1100 = vector.shape_cast %get3A_1099 : vector<1x256xf32> to vector<256xf32>
    %get3A_1101 = arith.constant 3 : index
    %get3A_1102 = arith.constant 0 : index
    %get3A_1103 = vector.load %arg1[%get3A_1101, %get3A_1102] : memref<6x256xf32, #tpu.memory_space<vmem>>, vector<1x256xf32>
    %get3A_1104 = vector.shape_cast %get3A_1103 : vector<1x256xf32> to vector<256xf32>
    %add3A_1105 = arith.addf %get3A_1100, %get3A_1104 : vector<256xf32>
    %get3A_1106 = arith.constant 1 : index
    %get3A_1107 = arith.constant 0 : index
    %get3A_1108 = vector.load %arg2[%get3A_1106, %get3A_1107] : memref<2x256xf32, #tpu.memory_space<vmem>>, vector<1x256xf32>
    %get3A_1109 = vector.shape_cast %get3A_1108 : vector<1x256xf32> to vector<256xf32>
    %add3A_1110 = arith.addf %add3A_1105, %get3A_1109 : vector<256xf32>
    %swap3A_1111 = arith.constant 0 : index
    %swap3A_1112 = arith.constant 55 : index
    %swap3A_1113 = arith.constant 0 : index
    %swap3A_1114 = vector.load %arg6[%swap3A_1111, %swap3A_1112, %swap3A_1113] : memref<32x60x256xf32, #tpu.memory_space<vmem>>, vector<1x1x256xf32>
    %swap3A_1115 = vector.shape_cast %swap3A_1114 : vector<1x1x256xf32> to vector<256xf32>
    %swap3A_1116 = vector.shape_cast %add3A_1110 : vector<256xf32> to vector<1x1x256xf32>
    tpu.vector_store %arg6[%swap3A_1111, %swap3A_1112, %swap3A_1113], %swap3A_1116 {strides = array<i32>} : memref<32x60x256xf32, #tpu.memory_space<vmem>>, vector<1x1x256xf32>,
    %get3A_1117 = arith.constant 4 : index
    %get3A_1118 = arith.constant 0 : index
    %get3A_1119 = vector.load %arg0[%get3A_1117, %get3A_1118] : memref<5x256xf32, #tpu.memory_space<vmem>>, vector<1x256xf32>
    %get3A_1120 = vector.shape_cast %get3A_1119 : vector<1x256xf32> to vector<256xf32>
    %get3A_1121 = arith.constant 4 : index
    %get3A_1122 = arith.constant 0 : index
    %get3A_1123 = vector.load %arg1[%get3A_1121, %get3A_1122] : memref<6x256xf32, #tpu.memory_space<vmem>>, vector<1x256xf32>
    %get3A_1124 = vector.shape_cast %get3A_1123 : vector<1x256xf32> to vector<256xf32>
    %add3A_1125 = arith.addf %get3A_1120, %get3A_1124 : vector<256xf32>
    %get3A_1126 = arith.constant 0 : index
    %get3A_1127 = arith.constant 0 : index
    %get3A_1128 = vector.load %arg2[%get3A_1126, %get3A_1127] : memref<2x256xf32, #tpu.memory_space<vmem>>, vector<1x256xf32>
    %get3A_1129 = vector.shape_cast %get3A_1128 : vector<1x256xf32> to vector<256xf32>
    %add3A_1130 = arith.addf %add3A_1125, %get3A_1129 : vector<256xf32>
    %swap3A_1131 = arith.constant 0 : index
    %swap3A_1132 = arith.constant 56 : index
    %swap3A_1133 = arith.constant 0 : index
    %swap3A_1134 = vector.load %arg6[%swap3A_1131, %swap3A_1132, %swap3A_1133] : memref<32x60x256xf32, #tpu.memory_space<vmem>>, vector<1x1x256xf32>
    %swap3A_1135 = vector.shape_cast %swap3A_1134 : vector<1x1x256xf32> to vector<256xf32>
    %swap3A_1136 = vector.shape_cast %add3A_1130 : vector<256xf32> to vector<1x1x256xf32>
    tpu.vector_store %arg6[%swap3A_1131, %swap3A_1132, %swap3A_1133], %swap3A_1136 {strides = array<i32>} : memref<32x60x256xf32, #tpu.memory_space<vmem>>, vector<1x1x256xf32>,
    %get3A_1137 = arith.constant 4 : index
    %get3A_1138 = arith.constant 0 : index
    %get3A_1139 = vector.load %arg0[%get3A_1137, %get3A_1138] : memref<5x256xf32, #tpu.memory_space<vmem>>, vector<1x256xf32>
    %get3A_1140 = vector.shape_cast %get3A_1139 : vector<1x256xf32> to vector<256xf32>
    %get3A_1141 = arith.constant 4 : index
    %get3A_1142 = arith.constant 0 : index
    %get3A_1143 = vector.load %arg1[%get3A_1141, %get3A_1142] : memref<6x256xf32, #tpu.memory_space<vmem>>, vector<1x256xf32>
    %get3A_1144 = vector.shape_cast %get3A_1143 : vector<1x256xf32> to vector<256xf32>
    %add3A_1145 = arith.addf %get3A_1140, %get3A_1144 : vector<256xf32>
    %get3A_1146 = arith.constant 1 : index
    %get3A_1147 = arith.constant 0 : index
    %get3A_1148 = vector.load %arg2[%get3A_1146, %get3A_1147] : memref<2x256xf32, #tpu.memory_space<vmem>>, vector<1x256xf32>
    %get3A_1149 = vector.shape_cast %get3A_1148 : vector<1x256xf32> to vector<256xf32>
    %add3A_1150 = arith.addf %add3A_1145, %get3A_1149 : vector<256xf32>
    %swap3A_1151 = arith.constant 0 : index
    %swap3A_1152 = arith.constant 57 : index
    %swap3A_1153 = arith.constant 0 : index
    %swap3A_1154 = vector.load %arg6[%swap3A_1151, %swap3A_1152, %swap3A_1153] : memref<32x60x256xf32, #tpu.memory_space<vmem>>, vector<1x1x256xf32>
    %swap3A_1155 = vector.shape_cast %swap3A_1154 : vector<1x1x256xf32> to vector<256xf32>
    %swap3A_1156 = vector.shape_cast %add3A_1150 : vector<256xf32> to vector<1x1x256xf32>
    tpu.vector_store %arg6[%swap3A_1151, %swap3A_1152, %swap3A_1153], %swap3A_1156 {strides = array<i32>} : memref<32x60x256xf32, #tpu.memory_space<vmem>>, vector<1x1x256xf32>,
    %get3A_1157 = arith.constant 4 : index
    %get3A_1158 = arith.constant 0 : index
    %get3A_1159 = vector.load %arg0[%get3A_1157, %get3A_1158] : memref<5x256xf32, #tpu.memory_space<vmem>>, vector<1x256xf32>
    %get3A_1160 = vector.shape_cast %get3A_1159 : vector<1x256xf32> to vector<256xf32>
    %get3A_1161 = arith.constant 5 : index
    %get3A_1162 = arith.constant 0 : index
    %get3A_1163 = vector.load %arg1[%get3A_1161, %get3A_1162] : memref<6x256xf32, #tpu.memory_space<vmem>>, vector<1x256xf32>
    %get3A_1164 = vector.shape_cast %get3A_1163 : vector<1x256xf32> to vector<256xf32>
    %add3A_1165 = arith.addf %get3A_1160, %get3A_1164 : vector<256xf32>
    %get3A_1166 = arith.constant 0 : index
    %get3A_1167 = arith.constant 0 : index
    %get3A_1168 = vector.load %arg2[%get3A_1166, %get3A_1167] : memref<2x256xf32, #tpu.memory_space<vmem>>, vector<1x256xf32>
    %get3A_1169 = vector.shape_cast %get3A_1168 : vector<1x256xf32> to vector<256xf32>
    %add3A_1170 = arith.addf %add3A_1165, %get3A_1169 : vector<256xf32>
    %swap3A_1171 = arith.constant 0 : index
    %swap3A_1172 = arith.constant 58 : index
    %swap3A_1173 = arith.constant 0 : index
    %swap3A_1174 = vector.load %arg6[%swap3A_1171, %swap3A_1172, %swap3A_1173] : memref<32x60x256xf32, #tpu.memory_space<vmem>>, vector<1x1x256xf32>
    %swap3A_1175 = vector.shape_cast %swap3A_1174 : vector<1x1x256xf32> to vector<256xf32>
    %swap3A_1176 = vector.shape_cast %add3A_1170 : vector<256xf32> to vector<1x1x256xf32>
    tpu.vector_store %arg6[%swap3A_1171, %swap3A_1172, %swap3A_1173], %swap3A_1176 {strides = array<i32>} : memref<32x60x256xf32, #tpu.memory_space<vmem>>, vector<1x1x256xf32>,
    %get3A_1177 = arith.constant 4 : index
    %get3A_1178 = arith.constant 0 : index
    %get3A_1179 = vector.load %arg0[%get3A_1177, %get3A_1178] : memref<5x256xf32, #tpu.memory_space<vmem>>, vector<1x256xf32>
    %get3A_1180 = vector.shape_cast %get3A_1179 : vector<1x256xf32> to vector<256xf32>
    %get3A_1181 = arith.constant 5 : index
    %get3A_1182 = arith.constant 0 : index
    %get3A_1183 = vector.load %arg1[%get3A_1181, %get3A_1182] : memref<6x256xf32, #tpu.memory_space<vmem>>, vector<1x256xf32>
    %get3A_1184 = vector.shape_cast %get3A_1183 : vector<1x256xf32> to vector<256xf32>
    %add3A_1185 = arith.addf %get3A_1180, %get3A_1184 : vector<256xf32>
    %get3A_1186 = arith.constant 1 : index
    %get3A_1187 = arith.constant 0 : index
    %get3A_1188 = vector.load %arg2[%get3A_1186, %get3A_1187] : memref<2x256xf32, #tpu.memory_space<vmem>>, vector<1x256xf32>
    %get3A_1189 = vector.shape_cast %get3A_1188 : vector<1x256xf32> to vector<256xf32>
    %add3A_1190 = arith.addf %add3A_1185, %get3A_1189 : vector<256xf32>
    %swap3A_1191 = arith.constant 0 : index
    %swap3A_1192 = arith.constant 59 : index
    %swap3A_1193 = arith.constant 0 : index
    %swap3A_1194 = vector.load %arg6[%swap3A_1191, %swap3A_1192, %swap3A_1193] : memref<32x60x256xf32, #tpu.memory_space<vmem>>, vector<1x1x256xf32>
    %swap3A_1195 = vector.shape_cast %swap3A_1194 : vector<1x1x256xf32> to vector<256xf32>
    %swap3A_1196 = vector.shape_cast %add3A_1190 : vector<256xf32> to vector<1x1x256xf32>
    tpu.vector_store %arg6[%swap3A_1191, %swap3A_1192, %swap3A_1193], %swap3A_1196 {strides = array<i32>} : memref<32x60x256xf32, #tpu.memory_space<vmem>>, vector<1x1x256xf32>,
    %get3A_1197 = arith.constant 0 : index
    %get3A_1198 = arith.constant 0 : index
    %get3A_1199 = arith.constant 0 : index
    %get3A_1200 = vector.load %arg6[%get3A_1197, %get3A_1198, %get3A_1199] : memref<32x60x256xf32, #tpu.memory_space<vmem>>, vector<1x60x256xf32>
    %get3A_1201 = vector.shape_cast %get3A_1200 : vector<1x60x256xf32> to vector<60x256xf32>
    %swap3A_1202 = arith.constant 1 : index
    %swap3A_1203 = arith.constant 0 : index
    %swap3A_1204 = arith.constant 0 : index
    %swap3A_1205 = vector.load %arg6[%swap3A_1202, %swap3A_1203, %swap3A_1204] : memref<32x60x256xf32, #tpu.memory_space<vmem>>, vector<1x60x256xf32>
    %swap3A_1206 = vector.shape_cast %swap3A_1205 : vector<1x60x256xf32> to vector<60x256xf32>
    %swap3A_1207 = vector.shape_cast %get3A_1201 : vector<60x256xf32> to vector<1x60x256xf32>
    tpu.vector_store %arg6[%swap3A_1202, %swap3A_1203, %swap3A_1204], %swap3A_1207 {strides = array<i32>} : memref<32x60x256xf32, #tpu.memory_space<vmem>>, vector<1x60x256xf32>,
    %get3A_1208 = arith.constant 0 : index
    %get3A_1209 = arith.constant 0 : index
    %get3A_1210 = arith.constant 0 : index
    %get3A_1211 = vector.load %arg6[%get3A_1208, %get3A_1209, %get3A_1210] : memref<32x60x256xf32, #tpu.memory_space<vmem>>, vector<1x60x256xf32>
    %get3A_1212 = vector.shape_cast %get3A_1211 : vector<1x60x256xf32> to vector<60x256xf32>
    %swap3A_1213 = arith.constant 2 : index
    %swap3A_1214 = arith.constant 0 : index
    %swap3A_1215 = arith.constant 0 : index
    %swap3A_1216 = vector.load %arg6[%swap3A_1213, %swap3A_1214, %swap3A_1215] : memref<32x60x256xf32, #tpu.memory_space<vmem>>, vector<1x60x256xf32>
    %swap3A_1217 = vector.shape_cast %swap3A_1216 : vector<1x60x256xf32> to vector<60x256xf32>
    %swap3A_1218 = vector.shape_cast %get3A_1212 : vector<60x256xf32> to vector<1x60x256xf32>
    tpu.vector_store %arg6[%swap3A_1213, %swap3A_1214, %swap3A_1215], %swap3A_1218 {strides = array<i32>} : memref<32x60x256xf32, #tpu.memory_space<vmem>>, vector<1x60x256xf32>,
    %get3A_1219 = arith.constant 0 : index
    %get3A_1220 = arith.constant 0 : index
    %get3A_1221 = arith.constant 0 : index
    %get3A_1222 = vector.load %arg6[%get3A_1219, %get3A_1220, %get3A_1221] : memref<32x60x256xf32, #tpu.memory_space<vmem>>, vector<1x60x256xf32>
    %get3A_1223 = vector.shape_cast %get3A_1222 : vector<1x60x256xf32> to vector<60x256xf32>
    %swap3A_1224 = arith.constant 3 : index
    %swap3A_1225 = arith.constant 0 : index
    %swap3A_1226 = arith.constant 0 : index
    %swap3A_1227 = vector.load %arg6[%swap3A_1224, %swap3A_1225, %swap3A_1226] : memref<32x60x256xf32, #tpu.memory_space<vmem>>, vector<1x60x256xf32>
    %swap3A_1228 = vector.shape_cast %swap3A_1227 : vector<1x60x256xf32> to vector<60x256xf32>
    %swap3A_1229 = vector.shape_cast %get3A_1223 : vector<60x256xf32> to vector<1x60x256xf32>
    tpu.vector_store %arg6[%swap3A_1224, %swap3A_1225, %swap3A_1226], %swap3A_1229 {strides = array<i32>} : memref<32x60x256xf32, #tpu.memory_space<vmem>>, vector<1x60x256xf32>,
    %get3A_1230 = arith.constant 0 : index
    %get3A_1231 = arith.constant 0 : index
    %get3A_1232 = arith.constant 0 : index
    %get3A_1233 = vector.load %arg6[%get3A_1230, %get3A_1231, %get3A_1232] : memref<32x60x256xf32, #tpu.memory_space<vmem>>, vector<1x60x256xf32>
    %get3A_1234 = vector.shape_cast %get3A_1233 : vector<1x60x256xf32> to vector<60x256xf32>
    %swap3A_1235 = arith.constant 4 : index
    %swap3A_1236 = arith.constant 0 : index
    %swap3A_1237 = arith.constant 0 : index
    %swap3A_1238 = vector.load %arg6[%swap3A_1235, %swap3A_1236, %swap3A_1237] : memref<32x60x256xf32, #tpu.memory_space<vmem>>, vector<1x60x256xf32>
    %swap3A_1239 = vector.shape_cast %swap3A_1238 : vector<1x60x256xf32> to vector<60x256xf32>
    %swap3A_1240 = vector.shape_cast %get3A_1234 : vector<60x256xf32> to vector<1x60x256xf32>
    tpu.vector_store %arg6[%swap3A_1235, %swap3A_1236, %swap3A_1237], %swap3A_1240 {strides = array<i32>} : memref<32x60x256xf32, #tpu.memory_space<vmem>>, vector<1x60x256xf32>,
    %get3A_1241 = arith.constant 0 : index
    %get3A_1242 = arith.constant 0 : index
    %get3A_1243 = arith.constant 0 : index
    %get3A_1244 = vector.load %arg6[%get3A_1241, %get3A_1242, %get3A_1243] : memref<32x60x256xf32, #tpu.memory_space<vmem>>, vector<1x60x256xf32>
    %get3A_1245 = vector.shape_cast %get3A_1244 : vector<1x60x256xf32> to vector<60x256xf32>
    %swap3A_1246 = arith.constant 5 : index
    %swap3A_1247 = arith.constant 0 : index
    %swap3A_1248 = arith.constant 0 : index
    %swap3A_1249 = vector.load %arg6[%swap3A_1246, %swap3A_1247, %swap3A_1248] : memref<32x60x256xf32, #tpu.memory_space<vmem>>, vector<1x60x256xf32>
    %swap3A_1250 = vector.shape_cast %swap3A_1249 : vector<1x60x256xf32> to vector<60x256xf32>
    %swap3A_1251 = vector.shape_cast %get3A_1245 : vector<60x256xf32> to vector<1x60x256xf32>
    tpu.vector_store %arg6[%swap3A_1246, %swap3A_1247, %swap3A_1248], %swap3A_1251 {strides = array<i32>} : memref<32x60x256xf32, #tpu.memory_space<vmem>>, vector<1x60x256xf32>,
    %get3A_1252 = arith.constant 0 : index
    %get3A_1253 = arith.constant 0 : index
    %get3A_1254 = arith.constant 0 : index
    %get3A_1255 = vector.load %arg6[%get3A_1252, %get3A_1253, %get3A_1254] : memref<32x60x256xf32, #tpu.memory_space<vmem>>, vector<1x60x256xf32>
    %get3A_1256 = vector.shape_cast %get3A_1255 : vector<1x60x256xf32> to vector<60x256xf32>
    %swap3A_1257 = arith.constant 6 : index
    %swap3A_1258 = arith.constant 0 : index
    %swap3A_1259 = arith.constant 0 : index
    %swap3A_1260 = vector.load %arg6[%swap3A_1257, %swap3A_1258, %swap3A_1259] : memref<32x60x256xf32, #tpu.memory_space<vmem>>, vector<1x60x256xf32>
    %swap3A_1261 = vector.shape_cast %swap3A_1260 : vector<1x60x256xf32> to vector<60x256xf32>
    %swap3A_1262 = vector.shape_cast %get3A_1256 : vector<60x256xf32> to vector<1x60x256xf32>
    tpu.vector_store %arg6[%swap3A_1257, %swap3A_1258, %swap3A_1259], %swap3A_1262 {strides = array<i32>} : memref<32x60x256xf32, #tpu.memory_space<vmem>>, vector<1x60x256xf32>,
    %get3A_1263 = arith.constant 0 : index
    %get3A_1264 = arith.constant 0 : index
    %get3A_1265 = arith.constant 0 : index
    %get3A_1266 = vector.load %arg6[%get3A_1263, %get3A_1264, %get3A_1265] : memref<32x60x256xf32, #tpu.memory_space<vmem>>, vector<1x60x256xf32>
    %get3A_1267 = vector.shape_cast %get3A_1266 : vector<1x60x256xf32> to vector<60x256xf32>
    %swap3A_1268 = arith.constant 7 : index
    %swap3A_1269 = arith.constant 0 : index
    %swap3A_1270 = arith.constant 0 : index
    %swap3A_1271 = vector.load %arg6[%swap3A_1268, %swap3A_1269, %swap3A_1270] : memref<32x60x256xf32, #tpu.memory_space<vmem>>, vector<1x60x256xf32>
    %swap3A_1272 = vector.shape_cast %swap3A_1271 : vector<1x60x256xf32> to vector<60x256xf32>
    %swap3A_1273 = vector.shape_cast %get3A_1267 : vector<60x256xf32> to vector<1x60x256xf32>
    tpu.vector_store %arg6[%swap3A_1268, %swap3A_1269, %swap3A_1270], %swap3A_1273 {strides = array<i32>} : memref<32x60x256xf32, #tpu.memory_space<vmem>>, vector<1x60x256xf32>,
    %get3A_1274 = arith.constant 0 : index
    %get3A_1275 = arith.constant 0 : index
    %get3A_1276 = arith.constant 0 : index
    %get3A_1277 = vector.load %arg6[%get3A_1274, %get3A_1275, %get3A_1276] : memref<32x60x256xf32, #tpu.memory_space<vmem>>, vector<1x60x256xf32>
    %get3A_1278 = vector.shape_cast %get3A_1277 : vector<1x60x256xf32> to vector<60x256xf32>
    %swap3A_1279 = arith.constant 8 : index
    %swap3A_1280 = arith.constant 0 : index
    %swap3A_1281 = arith.constant 0 : index
    %swap3A_1282 = vector.load %arg6[%swap3A_1279, %swap3A_1280, %swap3A_1281] : memref<32x60x256xf32, #tpu.memory_space<vmem>>, vector<1x60x256xf32>
    %swap3A_1283 = vector.shape_cast %swap3A_1282 : vector<1x60x256xf32> to vector<60x256xf32>
    %swap3A_1284 = vector.shape_cast %get3A_1278 : vector<60x256xf32> to vector<1x60x256xf32>
    tpu.vector_store %arg6[%swap3A_1279, %swap3A_1280, %swap3A_1281], %swap3A_1284 {strides = array<i32>} : memref<32x60x256xf32, #tpu.memory_space<vmem>>, vector<1x60x256xf32>,
    %get3A_1285 = arith.constant 0 : index
    %get3A_1286 = arith.constant 0 : index
    %get3A_1287 = arith.constant 0 : index
    %get3A_1288 = vector.load %arg6[%get3A_1285, %get3A_1286, %get3A_1287] : memref<32x60x256xf32, #tpu.memory_space<vmem>>, vector<1x60x256xf32>
    %get3A_1289 = vector.shape_cast %get3A_1288 : vector<1x60x256xf32> to vector<60x256xf32>
    %swap3A_1290 = arith.constant 9 : index
    %swap3A_1291 = arith.constant 0 : index
    %swap3A_1292 = arith.constant 0 : index
    %swap3A_1293 = vector.load %arg6[%swap3A_1290, %swap3A_1291, %swap3A_1292] : memref<32x60x256xf32, #tpu.memory_space<vmem>>, vector<1x60x256xf32>
    %swap3A_1294 = vector.shape_cast %swap3A_1293 : vector<1x60x256xf32> to vector<60x256xf32>
    %swap3A_1295 = vector.shape_cast %get3A_1289 : vector<60x256xf32> to vector<1x60x256xf32>
    tpu.vector_store %arg6[%swap3A_1290, %swap3A_1291, %swap3A_1292], %swap3A_1295 {strides = array<i32>} : memref<32x60x256xf32, #tpu.memory_space<vmem>>, vector<1x60x256xf32>,
    %get3A_1296 = arith.constant 0 : index
    %get3A_1297 = arith.constant 0 : index
    %get3A_1298 = arith.constant 0 : index
    %get3A_1299 = vector.load %arg6[%get3A_1296, %get3A_1297, %get3A_1298] : memref<32x60x256xf32, #tpu.memory_space<vmem>>, vector<1x60x256xf32>
    %get3A_1300 = vector.shape_cast %get3A_1299 : vector<1x60x256xf32> to vector<60x256xf32>
    %swap3A_1301 = arith.constant 10 : index
    %swap3A_1302 = arith.constant 0 : index
    %swap3A_1303 = arith.constant 0 : index
    %swap3A_1304 = vector.load %arg6[%swap3A_1301, %swap3A_1302, %swap3A_1303] : memref<32x60x256xf32, #tpu.memory_space<vmem>>, vector<1x60x256xf32>
    %swap3A_1305 = vector.shape_cast %swap3A_1304 : vector<1x60x256xf32> to vector<60x256xf32>
    %swap3A_1306 = vector.shape_cast %get3A_1300 : vector<60x256xf32> to vector<1x60x256xf32>
    tpu.vector_store %arg6[%swap3A_1301, %swap3A_1302, %swap3A_1303], %swap3A_1306 {strides = array<i32>} : memref<32x60x256xf32, #tpu.memory_space<vmem>>, vector<1x60x256xf32>,
    %get3A_1307 = arith.constant 0 : index
    %get3A_1308 = arith.constant 0 : index
    %get3A_1309 = arith.constant 0 : index
    %get3A_1310 = vector.load %arg6[%get3A_1307, %get3A_1308, %get3A_1309] : memref<32x60x256xf32, #tpu.memory_space<vmem>>, vector<1x60x256xf32>
    %get3A_1311 = vector.shape_cast %get3A_1310 : vector<1x60x256xf32> to vector<60x256xf32>
    %swap3A_1312 = arith.constant 11 : index
    %swap3A_1313 = arith.constant 0 : index
    %swap3A_1314 = arith.constant 0 : index
    %swap3A_1315 = vector.load %arg6[%swap3A_1312, %swap3A_1313, %swap3A_1314] : memref<32x60x256xf32, #tpu.memory_space<vmem>>, vector<1x60x256xf32>
    %swap3A_1316 = vector.shape_cast %swap3A_1315 : vector<1x60x256xf32> to vector<60x256xf32>
    %swap3A_1317 = vector.shape_cast %get3A_1311 : vector<60x256xf32> to vector<1x60x256xf32>
    tpu.vector_store %arg6[%swap3A_1312, %swap3A_1313, %swap3A_1314], %swap3A_1317 {strides = array<i32>} : memref<32x60x256xf32, #tpu.memory_space<vmem>>, vector<1x60x256xf32>,
    %get3A_1318 = arith.constant 0 : index
    %get3A_1319 = arith.constant 0 : index
    %get3A_1320 = arith.constant 0 : index
    %get3A_1321 = vector.load %arg6[%get3A_1318, %get3A_1319, %get3A_1320] : memref<32x60x256xf32, #tpu.memory_space<vmem>>, vector<1x60x256xf32>
    %get3A_1322 = vector.shape_cast %get3A_1321 : vector<1x60x256xf32> to vector<60x256xf32>
    %swap3A_1323 = arith.constant 12 : index
    %swap3A_1324 = arith.constant 0 : index
    %swap3A_1325 = arith.constant 0 : index
    %swap3A_1326 = vector.load %arg6[%swap3A_1323, %swap3A_1324, %swap3A_1325] : memref<32x60x256xf32, #tpu.memory_space<vmem>>, vector<1x60x256xf32>
    %swap3A_1327 = vector.shape_cast %swap3A_1326 : vector<1x60x256xf32> to vector<60x256xf32>
    %swap3A_1328 = vector.shape_cast %get3A_1322 : vector<60x256xf32> to vector<1x60x256xf32>
    tpu.vector_store %arg6[%swap3A_1323, %swap3A_1324, %swap3A_1325], %swap3A_1328 {strides = array<i32>} : memref<32x60x256xf32, #tpu.memory_space<vmem>>, vector<1x60x256xf32>,
    %get3A_1329 = arith.constant 0 : index
    %get3A_1330 = arith.constant 0 : index
    %get3A_1331 = arith.constant 0 : index
    %get3A_1332 = vector.load %arg6[%get3A_1329, %get3A_1330, %get3A_1331] : memref<32x60x256xf32, #tpu.memory_space<vmem>>, vector<1x60x256xf32>
    %get3A_1333 = vector.shape_cast %get3A_1332 : vector<1x60x256xf32> to vector<60x256xf32>
    %swap3A_1334 = arith.constant 13 : index
    %swap3A_1335 = arith.constant 0 : index
    %swap3A_1336 = arith.constant 0 : index
    %swap3A_1337 = vector.load %arg6[%swap3A_1334, %swap3A_1335, %swap3A_1336] : memref<32x60x256xf32, #tpu.memory_space<vmem>>, vector<1x60x256xf32>
    %swap3A_1338 = vector.shape_cast %swap3A_1337 : vector<1x60x256xf32> to vector<60x256xf32>
    %swap3A_1339 = vector.shape_cast %get3A_1333 : vector<60x256xf32> to vector<1x60x256xf32>
    tpu.vector_store %arg6[%swap3A_1334, %swap3A_1335, %swap3A_1336], %swap3A_1339 {strides = array<i32>} : memref<32x60x256xf32, #tpu.memory_space<vmem>>, vector<1x60x256xf32>,
    %get3A_1340 = arith.constant 0 : index
    %get3A_1341 = arith.constant 0 : index
    %get3A_1342 = arith.constant 0 : index
    %get3A_1343 = vector.load %arg6[%get3A_1340, %get3A_1341, %get3A_1342] : memref<32x60x256xf32, #tpu.memory_space<vmem>>, vector<1x60x256xf32>
    %get3A_1344 = vector.shape_cast %get3A_1343 : vector<1x60x256xf32> to vector<60x256xf32>
    %swap3A_1345 = arith.constant 14 : index
    %swap3A_1346 = arith.constant 0 : index
    %swap3A_1347 = arith.constant 0 : index
    %swap3A_1348 = vector.load %arg6[%swap3A_1345, %swap3A_1346, %swap3A_1347] : memref<32x60x256xf32, #tpu.memory_space<vmem>>, vector<1x60x256xf32>
    %swap3A_1349 = vector.shape_cast %swap3A_1348 : vector<1x60x256xf32> to vector<60x256xf32>
    %swap3A_1350 = vector.shape_cast %get3A_1344 : vector<60x256xf32> to vector<1x60x256xf32>
    tpu.vector_store %arg6[%swap3A_1345, %swap3A_1346, %swap3A_1347], %swap3A_1350 {strides = array<i32>} : memref<32x60x256xf32, #tpu.memory_space<vmem>>, vector<1x60x256xf32>,
    %get3A_1351 = arith.constant 0 : index
    %get3A_1352 = arith.constant 0 : index
    %get3A_1353 = arith.constant 0 : index
    %get3A_1354 = vector.load %arg6[%get3A_1351, %get3A_1352, %get3A_1353] : memref<32x60x256xf32, #tpu.memory_space<vmem>>, vector<1x60x256xf32>
    %get3A_1355 = vector.shape_cast %get3A_1354 : vector<1x60x256xf32> to vector<60x256xf32>
    %swap3A_1356 = arith.constant 15 : index
    %swap3A_1357 = arith.constant 0 : index
    %swap3A_1358 = arith.constant 0 : index
    %swap3A_1359 = vector.load %arg6[%swap3A_1356, %swap3A_1357, %swap3A_1358] : memref<32x60x256xf32, #tpu.memory_space<vmem>>, vector<1x60x256xf32>
    %swap3A_1360 = vector.shape_cast %swap3A_1359 : vector<1x60x256xf32> to vector<60x256xf32>
    %swap3A_1361 = vector.shape_cast %get3A_1355 : vector<60x256xf32> to vector<1x60x256xf32>
    tpu.vector_store %arg6[%swap3A_1356, %swap3A_1357, %swap3A_1358], %swap3A_1361 {strides = array<i32>} : memref<32x60x256xf32, #tpu.memory_space<vmem>>, vector<1x60x256xf32>,
    %get3A_1362 = arith.constant 0 : index
    %get3A_1363 = arith.constant 0 : index
    %get3A_1364 = arith.constant 0 : index
    %get3A_1365 = vector.load %arg6[%get3A_1362, %get3A_1363, %get3A_1364] : memref<32x60x256xf32, #tpu.memory_space<vmem>>, vector<1x60x256xf32>
    %get3A_1366 = vector.shape_cast %get3A_1365 : vector<1x60x256xf32> to vector<60x256xf32>
    %swap3A_1367 = arith.constant 16 : index
    %swap3A_1368 = arith.constant 0 : index
    %swap3A_1369 = arith.constant 0 : index
    %swap3A_1370 = vector.load %arg6[%swap3A_1367, %swap3A_1368, %swap3A_1369] : memref<32x60x256xf32, #tpu.memory_space<vmem>>, vector<1x60x256xf32>
    %swap3A_1371 = vector.shape_cast %swap3A_1370 : vector<1x60x256xf32> to vector<60x256xf32>
    %swap3A_1372 = vector.shape_cast %get3A_1366 : vector<60x256xf32> to vector<1x60x256xf32>
    tpu.vector_store %arg6[%swap3A_1367, %swap3A_1368, %swap3A_1369], %swap3A_1372 {strides = array<i32>} : memref<32x60x256xf32, #tpu.memory_space<vmem>>, vector<1x60x256xf32>,
    %get3A_1373 = arith.constant 0 : index
    %get3A_1374 = arith.constant 0 : index
    %get3A_1375 = arith.constant 0 : index
    %get3A_1376 = vector.load %arg6[%get3A_1373, %get3A_1374, %get3A_1375] : memref<32x60x256xf32, #tpu.memory_space<vmem>>, vector<1x60x256xf32>
    %get3A_1377 = vector.shape_cast %get3A_1376 : vector<1x60x256xf32> to vector<60x256xf32>
    %swap3A_1378 = arith.constant 17 : index
    %swap3A_1379 = arith.constant 0 : index
    %swap3A_1380 = arith.constant 0 : index
    %swap3A_1381 = vector.load %arg6[%swap3A_1378, %swap3A_1379, %swap3A_1380] : memref<32x60x256xf32, #tpu.memory_space<vmem>>, vector<1x60x256xf32>
    %swap3A_1382 = vector.shape_cast %swap3A_1381 : vector<1x60x256xf32> to vector<60x256xf32>
    %swap3A_1383 = vector.shape_cast %get3A_1377 : vector<60x256xf32> to vector<1x60x256xf32>
    tpu.vector_store %arg6[%swap3A_1378, %swap3A_1379, %swap3A_1380], %swap3A_1383 {strides = array<i32>} : memref<32x60x256xf32, #tpu.memory_space<vmem>>, vector<1x60x256xf32>,
    %get3A_1384 = arith.constant 0 : index
    %get3A_1385 = arith.constant 0 : index
    %get3A_1386 = arith.constant 0 : index
    %get3A_1387 = vector.load %arg6[%get3A_1384, %get3A_1385, %get3A_1386] : memref<32x60x256xf32, #tpu.memory_space<vmem>>, vector<1x60x256xf32>
    %get3A_1388 = vector.shape_cast %get3A_1387 : vector<1x60x256xf32> to vector<60x256xf32>
    %swap3A_1389 = arith.constant 18 : index
    %swap3A_1390 = arith.constant 0 : index
    %swap3A_1391 = arith.constant 0 : index
    %swap3A_1392 = vector.load %arg6[%swap3A_1389, %swap3A_1390, %swap3A_1391] : memref<32x60x256xf32, #tpu.memory_space<vmem>>, vector<1x60x256xf32>
    %swap3A_1393 = vector.shape_cast %swap3A_1392 : vector<1x60x256xf32> to vector<60x256xf32>
    %swap3A_1394 = vector.shape_cast %get3A_1388 : vector<60x256xf32> to vector<1x60x256xf32>
    tpu.vector_store %arg6[%swap3A_1389, %swap3A_1390, %swap3A_1391], %swap3A_1394 {strides = array<i32>} : memref<32x60x256xf32, #tpu.memory_space<vmem>>, vector<1x60x256xf32>,
    %get3A_1395 = arith.constant 0 : index
    %get3A_1396 = arith.constant 0 : index
    %get3A_1397 = arith.constant 0 : index
    %get3A_1398 = vector.load %arg6[%get3A_1395, %get3A_1396, %get3A_1397] : memref<32x60x256xf32, #tpu.memory_space<vmem>>, vector<1x60x256xf32>
    %get3A_1399 = vector.shape_cast %get3A_1398 : vector<1x60x256xf32> to vector<60x256xf32>
    %swap3A_1400 = arith.constant 19 : index
    %swap3A_1401 = arith.constant 0 : index
    %swap3A_1402 = arith.constant 0 : index
    %swap3A_1403 = vector.load %arg6[%swap3A_1400, %swap3A_1401, %swap3A_1402] : memref<32x60x256xf32, #tpu.memory_space<vmem>>, vector<1x60x256xf32>
    %swap3A_1404 = vector.shape_cast %swap3A_1403 : vector<1x60x256xf32> to vector<60x256xf32>
    %swap3A_1405 = vector.shape_cast %get3A_1399 : vector<60x256xf32> to vector<1x60x256xf32>
    tpu.vector_store %arg6[%swap3A_1400, %swap3A_1401, %swap3A_1402], %swap3A_1405 {strides = array<i32>} : memref<32x60x256xf32, #tpu.memory_space<vmem>>, vector<1x60x256xf32>,
    %get3A_1406 = arith.constant 0 : index
    %get3A_1407 = arith.constant 0 : index
    %get3A_1408 = arith.constant 0 : index
    %get3A_1409 = vector.load %arg6[%get3A_1406, %get3A_1407, %get3A_1408] : memref<32x60x256xf32, #tpu.memory_space<vmem>>, vector<1x60x256xf32>
    %get3A_1410 = vector.shape_cast %get3A_1409 : vector<1x60x256xf32> to vector<60x256xf32>
    %swap3A_1411 = arith.constant 20 : index
    %swap3A_1412 = arith.constant 0 : index
    %swap3A_1413 = arith.constant 0 : index
    %swap3A_1414 = vector.load %arg6[%swap3A_1411, %swap3A_1412, %swap3A_1413] : memref<32x60x256xf32, #tpu.memory_space<vmem>>, vector<1x60x256xf32>
    %swap3A_1415 = vector.shape_cast %swap3A_1414 : vector<1x60x256xf32> to vector<60x256xf32>
    %swap3A_1416 = vector.shape_cast %get3A_1410 : vector<60x256xf32> to vector<1x60x256xf32>
    tpu.vector_store %arg6[%swap3A_1411, %swap3A_1412, %swap3A_1413], %swap3A_1416 {strides = array<i32>} : memref<32x60x256xf32, #tpu.memory_space<vmem>>, vector<1x60x256xf32>,
    %get3A_1417 = arith.constant 0 : index
    %get3A_1418 = arith.constant 0 : index
    %get3A_1419 = arith.constant 0 : index
    %get3A_1420 = vector.load %arg6[%get3A_1417, %get3A_1418, %get3A_1419] : memref<32x60x256xf32, #tpu.memory_space<vmem>>, vector<1x60x256xf32>
    %get3A_1421 = vector.shape_cast %get3A_1420 : vector<1x60x256xf32> to vector<60x256xf32>
    %swap3A_1422 = arith.constant 21 : index
    %swap3A_1423 = arith.constant 0 : index
    %swap3A_1424 = arith.constant 0 : index
    %swap3A_1425 = vector.load %arg6[%swap3A_1422, %swap3A_1423, %swap3A_1424] : memref<32x60x256xf32, #tpu.memory_space<vmem>>, vector<1x60x256xf32>
    %swap3A_1426 = vector.shape_cast %swap3A_1425 : vector<1x60x256xf32> to vector<60x256xf32>
    %swap3A_1427 = vector.shape_cast %get3A_1421 : vector<60x256xf32> to vector<1x60x256xf32>
    tpu.vector_store %arg6[%swap3A_1422, %swap3A_1423, %swap3A_1424], %swap3A_1427 {strides = array<i32>} : memref<32x60x256xf32, #tpu.memory_space<vmem>>, vector<1x60x256xf32>,
    %get3A_1428 = arith.constant 0 : index
    %get3A_1429 = arith.constant 0 : index
    %get3A_1430 = arith.constant 0 : index
    %get3A_1431 = vector.load %arg6[%get3A_1428, %get3A_1429, %get3A_1430] : memref<32x60x256xf32, #tpu.memory_space<vmem>>, vector<1x60x256xf32>
    %get3A_1432 = vector.shape_cast %get3A_1431 : vector<1x60x256xf32> to vector<60x256xf32>
    %swap3A_1433 = arith.constant 22 : index
    %swap3A_1434 = arith.constant 0 : index
    %swap3A_1435 = arith.constant 0 : index
    %swap3A_1436 = vector.load %arg6[%swap3A_1433, %swap3A_1434, %swap3A_1435] : memref<32x60x256xf32, #tpu.memory_space<vmem>>, vector<1x60x256xf32>
    %swap3A_1437 = vector.shape_cast %swap3A_1436 : vector<1x60x256xf32> to vector<60x256xf32>
    %swap3A_1438 = vector.shape_cast %get3A_1432 : vector<60x256xf32> to vector<1x60x256xf32>
    tpu.vector_store %arg6[%swap3A_1433, %swap3A_1434, %swap3A_1435], %swap3A_1438 {strides = array<i32>} : memref<32x60x256xf32, #tpu.memory_space<vmem>>, vector<1x60x256xf32>,
    %get3A_1439 = arith.constant 0 : index
    %get3A_1440 = arith.constant 0 : index
    %get3A_1441 = arith.constant 0 : index
    %get3A_1442 = vector.load %arg6[%get3A_1439, %get3A_1440, %get3A_1441] : memref<32x60x256xf32, #tpu.memory_space<vmem>>, vector<1x60x256xf32>
    %get3A_1443 = vector.shape_cast %get3A_1442 : vector<1x60x256xf32> to vector<60x256xf32>
    %swap3A_1444 = arith.constant 23 : index
    %swap3A_1445 = arith.constant 0 : index
    %swap3A_1446 = arith.constant 0 : index
    %swap3A_1447 = vector.load %arg6[%swap3A_1444, %swap3A_1445, %swap3A_1446] : memref<32x60x256xf32, #tpu.memory_space<vmem>>, vector<1x60x256xf32>
    %swap3A_1448 = vector.shape_cast %swap3A_1447 : vector<1x60x256xf32> to vector<60x256xf32>
    %swap3A_1449 = vector.shape_cast %get3A_1443 : vector<60x256xf32> to vector<1x60x256xf32>
    tpu.vector_store %arg6[%swap3A_1444, %swap3A_1445, %swap3A_1446], %swap3A_1449 {strides = array<i32>} : memref<32x60x256xf32, #tpu.memory_space<vmem>>, vector<1x60x256xf32>,
    %get3A_1450 = arith.constant 0 : index
    %get3A_1451 = arith.constant 0 : index
    %get3A_1452 = arith.constant 0 : index
    %get3A_1453 = vector.load %arg6[%get3A_1450, %get3A_1451, %get3A_1452] : memref<32x60x256xf32, #tpu.memory_space<vmem>>, vector<1x60x256xf32>
    %get3A_1454 = vector.shape_cast %get3A_1453 : vector<1x60x256xf32> to vector<60x256xf32>
    %swap3A_1455 = arith.constant 24 : index
    %swap3A_1456 = arith.constant 0 : index
    %swap3A_1457 = arith.constant 0 : index
    %swap3A_1458 = vector.load %arg6[%swap3A_1455, %swap3A_1456, %swap3A_1457] : memref<32x60x256xf32, #tpu.memory_space<vmem>>, vector<1x60x256xf32>
    %swap3A_1459 = vector.shape_cast %swap3A_1458 : vector<1x60x256xf32> to vector<60x256xf32>
    %swap3A_1460 = vector.shape_cast %get3A_1454 : vector<60x256xf32> to vector<1x60x256xf32>
    tpu.vector_store %arg6[%swap3A_1455, %swap3A_1456, %swap3A_1457], %swap3A_1460 {strides = array<i32>} : memref<32x60x256xf32, #tpu.memory_space<vmem>>, vector<1x60x256xf32>,
    %get3A_1461 = arith.constant 0 : index
    %get3A_1462 = arith.constant 0 : index
    %get3A_1463 = arith.constant 0 : index
    %get3A_1464 = vector.load %arg6[%get3A_1461, %get3A_1462, %get3A_1463] : memref<32x60x256xf32, #tpu.memory_space<vmem>>, vector<1x60x256xf32>
    %get3A_1465 = vector.shape_cast %get3A_1464 : vector<1x60x256xf32> to vector<60x256xf32>
    %swap3A_1466 = arith.constant 25 : index
    %swap3A_1467 = arith.constant 0 : index
    %swap3A_1468 = arith.constant 0 : index
    %swap3A_1469 = vector.load %arg6[%swap3A_1466, %swap3A_1467, %swap3A_1468] : memref<32x60x256xf32, #tpu.memory_space<vmem>>, vector<1x60x256xf32>
    %swap3A_1470 = vector.shape_cast %swap3A_1469 : vector<1x60x256xf32> to vector<60x256xf32>
    %swap3A_1471 = vector.shape_cast %get3A_1465 : vector<60x256xf32> to vector<1x60x256xf32>
    tpu.vector_store %arg6[%swap3A_1466, %swap3A_1467, %swap3A_1468], %swap3A_1471 {strides = array<i32>} : memref<32x60x256xf32, #tpu.memory_space<vmem>>, vector<1x60x256xf32>,
    %get3A_1472 = arith.constant 0 : index
    %get3A_1473 = arith.constant 0 : index
    %get3A_1474 = arith.constant 0 : index
    %get3A_1475 = vector.load %arg6[%get3A_1472, %get3A_1473, %get3A_1474] : memref<32x60x256xf32, #tpu.memory_space<vmem>>, vector<1x60x256xf32>
    %get3A_1476 = vector.shape_cast %get3A_1475 : vector<1x60x256xf32> to vector<60x256xf32>
    %swap3A_1477 = arith.constant 26 : index
    %swap3A_1478 = arith.constant 0 : index
    %swap3A_1479 = arith.constant 0 : index
    %swap3A_1480 = vector.load %arg6[%swap3A_1477, %swap3A_1478, %swap3A_1479] : memref<32x60x256xf32, #tpu.memory_space<vmem>>, vector<1x60x256xf32>
    %swap3A_1481 = vector.shape_cast %swap3A_1480 : vector<1x60x256xf32> to vector<60x256xf32>
    %swap3A_1482 = vector.shape_cast %get3A_1476 : vector<60x256xf32> to vector<1x60x256xf32>
    tpu.vector_store %arg6[%swap3A_1477, %swap3A_1478, %swap3A_1479], %swap3A_1482 {strides = array<i32>} : memref<32x60x256xf32, #tpu.memory_space<vmem>>, vector<1x60x256xf32>,
    %get3A_1483 = arith.constant 0 : index
    %get3A_1484 = arith.constant 0 : index
    %get3A_1485 = arith.constant 0 : index
    %get3A_1486 = vector.load %arg6[%get3A_1483, %get3A_1484, %get3A_1485] : memref<32x60x256xf32, #tpu.memory_space<vmem>>, vector<1x60x256xf32>
    %get3A_1487 = vector.shape_cast %get3A_1486 : vector<1x60x256xf32> to vector<60x256xf32>
    %swap3A_1488 = arith.constant 27 : index
    %swap3A_1489 = arith.constant 0 : index
    %swap3A_1490 = arith.constant 0 : index
    %swap3A_1491 = vector.load %arg6[%swap3A_1488, %swap3A_1489, %swap3A_1490] : memref<32x60x256xf32, #tpu.memory_space<vmem>>, vector<1x60x256xf32>
    %swap3A_1492 = vector.shape_cast %swap3A_1491 : vector<1x60x256xf32> to vector<60x256xf32>
    %swap3A_1493 = vector.shape_cast %get3A_1487 : vector<60x256xf32> to vector<1x60x256xf32>
    tpu.vector_store %arg6[%swap3A_1488, %swap3A_1489, %swap3A_1490], %swap3A_1493 {strides = array<i32>} : memref<32x60x256xf32, #tpu.memory_space<vmem>>, vector<1x60x256xf32>,
    %get3A_1494 = arith.constant 0 : index
    %get3A_1495 = arith.constant 0 : index
    %get3A_1496 = arith.constant 0 : index
    %get3A_1497 = vector.load %arg6[%get3A_1494, %get3A_1495, %get3A_1496] : memref<32x60x256xf32, #tpu.memory_space<vmem>>, vector<1x60x256xf32>
    %get3A_1498 = vector.shape_cast %get3A_1497 : vector<1x60x256xf32> to vector<60x256xf32>
    %swap3A_1499 = arith.constant 28 : index
    %swap3A_1500 = arith.constant 0 : index
    %swap3A_1501 = arith.constant 0 : index
    %swap3A_1502 = vector.load %arg6[%swap3A_1499, %swap3A_1500, %swap3A_1501] : memref<32x60x256xf32, #tpu.memory_space<vmem>>, vector<1x60x256xf32>
    %swap3A_1503 = vector.shape_cast %swap3A_1502 : vector<1x60x256xf32> to vector<60x256xf32>
    %swap3A_1504 = vector.shape_cast %get3A_1498 : vector<60x256xf32> to vector<1x60x256xf32>
    tpu.vector_store %arg6[%swap3A_1499, %swap3A_1500, %swap3A_1501], %swap3A_1504 {strides = array<i32>} : memref<32x60x256xf32, #tpu.memory_space<vmem>>, vector<1x60x256xf32>,
    %get3A_1505 = arith.constant 0 : index
    %get3A_1506 = arith.constant 0 : index
    %get3A_1507 = arith.constant 0 : index
    %get3A_1508 = vector.load %arg6[%get3A_1505, %get3A_1506, %get3A_1507] : memref<32x60x256xf32, #tpu.memory_space<vmem>>, vector<1x60x256xf32>
    %get3A_1509 = vector.shape_cast %get3A_1508 : vector<1x60x256xf32> to vector<60x256xf32>
    %swap3A_1510 = arith.constant 29 : index
    %swap3A_1511 = arith.constant 0 : index
    %swap3A_1512 = arith.constant 0 : index
    %swap3A_1513 = vector.load %arg6[%swap3A_1510, %swap3A_1511, %swap3A_1512] : memref<32x60x256xf32, #tpu.memory_space<vmem>>, vector<1x60x256xf32>
    %swap3A_1514 = vector.shape_cast %swap3A_1513 : vector<1x60x256xf32> to vector<60x256xf32>
    %swap3A_1515 = vector.shape_cast %get3A_1509 : vector<60x256xf32> to vector<1x60x256xf32>
    tpu.vector_store %arg6[%swap3A_1510, %swap3A_1511, %swap3A_1512], %swap3A_1515 {strides = array<i32>} : memref<32x60x256xf32, #tpu.memory_space<vmem>>, vector<1x60x256xf32>,
    %get3A_1516 = arith.constant 0 : index
    %get3A_1517 = arith.constant 0 : index
    %get3A_1518 = arith.constant 0 : index
    %get3A_1519 = vector.load %arg6[%get3A_1516, %get3A_1517, %get3A_1518] : memref<32x60x256xf32, #tpu.memory_space<vmem>>, vector<1x60x256xf32>
    %get3A_1520 = vector.shape_cast %get3A_1519 : vector<1x60x256xf32> to vector<60x256xf32>
    %swap3A_1521 = arith.constant 30 : index
    %swap3A_1522 = arith.constant 0 : index
    %swap3A_1523 = arith.constant 0 : index
    %swap3A_1524 = vector.load %arg6[%swap3A_1521, %swap3A_1522, %swap3A_1523] : memref<32x60x256xf32, #tpu.memory_space<vmem>>, vector<1x60x256xf32>
    %swap3A_1525 = vector.shape_cast %swap3A_1524 : vector<1x60x256xf32> to vector<60x256xf32>
    %swap3A_1526 = vector.shape_cast %get3A_1520 : vector<60x256xf32> to vector<1x60x256xf32>
    tpu.vector_store %arg6[%swap3A_1521, %swap3A_1522, %swap3A_1523], %swap3A_1526 {strides = array<i32>} : memref<32x60x256xf32, #tpu.memory_space<vmem>>, vector<1x60x256xf32>,
    %get3A_1527 = arith.constant 0 : index
    %get3A_1528 = arith.constant 0 : index
    %get3A_1529 = arith.constant 0 : index
    %get3A_1530 = vector.load %arg6[%get3A_1527, %get3A_1528, %get3A_1529] : memref<32x60x256xf32, #tpu.memory_space<vmem>>, vector<1x60x256xf32>
    %get3A_1531 = vector.shape_cast %get3A_1530 : vector<1x60x256xf32> to vector<60x256xf32>
    %swap3A_1532 = arith.constant 31 : index
    %swap3A_1533 = arith.constant 0 : index
    %swap3A_1534 = arith.constant 0 : index
    %swap3A_1535 = vector.load %arg6[%swap3A_1532, %swap3A_1533, %swap3A_1534] : memref<32x60x256xf32, #tpu.memory_space<vmem>>, vector<1x60x256xf32>
    %swap3A_1536 = vector.shape_cast %swap3A_1535 : vector<1x60x256xf32> to vector<60x256xf32>
    %swap3A_1537 = vector.shape_cast %get3A_1531 : vector<60x256xf32> to vector<1x60x256xf32>
    tpu.vector_store %arg6[%swap3A_1532, %swap3A_1533, %swap3A_1534], %swap3A_1537 {strides = array<i32>} : memref<32x60x256xf32, #tpu.memory_space<vmem>>, vector<1x60x256xf32>,
    %get3A_1538 = arith.constant 0 : index
    %get3A_1539 = arith.constant 0 : index
    %get3A_1540 = vector.load %arg3[%get3A_1538, %get3A_1539] : memref<2000x80xi32, #tpu.memory_space<vmem>>, vector<2000x80xi32>
    %mul3A = arith.constant 6 : i32
    %mul3A_1541 = vector.broadcast %mul3A : i32 to vector<2000x80xi32>
    %mul3A_1542 = arith.muli %get3A_1540, %mul3A_1541 : vector<2000x80xi32>
    %get3A_1543 = arith.constant 0 : index
    %get3A_1544 = arith.constant 0 : index
    %get3A_1545 = vector.load %arg4[%get3A_1543, %get3A_1544] : memref<2000x80xi32, #tpu.memory_space<vmem>>, vector<2000x80xi32>
    %add3A_1546 = arith.addi %mul3A_1542, %get3A_1545 : vector<2000x80xi32>
    %mul3A_1547 = arith.constant 2 : i32
    %mul3A_1548 = vector.broadcast %mul3A_1547 : i32 to vector<2000x80xi32>
    %mul3A_1549 = arith.muli %add3A_1546, %mul3A_1548 : vector<2000x80xi32>
    %get3A_1550 = arith.constant 0 : index
    %get3A_1551 = arith.constant 0 : index
    %get3A_1552 = vector.load %arg5[%get3A_1550, %get3A_1551] : memref<2000x80xi32, #tpu.memory_space<vmem>>, vector<2000x80xi32>
    %add3A_1553 = arith.addi %mul3A_1549, %get3A_1552 : vector<2000x80xi32>
    %swap3A_1554 = arith.constant 0 : index
    %swap3A_1555 = arith.constant 0 : index
    %swap3A_1556 = vector.load %arg7[%swap3A_1554, %swap3A_1555] : memref<2000x80xi32, #tpu.memory_space<vmem>>, vector<2000x80xi32>
    tpu.vector_store %arg7[%swap3A_1554, %swap3A_1555], %add3A_1553 {strides = array<i32>} : memref<2000x80xi32, #tpu.memory_space<vmem>>, vector<2000x80xi32>,
    return
  }
}

</mosaic_0001>

<sc_bundles>
// kernel: kernel.4.cloned.1.call-start
scs
__scs_entry_jumppad:
0x0: {  	(pc) =	sbr.rel $0x88, $3  }
0x1: {  	(tag) =	ssettag $0x0;
	lr =	simm.s32 $0x1  }
0x2: {  	[smem:$0x3F9D] =	sst lr;
	_ =	strace $0xD0000000  }
0x3: {  	_ = 	snop  }
0x4: {  	_ = 	snop  }
0x5: {  	_ = 	snop  }
0x6: {  	_ = 	snop  }
0x7: {  	_ = 	snop  }
__scs_overlays_trampoline_lowered:
0x8: {  	[smem:$0x3FAC] =	sst s0  }
0x9: {  	[smem:$0x3FAD] =	sst s1  }
0xa: {  	[smem:$0x3FAE] =	sst s2  }
0xb: {  	[smem:$0x3FAF] =	sst s3  }
0xc: {  	[smem:$0x3FB0] =	sst s4  }
0xd: {  	[smem:$0x3FB1] =	sst s5  }
0xe: {  	[smem:$0x3FB2] =	sst s6  }
0xf: {  	[smem:$0x3FB3] =	sst s7  }
0x10: {  	[smem:$0x3FB4] =	sst s8  }
0x11: {  	[smem:$0x3FB5] =	sst s9;
	s0 =	simm.s32 @!p0 $0x0  }
0x12: {  	s1 =	sld [smem:$0x3F9B];
	s0 =	simm.s32 @p0 $0x1  }
0x13: {  	[smem:$0x3FB6] =	sst s0;
	s0 =	simm.s32 @!p1 $0x0  }
0x14: {  	s2 =	sld [smem:$0x3F9A];
	s0 =	simm.s32 @p1 $0x1  }
0x15: {  	[smem:$0x3FB7] =	sst s0;
	s0 =	simm.s32 @!p2 $0x0  }
0x16: {  	s3 =	sld [smem:$0x3FDB];
	s0 =	simm.s32 @p2 $0x1  }
0x17: {  	s4 =	simm.s32 $0x1BF5;
	[smem:$0x3FB9] =	sst s0  }
0x18: {  	s0 =	sld [smem:$0x3F9C];
	_ =	swait.ge [sflag:s4], $0x0  }
0x19: {  	s7 =	sld [smem:$0x3F9D]  }
0x1a: {  	s8 =	sadd.s32 $0xFFFFE003, lr  }
0x1b: {  	s9 =	sadd.s32 $0xFFFFFEF7, lr;
	s5 =	simm.s32 $0xFFFFFFFF;
	p2 =	slt.u32 s8, $0xFFFFF086  }
0x1c: {  	p1 =	slt.u32 s9, $0xF7A;
	s5 =	simm.s32 @!p2 $0x0  }
0x1d: {  	s5 =	simm.s32 @p1 $0x1;
	p0 =	seq.s32 s7, s2  }
0x1e: {  	s7 =	smul.u32 @!p0 $0xF7A, s2;
	p2 =	seq.s32 @!p0 s5, $0x0  }
0x1f: {  	s9 =	smul.u32 $0xF7A, s1;
	s8 =	simm.s32 @!p0 $0x1BF5;
	p2 =	por !p2, p0  }
0x20: {  	[sflag:s8] =	ssyncset.s32 @!p0 $0xFFFFF086;
	s6 =	sadd.s32 @!p0 s3, s7;
	s7 =	simm.s32 @!p0 $0x108  }
0x21: {  	s3 =	sadd.s32 s3, s9;
	s6 =	sadd.s32 @!p0 $0x88, s6;
	s7 =	simm.s32 @p2 $0x1082  }
0x22: {  	[simem:s7], [sflag:s8] =	dma.local @!p0 [hbm:s6], $0xF7A  }
0x23: {  	s9 =	sor.u32 $0xD0000000, s2;
	s6 =	simm.s32 $0x108;
	_ =	swait.ge @!p0 [sflag:s8], $0x0  }
0x24: {  	s3 =	sadd.s32 $0x88, s3;
	s6 =	simm.s32 @!p1 $0x1082;
	[sflag:s4] =	ssyncset.s32 $0xFFFFF086  }
0x25: {  	[simem:s6], [sflag:s4] =	dma.local [hbm:s3], $0xF7A  }
0x26: {  	[smem:$0x3F9D] =	sst s1;
	(tag) =	ssettag s2;
	_ =	strace s9  }
0x27: {  	s1 =	sld [smem:$0x3FAD]  }
0x28: {  	s2 =	sld [smem:$0x3FAE]  }
0x29: {  	s4 =	sld [smem:$0x3FB0]  }
0x2a: {  	p0 =	seq.s32 s5, $0x0;
	s5 =	sld [smem:$0x3FB1]  }
0x2b: {  	s6 =	sld [smem:$0x3FB2]  }
0x2c: {  	s7 =	sld [smem:$0x3FB3]  }
0x2d: {  	s3 =	simm.s32 $0x108;
	s8 =	sld [smem:$0x3FB4]  }
0x2e: {  	s3 =	simm.s32 @!p0 $0x1082;
	s9 =	sld [smem:$0x3FB5]  }
0x2f: {  	lr =	sadd.s32 s0, s3;
	s0 =	sld [smem:$0x3FAC]  }
0x30: {  	s3 =	sld [smem:$0x3FAF]  }
0x31: {  	[smem:$0x3FB8] =	sst s10  }
0x32: {  	s10 =	sld [smem:$0x3FB6];
	_ =	sdelay $0x3  }
0x33: {  	p0 =	seq.s32 s10, $0x1;
	s10 =	sld [smem:$0x3FB8];
	_ =	sdelay $0x3  }
0x34: {  	[smem:$0x3FB8] =	sst s10  }
0x35: {  	s10 =	sld [smem:$0x3FB7];
	_ =	sdelay $0x3  }
0x36: {  	p1 =	seq.s32 s10, $0x1;
	s10 =	sld [smem:$0x3FB8];
	_ =	sdelay $0x3  }
0x37: {  	[smem:$0x3FB8] =	sst s10  }
0x38: {  	s10 =	sld [smem:$0x3FB9]  }
0x39: {  	_ = 	snop;
	(pc) =	sbr.ind lr, $3  }
0x3a: {  	_ = 	snop  }
0x3b: {  	_ = 	snop  }
0x3c: {  	p2 =	seq.s32 s10, $0x1;
	s10 =	sld [smem:$0x3FB8]  }
0x3d: {  	_ =	shalt  }
0x3e: {  	_ =	shalt  }
0x3f: {  	_ =	shalt  }
0x40: {  	_ =	shalt  }
0x41: {  	_ =	shalt  }
0x42: {  	_ =	shalt  }
0x43: {  	_ =	shalt  }
0x44: {  	_ =	shalt  }
0x45: {  	_ =	shalt  }
0x46: {  	_ =	shalt  }
0x47: {  	_ =	shalt  }
0x48: {  	_ =	shalt  }
0x49: {  	_ =	shalt  }
0x4a: {  	_ =	shalt  }
0x4b: {  	_ =	shalt  }
0x4c: {  	_ =	shalt  }
0x4d: {  	_ =	shalt  }
0x4e: {  	_ =	shalt  }
0x4f: {  	_ =	shalt  }
0x50: {  	_ =	shalt  }
0x51: {  	_ =	shalt  }
0x52: {  	_ =	shalt  }
0x53: {  	_ =	shalt  }
0x54: {  	_ =	shalt  }
0x55: {  	_ =	shalt  }
0x56: {  	_ =	shalt  }
0x57: {  	_ =	shalt  }
0x58: {  	_ =	shalt  }
0x59: {  	_ =	shalt  }
0x5a: {  	_ =	shalt  }
0x5b: {  	_ =	shalt  }
0x5c: {  	_ =	shalt  }
0x5d: {  	_ =	shalt  }
0x5e: {  	_ =	shalt  }
0x5f: {  	_ =	shalt  }
0x60: {  	_ =	shalt  }
0x61: {  	_ =	shalt  }
0x62: {  	_ =	shalt  }
0x63: {  	_ =	shalt  }
0x64: {  	_ =	shalt  }
0x65: {  	_ =	shalt  }
0x66: {  	_ =	shalt  }
0x67: {  	_ =	shalt  }
0x68: {  	_ =	shalt  }
0x69: {  	_ =	shalt  }
0x6a: {  	_ =	shalt  }
0x6b: {  	_ =	shalt  }
0x6c: {  	_ =	shalt  }
0x6d: {  	_ =	shalt  }
0x6e: {  	_ =	shalt  }
0x6f: {  	_ =	shalt  }
0x70: {  	_ =	shalt  }
0x71: {  	_ =	shalt  }
0x72: {  	_ =	shalt  }
0x73: {  	_ =	shalt  }
0x74: {  	_ =	shalt  }
0x75: {  	_ =	shalt  }
0x76: {  	_ =	shalt  }
0x77: {  	_ =	shalt  }
0x78: {  	_ =	shalt  }
0x79: {  	_ =	shalt  }
0x7a: {  	_ =	shalt  }
0x7b: {  	_ =	shalt  }
0x7c: {  	_ =	shalt  }
0x7d: {  	_ =	shalt  }
0x7e: {  	_ =	shalt  }
0x7f: {  	_ =	shalt  }
0x80: {  	_ =	shalt  }
0x81: {  	_ =	shalt  }
0x82: {  	_ =	shalt  }
0x83: {  	_ =	shalt  }
0x84: {  	_ =	shalt  }
0x85: {  	_ =	shalt  }
0x86: {  	_ =	shalt  }
0x87: {  	_ =	shalt  }
.Lfunc_end0:
.L_simem_size_0:
called_computation_lowered:
.L_overlay_start_0:
0x88: {  	s2 =	sld [smem:$0x3FD9]  }
0x89: {  	s3 =	sld [smem:$0x3FFE];
	_ =	sdelay $0x1  }
0x8a: {  	s1 =	srdreg.scid  }
0x8b: {  	s0 =	sand.u32 $0x1, s1  }
0x8c: {  	s17 =	sshll.u32 s0, $0xA;
	s2 =	sadd.s32 s3, s2  }
0x8d: {  	s2 =	sadd.s32 s2, s17  }
0x8e: {  	[smem:$0x3FC4] =	sst s2  }
0x8f: {  	_ = 	snop  }
0x90: {  	s2 =	sld [smem:$0x3FD0];
	(tm) =	ssettm $0x1  }
0x91: {  	s18 =	sld [smem:$0x3FFB];
	_ =	sdelay $0x3  }
0x92: {  	_ =	strace s18  }
0x93: {  	s3 =	sld [smem:$0x3FFC];
	_ =	sdelay $0x3  }
0x94: {  	_ =	strace s3  }
0x95: {  	s3 =	sld [smem:$0x3FFD];
	_ =	sdelay $0x3  }
0x96: {  	_ =	strace s3  }
0x97: {  	_ =	strace $0x8FFFFFFF  }
0x98: {  	s19 =	sld [smem:$0x3FDB];
	_ =	sdelay $0x1  }
0x99: {  	s4 =	simm.s32 $_scs_section_size  }
0x9a: {  	s5 =	simm.s32 $_size__tile_overlayer_lowered;
	s6 =	simm.s32 $_tile_overlayer_lowered  }
0x9b: {  	s22 =	simm.s32 $0x1BFF;
	s21 =	sshll.u32 s6, $0x1;
	s3 =	sadd.s32 s4, s19  }
0x9c: {  	s7 =	simm.s32 $0x0;
	s20 =	sshll.u32 s5, $0x1;
	s5 =	sadd.s32 s21, s3  }
0x9d: {  	[timem:s7], [sflag:s22] =	dma.local [hbm:s5], s20  }
0x9e: {  	_ =	swait.ge [sflag:s22], s20  }
0x9f: {  	s4 =	ssub.s32 $0x0, s20;
	[sflag:s22] =	ssyncset.done $0x0  }
0xa0: {  	[sflag:s22] =	ssyncadd.s32 s4;
	_ =	sdelay $0x1  }
0xa1: {  	s23 =	simm.s32 $0x1B8B  }
0xa2: {  	_ =	swait.ge [sflag:s23], $0x1  }
0xa3: {  	[sflag:s23] =	ssyncset.done $0x0  }
0xa4: {  	s25 =	simm.s32 $0x1B8E;
	s24 =	sld [smem:$0x3FFE];
	[sflag:s23] =	ssyncadd.s32 $0xFFFFFFFF  }
0xa5: {  	s26 =	simm.s32 $execute0_lowered;
	[smem:$0x3FD2] =	sst s25  }
0xa6: {  	s5 =	sshll.u32 s26, $0x1;
	_ =	strace $0x80000046;
	[dreg:$0x1] =	wrdreg $0xFFFFFFFF  }
0xa7: {  	s28 =	simm.s32 $_size_execute0_lowered;
	s3 =	sadd.s32 s3, s5;
	[dreg:$0x0] =	wrdreg $0x0  }
0xa8: {  	s5 =	sshll.u32 s28, $0x1;
	[dreg:$0x2] =	wrdreg s3  }
0xa9: {  	[dreg:$0x3] =	wrdreg s5  }
0xaa: {  	[dreg:$0x4] =	wrdreg $0xC0  }
0xab: {  	_ =	task [dreg:s7], $0x5FFFF  }
0xac: {  	[dreg:$0x1] =	wrdreg $0xFFFFFFFF  }
0xad: {  	[dreg:$0x0] =	wrdreg $0x60  }
0xae: {  	[dreg:$0x2] =	wrdreg s24  }
0xaf: {  	[dreg:$0x3] =	wrdreg s2  }
0xb0: {  	[dreg:$0x4] =	wrdreg $0x9  }
0xb1: {  	_ =	task.clear_ibuf [dreg:s7], $0x5FFFF;
	_ =	strace $0x90000046  }
0xb2: {  	s29 =	simm.s32 $0x9;
	_ =	strace $0x80000048  }
0xb3: {  	_ =	swait.ge [sflag:s29], $0x1  }
0xb4: {  	[sflag:s29] =	ssyncadd.s32 $0xFFFFFFFF  }
0xb5: {  	_ =	strace $0x90000048  }
0xb6: {  	_ =	sfence  }
0xb7: {  	s30 =	sld [smem:$0x0];
	_ =	sdelay $0x2  }
0xb8: {  	s31 =	sshll.u32 s1, $0xD;
	s1 =	sshrl.u32 s1, $0x2  }
0xb9: {  	s3 =	sand.u32 $0x4000, s31;
	s1 =	sadd.s32 s1, s30  }
0xba: {  	s0 =	sor.u32 s3, s0;
	s1 =	sshll.u32 s1, $0x11  }
0xbb: {  	s0 =	sor.u32 s1, s0  }
0xbc: {  	s0 =	sadd.s32 $0x8F2B, s0  }
0xbd: {  	[sflag:s0] =	ssyncadd.remote.s32 $0x1  }
0xbe: {  	_ =	sfence.sel $0xFFFF  }
0xbf: {  	[dreg:$0x0] =	wrdreg $0xFFFFFFFF;
	(pc) =	sbr.abs _section_cstart, $3  }
0xc0: {  	[dreg:$0x1] =	wrdreg $0xFFFFFFFF  }
0xc1: {  	_ =	task.clear_ibuf [dreg:s7], $0x2FFFF;
	_ =	strace $0x9FFFFFFF  }
0xc2: {  	(tm) =	ssettm $0x7FFFFFFF  }
0xc3: {  	_ =	shalt  }
tec
execute0_lowered:
.L_overlay_start_1:
0x0: {  	(tag) =	ssettag $0x1  }
0x1: {  	s1 =	srdreg.scid  }
0x2: {  	s0 =	stileid.u32;
	s3 =	rddreg [dreg:$0x1];
	s4 =	simm.s32 $0x0  }
0x3: {  	s10 =	simm.s32 $0x15400;
	s11 =	simm.s32 $0x4;
	s12 =	simm.s32 $0x1400  }
0x4: {  	s13 =	simm.s32 $0x1C00;
	s14 =	simm.s32 $0x2400;
	s15 =	simm.s32 $0x2C00  }
0x5: {  	s16 =	simm.s32 $0x3400;
	s17 =	simm.s32 $0x3C00;
	s18 =	simm.s32 $0x4400  }
0x6: {  	s19 =	simm.s32 $0x4C00;
	s21 =	simm.s32 $0x5C00;
	s22 =	simm.s32 $0x1  }
0x7: {  	s23 =	simm.s32 $0x2;
	s1 =	sand.u32 $0x1, s1;
	s2 =	sshll.u32 s0, $0x1  }
0x8: {  	s24 =	simm.s32 $0x3;
	s25 =	simm.s32 $0x0;
	s9 =	sor.u32 s1, s2  }
0x9: {  	[smem:$0x7FF] =	sst s4;
	p0 =	slt.u32 s0, $0x8;
	s5 =	smul.u32 $0x3E, s9  }
0xa: {  	s1 =	ssub.s32 $0x2, s1;
	s6 =	smin.u32 s9, $0x10;
	s20 =	smul.u32 $0x3C, s9  }
.Ltmp0:
0xb: {  	s31 =	sshrl.u32 s1, $0x1;
	s5 =	sadd.s32 s6, s5;
	(pc) =	sbr.rel .LBB2_1-.Ltmp0, $4  }
0xc: {  	s2 =	rddreg [dreg:$0x0];
	s1 =	ssub.s32 s1, s31;
	s7 =	smul.u32 $0xA, s5  }
0xd: {  	v3 =	vlaneseq.u32;
	_ =	strace $0x80000047;
	s6 =	sadd.s32 $0x14000, s2;
	s9 =	smax.u32 s1, $0x1  }
0xe: {  	vm0 =	vmmov $0xffff;
	v2 =	vshrl.u32 v3, $0x3;
	v0 =	vmov s20;
	s20 =	simm.s32 $0x5400;
	s8 =	sadd.s32 s7, s2;
	s7 =	simm.s32 $0x3F  }
0xf: {  	v1 =	vand.u32 $0x7, v3;
	v3 =	vor.u32 $0x8, v3;
	v2 =	vmul.u32 $0x8, v2;
	s7 =	simm.s32 @!p0 $0x3E;
	s8 =	sadd.s32 $0xF000, s8;
	p0 =	sgt.u32 s0, $0x7  }
.LBB2_15:
0x10: {  	_ =	swait.ge [sflag:s23], $0x5000  }
0x11: {  	[sflag:s23] =	ssyncset.done $0x0  }
0x12: {  	s25 =	sadd.s32 $0x1, s25;
	[sflag:s23] =	ssyncadd.s32 $0xFFFFB000  }
0x13: {  	p1 =	sne.s32 s25, s9;
	_ =	swait.ge [sflag:s24], $0x5000  }
.Ltmp1:
0x14: {  	[sflag:s24] =	ssyncset.done $0x0;
	(pc) =	sbr.rel @!p1 .LBB2_16-.Ltmp1, $4  }
0x15: {  	[sflag:s24] =	ssyncadd.s32 $0xFFFFB000  }
0x16: {  	_ =	swait.ge [sflag:s24], $0x5000  }
0x17: {  	[sflag:s24] =	ssyncset.done $0x0  }
0x18: {  	[sflag:s24] =	ssyncadd.s32 $0xFFFFB000  }
.LBB2_1:
0x19: {  	[tilespmem:s10], [sflag:$0x4] =	stream.linear.gather [hbm4b:s6+s4], $0x3C00, $0x38;
	[tilespmem:$0x19000] =	vst v63  }
0x1a: {  	_ =	swait.ge [sflag:s11], $0x3C00  }
0x1b: {  	[sflag:s11] =	ssyncset.done $0x0  }
0x1c: {  	s1 =	simm.s32 @p0 $0x0;
	[sflag:s11] =	ssyncadd.s32 $0xFFFFC400  }
0x1d: {  	[tilespmem:s1], [sflag:$0x4] =	stream.linear.gather @p0 [hbm4b:s8+s1], $0x1360, $0x38;
	[tilespmem:$0x19000] =	vst v63  }
0x1e: {  	s1 =	simm.s32 @p0 $0x4  }
0x1f: {  	_ =	swait.ge @p0 [sflag:s1], $0x1360  }
0x20: {  	[sflag:s1] =	ssyncset.done @p0 $0x0  }
0x21: {  	[sflag:s1] =	ssyncadd.s32 @p0 $0xFFFFECA0;
	s1 =	simm.s32 @!p0 $0x0  }
0x22: {  	[tilespmem:s1], [sflag:$0x4] =	stream.linear.gather @!p0 [hbm4b:s8+s1], $0x13B0, $0x38;
	[tilespmem:$0x19000] =	vst v63  }
0x23: {  	s1 =	simm.s32 @!p0 $0x4  }
0x24: {  	_ =	swait.ge @!p0 [sflag:s1], $0x13B0  }
0x25: {  	[sflag:s1] =	ssyncset.done @!p0 $0x0  }
0x26: {  	s26 =	simm.s32 $0x20;
	[sflag:s1] =	ssyncadd.s32 @!p0 $0xFFFFEC50  }
0x27: {  	v4 =	vld [tilespmem:s26+$0xFFFFFFE0]  }
0x28: {  	v6 =	vld [tilespmem:s26+$0x0]  }
0x29: {  	v5 =	vld [tilespmem:s26+$0x10]  }
0x2a: {  	v7 =	vld [tilespmem:s26+$0xFFFFFFF0];
	_ =	sdelay $0x1  }
0x2b: {  	s1 =	simm.s32 $0x60;
	v8 =	vadd.s32 v0, v4  }
0x2c: {  	v4 =	vld [tilespmem:s1+$0xFFFFFFE0];
	v9 =	vadd.s32 v0, v6;
	[tilespmem:s26+$0xFFFFFFE0] =	vst v8  }
0x2d: {  	v6 =	vld [tilespmem:s1+$0x0];
	v8 =	vadd.s32 v0, v5;
	[tilespmem:s26+$0x0] =	vst v9  }
0x2e: {  	s28 =	simm.s32 $0x4;
	v7 =	vadd.s32 v0, v7;
	v5 =	vld [tilespmem:s1+$0x10];
	[tilespmem:s26+$0x10] =	vst v8  }
.LBB2_2:
0x2f: {  	s28 =	sadd.s32 $0x4, s28  }
0x30: {  	v8 =	vld [tilespmem:s1+$0xFFFFFFF0];
	[tilespmem:s26+$0xFFFFFFF0] =	vst v7;
	s26 =	smov.u32 s1;
	p1 =	slt.u32 s28, $0x134  }
.Ltmp2:
0x31: {  	(pc) =	sbr.rel @p1 .LBB2_2-.Ltmp2, $4  }
0x32: {  	s1 =	sadd.s32 $0x40, s1;
	v7 =	vadd.s32 v0, v4  }
0x33: {  	v4 =	vld [tilespmem:s1+$0xFFFFFFE0];
	[tilespmem:s26+$0xFFFFFFE0] =	vst v7;
	v7 =	vadd.s32 v0, v5  }
0x34: {  	v5 =	vld [tilespmem:s1+$0x10];
	v9 =	vadd.s32 v0, v6;
	[tilespmem:s26+$0x10] =	vst v7  }
0x35: {  	v6 =	vld [tilespmem:s1+$0x0];
	v7 =	vadd.s32 v0, v8;
	[tilespmem:s26+$0x0] =	vst v9  }
0x36: {  	v8 =	vld [tilespmem:s1+$0xFFFFFFF0];
	_ =	sdelay $0x1  }
0x37: {  	[tilespmem:s26+$0xFFFFFFF0] =	vst v7;
	v4 =	vadd.s32 v0, v4  }
0x38: {  	[tilespmem:s1+$0xFFFFFFE0] =	vst v4;
	v4 =	vadd.s32 v0, v5  }
0x39: {  	v5 =	vadd.s32 v0, v6;
	[tilespmem:s1+$0x10] =	vst v4  }
0x3a: {  	v4 =	vadd.s32 v0, v8;
	[tilespmem:s1+$0x0] =	vst v5  }
0x3b: {  	[tilespmem:s1+$0xFFFFFFF0] =	vst v4;
	s1 =	simm.s32 $0x0  }
.LBB2_4:
0x3c: {  	s26 =	sshra.s32 s1, $0x2  }
0x3d: {  	v4 =	vld [tilespmem:s26+$0x1380]  }
0x3e: {  	p1 =	sne.s32 s1, $0x80  }
.Ltmp3:
0x3f: {  	_ = 	snop;
	(pc) =	sbr.rel @p1 .LBB2_4-.Ltmp3, $3  }
0x40: {  	_ =	sdelay $0x1  }
0x41: {  	v4 =	vadd.s32 v0, v4  }
0x42: {  	s1 =	sadd.s32 $0x40, s1;
	[tilespmem:s26+$0x1380] =	vst v4  }
0x43: {  	v4 =	vld [tilespmem:$0x0];
	_ =	sdelay $0x4  }
0x44: {  	v5 =	vshll.u32 v4, $0x1  }
0x45: {  	v4 =	vand.u32 $0x7, v4;
	v5 =	vand.u32 $0xFFFFFFF0, v5  }
0x46: {  	v4 =	vor.u32 v4, v5  }
0x47: {  	v5 =	vperm.xlane v4, v1;
	_ =	sdelay $0x1  }
0x48: {  	v4 =	vperm.xlane v4, v3;
	v5 =	vadd.s32 v2, v5;
	_ =	sdelay $0x1  }
0x49: {  	v4 =	vadd.s32 v2, v4;
	_ =	sdelay $0x1  }
0x4a: {  	s26 =	simm.s32 $0x0  }
0x4b: {  	[tilespmem:s12], [sflag:$0x1] =	stream.indirect_vreg.gather [hbm4b:s2+s26], $0x80, v5, vm0, $0xb8;
	[tilespmem:$0x19000] =	vst v63  }
0x4c: {  	_ = 	snop  }
0x4d: {  	[tilespmem:s13], [sflag:$0x1] =	stream.indirect_vreg.gather [hbm4b:s2+s26], $0x80, v4, vm0, $0xb8;
	[tilespmem:$0x19000] =	vst v63  }
0x4e: {  	v4 =	vld [tilespmem:$0x10];
	_ =	sdelay $0x4  }
0x4f: {  	v5 =	vshll.u32 v4, $0x1  }
0x50: {  	v4 =	vand.u32 $0x7, v4;
	v5 =	vand.u32 $0xFFFFFFF0, v5  }
0x51: {  	v4 =	vor.u32 v4, v5  }
0x52: {  	v5 =	vperm.xlane v4, v1;
	_ =	sdelay $0x1  }
0x53: {  	v4 =	vperm.xlane v4, v3;
	v5 =	vadd.s32 v2, v5;
	_ =	sdelay $0x1  }
0x54: {  	v4 =	vadd.s32 v2, v4;
	_ =	sdelay $0x2  }
0x55: {  	[tilespmem:s14], [sflag:$0x1] =	stream.indirect_vreg.gather [hbm4b:s2+s26], $0x80, v5, vm0, $0xb8;
	[tilespmem:$0x19000] =	vst v63  }
0x56: {  	_ = 	snop  }
0x57: {  	[tilespmem:s15], [sflag:$0x1] =	stream.indirect_vreg.gather [hbm4b:s2+s26], $0x80, v4, vm0, $0xb8;
	[tilespmem:$0x19000] =	vst v63  }
0x58: {  	v4 =	vld [tilespmem:$0x20];
	_ =	sdelay $0x4  }
0x59: {  	v5 =	vshll.u32 v4, $0x1  }
0x5a: {  	v4 =	vand.u32 $0x7, v4;
	v5 =	vand.u32 $0xFFFFFFF0, v5  }
0x5b: {  	v4 =	vor.u32 v4, v5  }
0x5c: {  	v5 =	vperm.xlane v4, v1;
	_ =	sdelay $0x1  }
0x5d: {  	v4 =	vperm.xlane v4, v3;
	v5 =	vadd.s32 v2, v5;
	_ =	sdelay $0x1  }
0x5e: {  	v4 =	vadd.s32 v2, v4;
	_ =	sdelay $0x2  }
0x5f: {  	[tilespmem:s16], [sflag:$0x1] =	stream.indirect_vreg.gather [hbm4b:s2+s26], $0x80, v5, vm0, $0xb8;
	[tilespmem:$0x19000] =	vst v63  }
0x60: {  	_ = 	snop  }
0x61: {  	[tilespmem:s17], [sflag:$0x1] =	stream.indirect_vreg.gather [hbm4b:s2+s26], $0x80, v4, vm0, $0xb8;
	[tilespmem:$0x19000] =	vst v63  }
0x62: {  	v4 =	vld [tilespmem:$0x30];
	_ =	sdelay $0x4  }
0x63: {  	v5 =	vshll.u32 v4, $0x1  }
0x64: {  	v4 =	vand.u32 $0x7, v4;
	v5 =	vand.u32 $0xFFFFFFF0, v5  }
0x65: {  	v4 =	vor.u32 v4, v5  }
0x66: {  	v5 =	vperm.xlane v4, v1;
	_ =	sdelay $0x1  }
0x67: {  	v4 =	vperm.xlane v4, v3;
	v5 =	vadd.s32 v2, v5;
	_ =	sdelay $0x1  }
0x68: {  	v4 =	vadd.s32 v2, v4;
	_ =	sdelay $0x2  }
0x69: {  	[tilespmem:s18], [sflag:$0x1] =	stream.indirect_vreg.gather [hbm4b:s2+s26], $0x80, v5, vm0, $0xb8;
	[tilespmem:$0x19000] =	vst v63  }
0x6a: {  	_ = 	snop  }
0x6b: {  	[tilespmem:s19], [sflag:$0x1] =	stream.indirect_vreg.gather [hbm4b:s2+s26], $0x80, v4, vm0, $0xb8;
	[tilespmem:$0x19000] =	vst v63  }
0x6c: {  	v4 =	vld [tilespmem:$0x40];
	_ =	sdelay $0x4  }
0x6d: {  	v5 =	vshll.u32 v4, $0x1  }
0x6e: {  	v4 =	vand.u32 $0x7, v4;
	v5 =	vand.u32 $0xFFFFFFF0, v5  }
0x6f: {  	v4 =	vor.u32 v4, v5  }
0x70: {  	v5 =	vperm.xlane v4, v1;
	_ =	sdelay $0x1  }
0x71: {  	v4 =	vperm.xlane v4, v3;
	v5 =	vadd.s32 v2, v5;
	_ =	sdelay $0x1  }
0x72: {  	v4 =	vadd.s32 v2, v4  }
.Ltmp4:
0x73: {  	_ = 	snop;
	(pc) =	sbr.rel .LBB2_6-.Ltmp4, $4  }
0x74: {  	_ = 	snop  }
0x75: {  	[tilespmem:s20], [sflag:$0x1] =	stream.indirect_vreg.gather [hbm4b:s2+s26], $0x80, v5, vm0, $0xb8;
	[tilespmem:$0x19000] =	vst v63  }
0x76: {  	_ = 	snop  }
0x77: {  	[tilespmem:s21], [sflag:$0x1] =	stream.indirect_vreg.gather [hbm4b:s2+s26], $0x80, v4, vm0, $0xb8;
	[tilespmem:$0x19000] =	vst v63  }
.LBB2_14:
0x78: {  	s26 =	sadd.s32 $0x1, s26  }
0x79: {  	p1 =	sne.s32 s26, $0x20  }
.Ltmp5:
0x7a: {  	_ = 	snop;
	(pc) =	sbr.rel @!p1 .LBB2_15-.Ltmp5, $1  }
0x7b: {  	_ =	sdelay $0x3  }
.LBB2_6:
0x7c: {  	s1 =	sshll.u32 s26, $0x1  }
0x7d: {  	p1 =	sge.u32 s1, s7  }
.Ltmp6:
0x7e: {  	_ = 	snop;
	(pc) =	sbr.rel @p1 .LBB2_10-.Ltmp6, $2  }
0x7f: {  	_ =	sdelay $0x2  }
0x80: {  	s28 =	sand.u32 $0x1, s26  }
0x81: {  	s29 =	sadd.s32 $0x2, s1  }
0x82: {  	_ =	swait.ge [sflag:s22], $0x5000;
	p2 =	sge.u32 s29, s7  }
.Ltmp7:
0x83: {  	p1 =	seq.s32 s26, $0x0;
	[sflag:s22] =	ssyncset.done $0x0;
	(pc) =	sbr.rel @p2 .LBB2_9-.Ltmp7, $4  }
0x84: {  	s30 =	simm.s32 @!p1 $0x2;
	[sflag:s22] =	ssyncadd.s32 $0xFFFFB000  }
0x85: {  	_ =	swait.ge @!p1 [sflag:s30], $0x5000  }
0x86: {  	[sflag:s30] =	ssyncset.done @!p1 $0x0  }
0x87: {  	[sflag:s30] =	ssyncadd.s32 @!p1 $0xFFFFB000  }
0x88: {  	s29 =	smul.u32 $0x140, s29;
	_ =	sdelay $0x1  }
0x89: {  	s29 =	sshra.s32 s29, $0x2  }
0x8a: {  	v4 =	vld [tilespmem:s29+$0x0];
	_ =	sdelay $0x4  }
0x8b: {  	v5 =	vshll.u32 v4, $0x1  }
0x8c: {  	v4 =	vand.u32 $0x7, v4;
	v5 =	vand.u32 $0xFFFFFFF0, v5  }
0x8d: {  	v4 =	vor.u32 v4, v5  }
0x8e: {  	v5 =	vperm.xlane v4, v1;
	_ =	sdelay $0x1  }
0x8f: {  	s30 =	sxor.u32 $0x1, s28;
	v4 =	vperm.xlane v4, v3;
	v5 =	vadd.s32 v2, v5  }
0x90: {  	s30 =	smul.u32 $0x14000, s30  }
0x91: {  	v4 =	vadd.s32 v2, v4  }
0x92: {  	s30 =	sshrl.u32 s30, $0x2  }
0x93: {  	s31 =	sadd.s32 $0x1400, s30  }
0x94: {  	[tilespmem:s31], [sflag:$0x1] =	stream.indirect_vreg.gather [hbm4b:s2+s4], $0x80, v5, vm0, $0xb8;
	[tilespmem:$0x19000] =	vst v63  }
0x95: {  	s0 =	sadd.s32 $0x1C00, s30  }
0x96: {  	[tilespmem:s0], [sflag:$0x1] =	stream.indirect_vreg.gather [hbm4b:s2+s4], $0x80, v4, vm0, $0xb8;
	[tilespmem:$0x19000] =	vst v63  }
0x97: {  	v4 =	vld [tilespmem:s29+$0x10];
	_ =	sdelay $0x4  }
0x98: {  	v5 =	vshll.u32 v4, $0x1  }
0x99: {  	v4 =	vand.u32 $0x7, v4;
	v5 =	vand.u32 $0xFFFFFFF0, v5  }
0x9a: {  	v4 =	vor.u32 v4, v5  }
0x9b: {  	v5 =	vperm.xlane v4, v1;
	_ =	sdelay $0x1  }
0x9c: {  	v4 =	vperm.xlane v4, v3;
	v5 =	vadd.s32 v2, v5;
	_ =	sdelay $0x1  }
0x9d: {  	v4 =	vadd.s32 v2, v4;
	_ =	sdelay $0x1  }
0x9e: {  	s0 =	sadd.s32 $0x2400, s30  }
0x9f: {  	[tilespmem:s0], [sflag:$0x1] =	stream.indirect_vreg.gather [hbm4b:s2+s4], $0x80, v5, vm0, $0xb8;
	[tilespmem:$0x19000] =	vst v63  }
0xa0: {  	s0 =	sadd.s32 $0x2C00, s30  }
0xa1: {  	[tilespmem:s0], [sflag:$0x1] =	stream.indirect_vreg.gather [hbm4b:s2+s4], $0x80, v4, vm0, $0xb8;
	[tilespmem:$0x19000] =	vst v63  }
0xa2: {  	v4 =	vld [tilespmem:s29+$0x20];
	_ =	sdelay $0x4  }
0xa3: {  	v5 =	vshll.u32 v4, $0x1  }
0xa4: {  	v4 =	vand.u32 $0x7, v4;
	v5 =	vand.u32 $0xFFFFFFF0, v5  }
0xa5: {  	v4 =	vor.u32 v4, v5  }
0xa6: {  	v5 =	vperm.xlane v4, v1;
	_ =	sdelay $0x1  }
0xa7: {  	v4 =	vperm.xlane v4, v3;
	v5 =	vadd.s32 v2, v5;
	_ =	sdelay $0x1  }
0xa8: {  	v4 =	vadd.s32 v2, v4;
	_ =	sdelay $0x1  }
0xa9: {  	s0 =	sadd.s32 $0x3400, s30  }
0xaa: {  	[tilespmem:s0], [sflag:$0x1] =	stream.indirect_vreg.gather [hbm4b:s2+s4], $0x80, v5, vm0, $0xb8;
	[tilespmem:$0x19000] =	vst v63  }
0xab: {  	s0 =	sadd.s32 $0x3C00, s30  }
0xac: {  	[tilespmem:s0], [sflag:$0x1] =	stream.indirect_vreg.gather [hbm4b:s2+s4], $0x80, v4, vm0, $0xb8;
	[tilespmem:$0x19000] =	vst v63  }
0xad: {  	v4 =	vld [tilespmem:s29+$0x30];
	_ =	sdelay $0x4  }
0xae: {  	v5 =	vshll.u32 v4, $0x1  }
0xaf: {  	v4 =	vand.u32 $0x7, v4;
	v5 =	vand.u32 $0xFFFFFFF0, v5  }
0xb0: {  	v4 =	vor.u32 v4, v5  }
0xb1: {  	v5 =	vperm.xlane v4, v1;
	_ =	sdelay $0x1  }
0xb2: {  	v4 =	vperm.xlane v4, v3;
	v5 =	vadd.s32 v2, v5;
	_ =	sdelay $0x1  }
0xb3: {  	v4 =	vadd.s32 v2, v4;
	_ =	sdelay $0x1  }
0xb4: {  	s0 =	sadd.s32 $0x4400, s30  }
0xb5: {  	[tilespmem:s0], [sflag:$0x1] =	stream.indirect_vreg.gather [hbm4b:s2+s4], $0x80, v5, vm0, $0xb8;
	[tilespmem:$0x19000] =	vst v63  }
0xb6: {  	s0 =	sadd.s32 $0x4C00, s30  }
0xb7: {  	[tilespmem:s0], [sflag:$0x1] =	stream.indirect_vreg.gather [hbm4b:s2+s4], $0x80, v4, vm0, $0xb8;
	[tilespmem:$0x19000] =	vst v63  }
0xb8: {  	v4 =	vld [tilespmem:s29+$0x40];
	_ =	sdelay $0x4  }
0xb9: {  	v5 =	vshll.u32 v4, $0x1  }
0xba: {  	v4 =	vand.u32 $0x7, v4;
	v5 =	vand.u32 $0xFFFFFFF0, v5  }
0xbb: {  	v4 =	vor.u32 v4, v5  }
0xbc: {  	v5 =	vperm.xlane v4, v1;
	_ =	sdelay $0x1  }
0xbd: {  	v4 =	vperm.xlane v4, v3;
	v5 =	vadd.s32 v2, v5;
	_ =	sdelay $0x1  }
0xbe: {  	v4 =	vadd.s32 v2, v4;
	_ =	sdelay $0x1  }
0xbf: {  	s0 =	sadd.s32 $0x5400, s30  }
0xc0: {  	[tilespmem:s0], [sflag:$0x1] =	stream.indirect_vreg.gather [hbm4b:s2+s4], $0x80, v5, vm0, $0xb8;
	[tilespmem:$0x19000] =	vst v63  }
0xc1: {  	s31 =	sadd.s32 $0x5C00, s30  }
0xc2: {  	[tilespmem:s31], [sflag:$0x1] =	stream.indirect_vreg.gather [hbm4b:s2+s4], $0x80, v4, vm0, $0xb8;
	[tilespmem:$0x19000] =	vst v63  }
.LBB2_9:
0xc3: {  	s29 =	smul.u32 $0x14000, s28;
	s1 =	sadd.s32 s5, s1  }
0xc4: {  	s1 =	smul.u32 $0xA00, s1  }
0xc5: {  	s29 =	sshrl.u32 s29, $0x2  }
0xc6: {  	s29 =	sadd.s32 $0x1400, s29;
	s1 =	sadd.s32 s3, s1  }
0xc7: {  	[hbm4b:s1+s4] =	stream.linear.scatter [tilespmem:s29], [sflag:$0x2], $0x5000, $0x38;
	[tilespmem:$0x19000] =	vst v63  }
.LBB2_10:
0xc8: {  	s29 =	sshllo.u32 s26, $0x1  }
0xc9: {  	p1 =	sge.u32 s29, s7  }
.Ltmp8:
0xca: {  	_ = 	snop;
	(pc) =	sbr.rel @p1 .LBB2_14-.Ltmp8, $1  }
0xcb: {  	_ =	sdelay $0x3  }
0xcc: {  	s30 =	smul.u32 $0x140, s29;
	_ =	sdelay $0x1  }
0xcd: {  	p1 =	slt.u32 s26, $0x2;
	s0 =	sshra.s32 s30, $0x2  }
0xce: {  	s1 =	simm.s32 @!p1 $0x3;
	v4 =	vmov s0  }
0xcf: {  	_ =	swait.ge @!p1 [sflag:s1], $0x5000  }
0xd0: {  	[sflag:s1] =	ssyncset.done @!p1 $0x0  }
0xd1: {  	s31 =	simm.s32 $0x0;
	s30 =	smul.u32 $0x50, s28;
	[sflag:s1] =	ssyncadd.s32 @!p1 $0xFFFFB000  }
.LBB2_12:
0xd2: {  	s0 =	sshll.u32 s31, $0x4  }
0xd3: {  	v5 =	vld.idx.msk [tilespmem:v4+s0+$0x0 ss:$0x1], $0xffff;
	_ =	sdelay $0x4  }
0xd4: {  	v5 =	vsub.s32 v5, v0  }
0xd5: {  	v5 =	vshll.u32 v5, $0x8  }
0xd6: {  	(v2sf) =	vpush v5, $0x0;
	_ =	sdelay $0xe  }
0xd7: {  	s1 =	spop (v2sf)  }
0xd8: {  	v6 =	vld [tilespmem:s1+$0x15400]  }
0xd9: {  	v7 =	vld [tilespmem:s1+$0x15410]  }
0xda: {  	v8 =	vld [tilespmem:s1+$0x15420]  }
0xdb: {  	v9 =	vld [tilespmem:s1+$0x15430]  }
0xdc: {  	v10 =	vld [tilespmem:s1+$0x15440]  }
0xdd: {  	v11 =	vld [tilespmem:s1+$0x15450]  }
0xde: {  	v12 =	vld [tilespmem:s1+$0x15460]  }
0xdf: {  	v13 =	vld [tilespmem:s1+$0x15470]  }
0xe0: {  	v14 =	vld [tilespmem:s1+$0x15480]  }
0xe1: {  	v15 =	vld [tilespmem:s1+$0x15490]  }
0xe2: {  	v16 =	vld [tilespmem:s1+$0x154A0]  }
0xe3: {  	v17 =	vld [tilespmem:s1+$0x154B0]  }
0xe4: {  	v18 =	vld [tilespmem:s1+$0x154C0]  }
0xe5: {  	s0 =	sadd.s32 s30, s0;
	v19 =	vld [tilespmem:s1+$0x154D0]  }
0xe6: {  	s0 =	sshll.u32 s0, $0x8;
	v20 =	vld [tilespmem:s1+$0x154E0]  }
0xe7: {  	v21 =	vld [tilespmem:s1+$0x154F0];
	s1 =	sand.u32 $0x3FFFFF00, s0  }
0xe8: {  	(v2sf) =	vpush v5, $0x1;
	[tilespmem:s1+$0xB400] =	vst v6  }
0xe9: {  	[tilespmem:s1+$0xB410] =	vst v7  }
0xea: {  	[tilespmem:s1+$0xB420] =	vst v8  }
0xeb: {  	[tilespmem:s1+$0xB430] =	vst v9  }
0xec: {  	[tilespmem:s1+$0xB440] =	vst v10  }
0xed: {  	[tilespmem:s1+$0xB450] =	vst v11  }
0xee: {  	[tilespmem:s1+$0xB460] =	vst v12  }
0xef: {  	[tilespmem:s1+$0xB470] =	vst v13  }
0xf0: {  	[tilespmem:s1+$0xB800] =	vst v14  }
0xf1: {  	[tilespmem:s1+$0xB810] =	vst v15  }
0xf2: {  	[tilespmem:s1+$0xB820] =	vst v16  }
0xf3: {  	[tilespmem:s1+$0xB830] =	vst v17  }
0xf4: {  	[tilespmem:s1+$0xB840] =	vst v18  }
0xf5: {  	[tilespmem:s1+$0xB850] =	vst v19  }
0xf6: {  	[tilespmem:s1+$0xB860] =	vst v20  }
0xf7: {  	[tilespmem:s1+$0xB870] =	vst v21;
	s0 =	spop (v2sf)  }
0xf8: {  	v6 =	vld [tilespmem:s0+$0x15400]  }
0xf9: {  	v7 =	vld [tilespmem:s0+$0x15410]  }
0xfa: {  	v8 =	vld [tilespmem:s0+$0x15420]  }
0xfb: {  	v9 =	vld [tilespmem:s0+$0x15430]  }
0xfc: {  	v10 =	vld [tilespmem:s0+$0x15440]  }
0xfd: {  	v11 =	vld [tilespmem:s0+$0x15450]  }
0xfe: {  	v12 =	vld [tilespmem:s0+$0x15460]  }
0xff: {  	v13 =	vld [tilespmem:s0+$0x15470]  }
0x100: {  	v14 =	vld [tilespmem:s0+$0x15480]  }
0x101: {  	v57 =	vld [tilespmem:s0+$0x15490]  }
0x102: {  	v58 =	vld [tilespmem:s0+$0x154A0]  }
0x103: {  	v59 =	vld [tilespmem:s0+$0x154B0]  }
0x104: {  	v60 =	vld [tilespmem:s0+$0x154C0]  }
0x105: {  	v61 =	vld [tilespmem:s0+$0x154D0]  }
0x106: {  	v62 =	vld [tilespmem:s0+$0x154E0]  }
0x107: {  	v63 =	vld [tilespmem:s0+$0x154F0];
	(v2sf) =	vpush v5, $0x2;
	[tilespmem:s1+$0xB480] =	vst v6  }
0x108: {  	[tilespmem:s1+$0xB490] =	vst v7  }
0x109: {  	[tilespmem:s1+$0xB4A0] =	vst v8  }
0x10a: {  	[tilespmem:s1+$0xB4B0] =	vst v9  }
0x10b: {  	[tilespmem:s1+$0xB4C0] =	vst v10  }
0x10c: {  	[tilespmem:s1+$0xB4D0] =	vst v11  }
0x10d: {  	[tilespmem:s1+$0xB4E0] =	vst v12  }
0x10e: {  	[tilespmem:s1+$0xB4F0] =	vst v13  }
0x10f: {  	[tilespmem:s1+$0xB880] =	vst v14  }
0x110: {  	[tilespmem:s1+$0xB890] =	vst v57  }
0x111: {  	[tilespmem:s1+$0xB8A0] =	vst v58  }
0x112: {  	[tilespmem:s1+$0xB8B0] =	vst v59  }
0x113: {  	[tilespmem:s1+$0xB8C0] =	vst v60  }
0x114: {  	[tilespmem:s1+$0xB8D0] =	vst v61  }
0x115: {  	[tilespmem:s1+$0xB8E0] =	vst v62  }
0x116: {  	[tilespmem:s1+$0xB8F0] =	vst v63;
	s0 =	spop (v2sf)  }
0x117: {  	v6 =	vld [tilespmem:s0+$0x15400]  }
0x118: {  	v7 =	vld [tilespmem:s0+$0x15410]  }
0x119: {  	v8 =	vld [tilespmem:s0+$0x15420]  }
0x11a: {  	v9 =	vld [tilespmem:s0+$0x15430]  }
0x11b: {  	v10 =	vld [tilespmem:s0+$0x15440]  }
0x11c: {  	v11 =	vld [tilespmem:s0+$0x15450]  }
0x11d: {  	v12 =	vld [tilespmem:s0+$0x15460]  }
0x11e: {  	v13 =	vld [tilespmem:s0+$0x15470]  }
0x11f: {  	v14 =	vld [tilespmem:s0+$0x15480]  }
0x120: {  	v15 =	vld [tilespmem:s0+$0x15490]  }
0x121: {  	v16 =	vld [tilespmem:s0+$0x154A0]  }
0x122: {  	v17 =	vld [tilespmem:s0+$0x154B0]  }
0x123: {  	v18 =	vld [tilespmem:s0+$0x154C0]  }
0x124: {  	v19 =	vld [tilespmem:s0+$0x154D0]  }
0x125: {  	v20 =	vld [tilespmem:s0+$0x154E0]  }
0x126: {  	(v2sf) =	vpush v5, $0x3;
	v21 =	vld [tilespmem:s0+$0x154F0];
	[tilespmem:s1+$0xB500] =	vst v6  }
0x127: {  	[tilespmem:s1+$0xB510] =	vst v7  }
0x128: {  	[tilespmem:s1+$0xB520] =	vst v8  }
0x129: {  	[tilespmem:s1+$0xB530] =	vst v9  }
0x12a: {  	[tilespmem:s1+$0xB540] =	vst v10  }
0x12b: {  	[tilespmem:s1+$0xB550] =	vst v11  }
0x12c: {  	[tilespmem:s1+$0xB560] =	vst v12  }
0x12d: {  	[tilespmem:s1+$0xB570] =	vst v13  }
0x12e: {  	[tilespmem:s1+$0xB900] =	vst v14  }
0x12f: {  	[tilespmem:s1+$0xB910] =	vst v15  }
0x130: {  	[tilespmem:s1+$0xB920] =	vst v16  }
0x131: {  	[tilespmem:s1+$0xB930] =	vst v17  }
0x132: {  	[tilespmem:s1+$0xB940] =	vst v18  }
0x133: {  	[tilespmem:s1+$0xB950] =	vst v19  }
0x134: {  	[tilespmem:s1+$0xB960] =	vst v20  }
0x135: {  	[tilespmem:s1+$0xB970] =	vst v21;
	s0 =	spop (v2sf)  }
0x136: {  	v6 =	vld [tilespmem:s0+$0x15400]  }
0x137: {  	v7 =	vld [tilespmem:s0+$0x15410]  }
0x138: {  	v8 =	vld [tilespmem:s0+$0x15420]  }
0x139: {  	v9 =	vld [tilespmem:s0+$0x15430]  }
0x13a: {  	v10 =	vld [tilespmem:s0+$0x15440]  }
0x13b: {  	v11 =	vld [tilespmem:s0+$0x15450]  }
0x13c: {  	v12 =	vld [tilespmem:s0+$0x15460]  }
0x13d: {  	v13 =	vld [tilespmem:s0+$0x15470]  }
0x13e: {  	v14 =	vld [tilespmem:s0+$0x15480]  }
0x13f: {  	v15 =	vld [tilespmem:s0+$0x15490]  }
0x140: {  	v16 =	vld [tilespmem:s0+$0x154A0]  }
0x141: {  	v17 =	vld [tilespmem:s0+$0x154B0]  }
0x142: {  	v18 =	vld [tilespmem:s0+$0x154C0]  }
0x143: {  	v19 =	vld [tilespmem:s0+$0x154D0]  }
0x144: {  	v20 =	vld [tilespmem:s0+$0x154E0]  }
0x145: {  	(v2sf) =	vpush v5, $0x4;
	v21 =	vld [tilespmem:s0+$0x154F0];
	[tilespmem:s1+$0xB580] =	vst v6  }
0x146: {  	[tilespmem:s1+$0xB590] =	vst v7  }
0x147: {  	[tilespmem:s1+$0xB5A0] =	vst v8  }
0x148: {  	[tilespmem:s1+$0xB5B0] =	vst v9  }
0x149: {  	[tilespmem:s1+$0xB5C0] =	vst v10  }
0x14a: {  	[tilespmem:s1+$0xB5D0] =	vst v11  }
0x14b: {  	[tilespmem:s1+$0xB5E0] =	vst v12  }
0x14c: {  	[tilespmem:s1+$0xB5F0] =	vst v13  }
0x14d: {  	[tilespmem:s1+$0xB980] =	vst v14  }
0x14e: {  	[tilespmem:s1+$0xB990] =	vst v15  }
0x14f: {  	[tilespmem:s1+$0xB9A0] =	vst v16  }
0x150: {  	[tilespmem:s1+$0xB9B0] =	vst v17  }
0x151: {  	[tilespmem:s1+$0xB9C0] =	vst v18  }
0x152: {  	[tilespmem:s1+$0xB9D0] =	vst v19  }
0x153: {  	[tilespmem:s1+$0xB9E0] =	vst v20  }
0x154: {  	[tilespmem:s1+$0xB9F0] =	vst v21;
	s0 =	spop (v2sf)  }
0x155: {  	v6 =	vld [tilespmem:s0+$0x15400]  }
0x156: {  	v7 =	vld [tilespmem:s0+$0x15410]  }
0x157: {  	v8 =	vld [tilespmem:s0+$0x15420]  }
0x158: {  	v9 =	vld [tilespmem:s0+$0x15430]  }
0x159: {  	v10 =	vld [tilespmem:s0+$0x15440]  }
0x15a: {  	v11 =	vld [tilespmem:s0+$0x15450]  }
0x15b: {  	v12 =	vld [tilespmem:s0+$0x15460]  }
0x15c: {  	v13 =	vld [tilespmem:s0+$0x15470]  }
0x15d: {  	v14 =	vld [tilespmem:s0+$0x15480]  }
0x15e: {  	v15 =	vld [tilespmem:s0+$0x15490]  }
0x15f: {  	v16 =	vld [tilespmem:s0+$0x154A0]  }
0x160: {  	v17 =	vld [tilespmem:s0+$0x154B0]  }
0x161: {  	v18 =	vld [tilespmem:s0+$0x154C0]  }
0x162: {  	v19 =	vld [tilespmem:s0+$0x154D0]  }
0x163: {  	v20 =	vld [tilespmem:s0+$0x154E0]  }
0x164: {  	(v2sf) =	vpush v5, $0x5;
	v21 =	vld [tilespmem:s0+$0x154F0];
	[tilespmem:s1+$0xB600] =	vst v6  }
0x165: {  	[tilespmem:s1+$0xB610] =	vst v7  }
0x166: {  	[tilespmem:s1+$0xB620] =	vst v8  }
0x167: {  	[tilespmem:s1+$0xB630] =	vst v9  }
0x168: {  	[tilespmem:s1+$0xB640] =	vst v10  }
0x169: {  	[tilespmem:s1+$0xB650] =	vst v11  }
0x16a: {  	[tilespmem:s1+$0xB660] =	vst v12  }
0x16b: {  	[tilespmem:s1+$0xB670] =	vst v13  }
0x16c: {  	[tilespmem:s1+$0xBA00] =	vst v14  }
0x16d: {  	[tilespmem:s1+$0xBA10] =	vst v15  }
0x16e: {  	[tilespmem:s1+$0xBA20] =	vst v16  }
0x16f: {  	[tilespmem:s1+$0xBA30] =	vst v17  }
0x170: {  	[tilespmem:s1+$0xBA40] =	vst v18  }
0x171: {  	[tilespmem:s1+$0xBA50] =	vst v19  }
0x172: {  	[tilespmem:s1+$0xBA60] =	vst v20  }
0x173: {  	[tilespmem:s1+$0xBA70] =	vst v21;
	s0 =	spop (v2sf)  }
0x174: {  	v6 =	vld [tilespmem:s0+$0x15400]  }
0x175: {  	v7 =	vld [tilespmem:s0+$0x15410]  }
0x176: {  	v8 =	vld [tilespmem:s0+$0x15420]  }
0x177: {  	v9 =	vld [tilespmem:s0+$0x15430]  }
0x178: {  	v10 =	vld [tilespmem:s0+$0x15440]  }
0x179: {  	v11 =	vld [tilespmem:s0+$0x15450]  }
0x17a: {  	v12 =	vld [tilespmem:s0+$0x15460]  }
0x17b: {  	v13 =	vld [tilespmem:s0+$0x15470]  }
0x17c: {  	v14 =	vld [tilespmem:s0+$0x15480]  }
0x17d: {  	v15 =	vld [tilespmem:s0+$0x15490]  }
0x17e: {  	v16 =	vld [tilespmem:s0+$0x154A0]  }
0x17f: {  	v17 =	vld [tilespmem:s0+$0x154B0]  }
0x180: {  	v18 =	vld [tilespmem:s0+$0x154C0]  }
0x181: {  	v19 =	vld [tilespmem:s0+$0x154D0]  }
0x182: {  	v20 =	vld [tilespmem:s0+$0x154E0]  }
0x183: {  	(v2sf) =	vpush v5, $0x6;
	v21 =	vld [tilespmem:s0+$0x154F0];
	[tilespmem:s1+$0xB680] =	vst v6  }
0x184: {  	[tilespmem:s1+$0xB690] =	vst v7  }
0x185: {  	[tilespmem:s1+$0xB6A0] =	vst v8  }
0x186: {  	[tilespmem:s1+$0xB6B0] =	vst v9  }
0x187: {  	[tilespmem:s1+$0xB6C0] =	vst v10  }
0x188: {  	[tilespmem:s1+$0xB6D0] =	vst v11  }
0x189: {  	[tilespmem:s1+$0xB6E0] =	vst v12  }
0x18a: {  	[tilespmem:s1+$0xB6F0] =	vst v13  }
0x18b: {  	[tilespmem:s1+$0xBA80] =	vst v14  }
0x18c: {  	[tilespmem:s1+$0xBA90] =	vst v15  }
0x18d: {  	[tilespmem:s1+$0xBAA0] =	vst v16  }
0x18e: {  	[tilespmem:s1+$0xBAB0] =	vst v17  }
0x18f: {  	[tilespmem:s1+$0xBAC0] =	vst v18  }
0x190: {  	[tilespmem:s1+$0xBAD0] =	vst v19  }
0x191: {  	[tilespmem:s1+$0xBAE0] =	vst v20  }
0x192: {  	[tilespmem:s1+$0xBAF0] =	vst v21;
	s0 =	spop (v2sf)  }
0x193: {  	v6 =	vld [tilespmem:s0+$0x15400]  }
0x194: {  	v7 =	vld [tilespmem:s0+$0x15410]  }
0x195: {  	v8 =	vld [tilespmem:s0+$0x15420]  }
0x196: {  	v9 =	vld [tilespmem:s0+$0x15430]  }
0x197: {  	v10 =	vld [tilespmem:s0+$0x15440]  }
0x198: {  	v11 =	vld [tilespmem:s0+$0x15450]  }
0x199: {  	v12 =	vld [tilespmem:s0+$0x15460]  }
0x19a: {  	v13 =	vld [tilespmem:s0+$0x15470]  }
0x19b: {  	v14 =	vld [tilespmem:s0+$0x15480]  }
0x19c: {  	v15 =	vld [tilespmem:s0+$0x15490]  }
0x19d: {  	v16 =	vld [tilespmem:s0+$0x154A0]  }
0x19e: {  	v17 =	vld [tilespmem:s0+$0x154B0]  }
0x19f: {  	v18 =	vld [tilespmem:s0+$0x154C0]  }
0x1a0: {  	v19 =	vld [tilespmem:s0+$0x154D0]  }
0x1a1: {  	v20 =	vld [tilespmem:s0+$0x154E0]  }
0x1a2: {  	(v2sf) =	vpush v5, $0x7;
	v21 =	vld [tilespmem:s0+$0x154F0];
	[tilespmem:s1+$0xB700] =	vst v6  }
0x1a3: {  	[tilespmem:s1+$0xB710] =	vst v7  }
0x1a4: {  	[tilespmem:s1+$0xB720] =	vst v8  }
0x1a5: {  	[tilespmem:s1+$0xB730] =	vst v9  }
0x1a6: {  	[tilespmem:s1+$0xB740] =	vst v10  }
0x1a7: {  	[tilespmem:s1+$0xB750] =	vst v11  }
0x1a8: {  	[tilespmem:s1+$0xB760] =	vst v12  }
0x1a9: {  	[tilespmem:s1+$0xB770] =	vst v13  }
0x1aa: {  	[tilespmem:s1+$0xBB00] =	vst v14  }
0x1ab: {  	[tilespmem:s1+$0xBB10] =	vst v15  }
0x1ac: {  	[tilespmem:s1+$0xBB20] =	vst v16  }
0x1ad: {  	[tilespmem:s1+$0xBB30] =	vst v17  }
0x1ae: {  	[tilespmem:s1+$0xBB40] =	vst v18  }
0x1af: {  	[tilespmem:s1+$0xBB50] =	vst v19  }
0x1b0: {  	[tilespmem:s1+$0xBB60] =	vst v20  }
0x1b1: {  	[tilespmem:s1+$0xBB70] =	vst v21;
	s0 =	spop (v2sf)  }
0x1b2: {  	v6 =	vld [tilespmem:s0+$0x15400]  }
0x1b3: {  	v7 =	vld [tilespmem:s0+$0x15410]  }
0x1b4: {  	v8 =	vld [tilespmem:s0+$0x15420]  }
0x1b5: {  	v9 =	vld [tilespmem:s0+$0x15430]  }
0x1b6: {  	v10 =	vld [tilespmem:s0+$0x15440]  }
0x1b7: {  	v11 =	vld [tilespmem:s0+$0x15450]  }
0x1b8: {  	v12 =	vld [tilespmem:s0+$0x15460]  }
0x1b9: {  	v13 =	vld [tilespmem:s0+$0x15470]  }
0x1ba: {  	v14 =	vld [tilespmem:s0+$0x15480]  }
0x1bb: {  	v15 =	vld [tilespmem:s0+$0x15490]  }
0x1bc: {  	v16 =	vld [tilespmem:s0+$0x154A0]  }
0x1bd: {  	v17 =	vld [tilespmem:s0+$0x154B0]  }
0x1be: {  	v18 =	vld [tilespmem:s0+$0x154C0]  }
0x1bf: {  	v19 =	vld [tilespmem:s0+$0x154D0]  }
0x1c0: {  	v20 =	vld [tilespmem:s0+$0x154E0]  }
0x1c1: {  	(v2sf) =	vpush v5, $0x8;
	v21 =	vld [tilespmem:s0+$0x154F0];
	[tilespmem:s1+$0xB780] =	vst v6  }
0x1c2: {  	[tilespmem:s1+$0xB790] =	vst v7  }
0x1c3: {  	[tilespmem:s1+$0xB7A0] =	vst v8  }
0x1c4: {  	[tilespmem:s1+$0xB7B0] =	vst v9  }
0x1c5: {  	[tilespmem:s1+$0xB7C0] =	vst v10  }
0x1c6: {  	[tilespmem:s1+$0xB7D0] =	vst v11  }
0x1c7: {  	[tilespmem:s1+$0xB7E0] =	vst v12  }
0x1c8: {  	[tilespmem:s1+$0xB7F0] =	vst v13  }
0x1c9: {  	[tilespmem:s1+$0xBB80] =	vst v14  }
0x1ca: {  	[tilespmem:s1+$0xBB90] =	vst v15  }
0x1cb: {  	[tilespmem:s1+$0xBBA0] =	vst v16  }
0x1cc: {  	[tilespmem:s1+$0xBBB0] =	vst v17  }
0x1cd: {  	[tilespmem:s1+$0xBBC0] =	vst v18  }
0x1ce: {  	[tilespmem:s1+$0xBBD0] =	vst v19  }
0x1cf: {  	[tilespmem:s1+$0xBBE0] =	vst v20  }
0x1d0: {  	[tilespmem:s1+$0xBBF0] =	vst v21;
	s0 =	spop (v2sf)  }
0x1d1: {  	v6 =	vld [tilespmem:s0+$0x15400]  }
0x1d2: {  	v7 =	vld [tilespmem:s0+$0x15410]  }
0x1d3: {  	v8 =	vld [tilespmem:s0+$0x15420]  }
0x1d4: {  	v9 =	vld [tilespmem:s0+$0x15430]  }
0x1d5: {  	v10 =	vld [tilespmem:s0+$0x15440]  }
0x1d6: {  	v11 =	vld [tilespmem:s0+$0x15450]  }
0x1d7: {  	v12 =	vld [tilespmem:s0+$0x15460]  }
0x1d8: {  	v13 =	vld [tilespmem:s0+$0x15470]  }
0x1d9: {  	v14 =	vld [tilespmem:s0+$0x15480]  }
0x1da: {  	v15 =	vld [tilespmem:s0+$0x15490]  }
0x1db: {  	v16 =	vld [tilespmem:s0+$0x154A0]  }
0x1dc: {  	v17 =	vld [tilespmem:s0+$0x154B0]  }
0x1dd: {  	v18 =	vld [tilespmem:s0+$0x154C0]  }
0x1de: {  	v19 =	vld [tilespmem:s0+$0x154D0]  }
0x1df: {  	v20 =	vld [tilespmem:s0+$0x154E0]  }
0x1e0: {  	(v2sf) =	vpush v5, $0x9;
	v21 =	vld [tilespmem:s0+$0x154F0];
	[tilespmem:s1+$0xBC00] =	vst v6  }
0x1e1: {  	[tilespmem:s1+$0xBC10] =	vst v7  }
0x1e2: {  	[tilespmem:s1+$0xBC20] =	vst v8  }
0x1e3: {  	[tilespmem:s1+$0xBC30] =	vst v9  }
0x1e4: {  	[tilespmem:s1+$0xBC40] =	vst v10  }
0x1e5: {  	[tilespmem:s1+$0xBC50] =	vst v11  }
0x1e6: {  	[tilespmem:s1+$0xBC60] =	vst v12  }
0x1e7: {  	[tilespmem:s1+$0xBC70] =	vst v13  }
0x1e8: {  	[tilespmem:s1+$0xC000] =	vst v14  }
0x1e9: {  	[tilespmem:s1+$0xC010] =	vst v15  }
0x1ea: {  	[tilespmem:s1+$0xC020] =	vst v16  }
0x1eb: {  	[tilespmem:s1+$0xC030] =	vst v17  }
0x1ec: {  	[tilespmem:s1+$0xC040] =	vst v18  }
0x1ed: {  	[tilespmem:s1+$0xC050] =	vst v19  }
0x1ee: {  	[tilespmem:s1+$0xC060] =	vst v20  }
0x1ef: {  	[tilespmem:s1+$0xC070] =	vst v21;
	s0 =	spop (v2sf)  }
0x1f0: {  	v6 =	vld [tilespmem:s0+$0x15400]  }
0x1f1: {  	v7 =	vld [tilespmem:s0+$0x15410]  }
0x1f2: {  	v8 =	vld [tilespmem:s0+$0x15420]  }
0x1f3: {  	v9 =	vld [tilespmem:s0+$0x15430]  }
0x1f4: {  	v10 =	vld [tilespmem:s0+$0x15440]  }
0x1f5: {  	v11 =	vld [tilespmem:s0+$0x15450]  }
0x1f6: {  	v12 =	vld [tilespmem:s0+$0x15460]  }
0x1f7: {  	v13 =	vld [tilespmem:s0+$0x15470]  }
0x1f8: {  	v14 =	vld [tilespmem:s0+$0x15480]  }
0x1f9: {  	v15 =	vld [tilespmem:s0+$0x15490]  }
0x1fa: {  	v16 =	vld [tilespmem:s0+$0x154A0]  }
0x1fb: {  	v17 =	vld [tilespmem:s0+$0x154B0]  }
0x1fc: {  	v18 =	vld [tilespmem:s0+$0x154C0]  }
0x1fd: {  	v19 =	vld [tilespmem:s0+$0x154D0]  }
0x1fe: {  	v20 =	vld [tilespmem:s0+$0x154E0]  }
0x1ff: {  	(v2sf) =	vpush v5, $0xA;
	v21 =	vld [tilespmem:s0+$0x154F0];
	[tilespmem:s1+$0xBC80] =	vst v6  }
0x200: {  	[tilespmem:s1+$0xBC90] =	vst v7  }
0x201: {  	[tilespmem:s1+$0xBCA0] =	vst v8  }
0x202: {  	[tilespmem:s1+$0xBCB0] =	vst v9  }
0x203: {  	[tilespmem:s1+$0xBCC0] =	vst v10  }
0x204: {  	[tilespmem:s1+$0xBCD0] =	vst v11  }
0x205: {  	[tilespmem:s1+$0xBCE0] =	vst v12  }
0x206: {  	[tilespmem:s1+$0xBCF0] =	vst v13  }
0x207: {  	[tilespmem:s1+$0xC080] =	vst v14  }
0x208: {  	[tilespmem:s1+$0xC090] =	vst v15  }
0x209: {  	[tilespmem:s1+$0xC0A0] =	vst v16  }
0x20a: {  	[tilespmem:s1+$0xC0B0] =	vst v17  }
0x20b: {  	[tilespmem:s1+$0xC0C0] =	vst v18  }
0x20c: {  	[tilespmem:s1+$0xC0D0] =	vst v19  }
0x20d: {  	[tilespmem:s1+$0xC0E0] =	vst v20  }
0x20e: {  	[tilespmem:s1+$0xC0F0] =	vst v21;
	s0 =	spop (v2sf)  }
0x20f: {  	v6 =	vld [tilespmem:s0+$0x15400]  }
0x210: {  	v7 =	vld [tilespmem:s0+$0x15410]  }
0x211: {  	v8 =	vld [tilespmem:s0+$0x15420]  }
0x212: {  	v9 =	vld [tilespmem:s0+$0x15430]  }
0x213: {  	v10 =	vld [tilespmem:s0+$0x15440]  }
0x214: {  	v11 =	vld [tilespmem:s0+$0x15450]  }
0x215: {  	v12 =	vld [tilespmem:s0+$0x15460]  }
0x216: {  	v13 =	vld [tilespmem:s0+$0x15470]  }
0x217: {  	v14 =	vld [tilespmem:s0+$0x15480]  }
0x218: {  	v15 =	vld [tilespmem:s0+$0x15490]  }
0x219: {  	v16 =	vld [tilespmem:s0+$0x154A0]  }
0x21a: {  	v17 =	vld [tilespmem:s0+$0x154B0]  }
0x21b: {  	v18 =	vld [tilespmem:s0+$0x154C0]  }
0x21c: {  	v19 =	vld [tilespmem:s0+$0x154D0]  }
0x21d: {  	v20 =	vld [tilespmem:s0+$0x154E0]  }
0x21e: {  	(v2sf) =	vpush v5, $0xB;
	v21 =	vld [tilespmem:s0+$0x154F0];
	[tilespmem:s1+$0xBD00] =	vst v6  }
0x21f: {  	[tilespmem:s1+$0xBD10] =	vst v7  }
0x220: {  	[tilespmem:s1+$0xBD20] =	vst v8  }
0x221: {  	[tilespmem:s1+$0xBD30] =	vst v9  }
0x222: {  	[tilespmem:s1+$0xBD40] =	vst v10  }
0x223: {  	[tilespmem:s1+$0xBD50] =	vst v11  }
0x224: {  	[tilespmem:s1+$0xBD60] =	vst v12  }
0x225: {  	[tilespmem:s1+$0xBD70] =	vst v13  }
0x226: {  	[tilespmem:s1+$0xC100] =	vst v14  }
0x227: {  	[tilespmem:s1+$0xC110] =	vst v15  }
0x228: {  	[tilespmem:s1+$0xC120] =	vst v16  }
0x229: {  	[tilespmem:s1+$0xC130] =	vst v17  }
0x22a: {  	[tilespmem:s1+$0xC140] =	vst v18  }
0x22b: {  	[tilespmem:s1+$0xC150] =	vst v19  }
0x22c: {  	[tilespmem:s1+$0xC160] =	vst v20  }
0x22d: {  	[tilespmem:s1+$0xC170] =	vst v21;
	s0 =	spop (v2sf)  }
0x22e: {  	v6 =	vld [tilespmem:s0+$0x15400]  }
0x22f: {  	v7 =	vld [tilespmem:s0+$0x15410]  }
0x230: {  	v8 =	vld [tilespmem:s0+$0x15420]  }
0x231: {  	v9 =	vld [tilespmem:s0+$0x15430]  }
0x232: {  	v10 =	vld [tilespmem:s0+$0x15440]  }
0x233: {  	v11 =	vld [tilespmem:s0+$0x15450]  }
0x234: {  	v12 =	vld [tilespmem:s0+$0x15460]  }
0x235: {  	v13 =	vld [tilespmem:s0+$0x15470]  }
0x236: {  	v14 =	vld [tilespmem:s0+$0x15480]  }
0x237: {  	v15 =	vld [tilespmem:s0+$0x15490]  }
0x238: {  	v16 =	vld [tilespmem:s0+$0x154A0]  }
0x239: {  	v17 =	vld [tilespmem:s0+$0x154B0]  }
0x23a: {  	v18 =	vld [tilespmem:s0+$0x154C0]  }
0x23b: {  	v19 =	vld [tilespmem:s0+$0x154D0]  }
0x23c: {  	v20 =	vld [tilespmem:s0+$0x154E0]  }
0x23d: {  	(v2sf) =	vpush v5, $0xC;
	v21 =	vld [tilespmem:s0+$0x154F0];
	[tilespmem:s1+$0xBD80] =	vst v6  }
0x23e: {  	[tilespmem:s1+$0xBD90] =	vst v7  }
0x23f: {  	[tilespmem:s1+$0xBDA0] =	vst v8  }
0x240: {  	[tilespmem:s1+$0xBDB0] =	vst v9  }
0x241: {  	[tilespmem:s1+$0xBDC0] =	vst v10  }
0x242: {  	[tilespmem:s1+$0xBDD0] =	vst v11  }
0x243: {  	[tilespmem:s1+$0xBDE0] =	vst v12  }
0x244: {  	[tilespmem:s1+$0xBDF0] =	vst v13  }
0x245: {  	[tilespmem:s1+$0xC180] =	vst v14  }
0x246: {  	[tilespmem:s1+$0xC190] =	vst v15  }
0x247: {  	[tilespmem:s1+$0xC1A0] =	vst v16  }
0x248: {  	[tilespmem:s1+$0xC1B0] =	vst v17  }
0x249: {  	[tilespmem:s1+$0xC1C0] =	vst v18  }
0x24a: {  	[tilespmem:s1+$0xC1D0] =	vst v19  }
0x24b: {  	[tilespmem:s1+$0xC1E0] =	vst v20  }
0x24c: {  	[tilespmem:s1+$0xC1F0] =	vst v21;
	s0 =	spop (v2sf)  }
0x24d: {  	v6 =	vld [tilespmem:s0+$0x15400]  }
0x24e: {  	v7 =	vld [tilespmem:s0+$0x15410]  }
0x24f: {  	v8 =	vld [tilespmem:s0+$0x15420]  }
0x250: {  	v9 =	vld [tilespmem:s0+$0x15430]  }
0x251: {  	v10 =	vld [tilespmem:s0+$0x15440]  }
0x252: {  	v11 =	vld [tilespmem:s0+$0x15450]  }
0x253: {  	v12 =	vld [tilespmem:s0+$0x15460]  }
0x254: {  	v13 =	vld [tilespmem:s0+$0x15470]  }
0x255: {  	v14 =	vld [tilespmem:s0+$0x15480]  }
0x256: {  	v15 =	vld [tilespmem:s0+$0x15490]  }
0x257: {  	v16 =	vld [tilespmem:s0+$0x154A0]  }
0x258: {  	v17 =	vld [tilespmem:s0+$0x154B0]  }
0x259: {  	v18 =	vld [tilespmem:s0+$0x154C0]  }
0x25a: {  	v19 =	vld [tilespmem:s0+$0x154D0]  }
0x25b: {  	v20 =	vld [tilespmem:s0+$0x154E0]  }
0x25c: {  	(v2sf) =	vpush v5, $0xD;
	v21 =	vld [tilespmem:s0+$0x154F0];
	[tilespmem:s1+$0xBE00] =	vst v6  }
0x25d: {  	[tilespmem:s1+$0xBE10] =	vst v7  }
0x25e: {  	[tilespmem:s1+$0xBE20] =	vst v8  }
0x25f: {  	[tilespmem:s1+$0xBE30] =	vst v9  }
0x260: {  	[tilespmem:s1+$0xBE40] =	vst v10  }
0x261: {  	[tilespmem:s1+$0xBE50] =	vst v11  }
0x262: {  	[tilespmem:s1+$0xBE60] =	vst v12  }
0x263: {  	[tilespmem:s1+$0xBE70] =	vst v13  }
0x264: {  	[tilespmem:s1+$0xC200] =	vst v14  }
0x265: {  	[tilespmem:s1+$0xC210] =	vst v15  }
0x266: {  	[tilespmem:s1+$0xC220] =	vst v16  }
0x267: {  	[tilespmem:s1+$0xC230] =	vst v17  }
0x268: {  	[tilespmem:s1+$0xC240] =	vst v18  }
0x269: {  	[tilespmem:s1+$0xC250] =	vst v19  }
0x26a: {  	[tilespmem:s1+$0xC260] =	vst v20  }
0x26b: {  	[tilespmem:s1+$0xC270] =	vst v21;
	s0 =	spop (v2sf)  }
0x26c: {  	v6 =	vld [tilespmem:s0+$0x15400]  }
0x26d: {  	v7 =	vld [tilespmem:s0+$0x15410]  }
0x26e: {  	v8 =	vld [tilespmem:s0+$0x15420]  }
0x26f: {  	v9 =	vld [tilespmem:s0+$0x15430]  }
0x270: {  	v10 =	vld [tilespmem:s0+$0x15440]  }
0x271: {  	v11 =	vld [tilespmem:s0+$0x15450]  }
0x272: {  	v12 =	vld [tilespmem:s0+$0x15460]  }
0x273: {  	v13 =	vld [tilespmem:s0+$0x15470]  }
0x274: {  	v14 =	vld [tilespmem:s0+$0x15480]  }
0x275: {  	v15 =	vld [tilespmem:s0+$0x15490]  }
0x276: {  	v16 =	vld [tilespmem:s0+$0x154A0]  }
0x277: {  	v17 =	vld [tilespmem:s0+$0x154B0]  }
0x278: {  	v18 =	vld [tilespmem:s0+$0x154C0]  }
0x279: {  	v19 =	vld [tilespmem:s0+$0x154D0]  }
0x27a: {  	v20 =	vld [tilespmem:s0+$0x154E0]  }
0x27b: {  	(v2sf) =	vpush v5, $0xE;
	v21 =	vld [tilespmem:s0+$0x154F0];
	[tilespmem:s1+$0xBE80] =	vst v6  }
0x27c: {  	[tilespmem:s1+$0xBE90] =	vst v7  }
0x27d: {  	[tilespmem:s1+$0xBEA0] =	vst v8  }
0x27e: {  	[tilespmem:s1+$0xBEB0] =	vst v9  }
0x27f: {  	[tilespmem:s1+$0xBEC0] =	vst v10  }
0x280: {  	[tilespmem:s1+$0xBED0] =	vst v11  }
0x281: {  	[tilespmem:s1+$0xBEE0] =	vst v12  }
0x282: {  	[tilespmem:s1+$0xBEF0] =	vst v13  }
0x283: {  	[tilespmem:s1+$0xC280] =	vst v14  }
0x284: {  	[tilespmem:s1+$0xC290] =	vst v15  }
0x285: {  	[tilespmem:s1+$0xC2A0] =	vst v16  }
0x286: {  	[tilespmem:s1+$0xC2B0] =	vst v17  }
0x287: {  	[tilespmem:s1+$0xC2C0] =	vst v18  }
0x288: {  	[tilespmem:s1+$0xC2D0] =	vst v19  }
0x289: {  	[tilespmem:s1+$0xC2E0] =	vst v20  }
0x28a: {  	[tilespmem:s1+$0xC2F0] =	vst v21;
	s0 =	spop (v2sf)  }
0x28b: {  	v6 =	vld [tilespmem:s0+$0x15400]  }
0x28c: {  	v7 =	vld [tilespmem:s0+$0x15410]  }
0x28d: {  	v8 =	vld [tilespmem:s0+$0x15420]  }
0x28e: {  	v9 =	vld [tilespmem:s0+$0x15430]  }
0x28f: {  	v10 =	vld [tilespmem:s0+$0x15440]  }
0x290: {  	v11 =	vld [tilespmem:s0+$0x15450]  }
0x291: {  	v12 =	vld [tilespmem:s0+$0x15460]  }
0x292: {  	v13 =	vld [tilespmem:s0+$0x15470]  }
0x293: {  	v14 =	vld [tilespmem:s0+$0x15480]  }
0x294: {  	v15 =	vld [tilespmem:s0+$0x15490]  }
0x295: {  	v16 =	vld [tilespmem:s0+$0x154A0]  }
0x296: {  	v17 =	vld [tilespmem:s0+$0x154B0]  }
0x297: {  	v18 =	vld [tilespmem:s0+$0x154C0]  }
0x298: {  	v19 =	vld [tilespmem:s0+$0x154D0]  }
0x299: {  	v20 =	vld [tilespmem:s0+$0x154E0]  }
0x29a: {  	(v2sf) =	vpush v5, $0xF;
	v21 =	vld [tilespmem:s0+$0x154F0];
	[tilespmem:s1+$0xBF00] =	vst v6  }
0x29b: {  	[tilespmem:s1+$0xBF10] =	vst v7  }
0x29c: {  	[tilespmem:s1+$0xBF20] =	vst v8  }
0x29d: {  	[tilespmem:s1+$0xBF30] =	vst v9  }
0x29e: {  	[tilespmem:s1+$0xBF40] =	vst v10  }
0x29f: {  	[tilespmem:s1+$0xBF50] =	vst v11  }
0x2a0: {  	[tilespmem:s1+$0xBF60] =	vst v12  }
0x2a1: {  	[tilespmem:s1+$0xBF70] =	vst v13  }
0x2a2: {  	[tilespmem:s1+$0xC300] =	vst v14  }
0x2a3: {  	[tilespmem:s1+$0xC310] =	vst v15  }
0x2a4: {  	[tilespmem:s1+$0xC320] =	vst v16  }
0x2a5: {  	[tilespmem:s1+$0xC330] =	vst v17  }
0x2a6: {  	[tilespmem:s1+$0xC340] =	vst v18  }
0x2a7: {  	[tilespmem:s1+$0xC350] =	vst v19  }
0x2a8: {  	[tilespmem:s1+$0xC360] =	vst v20  }
0x2a9: {  	[tilespmem:s1+$0xC370] =	vst v21;
	s0 =	spop (v2sf)  }
0x2aa: {  	v5 =	vld [tilespmem:s0+$0x15400]  }
0x2ab: {  	v6 =	vld [tilespmem:s0+$0x15410]  }
0x2ac: {  	v7 =	vld [tilespmem:s0+$0x15420]  }
0x2ad: {  	v8 =	vld [tilespmem:s0+$0x15430]  }
0x2ae: {  	v9 =	vld [tilespmem:s0+$0x15440]  }
0x2af: {  	v10 =	vld [tilespmem:s0+$0x15450]  }
0x2b0: {  	v11 =	vld [tilespmem:s0+$0x15460]  }
0x2b1: {  	v12 =	vld [tilespmem:s0+$0x15470]  }
0x2b2: {  	v13 =	vld [tilespmem:s0+$0x15480]  }
0x2b3: {  	v14 =	vld [tilespmem:s0+$0x15490]  }
0x2b4: {  	v15 =	vld [tilespmem:s0+$0x154A0]  }
0x2b5: {  	v16 =	vld [tilespmem:s0+$0x154B0]  }
0x2b6: {  	v17 =	vld [tilespmem:s0+$0x154C0]  }
0x2b7: {  	v18 =	vld [tilespmem:s0+$0x154D0]  }
0x2b8: {  	v19 =	vld [tilespmem:s0+$0x154E0]  }
0x2b9: {  	v20 =	vld [tilespmem:s0+$0x154F0];
	[tilespmem:s1+$0xBF80] =	vst v5  }
0x2ba: {  	[tilespmem:s1+$0xBF90] =	vst v6  }
0x2bb: {  	[tilespmem:s1+$0xBFA0] =	vst v7  }
0x2bc: {  	[tilespmem:s1+$0xBFB0] =	vst v8  }
0x2bd: {  	[tilespmem:s1+$0xBFC0] =	vst v9  }
0x2be: {  	[tilespmem:s1+$0xBFD0] =	vst v10  }
0x2bf: {  	[tilespmem:s1+$0xBFE0] =	vst v11  }
0x2c0: {  	[tilespmem:s1+$0xBFF0] =	vst v12  }
0x2c1: {  	[tilespmem:s1+$0xC380] =	vst v13  }
0x2c2: {  	[tilespmem:s1+$0xC390] =	vst v14  }
0x2c3: {  	p1 =	sne.s32 s31, $0x4;
	[tilespmem:s1+$0xC3A0] =	vst v15  }
.Ltmp9:
0x2c4: {  	[tilespmem:s1+$0xC3B0] =	vst v16;
	(pc) =	sbr.rel @p1 .LBB2_12-.Ltmp9, $4  }
0x2c5: {  	[tilespmem:s1+$0xC3C0] =	vst v17  }
0x2c6: {  	[tilespmem:s1+$0xC3D0] =	vst v18  }
0x2c7: {  	[tilespmem:s1+$0xC3E0] =	vst v19  }
0x2c8: {  	s31 =	sadd.s32 $0x1, s31;
	[tilespmem:s1+$0xC3F0] =	vst v20  }
0x2c9: {  	s0 =	smul.u32 $0x14000, s28  }
.Ltmp10:
0x2ca: {  	s1 =	sadd.s32 s5, s29;
	(pc) =	sbr.rel .LBB2_14-.Ltmp10, $4  }
0x2cb: {  	s1 =	smul.u32 $0xA00, s1  }
0x2cc: {  	s0 =	sshrl.u32 s0, $0x2  }
0x2cd: {  	s0 =	sadd.s32 $0xB400, s0;
	s1 =	sadd.s32 s3, s1  }
0x2ce: {  	[hbm4b:s1+s4] =	stream.linear.scatter [tilespmem:s0], [sflag:$0x3], $0x5000, $0x38;
	[tilespmem:$0x19000] =	vst v63  }
.LBB2_16:
0x2cf: {  	_ =	sfence.sel $0x180000  }
0x2d0: {  	[bflag:$0x0] =	sbarrier.arrive $0xFFFF  }
0x2d1: {  	_ =	strace $0x90000047  }
0x2d2: {  	s0 =	stileid.u32;
	[bflag:$0x2] =	sbarrier.arrive $0xFFFF  }
0x2d3: {  	p0 =	sne.s32 s0, $0x0;
	s0 =	rddreg [dreg:$0x2]  }
0x2d4: {  	s0 =	sadd.s32 @!p0 $0x100000, s0  }
0x2d5: {  	[sflag:s0] =	ssyncadd.tile.s32 @!p0 $0x1;
	_ =	shalt  }
.Lfunc_end2:
_tile_overlayer_lowered:
.L_overlay_start_2:
0x2d6: {  	(tag) =	ssettag $0x2  }
0x2d7: {  	s0 =	rddreg [dreg:$0x0];
	s2 =	stileid.u32  }
0x2d8: {  	s1 =	rddreg [dreg:$0x1];
	p0 =	sne.s32 s2, $0x0  }
0x2d9: {  	s3 =	rddreg [dreg:$0x2];
	[bflag:$0x3] =	sbarrier.arrive $0xFFFF;
	s2 =	simm.s32 @!p0 $0x1C04  }
0x2da: {  	[timem:s3], [sflag:s2] =	dma.local @!p0 [hbm:s0], s1  }
0x2db: {  	s0 =	simm.s32 @!p0 $0x4  }
0x2dc: {  	_ =	swait.ge @!p0 [sflag:s0], s1  }
0x2dd: {  	s1 =	ssub.s32 @!p0 $0x0, s1;
	[sflag:s0] =	ssyncset.done @!p0 $0x0  }
0x2de: {  	[sflag:s0] =	ssyncadd.s32 @!p0 s1  }
0x2df: {  	[bflag:$0x3] =	sbarrier.arrive $0xFFFF  }
0x2e0: {  	_ =	shalt  }

</sc_bundles>
